<compile_context>
chip_gen: v7x
topology: tpu7x:2x2x1
jax: 0.10.2.dev20260603
libtpu: 0.0.44.dev20260713+nightly
codegen_flags: <defaults>
</compile_context>

<pallas_src>
import jax
import jax.numpy as jnp
from jax import lax
from jax.experimental import pallas as pl
from jax.experimental.pallas import tpu as pltpu
from jax.experimental.pallas import tpu_sc as plsc

VOCAB = 100000
EMBED_DIM = 64
BATCH = 4096
HIST = 50

NC = 2
NS = 16
NW = NC * NS

CH = BATCH // NW
NSLOT = 4
TSLOT = 3
LOOKAHEAD = 3
LANES = 16
SKEW = CH + 1


def _transpose_chunk(ebuf_s, tile_t, rows16):
    def per_b(b, carry):
        bb = jnp.full((LANES,), b, jnp.int32)
        for k in range(EMBED_DIM // LANES):
            v = ebuf_s[b, pl.ds(k * LANES, LANES)]
            plsc.store_scatter(tile_t, [rows16[k], bb], v)
        return carry
    lax.fori_loop(0, CH, per_b, 0, unroll=8)


def _lookup_body(idxT_h, emb_h, bias_h, out_e, out_b,
                 idx_v, ebuf, tile, bias_v, gsem, wsem, bsem):
    wid = lax.axis_index("s") * NC + lax.axis_index("c")
    b0 = wid * CH

    pltpu.sync_copy(idxT_h.at[:, pl.ds(b0, CH)], idx_v)

    rows16 = [lax.iota(jnp.int32, LANES) + LANES * k
              for k in range(EMBED_DIM // LANES)]

    for h in range(LOOKAHEAD):
        pltpu.async_copy(emb_h.at[idx_v.at[h]], ebuf.at[h], gsem.at[h])

    def do_chunk(h, t):
        s = lax.rem(h, NSLOT)
        pltpu.make_async_copy(emb_h.at[idx_v.at[h]], ebuf.at[s],
                              gsem.at[s]).wait()
        hn = h + LOOKAHEAD
        sn = lax.rem(hn, NSLOT)

        @pl.when(hn < HIST)
        def _():
            pltpu.async_copy(emb_h.at[idx_v.at[hn]], ebuf.at[sn],
                             gsem.at[sn])
        pltpu.async_copy(bias_h.at[idx_v.at[h]], bias_v.at[h], bsem)

        @pl.when(h >= TSLOT)
        def _():
            for f8 in range(8):
                pltpu.make_async_copy(
                    tile.at[t, pl.ds(f8 * 8, 8), pl.ds(0, CH)],
                    out_e.at[0, f8, 0], wsem.at[t]).wait()

        _transpose_chunk(ebuf.at[s], tile.at[t], rows16)
        for f8 in range(8):
            pltpu.async_copy(tile.at[t, pl.ds(f8 * 8, 8), pl.ds(0, CH)],
                             out_e.at[h, f8, wid], wsem.at[t])

    def step(h, carry):
        do_chunk(h, lax.rem(h, TSLOT))
        return carry

    lax.fori_loop(0, HIST, step, 0)

    for t in range(TSLOT):
        for f8 in range(8):
            pltpu.make_async_copy(tile.at[t, pl.ds(f8 * 8, 8), pl.ds(0, CH)],
                                  out_e.at[0, f8, 0], wsem.at[t]).wait()

    pltpu.make_async_copy(bias_h.at[pl.ds(0, HIST * CH)], bias_v,
                          bsem).wait()
    pltpu.sync_copy(bias_v, out_b.at[:, pl.ds(b0, CH)])


def _lookup_call(idxT, emb, bias):
    mesh = plsc.VectorSubcoreMesh(core_axis_name="c", subcore_axis_name="s",
                                  num_cores=NC, num_subcores=NS)
    f32 = jnp.float32
    run = pl.kernel(
        _lookup_body,
        out_type=(
            jax.ShapeDtypeStruct((HIST, 8, NW, 8, CH), f32),
            jax.ShapeDtypeStruct((HIST, BATCH), f32),
        ),
        mesh=mesh,
        compiler_params=pltpu.CompilerParams(use_tc_tiling_on_sc=False,
                                             needs_layout_passes=False),
        scratch_types=[
            pltpu.VMEM((HIST, CH), jnp.int32),
            pltpu.VMEM((NSLOT, CH, EMBED_DIM), f32),
            pltpu.VMEM((TSLOT, EMBED_DIM, SKEW), f32),
            pltpu.VMEM((HIST, CH), f32),
            pltpu.SemaphoreType.DMA((NSLOT,)),
            pltpu.SemaphoreType.DMA((TSLOT,)),
            pltpu.SemaphoreType.DMA,
        ],
    )
    return run(idxT, emb, bias)


@jax.jit
def _glove_sc(wordsT, ctxT, w_embeddings, w_biases, c_embeddings, c_biases):
    we, wb = _lookup_call(wordsT, w_embeddings, w_biases)
    ce, cb = _lookup_call(ctxT, c_embeddings, c_biases)
    return we, wb, ce, cb


def kernel(words, contexts, w_embeddings, w_biases, c_embeddings, c_biases):
    wordsT = words.astype(jnp.int32).T
    ctxT = contexts.astype(jnp.int32).T
    we5, wb, ce5, cb = _glove_sc(wordsT, ctxT,
                                 w_embeddings, w_biases.reshape(VOCAB),
                                 c_embeddings, c_biases.reshape(VOCAB))

    def chain(x5):
        return jnp.transpose(x5, (2, 4, 0, 1, 3)).reshape(BATCH, HIST,
                                                          EMBED_DIM)

    return (
        chain(we5),
        wb.T.reshape(BATCH, HIST, 1),
        chain(ce5),
        cb.T.reshape(BATCH, HIST, 1),
    )

# --- scband reference (transcript-rebuilt; emitter-appended) ---
"""Pipeline reference for scband-glove-model-13494787244194 (READ-ONLY COPY).

The authoritative reference and input builder live on the scoring server;
editing this copy changes nothing except your own understanding.
"""

import jax, jax.numpy as jnp
import numpy as np

VOCAB = 100000
EMBED_DIM = 64
BATCH = 4096
HIST = 50

def setup_inputs(seed: int = 0) -> dict:
    key = jax.random.key(seed)
    k1, k2, k3, k4, k5, k6 = jax.random.split(key, 6)
    words = jax.random.randint(k1, (BATCH, HIST), 0, VOCAB, dtype=jnp.int64 if jax.config.jax_enable_x64 else jnp.int32)
    contexts = jax.random.randint(k2, (BATCH, HIST), 0, VOCAB, dtype=jnp.int64 if jax.config.jax_enable_x64 else jnp.int32)
    w_embeddings = jax.random.normal(k3, (VOCAB, EMBED_DIM), dtype=jnp.float32)
    w_biases = jax.random.normal(k4, (VOCAB, 1), dtype=jnp.float32)
    c_embeddings = jax.random.normal(k5, (VOCAB, EMBED_DIM), dtype=jnp.float32)
    c_biases = jax.random.normal(k6, (VOCAB, 1), dtype=jnp.float32)
    return {
        "words": words,
        "contexts": contexts,
        "w_embeddings": w_embeddings,
        "w_biases": w_biases,
        "c_embeddings": c_embeddings,
        "c_biases": c_biases,
    }

def reference(words, contexts, w_embeddings, w_biases, c_embeddings, c_biases):
    # forward_w: gather word embeddings and biases
    w_embeds = jnp.take(w_embeddings, words, axis=0)
    w_bias = jnp.take(w_biases, words, axis=0)
    # forward_c: gather context embeddings and biases
    c_embeds = jnp.take(c_embeddings, contexts, axis=0)
    c_bias = jnp.take(c_biases, contexts, axis=0)
    return (w_embeds, w_bias, c_embeds, c_bias)

if __name__ == "__main__":
    import jax
    _d = setup_inputs()
    print(jax.jit(kernel)(*tuple(_d.values())))

</pallas_src>

<mosaic_0001>
#map = affine_map<(d0, d1) -> (0, 0)>
#map1 = affine_map<(d0, d1) -> (0)>
#map2 = affine_map<(d0, d1) -> (0, 0, 0, 0, 0)>
module attributes {stable_mosaic.version = 14 : i64} {
  func.func @_lookup_body(%arg0: i32, %arg1: i32, %arg2: memref<50x4096xi32, #tpu.memory_space<hbm>>, %arg3: memref<100000x64xf32, #tpu.memory_space<hbm>>, %arg4: memref<100000xf32, #tpu.memory_space<hbm>>, %arg5: memref<50x8x32x8x128xf32, #tpu.memory_space<hbm>>, %arg6: memref<50x4096xf32, #tpu.memory_space<hbm>>, %arg7: memref<50x128xi32, #tpu.memory_space<vmem>>, %arg8: memref<4x128x64xf32, #tpu.memory_space<vmem>>, %arg9: memref<3x64x129xf32, #tpu.memory_space<vmem>>, %arg10: memref<50x128xf32, #tpu.memory_space<vmem>>, %arg11: memref<4x!tpu.dma_semaphore, #tpu.memory_space<semaphore_mem>>, %arg12: memref<3x!tpu.dma_semaphore, #tpu.memory_space<semaphore_mem>>, %arg13: memref<!tpu.dma_semaphore, #tpu.memory_space<semaphore_mem>>) attributes {dimension_semantics = [#tpu.dimension_semantics<core_parallel>, #tpu.dimension_semantics<subcore_parallel>], iteration_bounds = array<i64: 2, 16>, scalar_prefetch = 0 : i64, scratch_operands = 7 : i64, tpu.core_type = #tpu.core_type<sc_vector_subcore>, window_params = [{transform_indices = #map}, {transform_indices = #map}, {transform_indices = #map1}, {transform_indices = #map2}, {transform_indices = #map}]} {
    %mul3A = arith.constant 2 : i32
    %mul3A_0 = arith.muli %arg1, %mul3A : i32
    %add3A = arith.addi %mul3A_0, %arg0 : i32
    %mul3A_1 = arith.constant 128 : i32
    %mul3A_2 = arith.muli %add3A, %mul3A_1 : i32
    "tpu.region"() ({
      %run_scoped3A = tpu.sem_alloc : memref<!tpu.dma_semaphore, #tpu.memory_space<semaphore_mem>>
      %dma_start3A_622 = arith.constant 0 : i32
      %dma_start3A_623 = tpu.memref_slice %arg2[%dma_start3A_622, %mul3A_2] : memref<50x4096xi32, #tpu.memory_space<hbm>> -> memref<50x128xi32, #tpu.memory_space<hbm>>
      %dma_start3A_624 = arith.constant 0 : i32
      %dma_start3A_625 = tpu.memref_slice %arg2[%dma_start3A_624, %mul3A_2] : memref<50x4096xi32, #tpu.memory_space<hbm>> -> memref<50x128xi32, #tpu.memory_space<hbm>>
      tpu.enqueue_dma source(%dma_start3A_625 : memref<50x128xi32, #tpu.memory_space<hbm>>) target(%arg7 : memref<50x128xi32, #tpu.memory_space<vmem>>) target_semaphore(%run_scoped3A : memref<!tpu.dma_semaphore, #tpu.memory_space<semaphore_mem>>)
      %dma_wait3A_626 = arith.constant 0 : i32
      %dma_wait3A_627 = tpu.memref_slice %arg2[%dma_wait3A_626, %mul3A_2] : memref<50x4096xi32, #tpu.memory_space<hbm>> -> memref<50x128xi32, #tpu.memory_space<hbm>>
      %dma_wait3A_628 = arith.constant 0 : i32
      %dma_wait3A_629 = tpu.memref_slice %arg2[%dma_wait3A_628, %mul3A_2] : memref<50x4096xi32, #tpu.memory_space<hbm>> -> memref<50x128xi32, #tpu.memory_space<hbm>>
      tpu.wait_dma2 semaphore(%run_scoped3A : memref<!tpu.dma_semaphore, #tpu.memory_space<semaphore_mem>>) src(%dma_wait3A_629 : memref<50x128xi32, #tpu.memory_space<hbm>>) dst(%arg7 : memref<50x128xi32, #tpu.memory_space<vmem>>)
      tpu.yield
    }) : () -> ()
    %iota3A = tpu.iota {dimensions = array<i32: 0>} : vector<16xi32>
    %add3A_3 = arith.constant 0 : i32
    %add3A_4 = vector.broadcast %add3A_3 : i32 to vector<16xi32>
    %add3A_5 = arith.addi %iota3A, %add3A_4 : vector<16xi32>
    %iota3A_6 = tpu.iota {dimensions = array<i32: 0>} : vector<16xi32>
    %add3A_7 = arith.constant 16 : i32
    %add3A_8 = vector.broadcast %add3A_7 : i32 to vector<16xi32>
    %add3A_9 = arith.addi %iota3A_6, %add3A_8 : vector<16xi32>
    %iota3A_10 = tpu.iota {dimensions = array<i32: 0>} : vector<16xi32>
    %add3A_11 = arith.constant 32 : i32
    %add3A_12 = vector.broadcast %add3A_11 : i32 to vector<16xi32>
    %add3A_13 = arith.addi %iota3A_10, %add3A_12 : vector<16xi32>
    %iota3A_14 = tpu.iota {dimensions = array<i32: 0>} : vector<16xi32>
    %add3A_15 = arith.constant 48 : i32
    %add3A_16 = vector.broadcast %add3A_15 : i32 to vector<16xi32>
    %add3A_17 = arith.addi %iota3A_14, %add3A_16 : vector<16xi32>
    %dma_start3A = arith.constant 0 : i32
    %dma_start3A_18 = arith.constant 0 : i32
    %dma_start3A_19 = arith.constant 0 : i32
    %dma_start3A_20 = arith.constant 0 : i32
    %dma_start3A_21 = arith.constant 0 : i32
    %dma_start3A_22 = tpu.memref_slice %arg8[%dma_start3A_18, %dma_start3A_20, %dma_start3A_21] : memref<4x128x64xf32, #tpu.memory_space<vmem>> -> memref<1x128x64xf32, #tpu.memory_space<vmem>>
    %dma_start3A_23 = tpu.memref_squeeze %dma_start3A_22 : memref<1x128x64xf32, #tpu.memory_space<vmem>> -> memref<128x64xf32, #tpu.memory_space<vmem>>
    %dma_start3A_24 = arith.constant 0 : i32
    %dma_start3A_25 = tpu.memref_slice %arg7[%dma_start3A, %dma_start3A_24] : memref<50x128xi32, #tpu.memory_space<vmem>> -> memref<1x128xi32, #tpu.memory_space<vmem>>
    %dma_start3A_26 = tpu.memref_squeeze %dma_start3A_25 : memref<1x128xi32, #tpu.memory_space<vmem>> -> memref<128xi32, #tpu.memory_space<vmem>>
    %dma_start3A_27 = arith.constant 0 : i32
    %dma_start3A_28 = arith.constant 0 : i32
    %dma_start3A_29 = tpu.memref_slice %arg3[%dma_start3A_27, %dma_start3A_28] : memref<100000x64xf32, #tpu.memory_space<hbm>> -> memref<100000x64xf32, #tpu.memory_space<hbm>>
    %dma_start3A_30 = tpu.memref_slice %arg11[%dma_start3A_19] : memref<4x!tpu.dma_semaphore, #tpu.memory_space<semaphore_mem>> -> memref<1x!tpu.dma_semaphore, #tpu.memory_space<semaphore_mem>>
    %dma_start3A_31 = tpu.memref_squeeze %dma_start3A_30 : memref<1x!tpu.dma_semaphore, #tpu.memory_space<semaphore_mem>> -> memref<!tpu.dma_semaphore, #tpu.memory_space<semaphore_mem>>
    tpu.enqueue_indirect_dma source(%dma_start3A_29 : memref<100000x64xf32, #tpu.memory_space<hbm>>) target(%dma_start3A_23 : memref<128x64xf32, #tpu.memory_space<vmem>>) offsets(%dma_start3A_26 : memref<128xi32, #tpu.memory_space<vmem>>) semaphore(%dma_start3A_31 : memref<!tpu.dma_semaphore, #tpu.memory_space<semaphore_mem>>)
    %dma_start3A_32 = arith.constant 1 : i32
    %dma_start3A_33 = arith.constant 1 : i32
    %dma_start3A_34 = arith.constant 1 : i32
    %dma_start3A_35 = arith.constant 0 : i32
    %dma_start3A_36 = arith.constant 0 : i32
    %dma_start3A_37 = tpu.memref_slice %arg8[%dma_start3A_33, %dma_start3A_35, %dma_start3A_36] : memref<4x128x64xf32, #tpu.memory_space<vmem>> -> memref<1x128x64xf32, #tpu.memory_space<vmem>>
    %dma_start3A_38 = tpu.memref_squeeze %dma_start3A_37 : memref<1x128x64xf32, #tpu.memory_space<vmem>> -> memref<128x64xf32, #tpu.memory_space<vmem>>
    %dma_start3A_39 = arith.constant 0 : i32
    %dma_start3A_40 = tpu.memref_slice %arg7[%dma_start3A_32, %dma_start3A_39] : memref<50x128xi32, #tpu.memory_space<vmem>> -> memref<1x128xi32, #tpu.memory_space<vmem>>
    %dma_start3A_41 = tpu.memref_squeeze %dma_start3A_40 : memref<1x128xi32, #tpu.memory_space<vmem>> -> memref<128xi32, #tpu.memory_space<vmem>>
    %dma_start3A_42 = arith.constant 0 : i32
    %dma_start3A_43 = arith.constant 0 : i32
    %dma_start3A_44 = tpu.memref_slice %arg3[%dma_start3A_42, %dma_start3A_43] : memref<100000x64xf32, #tpu.memory_space<hbm>> -> memref<100000x64xf32, #tpu.memory_space<hbm>>
    %dma_start3A_45 = tpu.memref_slice %arg11[%dma_start3A_34] : memref<4x!tpu.dma_semaphore, #tpu.memory_space<semaphore_mem>> -> memref<1x!tpu.dma_semaphore, #tpu.memory_space<semaphore_mem>>
    %dma_start3A_46 = tpu.memref_squeeze %dma_start3A_45 : memref<1x!tpu.dma_semaphore, #tpu.memory_space<semaphore_mem>> -> memref<!tpu.dma_semaphore, #tpu.memory_space<semaphore_mem>>
    tpu.enqueue_indirect_dma source(%dma_start3A_44 : memref<100000x64xf32, #tpu.memory_space<hbm>>) target(%dma_start3A_38 : memref<128x64xf32, #tpu.memory_space<vmem>>) offsets(%dma_start3A_41 : memref<128xi32, #tpu.memory_space<vmem>>) semaphore(%dma_start3A_46 : memref<!tpu.dma_semaphore, #tpu.memory_space<semaphore_mem>>)
    %dma_start3A_47 = arith.constant 2 : i32
    %dma_start3A_48 = arith.constant 2 : i32
    %dma_start3A_49 = arith.constant 2 : i32
    %dma_start3A_50 = arith.constant 0 : i32
    %dma_start3A_51 = arith.constant 0 : i32
    %dma_start3A_52 = tpu.memref_slice %arg8[%dma_start3A_48, %dma_start3A_50, %dma_start3A_51] : memref<4x128x64xf32, #tpu.memory_space<vmem>> -> memref<1x128x64xf32, #tpu.memory_space<vmem>>
    %dma_start3A_53 = tpu.memref_squeeze %dma_start3A_52 : memref<1x128x64xf32, #tpu.memory_space<vmem>> -> memref<128x64xf32, #tpu.memory_space<vmem>>
    %dma_start3A_54 = arith.constant 0 : i32
    %dma_start3A_55 = tpu.memref_slice %arg7[%dma_start3A_47, %dma_start3A_54] : memref<50x128xi32, #tpu.memory_space<vmem>> -> memref<1x128xi32, #tpu.memory_space<vmem>>
    %dma_start3A_56 = tpu.memref_squeeze %dma_start3A_55 : memref<1x128xi32, #tpu.memory_space<vmem>> -> memref<128xi32, #tpu.memory_space<vmem>>
    %dma_start3A_57 = arith.constant 0 : i32
    %dma_start3A_58 = arith.constant 0 : i32
    %dma_start3A_59 = tpu.memref_slice %arg3[%dma_start3A_57, %dma_start3A_58] : memref<100000x64xf32, #tpu.memory_space<hbm>> -> memref<100000x64xf32, #tpu.memory_space<hbm>>
    %dma_start3A_60 = tpu.memref_slice %arg11[%dma_start3A_49] : memref<4x!tpu.dma_semaphore, #tpu.memory_space<semaphore_mem>> -> memref<1x!tpu.dma_semaphore, #tpu.memory_space<semaphore_mem>>
    %dma_start3A_61 = tpu.memref_squeeze %dma_start3A_60 : memref<1x!tpu.dma_semaphore, #tpu.memory_space<semaphore_mem>> -> memref<!tpu.dma_semaphore, #tpu.memory_space<semaphore_mem>>
    tpu.enqueue_indirect_dma source(%dma_start3A_59 : memref<100000x64xf32, #tpu.memory_space<hbm>>) target(%dma_start3A_53 : memref<128x64xf32, #tpu.memory_space<vmem>>) offsets(%dma_start3A_56 : memref<128xi32, #tpu.memory_space<vmem>>) semaphore(%dma_start3A_61 : memref<!tpu.dma_semaphore, #tpu.memory_space<semaphore_mem>>)
    %scan3A = arith.constant 0 : i32
    %scan3A_62 = arith.constant 0 : i32
    %scan3A_63 = arith.constant 50 : i32
    %scan3A_64 = arith.addi %scan3A_62, %scan3A_63 : i32
    %scan3A_65 = arith.constant 1 : i32
    scf.for %scan3A_622 = %scan3A_62 to %scan3A_64 step %scan3A_65  : i32 {
      %rem3A = arith.constant 3 : i32
      %rem3A_623 = arith.remsi %scan3A_622, %rem3A : i32
      %rem3A_624 = arith.constant 4 : i32
      %rem3A_625 = arith.remsi %scan3A_622, %rem3A_624 : i32
      %dma_wait3A_626 = arith.constant 0 : i32
      %dma_wait3A_627 = arith.constant 0 : i32
      %dma_wait3A_628 = tpu.memref_slice %arg8[%rem3A_625, %dma_wait3A_626, %dma_wait3A_627] : memref<4x128x64xf32, #tpu.memory_space<vmem>> -> memref<1x128x64xf32, #tpu.memory_space<vmem>>
      %dma_wait3A_629 = tpu.memref_squeeze %dma_wait3A_628 : memref<1x128x64xf32, #tpu.memory_space<vmem>> -> memref<128x64xf32, #tpu.memory_space<vmem>>
      %dma_wait3A_630 = arith.constant 0 : i32
      %dma_wait3A_631 = tpu.memref_slice %arg7[%scan3A_622, %dma_wait3A_630] : memref<50x128xi32, #tpu.memory_space<vmem>> -> memref<1x128xi32, #tpu.memory_space<vmem>>
      %dma_wait3A_632 = tpu.memref_squeeze %dma_wait3A_631 : memref<1x128xi32, #tpu.memory_space<vmem>> -> memref<128xi32, #tpu.memory_space<vmem>>
      %dma_wait3A_633 = arith.constant 0 : i32
      %dma_wait3A_634 = arith.constant 0 : i32
      %dma_wait3A_635 = tpu.memref_slice %arg3[%dma_wait3A_633, %dma_wait3A_634] : memref<100000x64xf32, #tpu.memory_space<hbm>> -> memref<100000x64xf32, #tpu.memory_space<hbm>>
      %dma_wait3A_636 = tpu.memref_slice %arg11[%rem3A_625] : memref<4x!tpu.dma_semaphore, #tpu.memory_space<semaphore_mem>> -> memref<1x!tpu.dma_semaphore, #tpu.memory_space<semaphore_mem>>
      %dma_wait3A_637 = tpu.memref_squeeze %dma_wait3A_636 : memref<1x!tpu.dma_semaphore, #tpu.memory_space<semaphore_mem>> -> memref<!tpu.dma_semaphore, #tpu.memory_space<semaphore_mem>>
      tpu.wait_indirect_dma semaphore(%dma_wait3A_637 : memref<!tpu.dma_semaphore, #tpu.memory_space<semaphore_mem>>) src(%dma_wait3A_635 : memref<100000x64xf32, #tpu.memory_space<hbm>>) dst(%dma_wait3A_629 : memref<128x64xf32, #tpu.memory_space<vmem>>)
      %add3A_638 = arith.constant 3 : i32
      %add3A_639 = arith.addi %scan3A_622, %add3A_638 : i32
      %rem3A_640 = arith.constant 4 : i32
      %rem3A_641 = arith.remsi %add3A_639, %rem3A_640 : i32
      %lt3A = arith.constant 50 : i32
      %lt3A_642 = arith.cmpi slt, %add3A_639, %lt3A : i32
      %convert_element_type3A = arith.extui %lt3A_642 : i1 to i32
      %cond3A = arith.constant 0 : i32
      %cond3A_643 = arith.cmpi ne, %convert_element_type3A, %cond3A : i32
      scf.if %cond3A_643 {
        %dma_start3A_814 = arith.constant 0 : i32
        %dma_start3A_815 = arith.constant 0 : i32
        %dma_start3A_816 = tpu.memref_slice %arg8[%rem3A_641, %dma_start3A_814, %dma_start3A_815] : memref<4x128x64xf32, #tpu.memory_space<vmem>> -> memref<1x128x64xf32, #tpu.memory_space<vmem>>
        %dma_start3A_817 = tpu.memref_squeeze %dma_start3A_816 : memref<1x128x64xf32, #tpu.memory_space<vmem>> -> memref<128x64xf32, #tpu.memory_space<vmem>>
        %dma_start3A_818 = arith.constant 0 : i32
        %dma_start3A_819 = tpu.memref_slice %arg7[%add3A_639, %dma_start3A_818] : memref<50x128xi32, #tpu.memory_space<vmem>> -> memref<1x128xi32, #tpu.memory_space<vmem>>
        %dma_start3A_820 = tpu.memref_squeeze %dma_start3A_819 : memref<1x128xi32, #tpu.memory_space<vmem>> -> memref<128xi32, #tpu.memory_space<vmem>>
        %dma_start3A_821 = arith.constant 0 : i32
        %dma_start3A_822 = arith.constant 0 : i32
        %dma_start3A_823 = tpu.memref_slice %arg3[%dma_start3A_821, %dma_start3A_822] : memref<100000x64xf32, #tpu.memory_space<hbm>> -> memref<100000x64xf32, #tpu.memory_space<hbm>>
        %dma_start3A_824 = tpu.memref_slice %arg11[%rem3A_641] : memref<4x!tpu.dma_semaphore, #tpu.memory_space<semaphore_mem>> -> memref<1x!tpu.dma_semaphore, #tpu.memory_space<semaphore_mem>>
        %dma_start3A_825 = tpu.memref_squeeze %dma_start3A_824 : memref<1x!tpu.dma_semaphore, #tpu.memory_space<semaphore_mem>> -> memref<!tpu.dma_semaphore, #tpu.memory_space<semaphore_mem>>
        tpu.enqueue_indirect_dma source(%dma_start3A_823 : memref<100000x64xf32, #tpu.memory_space<hbm>>) target(%dma_start3A_817 : memref<128x64xf32, #tpu.memory_space<vmem>>) offsets(%dma_start3A_820 : memref<128xi32, #tpu.memory_space<vmem>>) semaphore(%dma_start3A_825 : memref<!tpu.dma_semaphore, #tpu.memory_space<semaphore_mem>>)
      } else {
      }
      %dma_start3A_644 = arith.constant 0 : i32
      %dma_start3A_645 = tpu.memref_slice %arg10[%scan3A_622, %dma_start3A_644] : memref<50x128xf32, #tpu.memory_space<vmem>> -> memref<1x128xf32, #tpu.memory_space<vmem>>
      %dma_start3A_646 = tpu.memref_squeeze %dma_start3A_645 : memref<1x128xf32, #tpu.memory_space<vmem>> -> memref<128xf32, #tpu.memory_space<vmem>>
      %dma_start3A_647 = arith.constant 0 : i32
      %dma_start3A_648 = tpu.memref_slice %arg7[%scan3A_622, %dma_start3A_647] : memref<50x128xi32, #tpu.memory_space<vmem>> -> memref<1x128xi32, #tpu.memory_space<vmem>>
      %dma_start3A_649 = tpu.memref_squeeze %dma_start3A_648 : memref<1x128xi32, #tpu.memory_space<vmem>> -> memref<128xi32, #tpu.memory_space<vmem>>
      %dma_start3A_650 = arith.constant 0 : i32
      %dma_start3A_651 = tpu.memref_slice %arg4[%dma_start3A_650] : memref<100000xf32, #tpu.memory_space<hbm>> -> memref<100000xf32, #tpu.memory_space<hbm>>
      tpu.enqueue_indirect_dma source(%dma_start3A_651 : memref<100000xf32, #tpu.memory_space<hbm>>) target(%dma_start3A_646 : memref<128xf32, #tpu.memory_space<vmem>>) offsets(%dma_start3A_649 : memref<128xi32, #tpu.memory_space<vmem>>) semaphore(%arg13 : memref<!tpu.dma_semaphore, #tpu.memory_space<semaphore_mem>>)
      %ge3A = arith.constant 3 : i32
      %ge3A_652 = arith.cmpi sge, %scan3A_622, %ge3A : i32
      %convert_element_type3A_653 = arith.extui %ge3A_652 : i1 to i32
      %cond3A_654 = arith.constant 0 : i32
      %cond3A_655 = arith.cmpi ne, %convert_element_type3A_653, %cond3A_654 : i32
      scf.if %cond3A_655 {
        %dma_wait3A_814 = arith.constant 0 : i32
        %dma_wait3A_815 = arith.constant 0 : i32
        %dma_wait3A_816 = arith.constant 0 : i32
        %dma_wait3A_817 = arith.constant 0 : i32
        %dma_wait3A_818 = arith.constant 0 : i32
        %dma_wait3A_819 = tpu.memref_slice %arg9[%rem3A_623, %dma_wait3A_817, %dma_wait3A_818] : memref<3x64x129xf32, #tpu.memory_space<vmem>> -> memref<1x8x128xf32, #tpu.memory_space<vmem>>
        %dma_wait3A_820 = tpu.memref_squeeze %dma_wait3A_819 : memref<1x8x128xf32, #tpu.memory_space<vmem>> -> memref<8x128xf32, #tpu.memory_space<vmem>>
        %dma_wait3A_821 = arith.constant 0 : i32
        %dma_wait3A_822 = arith.constant 0 : i32
        %dma_wait3A_823 = tpu.memref_slice %arg5[%dma_wait3A_814, %dma_wait3A_815, %dma_wait3A_816, %dma_wait3A_821, %dma_wait3A_822] : memref<50x8x32x8x128xf32, #tpu.memory_space<hbm>> -> memref<1x1x1x8x128xf32, #tpu.memory_space<hbm>>
        %dma_wait3A_824 = tpu.memref_squeeze %dma_wait3A_823 : memref<1x1x1x8x128xf32, #tpu.memory_space<hbm>> -> memref<8x128xf32, #tpu.memory_space<hbm>>
        %dma_wait3A_825 = tpu.memref_slice %arg12[%rem3A_623] : memref<3x!tpu.dma_semaphore, #tpu.memory_space<semaphore_mem>> -> memref<1x!tpu.dma_semaphore, #tpu.memory_space<semaphore_mem>>
        %dma_wait3A_826 = tpu.memref_squeeze %dma_wait3A_825 : memref<1x!tpu.dma_semaphore, #tpu.memory_space<semaphore_mem>> -> memref<!tpu.dma_semaphore, #tpu.memory_space<semaphore_mem>>
        %dma_wait3A_827 = arith.constant 0 : i32
        %dma_wait3A_828 = arith.constant 0 : i32
        %dma_wait3A_829 = tpu.memref_slice %arg5[%dma_wait3A_814, %dma_wait3A_815, %dma_wait3A_816, %dma_wait3A_827, %dma_wait3A_828] : memref<50x8x32x8x128xf32, #tpu.memory_space<hbm>> -> memref<1x1x1x8x128xf32, #tpu.memory_space<hbm>>
        %dma_wait3A_830 = tpu.memref_squeeze %dma_wait3A_829 : memref<1x1x1x8x128xf32, #tpu.memory_space<hbm>> -> memref<8x128xf32, #tpu.memory_space<hbm>>
        %dma_wait3A_831 = arith.constant 0 : i32
        %dma_wait3A_832 = arith.constant 0 : i32
        %dma_wait3A_833 = tpu.memref_slice %arg9[%rem3A_623, %dma_wait3A_831, %dma_wait3A_832] : memref<3x64x129xf32, #tpu.memory_space<vmem>> -> memref<1x8x128xf32, #tpu.memory_space<vmem>>
        %dma_wait3A_834 = tpu.memref_squeeze %dma_wait3A_833 : memref<1x8x128xf32, #tpu.memory_space<vmem>> -> memref<8x128xf32, #tpu.memory_space<vmem>>
        tpu.wait_dma2 semaphore(%dma_wait3A_826 : memref<!tpu.dma_semaphore, #tpu.memory_space<semaphore_mem>>) src(%dma_wait3A_834 : memref<8x128xf32, #tpu.memory_space<vmem>>) dst(%dma_wait3A_830 : memref<8x128xf32, #tpu.memory_space<hbm>>)
        %dma_wait3A_835 = arith.constant 0 : i32
        %dma_wait3A_836 = arith.constant 1 : i32
        %dma_wait3A_837 = arith.constant 0 : i32
        %dma_wait3A_838 = arith.constant 8 : i32
        %dma_wait3A_839 = arith.constant 0 : i32
        %dma_wait3A_840 = tpu.memref_slice %arg9[%rem3A_623, %dma_wait3A_838, %dma_wait3A_839] : memref<3x64x129xf32, #tpu.memory_space<vmem>> -> memref<1x8x128xf32, #tpu.memory_space<vmem>>
        %dma_wait3A_841 = tpu.memref_squeeze %dma_wait3A_840 : memref<1x8x128xf32, #tpu.memory_space<vmem>> -> memref<8x128xf32, #tpu.memory_space<vmem>>
        %dma_wait3A_842 = arith.constant 0 : i32
        %dma_wait3A_843 = arith.constant 0 : i32
        %dma_wait3A_844 = tpu.memref_slice %arg5[%dma_wait3A_835, %dma_wait3A_836, %dma_wait3A_837, %dma_wait3A_842, %dma_wait3A_843] : memref<50x8x32x8x128xf32, #tpu.memory_space<hbm>> -> memref<1x1x1x8x128xf32, #tpu.memory_space<hbm>>
        %dma_wait3A_845 = tpu.memref_squeeze %dma_wait3A_844 : memref<1x1x1x8x128xf32, #tpu.memory_space<hbm>> -> memref<8x128xf32, #tpu.memory_space<hbm>>
        %dma_wait3A_846 = tpu.memref_slice %arg12[%rem3A_623] : memref<3x!tpu.dma_semaphore, #tpu.memory_space<semaphore_mem>> -> memref<1x!tpu.dma_semaphore, #tpu.memory_space<semaphore_mem>>
        %dma_wait3A_847 = tpu.memref_squeeze %dma_wait3A_846 : memref<1x!tpu.dma_semaphore, #tpu.memory_space<semaphore_mem>> -> memref<!tpu.dma_semaphore, #tpu.memory_space<semaphore_mem>>
        %dma_wait3A_848 = arith.constant 0 : i32
        %dma_wait3A_849 = arith.constant 0 : i32
        %dma_wait3A_850 = tpu.memref_slice %arg5[%dma_wait3A_835, %dma_wait3A_836, %dma_wait3A_837, %dma_wait3A_848, %dma_wait3A_849] : memref<50x8x32x8x128xf32, #tpu.memory_space<hbm>> -> memref<1x1x1x8x128xf32, #tpu.memory_space<hbm>>
        %dma_wait3A_851 = tpu.memref_squeeze %dma_wait3A_850 : memref<1x1x1x8x128xf32, #tpu.memory_space<hbm>> -> memref<8x128xf32, #tpu.memory_space<hbm>>
        %dma_wait3A_852 = arith.constant 8 : i32
        %dma_wait3A_853 = arith.constant 0 : i32
        %dma_wait3A_854 = tpu.memref_slice %arg9[%rem3A_623, %dma_wait3A_852, %dma_wait3A_853] : memref<3x64x129xf32, #tpu.memory_space<vmem>> -> memref<1x8x128xf32, #tpu.memory_space<vmem>>
        %dma_wait3A_855 = tpu.memref_squeeze %dma_wait3A_854 : memref<1x8x128xf32, #tpu.memory_space<vmem>> -> memref<8x128xf32, #tpu.memory_space<vmem>>
        tpu.wait_dma2 semaphore(%dma_wait3A_847 : memref<!tpu.dma_semaphore, #tpu.memory_space<semaphore_mem>>) src(%dma_wait3A_855 : memref<8x128xf32, #tpu.memory_space<vmem>>) dst(%dma_wait3A_851 : memref<8x128xf32, #tpu.memory_space<hbm>>)
        %dma_wait3A_856 = arith.constant 0 : i32
        %dma_wait3A_857 = arith.constant 2 : i32
        %dma_wait3A_858 = arith.constant 0 : i32
        %dma_wait3A_859 = arith.constant 16 : i32
        %dma_wait3A_860 = arith.constant 0 : i32
        %dma_wait3A_861 = tpu.memref_slice %arg9[%rem3A_623, %dma_wait3A_859, %dma_wait3A_860] : memref<3x64x129xf32, #tpu.memory_space<vmem>> -> memref<1x8x128xf32, #tpu.memory_space<vmem>>
        %dma_wait3A_862 = tpu.memref_squeeze %dma_wait3A_861 : memref<1x8x128xf32, #tpu.memory_space<vmem>> -> memref<8x128xf32, #tpu.memory_space<vmem>>
        %dma_wait3A_863 = arith.constant 0 : i32
        %dma_wait3A_864 = arith.constant 0 : i32
        %dma_wait3A_865 = tpu.memref_slice %arg5[%dma_wait3A_856, %dma_wait3A_857, %dma_wait3A_858, %dma_wait3A_863, %dma_wait3A_864] : memref<50x8x32x8x128xf32, #tpu.memory_space<hbm>> -> memref<1x1x1x8x128xf32, #tpu.memory_space<hbm>>
        %dma_wait3A_866 = tpu.memref_squeeze %dma_wait3A_865 : memref<1x1x1x8x128xf32, #tpu.memory_space<hbm>> -> memref<8x128xf32, #tpu.memory_space<hbm>>
        %dma_wait3A_867 = tpu.memref_slice %arg12[%rem3A_623] : memref<3x!tpu.dma_semaphore, #tpu.memory_space<semaphore_mem>> -> memref<1x!tpu.dma_semaphore, #tpu.memory_space<semaphore_mem>>
        %dma_wait3A_868 = tpu.memref_squeeze %dma_wait3A_867 : memref<1x!tpu.dma_semaphore, #tpu.memory_space<semaphore_mem>> -> memref<!tpu.dma_semaphore, #tpu.memory_space<semaphore_mem>>
        %dma_wait3A_869 = arith.constant 0 : i32
        %dma_wait3A_870 = arith.constant 0 : i32
        %dma_wait3A_871 = tpu.memref_slice %arg5[%dma_wait3A_856, %dma_wait3A_857, %dma_wait3A_858, %dma_wait3A_869, %dma_wait3A_870] : memref<50x8x32x8x128xf32, #tpu.memory_space<hbm>> -> memref<1x1x1x8x128xf32, #tpu.memory_space<hbm>>
        %dma_wait3A_872 = tpu.memref_squeeze %dma_wait3A_871 : memref<1x1x1x8x128xf32, #tpu.memory_space<hbm>> -> memref<8x128xf32, #tpu.memory_space<hbm>>
        %dma_wait3A_873 = arith.constant 16 : i32
        %dma_wait3A_874 = arith.constant 0 : i32
        %dma_wait3A_875 = tpu.memref_slice %arg9[%rem3A_623, %dma_wait3A_873, %dma_wait3A_874] : memref<3x64x129xf32, #tpu.memory_space<vmem>> -> memref<1x8x128xf32, #tpu.memory_space<vmem>>
        %dma_wait3A_876 = tpu.memref_squeeze %dma_wait3A_875 : memref<1x8x128xf32, #tpu.memory_space<vmem>> -> memref<8x128xf32, #tpu.memory_space<vmem>>
        tpu.wait_dma2 semaphore(%dma_wait3A_868 : memref<!tpu.dma_semaphore, #tpu.memory_space<semaphore_mem>>) src(%dma_wait3A_876 : memref<8x128xf32, #tpu.memory_space<vmem>>) dst(%dma_wait3A_872 : memref<8x128xf32, #tpu.memory_space<hbm>>)
        %dma_wait3A_877 = arith.constant 0 : i32
        %dma_wait3A_878 = arith.constant 3 : i32
        %dma_wait3A_879 = arith.constant 0 : i32
        %dma_wait3A_880 = arith.constant 24 : i32
        %dma_wait3A_881 = arith.constant 0 : i32
        %dma_wait3A_882 = tpu.memref_slice %arg9[%rem3A_623, %dma_wait3A_880, %dma_wait3A_881] : memref<3x64x129xf32, #tpu.memory_space<vmem>> -> memref<1x8x128xf32, #tpu.memory_space<vmem>>
        %dma_wait3A_883 = tpu.memref_squeeze %dma_wait3A_882 : memref<1x8x128xf32, #tpu.memory_space<vmem>> -> memref<8x128xf32, #tpu.memory_space<vmem>>
        %dma_wait3A_884 = arith.constant 0 : i32
        %dma_wait3A_885 = arith.constant 0 : i32
        %dma_wait3A_886 = tpu.memref_slice %arg5[%dma_wait3A_877, %dma_wait3A_878, %dma_wait3A_879, %dma_wait3A_884, %dma_wait3A_885] : memref<50x8x32x8x128xf32, #tpu.memory_space<hbm>> -> memref<1x1x1x8x128xf32, #tpu.memory_space<hbm>>
        %dma_wait3A_887 = tpu.memref_squeeze %dma_wait3A_886 : memref<1x1x1x8x128xf32, #tpu.memory_space<hbm>> -> memref<8x128xf32, #tpu.memory_space<hbm>>
        %dma_wait3A_888 = tpu.memref_slice %arg12[%rem3A_623] : memref<3x!tpu.dma_semaphore, #tpu.memory_space<semaphore_mem>> -> memref<1x!tpu.dma_semaphore, #tpu.memory_space<semaphore_mem>>
        %dma_wait3A_889 = tpu.memref_squeeze %dma_wait3A_888 : memref<1x!tpu.dma_semaphore, #tpu.memory_space<semaphore_mem>> -> memref<!tpu.dma_semaphore, #tpu.memory_space<semaphore_mem>>
        %dma_wait3A_890 = arith.constant 0 : i32
        %dma_wait3A_891 = arith.constant 0 : i32
        %dma_wait3A_892 = tpu.memref_slice %arg5[%dma_wait3A_877, %dma_wait3A_878, %dma_wait3A_879, %dma_wait3A_890, %dma_wait3A_891] : memref<50x8x32x8x128xf32, #tpu.memory_space<hbm>> -> memref<1x1x1x8x128xf32, #tpu.memory_space<hbm>>
        %dma_wait3A_893 = tpu.memref_squeeze %dma_wait3A_892 : memref<1x1x1x8x128xf32, #tpu.memory_space<hbm>> -> memref<8x128xf32, #tpu.memory_space<hbm>>
        %dma_wait3A_894 = arith.constant 24 : i32
        %dma_wait3A_895 = arith.constant 0 : i32
        %dma_wait3A_896 = tpu.memref_slice %arg9[%rem3A_623, %dma_wait3A_894, %dma_wait3A_895] : memref<3x64x129xf32, #tpu.memory_space<vmem>> -> memref<1x8x128xf32, #tpu.memory_space<vmem>>
        %dma_wait3A_897 = tpu.memref_squeeze %dma_wait3A_896 : memref<1x8x128xf32, #tpu.memory_space<vmem>> -> memref<8x128xf32, #tpu.memory_space<vmem>>
        tpu.wait_dma2 semaphore(%dma_wait3A_889 : memref<!tpu.dma_semaphore, #tpu.memory_space<semaphore_mem>>) src(%dma_wait3A_897 : memref<8x128xf32, #tpu.memory_space<vmem>>) dst(%dma_wait3A_893 : memref<8x128xf32, #tpu.memory_space<hbm>>)
        %dma_wait3A_898 = arith.constant 0 : i32
        %dma_wait3A_899 = arith.constant 4 : i32
        %dma_wait3A_900 = arith.constant 0 : i32
        %dma_wait3A_901 = arith.constant 32 : i32
        %dma_wait3A_902 = arith.constant 0 : i32
        %dma_wait3A_903 = tpu.memref_slice %arg9[%rem3A_623, %dma_wait3A_901, %dma_wait3A_902] : memref<3x64x129xf32, #tpu.memory_space<vmem>> -> memref<1x8x128xf32, #tpu.memory_space<vmem>>
        %dma_wait3A_904 = tpu.memref_squeeze %dma_wait3A_903 : memref<1x8x128xf32, #tpu.memory_space<vmem>> -> memref<8x128xf32, #tpu.memory_space<vmem>>
        %dma_wait3A_905 = arith.constant 0 : i32
        %dma_wait3A_906 = arith.constant 0 : i32
        %dma_wait3A_907 = tpu.memref_slice %arg5[%dma_wait3A_898, %dma_wait3A_899, %dma_wait3A_900, %dma_wait3A_905, %dma_wait3A_906] : memref<50x8x32x8x128xf32, #tpu.memory_space<hbm>> -> memref<1x1x1x8x128xf32, #tpu.memory_space<hbm>>
        %dma_wait3A_908 = tpu.memref_squeeze %dma_wait3A_907 : memref<1x1x1x8x128xf32, #tpu.memory_space<hbm>> -> memref<8x128xf32, #tpu.memory_space<hbm>>
        %dma_wait3A_909 = tpu.memref_slice %arg12[%rem3A_623] : memref<3x!tpu.dma_semaphore, #tpu.memory_space<semaphore_mem>> -> memref<1x!tpu.dma_semaphore, #tpu.memory_space<semaphore_mem>>
        %dma_wait3A_910 = tpu.memref_squeeze %dma_wait3A_909 : memref<1x!tpu.dma_semaphore, #tpu.memory_space<semaphore_mem>> -> memref<!tpu.dma_semaphore, #tpu.memory_space<semaphore_mem>>
        %dma_wait3A_911 = arith.constant 0 : i32
        %dma_wait3A_912 = arith.constant 0 : i32
        %dma_wait3A_913 = tpu.memref_slice %arg5[%dma_wait3A_898, %dma_wait3A_899, %dma_wait3A_900, %dma_wait3A_911, %dma_wait3A_912] : memref<50x8x32x8x128xf32, #tpu.memory_space<hbm>> -> memref<1x1x1x8x128xf32, #tpu.memory_space<hbm>>
        %dma_wait3A_914 = tpu.memref_squeeze %dma_wait3A_913 : memref<1x1x1x8x128xf32, #tpu.memory_space<hbm>> -> memref<8x128xf32, #tpu.memory_space<hbm>>
        %dma_wait3A_915 = arith.constant 32 : i32
        %dma_wait3A_916 = arith.constant 0 : i32
        %dma_wait3A_917 = tpu.memref_slice %arg9[%rem3A_623, %dma_wait3A_915, %dma_wait3A_916] : memref<3x64x129xf32, #tpu.memory_space<vmem>> -> memref<1x8x128xf32, #tpu.memory_space<vmem>>
        %dma_wait3A_918 = tpu.memref_squeeze %dma_wait3A_917 : memref<1x8x128xf32, #tpu.memory_space<vmem>> -> memref<8x128xf32, #tpu.memory_space<vmem>>
        tpu.wait_dma2 semaphore(%dma_wait3A_910 : memref<!tpu.dma_semaphore, #tpu.memory_space<semaphore_mem>>) src(%dma_wait3A_918 : memref<8x128xf32, #tpu.memory_space<vmem>>) dst(%dma_wait3A_914 : memref<8x128xf32, #tpu.memory_space<hbm>>)
        %dma_wait3A_919 = arith.constant 0 : i32
        %dma_wait3A_920 = arith.constant 5 : i32
        %dma_wait3A_921 = arith.constant 0 : i32
        %dma_wait3A_922 = arith.constant 40 : i32
        %dma_wait3A_923 = arith.constant 0 : i32
        %dma_wait3A_924 = tpu.memref_slice %arg9[%rem3A_623, %dma_wait3A_922, %dma_wait3A_923] : memref<3x64x129xf32, #tpu.memory_space<vmem>> -> memref<1x8x128xf32, #tpu.memory_space<vmem>>
        %dma_wait3A_925 = tpu.memref_squeeze %dma_wait3A_924 : memref<1x8x128xf32, #tpu.memory_space<vmem>> -> memref<8x128xf32, #tpu.memory_space<vmem>>
        %dma_wait3A_926 = arith.constant 0 : i32
        %dma_wait3A_927 = arith.constant 0 : i32
        %dma_wait3A_928 = tpu.memref_slice %arg5[%dma_wait3A_919, %dma_wait3A_920, %dma_wait3A_921, %dma_wait3A_926, %dma_wait3A_927] : memref<50x8x32x8x128xf32, #tpu.memory_space<hbm>> -> memref<1x1x1x8x128xf32, #tpu.memory_space<hbm>>
        %dma_wait3A_929 = tpu.memref_squeeze %dma_wait3A_928 : memref<1x1x1x8x128xf32, #tpu.memory_space<hbm>> -> memref<8x128xf32, #tpu.memory_space<hbm>>
        %dma_wait3A_930 = tpu.memref_slice %arg12[%rem3A_623] : memref<3x!tpu.dma_semaphore, #tpu.memory_space<semaphore_mem>> -> memref<1x!tpu.dma_semaphore, #tpu.memory_space<semaphore_mem>>
        %dma_wait3A_931 = tpu.memref_squeeze %dma_wait3A_930 : memref<1x!tpu.dma_semaphore, #tpu.memory_space<semaphore_mem>> -> memref<!tpu.dma_semaphore, #tpu.memory_space<semaphore_mem>>
        %dma_wait3A_932 = arith.constant 0 : i32
        %dma_wait3A_933 = arith.constant 0 : i32
        %dma_wait3A_934 = tpu.memref_slice %arg5[%dma_wait3A_919, %dma_wait3A_920, %dma_wait3A_921, %dma_wait3A_932, %dma_wait3A_933] : memref<50x8x32x8x128xf32, #tpu.memory_space<hbm>> -> memref<1x1x1x8x128xf32, #tpu.memory_space<hbm>>
        %dma_wait3A_935 = tpu.memref_squeeze %dma_wait3A_934 : memref<1x1x1x8x128xf32, #tpu.memory_space<hbm>> -> memref<8x128xf32, #tpu.memory_space<hbm>>
        %dma_wait3A_936 = arith.constant 40 : i32
        %dma_wait3A_937 = arith.constant 0 : i32
        %dma_wait3A_938 = tpu.memref_slice %arg9[%rem3A_623, %dma_wait3A_936, %dma_wait3A_937] : memref<3x64x129xf32, #tpu.memory_space<vmem>> -> memref<1x8x128xf32, #tpu.memory_space<vmem>>
        %dma_wait3A_939 = tpu.memref_squeeze %dma_wait3A_938 : memref<1x8x128xf32, #tpu.memory_space<vmem>> -> memref<8x128xf32, #tpu.memory_space<vmem>>
        tpu.wait_dma2 semaphore(%dma_wait3A_931 : memref<!tpu.dma_semaphore, #tpu.memory_space<semaphore_mem>>) src(%dma_wait3A_939 : memref<8x128xf32, #tpu.memory_space<vmem>>) dst(%dma_wait3A_935 : memref<8x128xf32, #tpu.memory_space<hbm>>)
        %dma_wait3A_940 = arith.constant 0 : i32
        %dma_wait3A_941 = arith.constant 6 : i32
        %dma_wait3A_942 = arith.constant 0 : i32
        %dma_wait3A_943 = arith.constant 48 : i32
        %dma_wait3A_944 = arith.constant 0 : i32
        %dma_wait3A_945 = tpu.memref_slice %arg9[%rem3A_623, %dma_wait3A_943, %dma_wait3A_944] : memref<3x64x129xf32, #tpu.memory_space<vmem>> -> memref<1x8x128xf32, #tpu.memory_space<vmem>>
        %dma_wait3A_946 = tpu.memref_squeeze %dma_wait3A_945 : memref<1x8x128xf32, #tpu.memory_space<vmem>> -> memref<8x128xf32, #tpu.memory_space<vmem>>
        %dma_wait3A_947 = arith.constant 0 : i32
        %dma_wait3A_948 = arith.constant 0 : i32
        %dma_wait3A_949 = tpu.memref_slice %arg5[%dma_wait3A_940, %dma_wait3A_941, %dma_wait3A_942, %dma_wait3A_947, %dma_wait3A_948] : memref<50x8x32x8x128xf32, #tpu.memory_space<hbm>> -> memref<1x1x1x8x128xf32, #tpu.memory_space<hbm>>
        %dma_wait3A_950 = tpu.memref_squeeze %dma_wait3A_949 : memref<1x1x1x8x128xf32, #tpu.memory_space<hbm>> -> memref<8x128xf32, #tpu.memory_space<hbm>>
        %dma_wait3A_951 = tpu.memref_slice %arg12[%rem3A_623] : memref<3x!tpu.dma_semaphore, #tpu.memory_space<semaphore_mem>> -> memref<1x!tpu.dma_semaphore, #tpu.memory_space<semaphore_mem>>
        %dma_wait3A_952 = tpu.memref_squeeze %dma_wait3A_951 : memref<1x!tpu.dma_semaphore, #tpu.memory_space<semaphore_mem>> -> memref<!tpu.dma_semaphore, #tpu.memory_space<semaphore_mem>>
        %dma_wait3A_953 = arith.constant 0 : i32
        %dma_wait3A_954 = arith.constant 0 : i32
        %dma_wait3A_955 = tpu.memref_slice %arg5[%dma_wait3A_940, %dma_wait3A_941, %dma_wait3A_942, %dma_wait3A_953, %dma_wait3A_954] : memref<50x8x32x8x128xf32, #tpu.memory_space<hbm>> -> memref<1x1x1x8x128xf32, #tpu.memory_space<hbm>>
        %dma_wait3A_956 = tpu.memref_squeeze %dma_wait3A_955 : memref<1x1x1x8x128xf32, #tpu.memory_space<hbm>> -> memref<8x128xf32, #tpu.memory_space<hbm>>
        %dma_wait3A_957 = arith.constant 48 : i32
        %dma_wait3A_958 = arith.constant 0 : i32
        %dma_wait3A_959 = tpu.memref_slice %arg9[%rem3A_623, %dma_wait3A_957, %dma_wait3A_958] : memref<3x64x129xf32, #tpu.memory_space<vmem>> -> memref<1x8x128xf32, #tpu.memory_space<vmem>>
        %dma_wait3A_960 = tpu.memref_squeeze %dma_wait3A_959 : memref<1x8x128xf32, #tpu.memory_space<vmem>> -> memref<8x128xf32, #tpu.memory_space<vmem>>
        tpu.wait_dma2 semaphore(%dma_wait3A_952 : memref<!tpu.dma_semaphore, #tpu.memory_space<semaphore_mem>>) src(%dma_wait3A_960 : memref<8x128xf32, #tpu.memory_space<vmem>>) dst(%dma_wait3A_956 : memref<8x128xf32, #tpu.memory_space<hbm>>)
        %dma_wait3A_961 = arith.constant 0 : i32
        %dma_wait3A_962 = arith.constant 7 : i32
        %dma_wait3A_963 = arith.constant 0 : i32
        %dma_wait3A_964 = arith.constant 56 : i32
        %dma_wait3A_965 = arith.constant 0 : i32
        %dma_wait3A_966 = tpu.memref_slice %arg9[%rem3A_623, %dma_wait3A_964, %dma_wait3A_965] : memref<3x64x129xf32, #tpu.memory_space<vmem>> -> memref<1x8x128xf32, #tpu.memory_space<vmem>>
        %dma_wait3A_967 = tpu.memref_squeeze %dma_wait3A_966 : memref<1x8x128xf32, #tpu.memory_space<vmem>> -> memref<8x128xf32, #tpu.memory_space<vmem>>
        %dma_wait3A_968 = arith.constant 0 : i32
        %dma_wait3A_969 = arith.constant 0 : i32
        %dma_wait3A_970 = tpu.memref_slice %arg5[%dma_wait3A_961, %dma_wait3A_962, %dma_wait3A_963, %dma_wait3A_968, %dma_wait3A_969] : memref<50x8x32x8x128xf32, #tpu.memory_space<hbm>> -> memref<1x1x1x8x128xf32, #tpu.memory_space<hbm>>
        %dma_wait3A_971 = tpu.memref_squeeze %dma_wait3A_970 : memref<1x1x1x8x128xf32, #tpu.memory_space<hbm>> -> memref<8x128xf32, #tpu.memory_space<hbm>>
        %dma_wait3A_972 = tpu.memref_slice %arg12[%rem3A_623] : memref<3x!tpu.dma_semaphore, #tpu.memory_space<semaphore_mem>> -> memref<1x!tpu.dma_semaphore, #tpu.memory_space<semaphore_mem>>
        %dma_wait3A_973 = tpu.memref_squeeze %dma_wait3A_972 : memref<1x!tpu.dma_semaphore, #tpu.memory_space<semaphore_mem>> -> memref<!tpu.dma_semaphore, #tpu.memory_space<semaphore_mem>>
        %dma_wait3A_974 = arith.constant 0 : i32
        %dma_wait3A_975 = arith.constant 0 : i32
        %dma_wait3A_976 = tpu.memref_slice %arg5[%dma_wait3A_961, %dma_wait3A_962, %dma_wait3A_963, %dma_wait3A_974, %dma_wait3A_975] : memref<50x8x32x8x128xf32, #tpu.memory_space<hbm>> -> memref<1x1x1x8x128xf32, #tpu.memory_space<hbm>>
        %dma_wait3A_977 = tpu.memref_squeeze %dma_wait3A_976 : memref<1x1x1x8x128xf32, #tpu.memory_space<hbm>> -> memref<8x128xf32, #tpu.memory_space<hbm>>
        %dma_wait3A_978 = arith.constant 56 : i32
        %dma_wait3A_979 = arith.constant 0 : i32
        %dma_wait3A_980 = tpu.memref_slice %arg9[%rem3A_623, %dma_wait3A_978, %dma_wait3A_979] : memref<3x64x129xf32, #tpu.memory_space<vmem>> -> memref<1x8x128xf32, #tpu.memory_space<vmem>>
        %dma_wait3A_981 = tpu.memref_squeeze %dma_wait3A_980 : memref<1x8x128xf32, #tpu.memory_space<vmem>> -> memref<8x128xf32, #tpu.memory_space<vmem>>
        tpu.wait_dma2 semaphore(%dma_wait3A_973 : memref<!tpu.dma_semaphore, #tpu.memory_space<semaphore_mem>>) src(%dma_wait3A_981 : memref<8x128xf32, #tpu.memory_space<vmem>>) dst(%dma_wait3A_977 : memref<8x128xf32, #tpu.memory_space<hbm>>)
      } else {
      }
      %scan3A_656 = arith.constant 0 : i32
      %scan3A_657 = arith.constant 0 : i32
      %scan3A_658 = arith.constant 128 : i32
      %scan3A_659 = arith.addi %scan3A_657, %scan3A_658 : i32
      %scan3A_660 = arith.constant 8 : i32
      scf.for %scan3A_814 = %scan3A_657 to %scan3A_659 step %scan3A_660  : i32 {
        %broadcast_in_dim3A = vector.broadcast %scan3A_814 : i32 to vector<16xi32>
        %get3A = arith.constant 0 : i32
        %get3A_815 = arith.constant 0 : i32
        %get3A_816 = tpu.memref_slice %arg8[%rem3A_625, %get3A, %get3A_815] : memref<4x128x64xf32, #tpu.memory_space<vmem>> -> memref<1x128x64xf32, #tpu.memory_space<vmem>>
        %get3A_817 = tpu.memref_squeeze %get3A_816 : memref<1x128x64xf32, #tpu.memory_space<vmem>> -> memref<128x64xf32, #tpu.memory_space<vmem>>
        %get3A_818 = arith.index_cast %scan3A_814 : i32 to index
        %get3A_819 = arith.constant 0 : index
        %get3A_820 = tpu.vector_load %get3A_817[%get3A_818, %get3A_819] {strides = array<i32>} : memref<128x64xf32, #tpu.memory_space<vmem>>, vector<16xf32>,
        %scatter3A = arith.constant 0 : i32
        %scatter3A_821 = arith.constant 0 : i32
        %scatter3A_822 = tpu.memref_slice %arg9[%rem3A_623, %scatter3A, %scatter3A_821] : memref<3x64x129xf32, #tpu.memory_space<vmem>> -> memref<1x64x129xf32, #tpu.memory_space<vmem>>
        %scatter3A_823 = tpu.memref_squeeze %scatter3A_822 : memref<1x64x129xf32, #tpu.memory_space<vmem>> -> memref<64x129xf32, #tpu.memory_space<vmem>>
        tpu.vector_store_idx %scatter3A_823[%add3A_5, %broadcast_in_dim3A], %get3A_820 : memref<64x129xf32, #tpu.memory_space<vmem>>[vector<16xi32>, vector<16xi32>], vector<16xf32>,
        %get3A_824 = arith.constant 0 : i32
        %get3A_825 = arith.constant 0 : i32
        %get3A_826 = tpu.memref_slice %arg8[%rem3A_625, %get3A_824, %get3A_825] : memref<4x128x64xf32, #tpu.memory_space<vmem>> -> memref<1x128x64xf32, #tpu.memory_space<vmem>>
        %get3A_827 = tpu.memref_squeeze %get3A_826 : memref<1x128x64xf32, #tpu.memory_space<vmem>> -> memref<128x64xf32, #tpu.memory_space<vmem>>
        %get3A_828 = arith.index_cast %scan3A_814 : i32 to index
        %get3A_829 = arith.constant 16 : index
        %get3A_830 = tpu.vector_load %get3A_827[%get3A_828, %get3A_829] {strides = array<i32>} : memref<128x64xf32, #tpu.memory_space<vmem>>, vector<16xf32>,
        %scatter3A_831 = arith.constant 0 : i32
        %scatter3A_832 = arith.constant 0 : i32
        %scatter3A_833 = tpu.memref_slice %arg9[%rem3A_623, %scatter3A_831, %scatter3A_832] : memref<3x64x129xf32, #tpu.memory_space<vmem>> -> memref<1x64x129xf32, #tpu.memory_space<vmem>>
        %scatter3A_834 = tpu.memref_squeeze %scatter3A_833 : memref<1x64x129xf32, #tpu.memory_space<vmem>> -> memref<64x129xf32, #tpu.memory_space<vmem>>
        tpu.vector_store_idx %scatter3A_834[%add3A_9, %broadcast_in_dim3A], %get3A_830 : memref<64x129xf32, #tpu.memory_space<vmem>>[vector<16xi32>, vector<16xi32>], vector<16xf32>,
        %get3A_835 = arith.constant 0 : i32
        %get3A_836 = arith.constant 0 : i32
        %get3A_837 = tpu.memref_slice %arg8[%rem3A_625, %get3A_835, %get3A_836] : memref<4x128x64xf32, #tpu.memory_space<vmem>> -> memref<1x128x64xf32, #tpu.memory_space<vmem>>
        %get3A_838 = tpu.memref_squeeze %get3A_837 : memref<1x128x64xf32, #tpu.memory_space<vmem>> -> memref<128x64xf32, #tpu.memory_space<vmem>>
        %get3A_839 = arith.index_cast %scan3A_814 : i32 to index
        %get3A_840 = arith.constant 32 : index
        %get3A_841 = tpu.vector_load %get3A_838[%get3A_839, %get3A_840] {strides = array<i32>} : memref<128x64xf32, #tpu.memory_space<vmem>>, vector<16xf32>,
        %scatter3A_842 = arith.constant 0 : i32
        %scatter3A_843 = arith.constant 0 : i32
        %scatter3A_844 = tpu.memref_slice %arg9[%rem3A_623, %scatter3A_842, %scatter3A_843] : memref<3x64x129xf32, #tpu.memory_space<vmem>> -> memref<1x64x129xf32, #tpu.memory_space<vmem>>
        %scatter3A_845 = tpu.memref_squeeze %scatter3A_844 : memref<1x64x129xf32, #tpu.memory_space<vmem>> -> memref<64x129xf32, #tpu.memory_space<vmem>>
        tpu.vector_store_idx %scatter3A_845[%add3A_13, %broadcast_in_dim3A], %get3A_841 : memref<64x129xf32, #tpu.memory_space<vmem>>[vector<16xi32>, vector<16xi32>], vector<16xf32>,
        %get3A_846 = arith.constant 0 : i32
        %get3A_847 = arith.constant 0 : i32
        %get3A_848 = tpu.memref_slice %arg8[%rem3A_625, %get3A_846, %get3A_847] : memref<4x128x64xf32, #tpu.memory_space<vmem>> -> memref<1x128x64xf32, #tpu.memory_space<vmem>>
        %get3A_849 = tpu.memref_squeeze %get3A_848 : memref<1x128x64xf32, #tpu.memory_space<vmem>> -> memref<128x64xf32, #tpu.memory_space<vmem>>
        %get3A_850 = arith.index_cast %scan3A_814 : i32 to index
        %get3A_851 = arith.constant 48 : index
        %get3A_852 = tpu.vector_load %get3A_849[%get3A_850, %get3A_851] {strides = array<i32>} : memref<128x64xf32, #tpu.memory_space<vmem>>, vector<16xf32>,
        %scatter3A_853 = arith.constant 0 : i32
        %scatter3A_854 = arith.constant 0 : i32
        %scatter3A_855 = tpu.memref_slice %arg9[%rem3A_623, %scatter3A_853, %scatter3A_854] : memref<3x64x129xf32, #tpu.memory_space<vmem>> -> memref<1x64x129xf32, #tpu.memory_space<vmem>>
        %scatter3A_856 = tpu.memref_squeeze %scatter3A_855 : memref<1x64x129xf32, #tpu.memory_space<vmem>> -> memref<64x129xf32, #tpu.memory_space<vmem>>
        tpu.vector_store_idx %scatter3A_856[%add3A_17, %broadcast_in_dim3A], %get3A_852 : memref<64x129xf32, #tpu.memory_space<vmem>>[vector<16xi32>, vector<16xi32>], vector<16xf32>,
        %scan3A_857 = arith.constant 1 : i32
        %scan3A_858 = arith.addi %scan3A_814, %scan3A_857 : i32
        %broadcast_in_dim3A_859 = vector.broadcast %scan3A_858 : i32 to vector<16xi32>
        %get3A_860 = arith.constant 0 : i32
        %get3A_861 = arith.constant 0 : i32
        %get3A_862 = tpu.memref_slice %arg8[%rem3A_625, %get3A_860, %get3A_861] : memref<4x128x64xf32, #tpu.memory_space<vmem>> -> memref<1x128x64xf32, #tpu.memory_space<vmem>>
        %get3A_863 = tpu.memref_squeeze %get3A_862 : memref<1x128x64xf32, #tpu.memory_space<vmem>> -> memref<128x64xf32, #tpu.memory_space<vmem>>
        %get3A_864 = arith.index_cast %scan3A_858 : i32 to index
        %get3A_865 = arith.constant 0 : index
        %get3A_866 = tpu.vector_load %get3A_863[%get3A_864, %get3A_865] {strides = array<i32>} : memref<128x64xf32, #tpu.memory_space<vmem>>, vector<16xf32>,
        %scatter3A_867 = arith.constant 0 : i32
        %scatter3A_868 = arith.constant 0 : i32
        %scatter3A_869 = tpu.memref_slice %arg9[%rem3A_623, %scatter3A_867, %scatter3A_868] : memref<3x64x129xf32, #tpu.memory_space<vmem>> -> memref<1x64x129xf32, #tpu.memory_space<vmem>>
        %scatter3A_870 = tpu.memref_squeeze %scatter3A_869 : memref<1x64x129xf32, #tpu.memory_space<vmem>> -> memref<64x129xf32, #tpu.memory_space<vmem>>
        tpu.vector_store_idx %scatter3A_870[%add3A_5, %broadcast_in_dim3A_859], %get3A_866 : memref<64x129xf32, #tpu.memory_space<vmem>>[vector<16xi32>, vector<16xi32>], vector<16xf32>,
        %get3A_871 = arith.constant 0 : i32
        %get3A_872 = arith.constant 0 : i32
        %get3A_873 = tpu.memref_slice %arg8[%rem3A_625, %get3A_871, %get3A_872] : memref<4x128x64xf32, #tpu.memory_space<vmem>> -> memref<1x128x64xf32, #tpu.memory_space<vmem>>
        %get3A_874 = tpu.memref_squeeze %get3A_873 : memref<1x128x64xf32, #tpu.memory_space<vmem>> -> memref<128x64xf32, #tpu.memory_space<vmem>>
        %get3A_875 = arith.index_cast %scan3A_858 : i32 to index
        %get3A_876 = arith.constant 16 : index
        %get3A_877 = tpu.vector_load %get3A_874[%get3A_875, %get3A_876] {strides = array<i32>} : memref<128x64xf32, #tpu.memory_space<vmem>>, vector<16xf32>,
        %scatter3A_878 = arith.constant 0 : i32
        %scatter3A_879 = arith.constant 0 : i32
        %scatter3A_880 = tpu.memref_slice %arg9[%rem3A_623, %scatter3A_878, %scatter3A_879] : memref<3x64x129xf32, #tpu.memory_space<vmem>> -> memref<1x64x129xf32, #tpu.memory_space<vmem>>
        %scatter3A_881 = tpu.memref_squeeze %scatter3A_880 : memref<1x64x129xf32, #tpu.memory_space<vmem>> -> memref<64x129xf32, #tpu.memory_space<vmem>>
        tpu.vector_store_idx %scatter3A_881[%add3A_9, %broadcast_in_dim3A_859], %get3A_877 : memref<64x129xf32, #tpu.memory_space<vmem>>[vector<16xi32>, vector<16xi32>], vector<16xf32>,
        %get3A_882 = arith.constant 0 : i32
        %get3A_883 = arith.constant 0 : i32
        %get3A_884 = tpu.memref_slice %arg8[%rem3A_625, %get3A_882, %get3A_883] : memref<4x128x64xf32, #tpu.memory_space<vmem>> -> memref<1x128x64xf32, #tpu.memory_space<vmem>>
        %get3A_885 = tpu.memref_squeeze %get3A_884 : memref<1x128x64xf32, #tpu.memory_space<vmem>> -> memref<128x64xf32, #tpu.memory_space<vmem>>
        %get3A_886 = arith.index_cast %scan3A_858 : i32 to index
        %get3A_887 = arith.constant 32 : index
        %get3A_888 = tpu.vector_load %get3A_885[%get3A_886, %get3A_887] {strides = array<i32>} : memref<128x64xf32, #tpu.memory_space<vmem>>, vector<16xf32>,
        %scatter3A_889 = arith.constant 0 : i32
        %scatter3A_890 = arith.constant 0 : i32
        %scatter3A_891 = tpu.memref_slice %arg9[%rem3A_623, %scatter3A_889, %scatter3A_890] : memref<3x64x129xf32, #tpu.memory_space<vmem>> -> memref<1x64x129xf32, #tpu.memory_space<vmem>>
        %scatter3A_892 = tpu.memref_squeeze %scatter3A_891 : memref<1x64x129xf32, #tpu.memory_space<vmem>> -> memref<64x129xf32, #tpu.memory_space<vmem>>
        tpu.vector_store_idx %scatter3A_892[%add3A_13, %broadcast_in_dim3A_859], %get3A_888 : memref<64x129xf32, #tpu.memory_space<vmem>>[vector<16xi32>, vector<16xi32>], vector<16xf32>,
        %get3A_893 = arith.constant 0 : i32
        %get3A_894 = arith.constant 0 : i32
        %get3A_895 = tpu.memref_slice %arg8[%rem3A_625, %get3A_893, %get3A_894] : memref<4x128x64xf32, #tpu.memory_space<vmem>> -> memref<1x128x64xf32, #tpu.memory_space<vmem>>
        %get3A_896 = tpu.memref_squeeze %get3A_895 : memref<1x128x64xf32, #tpu.memory_space<vmem>> -> memref<128x64xf32, #tpu.memory_space<vmem>>
        %get3A_897 = arith.index_cast %scan3A_858 : i32 to index
        %get3A_898 = arith.constant 48 : index
        %get3A_899 = tpu.vector_load %get3A_896[%get3A_897, %get3A_898] {strides = array<i32>} : memref<128x64xf32, #tpu.memory_space<vmem>>, vector<16xf32>,
        %scatter3A_900 = arith.constant 0 : i32
        %scatter3A_901 = arith.constant 0 : i32
        %scatter3A_902 = tpu.memref_slice %arg9[%rem3A_623, %scatter3A_900, %scatter3A_901] : memref<3x64x129xf32, #tpu.memory_space<vmem>> -> memref<1x64x129xf32, #tpu.memory_space<vmem>>
        %scatter3A_903 = tpu.memref_squeeze %scatter3A_902 : memref<1x64x129xf32, #tpu.memory_space<vmem>> -> memref<64x129xf32, #tpu.memory_space<vmem>>
        tpu.vector_store_idx %scatter3A_903[%add3A_17, %broadcast_in_dim3A_859], %get3A_899 : memref<64x129xf32, #tpu.memory_space<vmem>>[vector<16xi32>, vector<16xi32>], vector<16xf32>,
        %scan3A_904 = arith.constant 2 : i32
        %scan3A_905 = arith.addi %scan3A_814, %scan3A_904 : i32
        %broadcast_in_dim3A_906 = vector.broadcast %scan3A_905 : i32 to vector<16xi32>
        %get3A_907 = arith.constant 0 : i32
        %get3A_908 = arith.constant 0 : i32
        %get3A_909 = tpu.memref_slice %arg8[%rem3A_625, %get3A_907, %get3A_908] : memref<4x128x64xf32, #tpu.memory_space<vmem>> -> memref<1x128x64xf32, #tpu.memory_space<vmem>>
        %get3A_910 = tpu.memref_squeeze %get3A_909 : memref<1x128x64xf32, #tpu.memory_space<vmem>> -> memref<128x64xf32, #tpu.memory_space<vmem>>
        %get3A_911 = arith.index_cast %scan3A_905 : i32 to index
        %get3A_912 = arith.constant 0 : index
        %get3A_913 = tpu.vector_load %get3A_910[%get3A_911, %get3A_912] {strides = array<i32>} : memref<128x64xf32, #tpu.memory_space<vmem>>, vector<16xf32>,
        %scatter3A_914 = arith.constant 0 : i32
        %scatter3A_915 = arith.constant 0 : i32
        %scatter3A_916 = tpu.memref_slice %arg9[%rem3A_623, %scatter3A_914, %scatter3A_915] : memref<3x64x129xf32, #tpu.memory_space<vmem>> -> memref<1x64x129xf32, #tpu.memory_space<vmem>>
        %scatter3A_917 = tpu.memref_squeeze %scatter3A_916 : memref<1x64x129xf32, #tpu.memory_space<vmem>> -> memref<64x129xf32, #tpu.memory_space<vmem>>
        tpu.vector_store_idx %scatter3A_917[%add3A_5, %broadcast_in_dim3A_906], %get3A_913 : memref<64x129xf32, #tpu.memory_space<vmem>>[vector<16xi32>, vector<16xi32>], vector<16xf32>,
        %get3A_918 = arith.constant 0 : i32
        %get3A_919 = arith.constant 0 : i32
        %get3A_920 = tpu.memref_slice %arg8[%rem3A_625, %get3A_918, %get3A_919] : memref<4x128x64xf32, #tpu.memory_space<vmem>> -> memref<1x128x64xf32, #tpu.memory_space<vmem>>
        %get3A_921 = tpu.memref_squeeze %get3A_920 : memref<1x128x64xf32, #tpu.memory_space<vmem>> -> memref<128x64xf32, #tpu.memory_space<vmem>>
        %get3A_922 = arith.index_cast %scan3A_905 : i32 to index
        %get3A_923 = arith.constant 16 : index
        %get3A_924 = tpu.vector_load %get3A_921[%get3A_922, %get3A_923] {strides = array<i32>} : memref<128x64xf32, #tpu.memory_space<vmem>>, vector<16xf32>,
        %scatter3A_925 = arith.constant 0 : i32
        %scatter3A_926 = arith.constant 0 : i32
        %scatter3A_927 = tpu.memref_slice %arg9[%rem3A_623, %scatter3A_925, %scatter3A_926] : memref<3x64x129xf32, #tpu.memory_space<vmem>> -> memref<1x64x129xf32, #tpu.memory_space<vmem>>
        %scatter3A_928 = tpu.memref_squeeze %scatter3A_927 : memref<1x64x129xf32, #tpu.memory_space<vmem>> -> memref<64x129xf32, #tpu.memory_space<vmem>>
        tpu.vector_store_idx %scatter3A_928[%add3A_9, %broadcast_in_dim3A_906], %get3A_924 : memref<64x129xf32, #tpu.memory_space<vmem>>[vector<16xi32>, vector<16xi32>], vector<16xf32>,
        %get3A_929 = arith.constant 0 : i32
        %get3A_930 = arith.constant 0 : i32
        %get3A_931 = tpu.memref_slice %arg8[%rem3A_625, %get3A_929, %get3A_930] : memref<4x128x64xf32, #tpu.memory_space<vmem>> -> memref<1x128x64xf32, #tpu.memory_space<vmem>>
        %get3A_932 = tpu.memref_squeeze %get3A_931 : memref<1x128x64xf32, #tpu.memory_space<vmem>> -> memref<128x64xf32, #tpu.memory_space<vmem>>
        %get3A_933 = arith.index_cast %scan3A_905 : i32 to index
        %get3A_934 = arith.constant 32 : index
        %get3A_935 = tpu.vector_load %get3A_932[%get3A_933, %get3A_934] {strides = array<i32>} : memref<128x64xf32, #tpu.memory_space<vmem>>, vector<16xf32>,
        %scatter3A_936 = arith.constant 0 : i32
        %scatter3A_937 = arith.constant 0 : i32
        %scatter3A_938 = tpu.memref_slice %arg9[%rem3A_623, %scatter3A_936, %scatter3A_937] : memref<3x64x129xf32, #tpu.memory_space<vmem>> -> memref<1x64x129xf32, #tpu.memory_space<vmem>>
        %scatter3A_939 = tpu.memref_squeeze %scatter3A_938 : memref<1x64x129xf32, #tpu.memory_space<vmem>> -> memref<64x129xf32, #tpu.memory_space<vmem>>
        tpu.vector_store_idx %scatter3A_939[%add3A_13, %broadcast_in_dim3A_906], %get3A_935 : memref<64x129xf32, #tpu.memory_space<vmem>>[vector<16xi32>, vector<16xi32>], vector<16xf32>,
        %get3A_940 = arith.constant 0 : i32
        %get3A_941 = arith.constant 0 : i32
        %get3A_942 = tpu.memref_slice %arg8[%rem3A_625, %get3A_940, %get3A_941] : memref<4x128x64xf32, #tpu.memory_space<vmem>> -> memref<1x128x64xf32, #tpu.memory_space<vmem>>
        %get3A_943 = tpu.memref_squeeze %get3A_942 : memref<1x128x64xf32, #tpu.memory_space<vmem>> -> memref<128x64xf32, #tpu.memory_space<vmem>>
        %get3A_944 = arith.index_cast %scan3A_905 : i32 to index
        %get3A_945 = arith.constant 48 : index
        %get3A_946 = tpu.vector_load %get3A_943[%get3A_944, %get3A_945] {strides = array<i32>} : memref<128x64xf32, #tpu.memory_space<vmem>>, vector<16xf32>,
        %scatter3A_947 = arith.constant 0 : i32
        %scatter3A_948 = arith.constant 0 : i32
        %scatter3A_949 = tpu.memref_slice %arg9[%rem3A_623, %scatter3A_947, %scatter3A_948] : memref<3x64x129xf32, #tpu.memory_space<vmem>> -> memref<1x64x129xf32, #tpu.memory_space<vmem>>
        %scatter3A_950 = tpu.memref_squeeze %scatter3A_949 : memref<1x64x129xf32, #tpu.memory_space<vmem>> -> memref<64x129xf32, #tpu.memory_space<vmem>>
        tpu.vector_store_idx %scatter3A_950[%add3A_17, %broadcast_in_dim3A_906], %get3A_946 : memref<64x129xf32, #tpu.memory_space<vmem>>[vector<16xi32>, vector<16xi32>], vector<16xf32>,
        %scan3A_951 = arith.constant 3 : i32
        %scan3A_952 = arith.addi %scan3A_814, %scan3A_951 : i32
        %broadcast_in_dim3A_953 = vector.broadcast %scan3A_952 : i32 to vector<16xi32>
        %get3A_954 = arith.constant 0 : i32
        %get3A_955 = arith.constant 0 : i32
        %get3A_956 = tpu.memref_slice %arg8[%rem3A_625, %get3A_954, %get3A_955] : memref<4x128x64xf32, #tpu.memory_space<vmem>> -> memref<1x128x64xf32, #tpu.memory_space<vmem>>
        %get3A_957 = tpu.memref_squeeze %get3A_956 : memref<1x128x64xf32, #tpu.memory_space<vmem>> -> memref<128x64xf32, #tpu.memory_space<vmem>>
        %get3A_958 = arith.index_cast %scan3A_952 : i32 to index
        %get3A_959 = arith.constant 0 : index
        %get3A_960 = tpu.vector_load %get3A_957[%get3A_958, %get3A_959] {strides = array<i32>} : memref<128x64xf32, #tpu.memory_space<vmem>>, vector<16xf32>,
        %scatter3A_961 = arith.constant 0 : i32
        %scatter3A_962 = arith.constant 0 : i32
        %scatter3A_963 = tpu.memref_slice %arg9[%rem3A_623, %scatter3A_961, %scatter3A_962] : memref<3x64x129xf32, #tpu.memory_space<vmem>> -> memref<1x64x129xf32, #tpu.memory_space<vmem>>
        %scatter3A_964 = tpu.memref_squeeze %scatter3A_963 : memref<1x64x129xf32, #tpu.memory_space<vmem>> -> memref<64x129xf32, #tpu.memory_space<vmem>>
        tpu.vector_store_idx %scatter3A_964[%add3A_5, %broadcast_in_dim3A_953], %get3A_960 : memref<64x129xf32, #tpu.memory_space<vmem>>[vector<16xi32>, vector<16xi32>], vector<16xf32>,
        %get3A_965 = arith.constant 0 : i32
        %get3A_966 = arith.constant 0 : i32
        %get3A_967 = tpu.memref_slice %arg8[%rem3A_625, %get3A_965, %get3A_966] : memref<4x128x64xf32, #tpu.memory_space<vmem>> -> memref<1x128x64xf32, #tpu.memory_space<vmem>>
        %get3A_968 = tpu.memref_squeeze %get3A_967 : memref<1x128x64xf32, #tpu.memory_space<vmem>> -> memref<128x64xf32, #tpu.memory_space<vmem>>
        %get3A_969 = arith.index_cast %scan3A_952 : i32 to index
        %get3A_970 = arith.constant 16 : index
        %get3A_971 = tpu.vector_load %get3A_968[%get3A_969, %get3A_970] {strides = array<i32>} : memref<128x64xf32, #tpu.memory_space<vmem>>, vector<16xf32>,
        %scatter3A_972 = arith.constant 0 : i32
        %scatter3A_973 = arith.constant 0 : i32
        %scatter3A_974 = tpu.memref_slice %arg9[%rem3A_623, %scatter3A_972, %scatter3A_973] : memref<3x64x129xf32, #tpu.memory_space<vmem>> -> memref<1x64x129xf32, #tpu.memory_space<vmem>>
        %scatter3A_975 = tpu.memref_squeeze %scatter3A_974 : memref<1x64x129xf32, #tpu.memory_space<vmem>> -> memref<64x129xf32, #tpu.memory_space<vmem>>
        tpu.vector_store_idx %scatter3A_975[%add3A_9, %broadcast_in_dim3A_953], %get3A_971 : memref<64x129xf32, #tpu.memory_space<vmem>>[vector<16xi32>, vector<16xi32>], vector<16xf32>,
        %get3A_976 = arith.constant 0 : i32
        %get3A_977 = arith.constant 0 : i32
        %get3A_978 = tpu.memref_slice %arg8[%rem3A_625, %get3A_976, %get3A_977] : memref<4x128x64xf32, #tpu.memory_space<vmem>> -> memref<1x128x64xf32, #tpu.memory_space<vmem>>
        %get3A_979 = tpu.memref_squeeze %get3A_978 : memref<1x128x64xf32, #tpu.memory_space<vmem>> -> memref<128x64xf32, #tpu.memory_space<vmem>>
        %get3A_980 = arith.index_cast %scan3A_952 : i32 to index
        %get3A_981 = arith.constant 32 : index
        %get3A_982 = tpu.vector_load %get3A_979[%get3A_980, %get3A_981] {strides = array<i32>} : memref<128x64xf32, #tpu.memory_space<vmem>>, vector<16xf32>,
        %scatter3A_983 = arith.constant 0 : i32
        %scatter3A_984 = arith.constant 0 : i32
        %scatter3A_985 = tpu.memref_slice %arg9[%rem3A_623, %scatter3A_983, %scatter3A_984] : memref<3x64x129xf32, #tpu.memory_space<vmem>> -> memref<1x64x129xf32, #tpu.memory_space<vmem>>
        %scatter3A_986 = tpu.memref_squeeze %scatter3A_985 : memref<1x64x129xf32, #tpu.memory_space<vmem>> -> memref<64x129xf32, #tpu.memory_space<vmem>>
        tpu.vector_store_idx %scatter3A_986[%add3A_13, %broadcast_in_dim3A_953], %get3A_982 : memref<64x129xf32, #tpu.memory_space<vmem>>[vector<16xi32>, vector<16xi32>], vector<16xf32>,
        %get3A_987 = arith.constant 0 : i32
        %get3A_988 = arith.constant 0 : i32
        %get3A_989 = tpu.memref_slice %arg8[%rem3A_625, %get3A_987, %get3A_988] : memref<4x128x64xf32, #tpu.memory_space<vmem>> -> memref<1x128x64xf32, #tpu.memory_space<vmem>>
        %get3A_990 = tpu.memref_squeeze %get3A_989 : memref<1x128x64xf32, #tpu.memory_space<vmem>> -> memref<128x64xf32, #tpu.memory_space<vmem>>
        %get3A_991 = arith.index_cast %scan3A_952 : i32 to index
        %get3A_992 = arith.constant 48 : index
        %get3A_993 = tpu.vector_load %get3A_990[%get3A_991, %get3A_992] {strides = array<i32>} : memref<128x64xf32, #tpu.memory_space<vmem>>, vector<16xf32>,
        %scatter3A_994 = arith.constant 0 : i32
        %scatter3A_995 = arith.constant 0 : i32
        %scatter3A_996 = tpu.memref_slice %arg9[%rem3A_623, %scatter3A_994, %scatter3A_995] : memref<3x64x129xf32, #tpu.memory_space<vmem>> -> memref<1x64x129xf32, #tpu.memory_space<vmem>>
        %scatter3A_997 = tpu.memref_squeeze %scatter3A_996 : memref<1x64x129xf32, #tpu.memory_space<vmem>> -> memref<64x129xf32, #tpu.memory_space<vmem>>
        tpu.vector_store_idx %scatter3A_997[%add3A_17, %broadcast_in_dim3A_953], %get3A_993 : memref<64x129xf32, #tpu.memory_space<vmem>>[vector<16xi32>, vector<16xi32>], vector<16xf32>,
        %scan3A_998 = arith.constant 4 : i32
        %scan3A_999 = arith.addi %scan3A_814, %scan3A_998 : i32
        %broadcast_in_dim3A_1000 = vector.broadcast %scan3A_999 : i32 to vector<16xi32>
        %get3A_1001 = arith.constant 0 : i32
        %get3A_1002 = arith.constant 0 : i32
        %get3A_1003 = tpu.memref_slice %arg8[%rem3A_625, %get3A_1001, %get3A_1002] : memref<4x128x64xf32, #tpu.memory_space<vmem>> -> memref<1x128x64xf32, #tpu.memory_space<vmem>>
        %get3A_1004 = tpu.memref_squeeze %get3A_1003 : memref<1x128x64xf32, #tpu.memory_space<vmem>> -> memref<128x64xf32, #tpu.memory_space<vmem>>
        %get3A_1005 = arith.index_cast %scan3A_999 : i32 to index
        %get3A_1006 = arith.constant 0 : index
        %get3A_1007 = tpu.vector_load %get3A_1004[%get3A_1005, %get3A_1006] {strides = array<i32>} : memref<128x64xf32, #tpu.memory_space<vmem>>, vector<16xf32>,
        %scatter3A_1008 = arith.constant 0 : i32
        %scatter3A_1009 = arith.constant 0 : i32
        %scatter3A_1010 = tpu.memref_slice %arg9[%rem3A_623, %scatter3A_1008, %scatter3A_1009] : memref<3x64x129xf32, #tpu.memory_space<vmem>> -> memref<1x64x129xf32, #tpu.memory_space<vmem>>
        %scatter3A_1011 = tpu.memref_squeeze %scatter3A_1010 : memref<1x64x129xf32, #tpu.memory_space<vmem>> -> memref<64x129xf32, #tpu.memory_space<vmem>>
        tpu.vector_store_idx %scatter3A_1011[%add3A_5, %broadcast_in_dim3A_1000], %get3A_1007 : memref<64x129xf32, #tpu.memory_space<vmem>>[vector<16xi32>, vector<16xi32>], vector<16xf32>,
        %get3A_1012 = arith.constant 0 : i32
        %get3A_1013 = arith.constant 0 : i32
        %get3A_1014 = tpu.memref_slice %arg8[%rem3A_625, %get3A_1012, %get3A_1013] : memref<4x128x64xf32, #tpu.memory_space<vmem>> -> memref<1x128x64xf32, #tpu.memory_space<vmem>>
        %get3A_1015 = tpu.memref_squeeze %get3A_1014 : memref<1x128x64xf32, #tpu.memory_space<vmem>> -> memref<128x64xf32, #tpu.memory_space<vmem>>
        %get3A_1016 = arith.index_cast %scan3A_999 : i32 to index
        %get3A_1017 = arith.constant 16 : index
        %get3A_1018 = tpu.vector_load %get3A_1015[%get3A_1016, %get3A_1017] {strides = array<i32>} : memref<128x64xf32, #tpu.memory_space<vmem>>, vector<16xf32>,
        %scatter3A_1019 = arith.constant 0 : i32
        %scatter3A_1020 = arith.constant 0 : i32
        %scatter3A_1021 = tpu.memref_slice %arg9[%rem3A_623, %scatter3A_1019, %scatter3A_1020] : memref<3x64x129xf32, #tpu.memory_space<vmem>> -> memref<1x64x129xf32, #tpu.memory_space<vmem>>
        %scatter3A_1022 = tpu.memref_squeeze %scatter3A_1021 : memref<1x64x129xf32, #tpu.memory_space<vmem>> -> memref<64x129xf32, #tpu.memory_space<vmem>>
        tpu.vector_store_idx %scatter3A_1022[%add3A_9, %broadcast_in_dim3A_1000], %get3A_1018 : memref<64x129xf32, #tpu.memory_space<vmem>>[vector<16xi32>, vector<16xi32>], vector<16xf32>,
        %get3A_1023 = arith.constant 0 : i32
        %get3A_1024 = arith.constant 0 : i32
        %get3A_1025 = tpu.memref_slice %arg8[%rem3A_625, %get3A_1023, %get3A_1024] : memref<4x128x64xf32, #tpu.memory_space<vmem>> -> memref<1x128x64xf32, #tpu.memory_space<vmem>>
        %get3A_1026 = tpu.memref_squeeze %get3A_1025 : memref<1x128x64xf32, #tpu.memory_space<vmem>> -> memref<128x64xf32, #tpu.memory_space<vmem>>
        %get3A_1027 = arith.index_cast %scan3A_999 : i32 to index
        %get3A_1028 = arith.constant 32 : index
        %get3A_1029 = tpu.vector_load %get3A_1026[%get3A_1027, %get3A_1028] {strides = array<i32>} : memref<128x64xf32, #tpu.memory_space<vmem>>, vector<16xf32>,
        %scatter3A_1030 = arith.constant 0 : i32
        %scatter3A_1031 = arith.constant 0 : i32
        %scatter3A_1032 = tpu.memref_slice %arg9[%rem3A_623, %scatter3A_1030, %scatter3A_1031] : memref<3x64x129xf32, #tpu.memory_space<vmem>> -> memref<1x64x129xf32, #tpu.memory_space<vmem>>
        %scatter3A_1033 = tpu.memref_squeeze %scatter3A_1032 : memref<1x64x129xf32, #tpu.memory_space<vmem>> -> memref<64x129xf32, #tpu.memory_space<vmem>>
        tpu.vector_store_idx %scatter3A_1033[%add3A_13, %broadcast_in_dim3A_1000], %get3A_1029 : memref<64x129xf32, #tpu.memory_space<vmem>>[vector<16xi32>, vector<16xi32>], vector<16xf32>,
        %get3A_1034 = arith.constant 0 : i32
        %get3A_1035 = arith.constant 0 : i32
        %get3A_1036 = tpu.memref_slice %arg8[%rem3A_625, %get3A_1034, %get3A_1035] : memref<4x128x64xf32, #tpu.memory_space<vmem>> -> memref<1x128x64xf32, #tpu.memory_space<vmem>>
        %get3A_1037 = tpu.memref_squeeze %get3A_1036 : memref<1x128x64xf32, #tpu.memory_space<vmem>> -> memref<128x64xf32, #tpu.memory_space<vmem>>
        %get3A_1038 = arith.index_cast %scan3A_999 : i32 to index
        %get3A_1039 = arith.constant 48 : index
        %get3A_1040 = tpu.vector_load %get3A_1037[%get3A_1038, %get3A_1039] {strides = array<i32>} : memref<128x64xf32, #tpu.memory_space<vmem>>, vector<16xf32>,
        %scatter3A_1041 = arith.constant 0 : i32
        %scatter3A_1042 = arith.constant 0 : i32
        %scatter3A_1043 = tpu.memref_slice %arg9[%rem3A_623, %scatter3A_1041, %scatter3A_1042] : memref<3x64x129xf32, #tpu.memory_space<vmem>> -> memref<1x64x129xf32, #tpu.memory_space<vmem>>
        %scatter3A_1044 = tpu.memref_squeeze %scatter3A_1043 : memref<1x64x129xf32, #tpu.memory_space<vmem>> -> memref<64x129xf32, #tpu.memory_space<vmem>>
        tpu.vector_store_idx %scatter3A_1044[%add3A_17, %broadcast_in_dim3A_1000], %get3A_1040 : memref<64x129xf32, #tpu.memory_space<vmem>>[vector<16xi32>, vector<16xi32>], vector<16xf32>,
        %scan3A_1045 = arith.constant 5 : i32
        %scan3A_1046 = arith.addi %scan3A_814, %scan3A_1045 : i32
        %broadcast_in_dim3A_1047 = vector.broadcast %scan3A_1046 : i32 to vector<16xi32>
        %get3A_1048 = arith.constant 0 : i32
        %get3A_1049 = arith.constant 0 : i32
        %get3A_1050 = tpu.memref_slice %arg8[%rem3A_625, %get3A_1048, %get3A_1049] : memref<4x128x64xf32, #tpu.memory_space<vmem>> -> memref<1x128x64xf32, #tpu.memory_space<vmem>>
        %get3A_1051 = tpu.memref_squeeze %get3A_1050 : memref<1x128x64xf32, #tpu.memory_space<vmem>> -> memref<128x64xf32, #tpu.memory_space<vmem>>
        %get3A_1052 = arith.index_cast %scan3A_1046 : i32 to index
        %get3A_1053 = arith.constant 0 : index
        %get3A_1054 = tpu.vector_load %get3A_1051[%get3A_1052, %get3A_1053] {strides = array<i32>} : memref<128x64xf32, #tpu.memory_space<vmem>>, vector<16xf32>,
        %scatter3A_1055 = arith.constant 0 : i32
        %scatter3A_1056 = arith.constant 0 : i32
        %scatter3A_1057 = tpu.memref_slice %arg9[%rem3A_623, %scatter3A_1055, %scatter3A_1056] : memref<3x64x129xf32, #tpu.memory_space<vmem>> -> memref<1x64x129xf32, #tpu.memory_space<vmem>>
        %scatter3A_1058 = tpu.memref_squeeze %scatter3A_1057 : memref<1x64x129xf32, #tpu.memory_space<vmem>> -> memref<64x129xf32, #tpu.memory_space<vmem>>
        tpu.vector_store_idx %scatter3A_1058[%add3A_5, %broadcast_in_dim3A_1047], %get3A_1054 : memref<64x129xf32, #tpu.memory_space<vmem>>[vector<16xi32>, vector<16xi32>], vector<16xf32>,
        %get3A_1059 = arith.constant 0 : i32
        %get3A_1060 = arith.constant 0 : i32
        %get3A_1061 = tpu.memref_slice %arg8[%rem3A_625, %get3A_1059, %get3A_1060] : memref<4x128x64xf32, #tpu.memory_space<vmem>> -> memref<1x128x64xf32, #tpu.memory_space<vmem>>
        %get3A_1062 = tpu.memref_squeeze %get3A_1061 : memref<1x128x64xf32, #tpu.memory_space<vmem>> -> memref<128x64xf32, #tpu.memory_space<vmem>>
        %get3A_1063 = arith.index_cast %scan3A_1046 : i32 to index
        %get3A_1064 = arith.constant 16 : index
        %get3A_1065 = tpu.vector_load %get3A_1062[%get3A_1063, %get3A_1064] {strides = array<i32>} : memref<128x64xf32, #tpu.memory_space<vmem>>, vector<16xf32>,
        %scatter3A_1066 = arith.constant 0 : i32
        %scatter3A_1067 = arith.constant 0 : i32
        %scatter3A_1068 = tpu.memref_slice %arg9[%rem3A_623, %scatter3A_1066, %scatter3A_1067] : memref<3x64x129xf32, #tpu.memory_space<vmem>> -> memref<1x64x129xf32, #tpu.memory_space<vmem>>
        %scatter3A_1069 = tpu.memref_squeeze %scatter3A_1068 : memref<1x64x129xf32, #tpu.memory_space<vmem>> -> memref<64x129xf32, #tpu.memory_space<vmem>>
        tpu.vector_store_idx %scatter3A_1069[%add3A_9, %broadcast_in_dim3A_1047], %get3A_1065 : memref<64x129xf32, #tpu.memory_space<vmem>>[vector<16xi32>, vector<16xi32>], vector<16xf32>,
        %get3A_1070 = arith.constant 0 : i32
        %get3A_1071 = arith.constant 0 : i32
        %get3A_1072 = tpu.memref_slice %arg8[%rem3A_625, %get3A_1070, %get3A_1071] : memref<4x128x64xf32, #tpu.memory_space<vmem>> -> memref<1x128x64xf32, #tpu.memory_space<vmem>>
        %get3A_1073 = tpu.memref_squeeze %get3A_1072 : memref<1x128x64xf32, #tpu.memory_space<vmem>> -> memref<128x64xf32, #tpu.memory_space<vmem>>
        %get3A_1074 = arith.index_cast %scan3A_1046 : i32 to index
        %get3A_1075 = arith.constant 32 : index
        %get3A_1076 = tpu.vector_load %get3A_1073[%get3A_1074, %get3A_1075] {strides = array<i32>} : memref<128x64xf32, #tpu.memory_space<vmem>>, vector<16xf32>,
        %scatter3A_1077 = arith.constant 0 : i32
        %scatter3A_1078 = arith.constant 0 : i32
        %scatter3A_1079 = tpu.memref_slice %arg9[%rem3A_623, %scatter3A_1077, %scatter3A_1078] : memref<3x64x129xf32, #tpu.memory_space<vmem>> -> memref<1x64x129xf32, #tpu.memory_space<vmem>>
        %scatter3A_1080 = tpu.memref_squeeze %scatter3A_1079 : memref<1x64x129xf32, #tpu.memory_space<vmem>> -> memref<64x129xf32, #tpu.memory_space<vmem>>
        tpu.vector_store_idx %scatter3A_1080[%add3A_13, %broadcast_in_dim3A_1047], %get3A_1076 : memref<64x129xf32, #tpu.memory_space<vmem>>[vector<16xi32>, vector<16xi32>], vector<16xf32>,
        %get3A_1081 = arith.constant 0 : i32
        %get3A_1082 = arith.constant 0 : i32
        %get3A_1083 = tpu.memref_slice %arg8[%rem3A_625, %get3A_1081, %get3A_1082] : memref<4x128x64xf32, #tpu.memory_space<vmem>> -> memref<1x128x64xf32, #tpu.memory_space<vmem>>
        %get3A_1084 = tpu.memref_squeeze %get3A_1083 : memref<1x128x64xf32, #tpu.memory_space<vmem>> -> memref<128x64xf32, #tpu.memory_space<vmem>>
        %get3A_1085 = arith.index_cast %scan3A_1046 : i32 to index
        %get3A_1086 = arith.constant 48 : index
        %get3A_1087 = tpu.vector_load %get3A_1084[%get3A_1085, %get3A_1086] {strides = array<i32>} : memref<128x64xf32, #tpu.memory_space<vmem>>, vector<16xf32>,
        %scatter3A_1088 = arith.constant 0 : i32
        %scatter3A_1089 = arith.constant 0 : i32
        %scatter3A_1090 = tpu.memref_slice %arg9[%rem3A_623, %scatter3A_1088, %scatter3A_1089] : memref<3x64x129xf32, #tpu.memory_space<vmem>> -> memref<1x64x129xf32, #tpu.memory_space<vmem>>
        %scatter3A_1091 = tpu.memref_squeeze %scatter3A_1090 : memref<1x64x129xf32, #tpu.memory_space<vmem>> -> memref<64x129xf32, #tpu.memory_space<vmem>>
        tpu.vector_store_idx %scatter3A_1091[%add3A_17, %broadcast_in_dim3A_1047], %get3A_1087 : memref<64x129xf32, #tpu.memory_space<vmem>>[vector<16xi32>, vector<16xi32>], vector<16xf32>,
        %scan3A_1092 = arith.constant 6 : i32
        %scan3A_1093 = arith.addi %scan3A_814, %scan3A_1092 : i32
        %broadcast_in_dim3A_1094 = vector.broadcast %scan3A_1093 : i32 to vector<16xi32>
        %get3A_1095 = arith.constant 0 : i32
        %get3A_1096 = arith.constant 0 : i32
        %get3A_1097 = tpu.memref_slice %arg8[%rem3A_625, %get3A_1095, %get3A_1096] : memref<4x128x64xf32, #tpu.memory_space<vmem>> -> memref<1x128x64xf32, #tpu.memory_space<vmem>>
        %get3A_1098 = tpu.memref_squeeze %get3A_1097 : memref<1x128x64xf32, #tpu.memory_space<vmem>> -> memref<128x64xf32, #tpu.memory_space<vmem>>
        %get3A_1099 = arith.index_cast %scan3A_1093 : i32 to index
        %get3A_1100 = arith.constant 0 : index
        %get3A_1101 = tpu.vector_load %get3A_1098[%get3A_1099, %get3A_1100] {strides = array<i32>} : memref<128x64xf32, #tpu.memory_space<vmem>>, vector<16xf32>,
        %scatter3A_1102 = arith.constant 0 : i32
        %scatter3A_1103 = arith.constant 0 : i32
        %scatter3A_1104 = tpu.memref_slice %arg9[%rem3A_623, %scatter3A_1102, %scatter3A_1103] : memref<3x64x129xf32, #tpu.memory_space<vmem>> -> memref<1x64x129xf32, #tpu.memory_space<vmem>>
        %scatter3A_1105 = tpu.memref_squeeze %scatter3A_1104 : memref<1x64x129xf32, #tpu.memory_space<vmem>> -> memref<64x129xf32, #tpu.memory_space<vmem>>
        tpu.vector_store_idx %scatter3A_1105[%add3A_5, %broadcast_in_dim3A_1094], %get3A_1101 : memref<64x129xf32, #tpu.memory_space<vmem>>[vector<16xi32>, vector<16xi32>], vector<16xf32>,
        %get3A_1106 = arith.constant 0 : i32
        %get3A_1107 = arith.constant 0 : i32
        %get3A_1108 = tpu.memref_slice %arg8[%rem3A_625, %get3A_1106, %get3A_1107] : memref<4x128x64xf32, #tpu.memory_space<vmem>> -> memref<1x128x64xf32, #tpu.memory_space<vmem>>
        %get3A_1109 = tpu.memref_squeeze %get3A_1108 : memref<1x128x64xf32, #tpu.memory_space<vmem>> -> memref<128x64xf32, #tpu.memory_space<vmem>>
        %get3A_1110 = arith.index_cast %scan3A_1093 : i32 to index
        %get3A_1111 = arith.constant 16 : index
        %get3A_1112 = tpu.vector_load %get3A_1109[%get3A_1110, %get3A_1111] {strides = array<i32>} : memref<128x64xf32, #tpu.memory_space<vmem>>, vector<16xf32>,
        %scatter3A_1113 = arith.constant 0 : i32
        %scatter3A_1114 = arith.constant 0 : i32
        %scatter3A_1115 = tpu.memref_slice %arg9[%rem3A_623, %scatter3A_1113, %scatter3A_1114] : memref<3x64x129xf32, #tpu.memory_space<vmem>> -> memref<1x64x129xf32, #tpu.memory_space<vmem>>
        %scatter3A_1116 = tpu.memref_squeeze %scatter3A_1115 : memref<1x64x129xf32, #tpu.memory_space<vmem>> -> memref<64x129xf32, #tpu.memory_space<vmem>>
        tpu.vector_store_idx %scatter3A_1116[%add3A_9, %broadcast_in_dim3A_1094], %get3A_1112 : memref<64x129xf32, #tpu.memory_space<vmem>>[vector<16xi32>, vector<16xi32>], vector<16xf32>,
        %get3A_1117 = arith.constant 0 : i32
        %get3A_1118 = arith.constant 0 : i32
        %get3A_1119 = tpu.memref_slice %arg8[%rem3A_625, %get3A_1117, %get3A_1118] : memref<4x128x64xf32, #tpu.memory_space<vmem>> -> memref<1x128x64xf32, #tpu.memory_space<vmem>>
        %get3A_1120 = tpu.memref_squeeze %get3A_1119 : memref<1x128x64xf32, #tpu.memory_space<vmem>> -> memref<128x64xf32, #tpu.memory_space<vmem>>
        %get3A_1121 = arith.index_cast %scan3A_1093 : i32 to index
        %get3A_1122 = arith.constant 32 : index
        %get3A_1123 = tpu.vector_load %get3A_1120[%get3A_1121, %get3A_1122] {strides = array<i32>} : memref<128x64xf32, #tpu.memory_space<vmem>>, vector<16xf32>,
        %scatter3A_1124 = arith.constant 0 : i32
        %scatter3A_1125 = arith.constant 0 : i32
        %scatter3A_1126 = tpu.memref_slice %arg9[%rem3A_623, %scatter3A_1124, %scatter3A_1125] : memref<3x64x129xf32, #tpu.memory_space<vmem>> -> memref<1x64x129xf32, #tpu.memory_space<vmem>>
        %scatter3A_1127 = tpu.memref_squeeze %scatter3A_1126 : memref<1x64x129xf32, #tpu.memory_space<vmem>> -> memref<64x129xf32, #tpu.memory_space<vmem>>
        tpu.vector_store_idx %scatter3A_1127[%add3A_13, %broadcast_in_dim3A_1094], %get3A_1123 : memref<64x129xf32, #tpu.memory_space<vmem>>[vector<16xi32>, vector<16xi32>], vector<16xf32>,
        %get3A_1128 = arith.constant 0 : i32
        %get3A_1129 = arith.constant 0 : i32
        %get3A_1130 = tpu.memref_slice %arg8[%rem3A_625, %get3A_1128, %get3A_1129] : memref<4x128x64xf32, #tpu.memory_space<vmem>> -> memref<1x128x64xf32, #tpu.memory_space<vmem>>
        %get3A_1131 = tpu.memref_squeeze %get3A_1130 : memref<1x128x64xf32, #tpu.memory_space<vmem>> -> memref<128x64xf32, #tpu.memory_space<vmem>>
        %get3A_1132 = arith.index_cast %scan3A_1093 : i32 to index
        %get3A_1133 = arith.constant 48 : index
        %get3A_1134 = tpu.vector_load %get3A_1131[%get3A_1132, %get3A_1133] {strides = array<i32>} : memref<128x64xf32, #tpu.memory_space<vmem>>, vector<16xf32>,
        %scatter3A_1135 = arith.constant 0 : i32
        %scatter3A_1136 = arith.constant 0 : i32
        %scatter3A_1137 = tpu.memref_slice %arg9[%rem3A_623, %scatter3A_1135, %scatter3A_1136] : memref<3x64x129xf32, #tpu.memory_space<vmem>> -> memref<1x64x129xf32, #tpu.memory_space<vmem>>
        %scatter3A_1138 = tpu.memref_squeeze %scatter3A_1137 : memref<1x64x129xf32, #tpu.memory_space<vmem>> -> memref<64x129xf32, #tpu.memory_space<vmem>>
        tpu.vector_store_idx %scatter3A_1138[%add3A_17, %broadcast_in_dim3A_1094], %get3A_1134 : memref<64x129xf32, #tpu.memory_space<vmem>>[vector<16xi32>, vector<16xi32>], vector<16xf32>,
        %scan3A_1139 = arith.constant 7 : i32
        %scan3A_1140 = arith.addi %scan3A_814, %scan3A_1139 : i32
        %broadcast_in_dim3A_1141 = vector.broadcast %scan3A_1140 : i32 to vector<16xi32>
        %get3A_1142 = arith.constant 0 : i32
        %get3A_1143 = arith.constant 0 : i32
        %get3A_1144 = tpu.memref_slice %arg8[%rem3A_625, %get3A_1142, %get3A_1143] : memref<4x128x64xf32, #tpu.memory_space<vmem>> -> memref<1x128x64xf32, #tpu.memory_space<vmem>>
        %get3A_1145 = tpu.memref_squeeze %get3A_1144 : memref<1x128x64xf32, #tpu.memory_space<vmem>> -> memref<128x64xf32, #tpu.memory_space<vmem>>
        %get3A_1146 = arith.index_cast %scan3A_1140 : i32 to index
        %get3A_1147 = arith.constant 0 : index
        %get3A_1148 = tpu.vector_load %get3A_1145[%get3A_1146, %get3A_1147] {strides = array<i32>} : memref<128x64xf32, #tpu.memory_space<vmem>>, vector<16xf32>,
        %scatter3A_1149 = arith.constant 0 : i32
        %scatter3A_1150 = arith.constant 0 : i32
        %scatter3A_1151 = tpu.memref_slice %arg9[%rem3A_623, %scatter3A_1149, %scatter3A_1150] : memref<3x64x129xf32, #tpu.memory_space<vmem>> -> memref<1x64x129xf32, #tpu.memory_space<vmem>>
        %scatter3A_1152 = tpu.memref_squeeze %scatter3A_1151 : memref<1x64x129xf32, #tpu.memory_space<vmem>> -> memref<64x129xf32, #tpu.memory_space<vmem>>
        tpu.vector_store_idx %scatter3A_1152[%add3A_5, %broadcast_in_dim3A_1141], %get3A_1148 : memref<64x129xf32, #tpu.memory_space<vmem>>[vector<16xi32>, vector<16xi32>], vector<16xf32>,
        %get3A_1153 = arith.constant 0 : i32
        %get3A_1154 = arith.constant 0 : i32
        %get3A_1155 = tpu.memref_slice %arg8[%rem3A_625, %get3A_1153, %get3A_1154] : memref<4x128x64xf32, #tpu.memory_space<vmem>> -> memref<1x128x64xf32, #tpu.memory_space<vmem>>
        %get3A_1156 = tpu.memref_squeeze %get3A_1155 : memref<1x128x64xf32, #tpu.memory_space<vmem>> -> memref<128x64xf32, #tpu.memory_space<vmem>>
        %get3A_1157 = arith.index_cast %scan3A_1140 : i32 to index
        %get3A_1158 = arith.constant 16 : index
        %get3A_1159 = tpu.vector_load %get3A_1156[%get3A_1157, %get3A_1158] {strides = array<i32>} : memref<128x64xf32, #tpu.memory_space<vmem>>, vector<16xf32>,
        %scatter3A_1160 = arith.constant 0 : i32
        %scatter3A_1161 = arith.constant 0 : i32
        %scatter3A_1162 = tpu.memref_slice %arg9[%rem3A_623, %scatter3A_1160, %scatter3A_1161] : memref<3x64x129xf32, #tpu.memory_space<vmem>> -> memref<1x64x129xf32, #tpu.memory_space<vmem>>
        %scatter3A_1163 = tpu.memref_squeeze %scatter3A_1162 : memref<1x64x129xf32, #tpu.memory_space<vmem>> -> memref<64x129xf32, #tpu.memory_space<vmem>>
        tpu.vector_store_idx %scatter3A_1163[%add3A_9, %broadcast_in_dim3A_1141], %get3A_1159 : memref<64x129xf32, #tpu.memory_space<vmem>>[vector<16xi32>, vector<16xi32>], vector<16xf32>,
        %get3A_1164 = arith.constant 0 : i32
        %get3A_1165 = arith.constant 0 : i32
        %get3A_1166 = tpu.memref_slice %arg8[%rem3A_625, %get3A_1164, %get3A_1165] : memref<4x128x64xf32, #tpu.memory_space<vmem>> -> memref<1x128x64xf32, #tpu.memory_space<vmem>>
        %get3A_1167 = tpu.memref_squeeze %get3A_1166 : memref<1x128x64xf32, #tpu.memory_space<vmem>> -> memref<128x64xf32, #tpu.memory_space<vmem>>
        %get3A_1168 = arith.index_cast %scan3A_1140 : i32 to index
        %get3A_1169 = arith.constant 32 : index
        %get3A_1170 = tpu.vector_load %get3A_1167[%get3A_1168, %get3A_1169] {strides = array<i32>} : memref<128x64xf32, #tpu.memory_space<vmem>>, vector<16xf32>,
        %scatter3A_1171 = arith.constant 0 : i32
        %scatter3A_1172 = arith.constant 0 : i32
        %scatter3A_1173 = tpu.memref_slice %arg9[%rem3A_623, %scatter3A_1171, %scatter3A_1172] : memref<3x64x129xf32, #tpu.memory_space<vmem>> -> memref<1x64x129xf32, #tpu.memory_space<vmem>>
        %scatter3A_1174 = tpu.memref_squeeze %scatter3A_1173 : memref<1x64x129xf32, #tpu.memory_space<vmem>> -> memref<64x129xf32, #tpu.memory_space<vmem>>
        tpu.vector_store_idx %scatter3A_1174[%add3A_13, %broadcast_in_dim3A_1141], %get3A_1170 : memref<64x129xf32, #tpu.memory_space<vmem>>[vector<16xi32>, vector<16xi32>], vector<16xf32>,
        %get3A_1175 = arith.constant 0 : i32
        %get3A_1176 = arith.constant 0 : i32
        %get3A_1177 = tpu.memref_slice %arg8[%rem3A_625, %get3A_1175, %get3A_1176] : memref<4x128x64xf32, #tpu.memory_space<vmem>> -> memref<1x128x64xf32, #tpu.memory_space<vmem>>
        %get3A_1178 = tpu.memref_squeeze %get3A_1177 : memref<1x128x64xf32, #tpu.memory_space<vmem>> -> memref<128x64xf32, #tpu.memory_space<vmem>>
        %get3A_1179 = arith.index_cast %scan3A_1140 : i32 to index
        %get3A_1180 = arith.constant 48 : index
        %get3A_1181 = tpu.vector_load %get3A_1178[%get3A_1179, %get3A_1180] {strides = array<i32>} : memref<128x64xf32, #tpu.memory_space<vmem>>, vector<16xf32>,
        %scatter3A_1182 = arith.constant 0 : i32
        %scatter3A_1183 = arith.constant 0 : i32
        %scatter3A_1184 = tpu.memref_slice %arg9[%rem3A_623, %scatter3A_1182, %scatter3A_1183] : memref<3x64x129xf32, #tpu.memory_space<vmem>> -> memref<1x64x129xf32, #tpu.memory_space<vmem>>
        %scatter3A_1185 = tpu.memref_squeeze %scatter3A_1184 : memref<1x64x129xf32, #tpu.memory_space<vmem>> -> memref<64x129xf32, #tpu.memory_space<vmem>>
        tpu.vector_store_idx %scatter3A_1185[%add3A_17, %broadcast_in_dim3A_1141], %get3A_1181 : memref<64x129xf32, #tpu.memory_space<vmem>>[vector<16xi32>, vector<16xi32>], vector<16xf32>,
      }
      %scan3A_661 = arith.constant 128 : i32
      %dma_start3A_662 = arith.constant 0 : i32
      %dma_start3A_663 = arith.constant 0 : i32
      %dma_start3A_664 = arith.constant 0 : i32
      %dma_start3A_665 = tpu.memref_slice %arg9[%rem3A_623, %dma_start3A_663, %dma_start3A_664] : memref<3x64x129xf32, #tpu.memory_space<vmem>> -> memref<1x8x128xf32, #tpu.memory_space<vmem>>
      %dma_start3A_666 = tpu.memref_squeeze %dma_start3A_665 : memref<1x8x128xf32, #tpu.memory_space<vmem>> -> memref<8x128xf32, #tpu.memory_space<vmem>>
      %dma_start3A_667 = arith.constant 0 : i32
      %dma_start3A_668 = arith.constant 0 : i32
      %dma_start3A_669 = tpu.memref_slice %arg5[%scan3A_622, %dma_start3A_662, %add3A, %dma_start3A_667, %dma_start3A_668] : memref<50x8x32x8x128xf32, #tpu.memory_space<hbm>> -> memref<1x1x1x8x128xf32, #tpu.memory_space<hbm>>
      %dma_start3A_670 = tpu.memref_squeeze %dma_start3A_669 : memref<1x1x1x8x128xf32, #tpu.memory_space<hbm>> -> memref<8x128xf32, #tpu.memory_space<hbm>>
      %dma_start3A_671 = tpu.memref_slice %arg12[%rem3A_623] : memref<3x!tpu.dma_semaphore, #tpu.memory_space<semaphore_mem>> -> memref<1x!tpu.dma_semaphore, #tpu.memory_space<semaphore_mem>>
      %dma_start3A_672 = tpu.memref_squeeze %dma_start3A_671 : memref<1x!tpu.dma_semaphore, #tpu.memory_space<semaphore_mem>> -> memref<!tpu.dma_semaphore, #tpu.memory_space<semaphore_mem>>
      %dma_start3A_673 = arith.constant 0 : i32
      %dma_start3A_674 = arith.constant 0 : i32
      %dma_start3A_675 = tpu.memref_slice %arg5[%scan3A_622, %dma_start3A_662, %add3A, %dma_start3A_673, %dma_start3A_674] : memref<50x8x32x8x128xf32, #tpu.memory_space<hbm>> -> memref<1x1x1x8x128xf32, #tpu.memory_space<hbm>>
      %dma_start3A_676 = tpu.memref_squeeze %dma_start3A_675 : memref<1x1x1x8x128xf32, #tpu.memory_space<hbm>> -> memref<8x128xf32, #tpu.memory_space<hbm>>
      %dma_start3A_677 = arith.constant 0 : i32
      %dma_start3A_678 = arith.constant 0 : i32
      %dma_start3A_679 = tpu.memref_slice %arg9[%rem3A_623, %dma_start3A_677, %dma_start3A_678] : memref<3x64x129xf32, #tpu.memory_space<vmem>> -> memref<1x8x128xf32, #tpu.memory_space<vmem>>
      %dma_start3A_680 = tpu.memref_squeeze %dma_start3A_679 : memref<1x8x128xf32, #tpu.memory_space<vmem>> -> memref<8x128xf32, #tpu.memory_space<vmem>>
      tpu.enqueue_dma source(%dma_start3A_680 : memref<8x128xf32, #tpu.memory_space<vmem>>) target(%dma_start3A_676 : memref<8x128xf32, #tpu.memory_space<hbm>>) target_semaphore(%dma_start3A_672 : memref<!tpu.dma_semaphore, #tpu.memory_space<semaphore_mem>>)
      %dma_start3A_681 = arith.constant 1 : i32
      %dma_start3A_682 = arith.constant 8 : i32
      %dma_start3A_683 = arith.constant 0 : i32
      %dma_start3A_684 = tpu.memref_slice %arg9[%rem3A_623, %dma_start3A_682, %dma_start3A_683] : memref<3x64x129xf32, #tpu.memory_space<vmem>> -> memref<1x8x128xf32, #tpu.memory_space<vmem>>
      %dma_start3A_685 = tpu.memref_squeeze %dma_start3A_684 : memref<1x8x128xf32, #tpu.memory_space<vmem>> -> memref<8x128xf32, #tpu.memory_space<vmem>>
      %dma_start3A_686 = arith.constant 0 : i32
      %dma_start3A_687 = arith.constant 0 : i32
      %dma_start3A_688 = tpu.memref_slice %arg5[%scan3A_622, %dma_start3A_681, %add3A, %dma_start3A_686, %dma_start3A_687] : memref<50x8x32x8x128xf32, #tpu.memory_space<hbm>> -> memref<1x1x1x8x128xf32, #tpu.memory_space<hbm>>
      %dma_start3A_689 = tpu.memref_squeeze %dma_start3A_688 : memref<1x1x1x8x128xf32, #tpu.memory_space<hbm>> -> memref<8x128xf32, #tpu.memory_space<hbm>>
      %dma_start3A_690 = tpu.memref_slice %arg12[%rem3A_623] : memref<3x!tpu.dma_semaphore, #tpu.memory_space<semaphore_mem>> -> memref<1x!tpu.dma_semaphore, #tpu.memory_space<semaphore_mem>>
      %dma_start3A_691 = tpu.memref_squeeze %dma_start3A_690 : memref<1x!tpu.dma_semaphore, #tpu.memory_space<semaphore_mem>> -> memref<!tpu.dma_semaphore, #tpu.memory_space<semaphore_mem>>
      %dma_start3A_692 = arith.constant 0 : i32
      %dma_start3A_693 = arith.constant 0 : i32
      %dma_start3A_694 = tpu.memref_slice %arg5[%scan3A_622, %dma_start3A_681, %add3A, %dma_start3A_692, %dma_start3A_693] : memref<50x8x32x8x128xf32, #tpu.memory_space<hbm>> -> memref<1x1x1x8x128xf32, #tpu.memory_space<hbm>>
      %dma_start3A_695 = tpu.memref_squeeze %dma_start3A_694 : memref<1x1x1x8x128xf32, #tpu.memory_space<hbm>> -> memref<8x128xf32, #tpu.memory_space<hbm>>
      %dma_start3A_696 = arith.constant 8 : i32
      %dma_start3A_697 = arith.constant 0 : i32
      %dma_start3A_698 = tpu.memref_slice %arg9[%rem3A_623, %dma_start3A_696, %dma_start3A_697] : memref<3x64x129xf32, #tpu.memory_space<vmem>> -> memref<1x8x128xf32, #tpu.memory_space<vmem>>
      %dma_start3A_699 = tpu.memref_squeeze %dma_start3A_698 : memref<1x8x128xf32, #tpu.memory_space<vmem>> -> memref<8x128xf32, #tpu.memory_space<vmem>>
      tpu.enqueue_dma source(%dma_start3A_699 : memref<8x128xf32, #tpu.memory_space<vmem>>) target(%dma_start3A_695 : memref<8x128xf32, #tpu.memory_space<hbm>>) target_semaphore(%dma_start3A_691 : memref<!tpu.dma_semaphore, #tpu.memory_space<semaphore_mem>>)
      %dma_start3A_700 = arith.constant 2 : i32
      %dma_start3A_701 = arith.constant 16 : i32
      %dma_start3A_702 = arith.constant 0 : i32
      %dma_start3A_703 = tpu.memref_slice %arg9[%rem3A_623, %dma_start3A_701, %dma_start3A_702] : memref<3x64x129xf32, #tpu.memory_space<vmem>> -> memref<1x8x128xf32, #tpu.memory_space<vmem>>
      %dma_start3A_704 = tpu.memref_squeeze %dma_start3A_703 : memref<1x8x128xf32, #tpu.memory_space<vmem>> -> memref<8x128xf32, #tpu.memory_space<vmem>>
      %dma_start3A_705 = arith.constant 0 : i32
      %dma_start3A_706 = arith.constant 0 : i32
      %dma_start3A_707 = tpu.memref_slice %arg5[%scan3A_622, %dma_start3A_700, %add3A, %dma_start3A_705, %dma_start3A_706] : memref<50x8x32x8x128xf32, #tpu.memory_space<hbm>> -> memref<1x1x1x8x128xf32, #tpu.memory_space<hbm>>
      %dma_start3A_708 = tpu.memref_squeeze %dma_start3A_707 : memref<1x1x1x8x128xf32, #tpu.memory_space<hbm>> -> memref<8x128xf32, #tpu.memory_space<hbm>>
      %dma_start3A_709 = tpu.memref_slice %arg12[%rem3A_623] : memref<3x!tpu.dma_semaphore, #tpu.memory_space<semaphore_mem>> -> memref<1x!tpu.dma_semaphore, #tpu.memory_space<semaphore_mem>>
      %dma_start3A_710 = tpu.memref_squeeze %dma_start3A_709 : memref<1x!tpu.dma_semaphore, #tpu.memory_space<semaphore_mem>> -> memref<!tpu.dma_semaphore, #tpu.memory_space<semaphore_mem>>
      %dma_start3A_711 = arith.constant 0 : i32
      %dma_start3A_712 = arith.constant 0 : i32
      %dma_start3A_713 = tpu.memref_slice %arg5[%scan3A_622, %dma_start3A_700, %add3A, %dma_start3A_711, %dma_start3A_712] : memref<50x8x32x8x128xf32, #tpu.memory_space<hbm>> -> memref<1x1x1x8x128xf32, #tpu.memory_space<hbm>>
      %dma_start3A_714 = tpu.memref_squeeze %dma_start3A_713 : memref<1x1x1x8x128xf32, #tpu.memory_space<hbm>> -> memref<8x128xf32, #tpu.memory_space<hbm>>
      %dma_start3A_715 = arith.constant 16 : i32
      %dma_start3A_716 = arith.constant 0 : i32
      %dma_start3A_717 = tpu.memref_slice %arg9[%rem3A_623, %dma_start3A_715, %dma_start3A_716] : memref<3x64x129xf32, #tpu.memory_space<vmem>> -> memref<1x8x128xf32, #tpu.memory_space<vmem>>
      %dma_start3A_718 = tpu.memref_squeeze %dma_start3A_717 : memref<1x8x128xf32, #tpu.memory_space<vmem>> -> memref<8x128xf32, #tpu.memory_space<vmem>>
      tpu.enqueue_dma source(%dma_start3A_718 : memref<8x128xf32, #tpu.memory_space<vmem>>) target(%dma_start3A_714 : memref<8x128xf32, #tpu.memory_space<hbm>>) target_semaphore(%dma_start3A_710 : memref<!tpu.dma_semaphore, #tpu.memory_space<semaphore_mem>>)
      %dma_start3A_719 = arith.constant 3 : i32
      %dma_start3A_720 = arith.constant 24 : i32
      %dma_start3A_721 = arith.constant 0 : i32
      %dma_start3A_722 = tpu.memref_slice %arg9[%rem3A_623, %dma_start3A_720, %dma_start3A_721] : memref<3x64x129xf32, #tpu.memory_space<vmem>> -> memref<1x8x128xf32, #tpu.memory_space<vmem>>
      %dma_start3A_723 = tpu.memref_squeeze %dma_start3A_722 : memref<1x8x128xf32, #tpu.memory_space<vmem>> -> memref<8x128xf32, #tpu.memory_space<vmem>>
      %dma_start3A_724 = arith.constant 0 : i32
      %dma_start3A_725 = arith.constant 0 : i32
      %dma_start3A_726 = tpu.memref_slice %arg5[%scan3A_622, %dma_start3A_719, %add3A, %dma_start3A_724, %dma_start3A_725] : memref<50x8x32x8x128xf32, #tpu.memory_space<hbm>> -> memref<1x1x1x8x128xf32, #tpu.memory_space<hbm>>
      %dma_start3A_727 = tpu.memref_squeeze %dma_start3A_726 : memref<1x1x1x8x128xf32, #tpu.memory_space<hbm>> -> memref<8x128xf32, #tpu.memory_space<hbm>>
      %dma_start3A_728 = tpu.memref_slice %arg12[%rem3A_623] : memref<3x!tpu.dma_semaphore, #tpu.memory_space<semaphore_mem>> -> memref<1x!tpu.dma_semaphore, #tpu.memory_space<semaphore_mem>>
      %dma_start3A_729 = tpu.memref_squeeze %dma_start3A_728 : memref<1x!tpu.dma_semaphore, #tpu.memory_space<semaphore_mem>> -> memref<!tpu.dma_semaphore, #tpu.memory_space<semaphore_mem>>
      %dma_start3A_730 = arith.constant 0 : i32
      %dma_start3A_731 = arith.constant 0 : i32
      %dma_start3A_732 = tpu.memref_slice %arg5[%scan3A_622, %dma_start3A_719, %add3A, %dma_start3A_730, %dma_start3A_731] : memref<50x8x32x8x128xf32, #tpu.memory_space<hbm>> -> memref<1x1x1x8x128xf32, #tpu.memory_space<hbm>>
      %dma_start3A_733 = tpu.memref_squeeze %dma_start3A_732 : memref<1x1x1x8x128xf32, #tpu.memory_space<hbm>> -> memref<8x128xf32, #tpu.memory_space<hbm>>
      %dma_start3A_734 = arith.constant 24 : i32
      %dma_start3A_735 = arith.constant 0 : i32
      %dma_start3A_736 = tpu.memref_slice %arg9[%rem3A_623, %dma_start3A_734, %dma_start3A_735] : memref<3x64x129xf32, #tpu.memory_space<vmem>> -> memref<1x8x128xf32, #tpu.memory_space<vmem>>
      %dma_start3A_737 = tpu.memref_squeeze %dma_start3A_736 : memref<1x8x128xf32, #tpu.memory_space<vmem>> -> memref<8x128xf32, #tpu.memory_space<vmem>>
      tpu.enqueue_dma source(%dma_start3A_737 : memref<8x128xf32, #tpu.memory_space<vmem>>) target(%dma_start3A_733 : memref<8x128xf32, #tpu.memory_space<hbm>>) target_semaphore(%dma_start3A_729 : memref<!tpu.dma_semaphore, #tpu.memory_space<semaphore_mem>>)
      %dma_start3A_738 = arith.constant 4 : i32
      %dma_start3A_739 = arith.constant 32 : i32
      %dma_start3A_740 = arith.constant 0 : i32
      %dma_start3A_741 = tpu.memref_slice %arg9[%rem3A_623, %dma_start3A_739, %dma_start3A_740] : memref<3x64x129xf32, #tpu.memory_space<vmem>> -> memref<1x8x128xf32, #tpu.memory_space<vmem>>
      %dma_start3A_742 = tpu.memref_squeeze %dma_start3A_741 : memref<1x8x128xf32, #tpu.memory_space<vmem>> -> memref<8x128xf32, #tpu.memory_space<vmem>>
      %dma_start3A_743 = arith.constant 0 : i32
      %dma_start3A_744 = arith.constant 0 : i32
      %dma_start3A_745 = tpu.memref_slice %arg5[%scan3A_622, %dma_start3A_738, %add3A, %dma_start3A_743, %dma_start3A_744] : memref<50x8x32x8x128xf32, #tpu.memory_space<hbm>> -> memref<1x1x1x8x128xf32, #tpu.memory_space<hbm>>
      %dma_start3A_746 = tpu.memref_squeeze %dma_start3A_745 : memref<1x1x1x8x128xf32, #tpu.memory_space<hbm>> -> memref<8x128xf32, #tpu.memory_space<hbm>>
      %dma_start3A_747 = tpu.memref_slice %arg12[%rem3A_623] : memref<3x!tpu.dma_semaphore, #tpu.memory_space<semaphore_mem>> -> memref<1x!tpu.dma_semaphore, #tpu.memory_space<semaphore_mem>>
      %dma_start3A_748 = tpu.memref_squeeze %dma_start3A_747 : memref<1x!tpu.dma_semaphore, #tpu.memory_space<semaphore_mem>> -> memref<!tpu.dma_semaphore, #tpu.memory_space<semaphore_mem>>
      %dma_start3A_749 = arith.constant 0 : i32
      %dma_start3A_750 = arith.constant 0 : i32
      %dma_start3A_751 = tpu.memref_slice %arg5[%scan3A_622, %dma_start3A_738, %add3A, %dma_start3A_749, %dma_start3A_750] : memref<50x8x32x8x128xf32, #tpu.memory_space<hbm>> -> memref<1x1x1x8x128xf32, #tpu.memory_space<hbm>>
      %dma_start3A_752 = tpu.memref_squeeze %dma_start3A_751 : memref<1x1x1x8x128xf32, #tpu.memory_space<hbm>> -> memref<8x128xf32, #tpu.memory_space<hbm>>
      %dma_start3A_753 = arith.constant 32 : i32
      %dma_start3A_754 = arith.constant 0 : i32
      %dma_start3A_755 = tpu.memref_slice %arg9[%rem3A_623, %dma_start3A_753, %dma_start3A_754] : memref<3x64x129xf32, #tpu.memory_space<vmem>> -> memref<1x8x128xf32, #tpu.memory_space<vmem>>
      %dma_start3A_756 = tpu.memref_squeeze %dma_start3A_755 : memref<1x8x128xf32, #tpu.memory_space<vmem>> -> memref<8x128xf32, #tpu.memory_space<vmem>>
      tpu.enqueue_dma source(%dma_start3A_756 : memref<8x128xf32, #tpu.memory_space<vmem>>) target(%dma_start3A_752 : memref<8x128xf32, #tpu.memory_space<hbm>>) target_semaphore(%dma_start3A_748 : memref<!tpu.dma_semaphore, #tpu.memory_space<semaphore_mem>>)
      %dma_start3A_757 = arith.constant 5 : i32
      %dma_start3A_758 = arith.constant 40 : i32
      %dma_start3A_759 = arith.constant 0 : i32
      %dma_start3A_760 = tpu.memref_slice %arg9[%rem3A_623, %dma_start3A_758, %dma_start3A_759] : memref<3x64x129xf32, #tpu.memory_space<vmem>> -> memref<1x8x128xf32, #tpu.memory_space<vmem>>
      %dma_start3A_761 = tpu.memref_squeeze %dma_start3A_760 : memref<1x8x128xf32, #tpu.memory_space<vmem>> -> memref<8x128xf32, #tpu.memory_space<vmem>>
      %dma_start3A_762 = arith.constant 0 : i32
      %dma_start3A_763 = arith.constant 0 : i32
      %dma_start3A_764 = tpu.memref_slice %arg5[%scan3A_622, %dma_start3A_757, %add3A, %dma_start3A_762, %dma_start3A_763] : memref<50x8x32x8x128xf32, #tpu.memory_space<hbm>> -> memref<1x1x1x8x128xf32, #tpu.memory_space<hbm>>
      %dma_start3A_765 = tpu.memref_squeeze %dma_start3A_764 : memref<1x1x1x8x128xf32, #tpu.memory_space<hbm>> -> memref<8x128xf32, #tpu.memory_space<hbm>>
      %dma_start3A_766 = tpu.memref_slice %arg12[%rem3A_623] : memref<3x!tpu.dma_semaphore, #tpu.memory_space<semaphore_mem>> -> memref<1x!tpu.dma_semaphore, #tpu.memory_space<semaphore_mem>>
      %dma_start3A_767 = tpu.memref_squeeze %dma_start3A_766 : memref<1x!tpu.dma_semaphore, #tpu.memory_space<semaphore_mem>> -> memref<!tpu.dma_semaphore, #tpu.memory_space<semaphore_mem>>
      %dma_start3A_768 = arith.constant 0 : i32
      %dma_start3A_769 = arith.constant 0 : i32
      %dma_start3A_770 = tpu.memref_slice %arg5[%scan3A_622, %dma_start3A_757, %add3A, %dma_start3A_768, %dma_start3A_769] : memref<50x8x32x8x128xf32, #tpu.memory_space<hbm>> -> memref<1x1x1x8x128xf32, #tpu.memory_space<hbm>>
      %dma_start3A_771 = tpu.memref_squeeze %dma_start3A_770 : memref<1x1x1x8x128xf32, #tpu.memory_space<hbm>> -> memref<8x128xf32, #tpu.memory_space<hbm>>
      %dma_start3A_772 = arith.constant 40 : i32
      %dma_start3A_773 = arith.constant 0 : i32
      %dma_start3A_774 = tpu.memref_slice %arg9[%rem3A_623, %dma_start3A_772, %dma_start3A_773] : memref<3x64x129xf32, #tpu.memory_space<vmem>> -> memref<1x8x128xf32, #tpu.memory_space<vmem>>
      %dma_start3A_775 = tpu.memref_squeeze %dma_start3A_774 : memref<1x8x128xf32, #tpu.memory_space<vmem>> -> memref<8x128xf32, #tpu.memory_space<vmem>>
      tpu.enqueue_dma source(%dma_start3A_775 : memref<8x128xf32, #tpu.memory_space<vmem>>) target(%dma_start3A_771 : memref<8x128xf32, #tpu.memory_space<hbm>>) target_semaphore(%dma_start3A_767 : memref<!tpu.dma_semaphore, #tpu.memory_space<semaphore_mem>>)
      %dma_start3A_776 = arith.constant 6 : i32
      %dma_start3A_777 = arith.constant 48 : i32
      %dma_start3A_778 = arith.constant 0 : i32
      %dma_start3A_779 = tpu.memref_slice %arg9[%rem3A_623, %dma_start3A_777, %dma_start3A_778] : memref<3x64x129xf32, #tpu.memory_space<vmem>> -> memref<1x8x128xf32, #tpu.memory_space<vmem>>
      %dma_start3A_780 = tpu.memref_squeeze %dma_start3A_779 : memref<1x8x128xf32, #tpu.memory_space<vmem>> -> memref<8x128xf32, #tpu.memory_space<vmem>>
      %dma_start3A_781 = arith.constant 0 : i32
      %dma_start3A_782 = arith.constant 0 : i32
      %dma_start3A_783 = tpu.memref_slice %arg5[%scan3A_622, %dma_start3A_776, %add3A, %dma_start3A_781, %dma_start3A_782] : memref<50x8x32x8x128xf32, #tpu.memory_space<hbm>> -> memref<1x1x1x8x128xf32, #tpu.memory_space<hbm>>
      %dma_start3A_784 = tpu.memref_squeeze %dma_start3A_783 : memref<1x1x1x8x128xf32, #tpu.memory_space<hbm>> -> memref<8x128xf32, #tpu.memory_space<hbm>>
      %dma_start3A_785 = tpu.memref_slice %arg12[%rem3A_623] : memref<3x!tpu.dma_semaphore, #tpu.memory_space<semaphore_mem>> -> memref<1x!tpu.dma_semaphore, #tpu.memory_space<semaphore_mem>>
      %dma_start3A_786 = tpu.memref_squeeze %dma_start3A_785 : memref<1x!tpu.dma_semaphore, #tpu.memory_space<semaphore_mem>> -> memref<!tpu.dma_semaphore, #tpu.memory_space<semaphore_mem>>
      %dma_start3A_787 = arith.constant 0 : i32
      %dma_start3A_788 = arith.constant 0 : i32
      %dma_start3A_789 = tpu.memref_slice %arg5[%scan3A_622, %dma_start3A_776, %add3A, %dma_start3A_787, %dma_start3A_788] : memref<50x8x32x8x128xf32, #tpu.memory_space<hbm>> -> memref<1x1x1x8x128xf32, #tpu.memory_space<hbm>>
      %dma_start3A_790 = tpu.memref_squeeze %dma_start3A_789 : memref<1x1x1x8x128xf32, #tpu.memory_space<hbm>> -> memref<8x128xf32, #tpu.memory_space<hbm>>
      %dma_start3A_791 = arith.constant 48 : i32
      %dma_start3A_792 = arith.constant 0 : i32
      %dma_start3A_793 = tpu.memref_slice %arg9[%rem3A_623, %dma_start3A_791, %dma_start3A_792] : memref<3x64x129xf32, #tpu.memory_space<vmem>> -> memref<1x8x128xf32, #tpu.memory_space<vmem>>
      %dma_start3A_794 = tpu.memref_squeeze %dma_start3A_793 : memref<1x8x128xf32, #tpu.memory_space<vmem>> -> memref<8x128xf32, #tpu.memory_space<vmem>>
      tpu.enqueue_dma source(%dma_start3A_794 : memref<8x128xf32, #tpu.memory_space<vmem>>) target(%dma_start3A_790 : memref<8x128xf32, #tpu.memory_space<hbm>>) target_semaphore(%dma_start3A_786 : memref<!tpu.dma_semaphore, #tpu.memory_space<semaphore_mem>>)
      %dma_start3A_795 = arith.constant 7 : i32
      %dma_start3A_796 = arith.constant 56 : i32
      %dma_start3A_797 = arith.constant 0 : i32
      %dma_start3A_798 = tpu.memref_slice %arg9[%rem3A_623, %dma_start3A_796, %dma_start3A_797] : memref<3x64x129xf32, #tpu.memory_space<vmem>> -> memref<1x8x128xf32, #tpu.memory_space<vmem>>
      %dma_start3A_799 = tpu.memref_squeeze %dma_start3A_798 : memref<1x8x128xf32, #tpu.memory_space<vmem>> -> memref<8x128xf32, #tpu.memory_space<vmem>>
      %dma_start3A_800 = arith.constant 0 : i32
      %dma_start3A_801 = arith.constant 0 : i32
      %dma_start3A_802 = tpu.memref_slice %arg5[%scan3A_622, %dma_start3A_795, %add3A, %dma_start3A_800, %dma_start3A_801] : memref<50x8x32x8x128xf32, #tpu.memory_space<hbm>> -> memref<1x1x1x8x128xf32, #tpu.memory_space<hbm>>
      %dma_start3A_803 = tpu.memref_squeeze %dma_start3A_802 : memref<1x1x1x8x128xf32, #tpu.memory_space<hbm>> -> memref<8x128xf32, #tpu.memory_space<hbm>>
      %dma_start3A_804 = tpu.memref_slice %arg12[%rem3A_623] : memref<3x!tpu.dma_semaphore, #tpu.memory_space<semaphore_mem>> -> memref<1x!tpu.dma_semaphore, #tpu.memory_space<semaphore_mem>>
      %dma_start3A_805 = tpu.memref_squeeze %dma_start3A_804 : memref<1x!tpu.dma_semaphore, #tpu.memory_space<semaphore_mem>> -> memref<!tpu.dma_semaphore, #tpu.memory_space<semaphore_mem>>
      %dma_start3A_806 = arith.constant 0 : i32
      %dma_start3A_807 = arith.constant 0 : i32
      %dma_start3A_808 = tpu.memref_slice %arg5[%scan3A_622, %dma_start3A_795, %add3A, %dma_start3A_806, %dma_start3A_807] : memref<50x8x32x8x128xf32, #tpu.memory_space<hbm>> -> memref<1x1x1x8x128xf32, #tpu.memory_space<hbm>>
      %dma_start3A_809 = tpu.memref_squeeze %dma_start3A_808 : memref<1x1x1x8x128xf32, #tpu.memory_space<hbm>> -> memref<8x128xf32, #tpu.memory_space<hbm>>
      %dma_start3A_810 = arith.constant 56 : i32
      %dma_start3A_811 = arith.constant 0 : i32
      %dma_start3A_812 = tpu.memref_slice %arg9[%rem3A_623, %dma_start3A_810, %dma_start3A_811] : memref<3x64x129xf32, #tpu.memory_space<vmem>> -> memref<1x8x128xf32, #tpu.memory_space<vmem>>
      %dma_start3A_813 = tpu.memref_squeeze %dma_start3A_812 : memref<1x8x128xf32, #tpu.memory_space<vmem>> -> memref<8x128xf32, #tpu.memory_space<vmem>>
      tpu.enqueue_dma source(%dma_start3A_813 : memref<8x128xf32, #tpu.memory_space<vmem>>) target(%dma_start3A_809 : memref<8x128xf32, #tpu.memory_space<hbm>>) target_semaphore(%dma_start3A_805 : memref<!tpu.dma_semaphore, #tpu.memory_space<semaphore_mem>>)
    }
    %scan3A_66 = arith.constant 50 : i32
    %dma_wait3A = arith.constant 0 : i32
    %dma_wait3A_67 = arith.constant 0 : i32
    %dma_wait3A_68 = arith.constant 0 : i32
    %dma_wait3A_69 = arith.constant 0 : i32
    %dma_wait3A_70 = arith.constant 0 : i32
    %dma_wait3A_71 = arith.constant 0 : i32
    %dma_wait3A_72 = arith.constant 0 : i32
    %dma_wait3A_73 = tpu.memref_slice %arg9[%dma_wait3A, %dma_wait3A_71, %dma_wait3A_72] : memref<3x64x129xf32, #tpu.memory_space<vmem>> -> memref<1x8x128xf32, #tpu.memory_space<vmem>>
    %dma_wait3A_74 = tpu.memref_squeeze %dma_wait3A_73 : memref<1x8x128xf32, #tpu.memory_space<vmem>> -> memref<8x128xf32, #tpu.memory_space<vmem>>
    %dma_wait3A_75 = arith.constant 0 : i32
    %dma_wait3A_76 = arith.constant 0 : i32
    %dma_wait3A_77 = tpu.memref_slice %arg5[%dma_wait3A_67, %dma_wait3A_68, %dma_wait3A_69, %dma_wait3A_75, %dma_wait3A_76] : memref<50x8x32x8x128xf32, #tpu.memory_space<hbm>> -> memref<1x1x1x8x128xf32, #tpu.memory_space<hbm>>
    %dma_wait3A_78 = tpu.memref_squeeze %dma_wait3A_77 : memref<1x1x1x8x128xf32, #tpu.memory_space<hbm>> -> memref<8x128xf32, #tpu.memory_space<hbm>>
    %dma_wait3A_79 = tpu.memref_slice %arg12[%dma_wait3A_70] : memref<3x!tpu.dma_semaphore, #tpu.memory_space<semaphore_mem>> -> memref<1x!tpu.dma_semaphore, #tpu.memory_space<semaphore_mem>>
    %dma_wait3A_80 = tpu.memref_squeeze %dma_wait3A_79 : memref<1x!tpu.dma_semaphore, #tpu.memory_space<semaphore_mem>> -> memref<!tpu.dma_semaphore, #tpu.memory_space<semaphore_mem>>
    %dma_wait3A_81 = arith.constant 0 : i32
    %dma_wait3A_82 = arith.constant 0 : i32
    %dma_wait3A_83 = tpu.memref_slice %arg5[%dma_wait3A_67, %dma_wait3A_68, %dma_wait3A_69, %dma_wait3A_81, %dma_wait3A_82] : memref<50x8x32x8x128xf32, #tpu.memory_space<hbm>> -> memref<1x1x1x8x128xf32, #tpu.memory_space<hbm>>
    %dma_wait3A_84 = tpu.memref_squeeze %dma_wait3A_83 : memref<1x1x1x8x128xf32, #tpu.memory_space<hbm>> -> memref<8x128xf32, #tpu.memory_space<hbm>>
    %dma_wait3A_85 = arith.constant 0 : i32
    %dma_wait3A_86 = arith.constant 0 : i32
    %dma_wait3A_87 = tpu.memref_slice %arg9[%dma_wait3A, %dma_wait3A_85, %dma_wait3A_86] : memref<3x64x129xf32, #tpu.memory_space<vmem>> -> memref<1x8x128xf32, #tpu.memory_space<vmem>>
    %dma_wait3A_88 = tpu.memref_squeeze %dma_wait3A_87 : memref<1x8x128xf32, #tpu.memory_space<vmem>> -> memref<8x128xf32, #tpu.memory_space<vmem>>
    tpu.wait_dma2 semaphore(%dma_wait3A_80 : memref<!tpu.dma_semaphore, #tpu.memory_space<semaphore_mem>>) src(%dma_wait3A_88 : memref<8x128xf32, #tpu.memory_space<vmem>>) dst(%dma_wait3A_84 : memref<8x128xf32, #tpu.memory_space<hbm>>)
    %dma_wait3A_89 = arith.constant 0 : i32
    %dma_wait3A_90 = arith.constant 0 : i32
    %dma_wait3A_91 = arith.constant 1 : i32
    %dma_wait3A_92 = arith.constant 0 : i32
    %dma_wait3A_93 = arith.constant 0 : i32
    %dma_wait3A_94 = arith.constant 8 : i32
    %dma_wait3A_95 = arith.constant 0 : i32
    %dma_wait3A_96 = tpu.memref_slice %arg9[%dma_wait3A_89, %dma_wait3A_94, %dma_wait3A_95] : memref<3x64x129xf32, #tpu.memory_space<vmem>> -> memref<1x8x128xf32, #tpu.memory_space<vmem>>
    %dma_wait3A_97 = tpu.memref_squeeze %dma_wait3A_96 : memref<1x8x128xf32, #tpu.memory_space<vmem>> -> memref<8x128xf32, #tpu.memory_space<vmem>>
    %dma_wait3A_98 = arith.constant 0 : i32
    %dma_wait3A_99 = arith.constant 0 : i32
    %dma_wait3A_100 = tpu.memref_slice %arg5[%dma_wait3A_90, %dma_wait3A_91, %dma_wait3A_92, %dma_wait3A_98, %dma_wait3A_99] : memref<50x8x32x8x128xf32, #tpu.memory_space<hbm>> -> memref<1x1x1x8x128xf32, #tpu.memory_space<hbm>>
    %dma_wait3A_101 = tpu.memref_squeeze %dma_wait3A_100 : memref<1x1x1x8x128xf32, #tpu.memory_space<hbm>> -> memref<8x128xf32, #tpu.memory_space<hbm>>
    %dma_wait3A_102 = tpu.memref_slice %arg12[%dma_wait3A_93] : memref<3x!tpu.dma_semaphore, #tpu.memory_space<semaphore_mem>> -> memref<1x!tpu.dma_semaphore, #tpu.memory_space<semaphore_mem>>
    %dma_wait3A_103 = tpu.memref_squeeze %dma_wait3A_102 : memref<1x!tpu.dma_semaphore, #tpu.memory_space<semaphore_mem>> -> memref<!tpu.dma_semaphore, #tpu.memory_space<semaphore_mem>>
    %dma_wait3A_104 = arith.constant 0 : i32
    %dma_wait3A_105 = arith.constant 0 : i32
    %dma_wait3A_106 = tpu.memref_slice %arg5[%dma_wait3A_90, %dma_wait3A_91, %dma_wait3A_92, %dma_wait3A_104, %dma_wait3A_105] : memref<50x8x32x8x128xf32, #tpu.memory_space<hbm>> -> memref<1x1x1x8x128xf32, #tpu.memory_space<hbm>>
    %dma_wait3A_107 = tpu.memref_squeeze %dma_wait3A_106 : memref<1x1x1x8x128xf32, #tpu.memory_space<hbm>> -> memref<8x128xf32, #tpu.memory_space<hbm>>
    %dma_wait3A_108 = arith.constant 8 : i32
    %dma_wait3A_109 = arith.constant 0 : i32
    %dma_wait3A_110 = tpu.memref_slice %arg9[%dma_wait3A_89, %dma_wait3A_108, %dma_wait3A_109] : memref<3x64x129xf32, #tpu.memory_space<vmem>> -> memref<1x8x128xf32, #tpu.memory_space<vmem>>
    %dma_wait3A_111 = tpu.memref_squeeze %dma_wait3A_110 : memref<1x8x128xf32, #tpu.memory_space<vmem>> -> memref<8x128xf32, #tpu.memory_space<vmem>>
    tpu.wait_dma2 semaphore(%dma_wait3A_103 : memref<!tpu.dma_semaphore, #tpu.memory_space<semaphore_mem>>) src(%dma_wait3A_111 : memref<8x128xf32, #tpu.memory_space<vmem>>) dst(%dma_wait3A_107 : memref<8x128xf32, #tpu.memory_space<hbm>>)
    %dma_wait3A_112 = arith.constant 0 : i32
    %dma_wait3A_113 = arith.constant 0 : i32
    %dma_wait3A_114 = arith.constant 2 : i32
    %dma_wait3A_115 = arith.constant 0 : i32
    %dma_wait3A_116 = arith.constant 0 : i32
    %dma_wait3A_117 = arith.constant 16 : i32
    %dma_wait3A_118 = arith.constant 0 : i32
    %dma_wait3A_119 = tpu.memref_slice %arg9[%dma_wait3A_112, %dma_wait3A_117, %dma_wait3A_118] : memref<3x64x129xf32, #tpu.memory_space<vmem>> -> memref<1x8x128xf32, #tpu.memory_space<vmem>>
    %dma_wait3A_120 = tpu.memref_squeeze %dma_wait3A_119 : memref<1x8x128xf32, #tpu.memory_space<vmem>> -> memref<8x128xf32, #tpu.memory_space<vmem>>
    %dma_wait3A_121 = arith.constant 0 : i32
    %dma_wait3A_122 = arith.constant 0 : i32
    %dma_wait3A_123 = tpu.memref_slice %arg5[%dma_wait3A_113, %dma_wait3A_114, %dma_wait3A_115, %dma_wait3A_121, %dma_wait3A_122] : memref<50x8x32x8x128xf32, #tpu.memory_space<hbm>> -> memref<1x1x1x8x128xf32, #tpu.memory_space<hbm>>
    %dma_wait3A_124 = tpu.memref_squeeze %dma_wait3A_123 : memref<1x1x1x8x128xf32, #tpu.memory_space<hbm>> -> memref<8x128xf32, #tpu.memory_space<hbm>>
    %dma_wait3A_125 = tpu.memref_slice %arg12[%dma_wait3A_116] : memref<3x!tpu.dma_semaphore, #tpu.memory_space<semaphore_mem>> -> memref<1x!tpu.dma_semaphore, #tpu.memory_space<semaphore_mem>>
    %dma_wait3A_126 = tpu.memref_squeeze %dma_wait3A_125 : memref<1x!tpu.dma_semaphore, #tpu.memory_space<semaphore_mem>> -> memref<!tpu.dma_semaphore, #tpu.memory_space<semaphore_mem>>
    %dma_wait3A_127 = arith.constant 0 : i32
    %dma_wait3A_128 = arith.constant 0 : i32
    %dma_wait3A_129 = tpu.memref_slice %arg5[%dma_wait3A_113, %dma_wait3A_114, %dma_wait3A_115, %dma_wait3A_127, %dma_wait3A_128] : memref<50x8x32x8x128xf32, #tpu.memory_space<hbm>> -> memref<1x1x1x8x128xf32, #tpu.memory_space<hbm>>
    %dma_wait3A_130 = tpu.memref_squeeze %dma_wait3A_129 : memref<1x1x1x8x128xf32, #tpu.memory_space<hbm>> -> memref<8x128xf32, #tpu.memory_space<hbm>>
    %dma_wait3A_131 = arith.constant 16 : i32
    %dma_wait3A_132 = arith.constant 0 : i32
    %dma_wait3A_133 = tpu.memref_slice %arg9[%dma_wait3A_112, %dma_wait3A_131, %dma_wait3A_132] : memref<3x64x129xf32, #tpu.memory_space<vmem>> -> memref<1x8x128xf32, #tpu.memory_space<vmem>>
    %dma_wait3A_134 = tpu.memref_squeeze %dma_wait3A_133 : memref<1x8x128xf32, #tpu.memory_space<vmem>> -> memref<8x128xf32, #tpu.memory_space<vmem>>
    tpu.wait_dma2 semaphore(%dma_wait3A_126 : memref<!tpu.dma_semaphore, #tpu.memory_space<semaphore_mem>>) src(%dma_wait3A_134 : memref<8x128xf32, #tpu.memory_space<vmem>>) dst(%dma_wait3A_130 : memref<8x128xf32, #tpu.memory_space<hbm>>)
    %dma_wait3A_135 = arith.constant 0 : i32
    %dma_wait3A_136 = arith.constant 0 : i32
    %dma_wait3A_137 = arith.constant 3 : i32
    %dma_wait3A_138 = arith.constant 0 : i32
    %dma_wait3A_139 = arith.constant 0 : i32
    %dma_wait3A_140 = arith.constant 24 : i32
    %dma_wait3A_141 = arith.constant 0 : i32
    %dma_wait3A_142 = tpu.memref_slice %arg9[%dma_wait3A_135, %dma_wait3A_140, %dma_wait3A_141] : memref<3x64x129xf32, #tpu.memory_space<vmem>> -> memref<1x8x128xf32, #tpu.memory_space<vmem>>
    %dma_wait3A_143 = tpu.memref_squeeze %dma_wait3A_142 : memref<1x8x128xf32, #tpu.memory_space<vmem>> -> memref<8x128xf32, #tpu.memory_space<vmem>>
    %dma_wait3A_144 = arith.constant 0 : i32
    %dma_wait3A_145 = arith.constant 0 : i32
    %dma_wait3A_146 = tpu.memref_slice %arg5[%dma_wait3A_136, %dma_wait3A_137, %dma_wait3A_138, %dma_wait3A_144, %dma_wait3A_145] : memref<50x8x32x8x128xf32, #tpu.memory_space<hbm>> -> memref<1x1x1x8x128xf32, #tpu.memory_space<hbm>>
    %dma_wait3A_147 = tpu.memref_squeeze %dma_wait3A_146 : memref<1x1x1x8x128xf32, #tpu.memory_space<hbm>> -> memref<8x128xf32, #tpu.memory_space<hbm>>
    %dma_wait3A_148 = tpu.memref_slice %arg12[%dma_wait3A_139] : memref<3x!tpu.dma_semaphore, #tpu.memory_space<semaphore_mem>> -> memref<1x!tpu.dma_semaphore, #tpu.memory_space<semaphore_mem>>
    %dma_wait3A_149 = tpu.memref_squeeze %dma_wait3A_148 : memref<1x!tpu.dma_semaphore, #tpu.memory_space<semaphore_mem>> -> memref<!tpu.dma_semaphore, #tpu.memory_space<semaphore_mem>>
    %dma_wait3A_150 = arith.constant 0 : i32
    %dma_wait3A_151 = arith.constant 0 : i32
    %dma_wait3A_152 = tpu.memref_slice %arg5[%dma_wait3A_136, %dma_wait3A_137, %dma_wait3A_138, %dma_wait3A_150, %dma_wait3A_151] : memref<50x8x32x8x128xf32, #tpu.memory_space<hbm>> -> memref<1x1x1x8x128xf32, #tpu.memory_space<hbm>>
    %dma_wait3A_153 = tpu.memref_squeeze %dma_wait3A_152 : memref<1x1x1x8x128xf32, #tpu.memory_space<hbm>> -> memref<8x128xf32, #tpu.memory_space<hbm>>
    %dma_wait3A_154 = arith.constant 24 : i32
    %dma_wait3A_155 = arith.constant 0 : i32
    %dma_wait3A_156 = tpu.memref_slice %arg9[%dma_wait3A_135, %dma_wait3A_154, %dma_wait3A_155] : memref<3x64x129xf32, #tpu.memory_space<vmem>> -> memref<1x8x128xf32, #tpu.memory_space<vmem>>
    %dma_wait3A_157 = tpu.memref_squeeze %dma_wait3A_156 : memref<1x8x128xf32, #tpu.memory_space<vmem>> -> memref<8x128xf32, #tpu.memory_space<vmem>>
    tpu.wait_dma2 semaphore(%dma_wait3A_149 : memref<!tpu.dma_semaphore, #tpu.memory_space<semaphore_mem>>) src(%dma_wait3A_157 : memref<8x128xf32, #tpu.memory_space<vmem>>) dst(%dma_wait3A_153 : memref<8x128xf32, #tpu.memory_space<hbm>>)
    %dma_wait3A_158 = arith.constant 0 : i32
    %dma_wait3A_159 = arith.constant 0 : i32
    %dma_wait3A_160 = arith.constant 4 : i32
    %dma_wait3A_161 = arith.constant 0 : i32
    %dma_wait3A_162 = arith.constant 0 : i32
    %dma_wait3A_163 = arith.constant 32 : i32
    %dma_wait3A_164 = arith.constant 0 : i32
    %dma_wait3A_165 = tpu.memref_slice %arg9[%dma_wait3A_158, %dma_wait3A_163, %dma_wait3A_164] : memref<3x64x129xf32, #tpu.memory_space<vmem>> -> memref<1x8x128xf32, #tpu.memory_space<vmem>>
    %dma_wait3A_166 = tpu.memref_squeeze %dma_wait3A_165 : memref<1x8x128xf32, #tpu.memory_space<vmem>> -> memref<8x128xf32, #tpu.memory_space<vmem>>
    %dma_wait3A_167 = arith.constant 0 : i32
    %dma_wait3A_168 = arith.constant 0 : i32
    %dma_wait3A_169 = tpu.memref_slice %arg5[%dma_wait3A_159, %dma_wait3A_160, %dma_wait3A_161, %dma_wait3A_167, %dma_wait3A_168] : memref<50x8x32x8x128xf32, #tpu.memory_space<hbm>> -> memref<1x1x1x8x128xf32, #tpu.memory_space<hbm>>
    %dma_wait3A_170 = tpu.memref_squeeze %dma_wait3A_169 : memref<1x1x1x8x128xf32, #tpu.memory_space<hbm>> -> memref<8x128xf32, #tpu.memory_space<hbm>>
    %dma_wait3A_171 = tpu.memref_slice %arg12[%dma_wait3A_162] : memref<3x!tpu.dma_semaphore, #tpu.memory_space<semaphore_mem>> -> memref<1x!tpu.dma_semaphore, #tpu.memory_space<semaphore_mem>>
    %dma_wait3A_172 = tpu.memref_squeeze %dma_wait3A_171 : memref<1x!tpu.dma_semaphore, #tpu.memory_space<semaphore_mem>> -> memref<!tpu.dma_semaphore, #tpu.memory_space<semaphore_mem>>
    %dma_wait3A_173 = arith.constant 0 : i32
    %dma_wait3A_174 = arith.constant 0 : i32
    %dma_wait3A_175 = tpu.memref_slice %arg5[%dma_wait3A_159, %dma_wait3A_160, %dma_wait3A_161, %dma_wait3A_173, %dma_wait3A_174] : memref<50x8x32x8x128xf32, #tpu.memory_space<hbm>> -> memref<1x1x1x8x128xf32, #tpu.memory_space<hbm>>
    %dma_wait3A_176 = tpu.memref_squeeze %dma_wait3A_175 : memref<1x1x1x8x128xf32, #tpu.memory_space<hbm>> -> memref<8x128xf32, #tpu.memory_space<hbm>>
    %dma_wait3A_177 = arith.constant 32 : i32
    %dma_wait3A_178 = arith.constant 0 : i32
    %dma_wait3A_179 = tpu.memref_slice %arg9[%dma_wait3A_158, %dma_wait3A_177, %dma_wait3A_178] : memref<3x64x129xf32, #tpu.memory_space<vmem>> -> memref<1x8x128xf32, #tpu.memory_space<vmem>>
    %dma_wait3A_180 = tpu.memref_squeeze %dma_wait3A_179 : memref<1x8x128xf32, #tpu.memory_space<vmem>> -> memref<8x128xf32, #tpu.memory_space<vmem>>
    tpu.wait_dma2 semaphore(%dma_wait3A_172 : memref<!tpu.dma_semaphore, #tpu.memory_space<semaphore_mem>>) src(%dma_wait3A_180 : memref<8x128xf32, #tpu.memory_space<vmem>>) dst(%dma_wait3A_176 : memref<8x128xf32, #tpu.memory_space<hbm>>)
    %dma_wait3A_181 = arith.constant 0 : i32
    %dma_wait3A_182 = arith.constant 0 : i32
    %dma_wait3A_183 = arith.constant 5 : i32
    %dma_wait3A_184 = arith.constant 0 : i32
    %dma_wait3A_185 = arith.constant 0 : i32
    %dma_wait3A_186 = arith.constant 40 : i32
    %dma_wait3A_187 = arith.constant 0 : i32
    %dma_wait3A_188 = tpu.memref_slice %arg9[%dma_wait3A_181, %dma_wait3A_186, %dma_wait3A_187] : memref<3x64x129xf32, #tpu.memory_space<vmem>> -> memref<1x8x128xf32, #tpu.memory_space<vmem>>
    %dma_wait3A_189 = tpu.memref_squeeze %dma_wait3A_188 : memref<1x8x128xf32, #tpu.memory_space<vmem>> -> memref<8x128xf32, #tpu.memory_space<vmem>>
    %dma_wait3A_190 = arith.constant 0 : i32
    %dma_wait3A_191 = arith.constant 0 : i32
    %dma_wait3A_192 = tpu.memref_slice %arg5[%dma_wait3A_182, %dma_wait3A_183, %dma_wait3A_184, %dma_wait3A_190, %dma_wait3A_191] : memref<50x8x32x8x128xf32, #tpu.memory_space<hbm>> -> memref<1x1x1x8x128xf32, #tpu.memory_space<hbm>>
    %dma_wait3A_193 = tpu.memref_squeeze %dma_wait3A_192 : memref<1x1x1x8x128xf32, #tpu.memory_space<hbm>> -> memref<8x128xf32, #tpu.memory_space<hbm>>
    %dma_wait3A_194 = tpu.memref_slice %arg12[%dma_wait3A_185] : memref<3x!tpu.dma_semaphore, #tpu.memory_space<semaphore_mem>> -> memref<1x!tpu.dma_semaphore, #tpu.memory_space<semaphore_mem>>
    %dma_wait3A_195 = tpu.memref_squeeze %dma_wait3A_194 : memref<1x!tpu.dma_semaphore, #tpu.memory_space<semaphore_mem>> -> memref<!tpu.dma_semaphore, #tpu.memory_space<semaphore_mem>>
    %dma_wait3A_196 = arith.constant 0 : i32
    %dma_wait3A_197 = arith.constant 0 : i32
    %dma_wait3A_198 = tpu.memref_slice %arg5[%dma_wait3A_182, %dma_wait3A_183, %dma_wait3A_184, %dma_wait3A_196, %dma_wait3A_197] : memref<50x8x32x8x128xf32, #tpu.memory_space<hbm>> -> memref<1x1x1x8x128xf32, #tpu.memory_space<hbm>>
    %dma_wait3A_199 = tpu.memref_squeeze %dma_wait3A_198 : memref<1x1x1x8x128xf32, #tpu.memory_space<hbm>> -> memref<8x128xf32, #tpu.memory_space<hbm>>
    %dma_wait3A_200 = arith.constant 40 : i32
    %dma_wait3A_201 = arith.constant 0 : i32
    %dma_wait3A_202 = tpu.memref_slice %arg9[%dma_wait3A_181, %dma_wait3A_200, %dma_wait3A_201] : memref<3x64x129xf32, #tpu.memory_space<vmem>> -> memref<1x8x128xf32, #tpu.memory_space<vmem>>
    %dma_wait3A_203 = tpu.memref_squeeze %dma_wait3A_202 : memref<1x8x128xf32, #tpu.memory_space<vmem>> -> memref<8x128xf32, #tpu.memory_space<vmem>>
    tpu.wait_dma2 semaphore(%dma_wait3A_195 : memref<!tpu.dma_semaphore, #tpu.memory_space<semaphore_mem>>) src(%dma_wait3A_203 : memref<8x128xf32, #tpu.memory_space<vmem>>) dst(%dma_wait3A_199 : memref<8x128xf32, #tpu.memory_space<hbm>>)
    %dma_wait3A_204 = arith.constant 0 : i32
    %dma_wait3A_205 = arith.constant 0 : i32
    %dma_wait3A_206 = arith.constant 6 : i32
    %dma_wait3A_207 = arith.constant 0 : i32
    %dma_wait3A_208 = arith.constant 0 : i32
    %dma_wait3A_209 = arith.constant 48 : i32
    %dma_wait3A_210 = arith.constant 0 : i32
    %dma_wait3A_211 = tpu.memref_slice %arg9[%dma_wait3A_204, %dma_wait3A_209, %dma_wait3A_210] : memref<3x64x129xf32, #tpu.memory_space<vmem>> -> memref<1x8x128xf32, #tpu.memory_space<vmem>>
    %dma_wait3A_212 = tpu.memref_squeeze %dma_wait3A_211 : memref<1x8x128xf32, #tpu.memory_space<vmem>> -> memref<8x128xf32, #tpu.memory_space<vmem>>
    %dma_wait3A_213 = arith.constant 0 : i32
    %dma_wait3A_214 = arith.constant 0 : i32
    %dma_wait3A_215 = tpu.memref_slice %arg5[%dma_wait3A_205, %dma_wait3A_206, %dma_wait3A_207, %dma_wait3A_213, %dma_wait3A_214] : memref<50x8x32x8x128xf32, #tpu.memory_space<hbm>> -> memref<1x1x1x8x128xf32, #tpu.memory_space<hbm>>
    %dma_wait3A_216 = tpu.memref_squeeze %dma_wait3A_215 : memref<1x1x1x8x128xf32, #tpu.memory_space<hbm>> -> memref<8x128xf32, #tpu.memory_space<hbm>>
    %dma_wait3A_217 = tpu.memref_slice %arg12[%dma_wait3A_208] : memref<3x!tpu.dma_semaphore, #tpu.memory_space<semaphore_mem>> -> memref<1x!tpu.dma_semaphore, #tpu.memory_space<semaphore_mem>>
    %dma_wait3A_218 = tpu.memref_squeeze %dma_wait3A_217 : memref<1x!tpu.dma_semaphore, #tpu.memory_space<semaphore_mem>> -> memref<!tpu.dma_semaphore, #tpu.memory_space<semaphore_mem>>
    %dma_wait3A_219 = arith.constant 0 : i32
    %dma_wait3A_220 = arith.constant 0 : i32
    %dma_wait3A_221 = tpu.memref_slice %arg5[%dma_wait3A_205, %dma_wait3A_206, %dma_wait3A_207, %dma_wait3A_219, %dma_wait3A_220] : memref<50x8x32x8x128xf32, #tpu.memory_space<hbm>> -> memref<1x1x1x8x128xf32, #tpu.memory_space<hbm>>
    %dma_wait3A_222 = tpu.memref_squeeze %dma_wait3A_221 : memref<1x1x1x8x128xf32, #tpu.memory_space<hbm>> -> memref<8x128xf32, #tpu.memory_space<hbm>>
    %dma_wait3A_223 = arith.constant 48 : i32
    %dma_wait3A_224 = arith.constant 0 : i32
    %dma_wait3A_225 = tpu.memref_slice %arg9[%dma_wait3A_204, %dma_wait3A_223, %dma_wait3A_224] : memref<3x64x129xf32, #tpu.memory_space<vmem>> -> memref<1x8x128xf32, #tpu.memory_space<vmem>>
    %dma_wait3A_226 = tpu.memref_squeeze %dma_wait3A_225 : memref<1x8x128xf32, #tpu.memory_space<vmem>> -> memref<8x128xf32, #tpu.memory_space<vmem>>
    tpu.wait_dma2 semaphore(%dma_wait3A_218 : memref<!tpu.dma_semaphore, #tpu.memory_space<semaphore_mem>>) src(%dma_wait3A_226 : memref<8x128xf32, #tpu.memory_space<vmem>>) dst(%dma_wait3A_222 : memref<8x128xf32, #tpu.memory_space<hbm>>)
    %dma_wait3A_227 = arith.constant 0 : i32
    %dma_wait3A_228 = arith.constant 0 : i32
    %dma_wait3A_229 = arith.constant 7 : i32
    %dma_wait3A_230 = arith.constant 0 : i32
    %dma_wait3A_231 = arith.constant 0 : i32
    %dma_wait3A_232 = arith.constant 56 : i32
    %dma_wait3A_233 = arith.constant 0 : i32
    %dma_wait3A_234 = tpu.memref_slice %arg9[%dma_wait3A_227, %dma_wait3A_232, %dma_wait3A_233] : memref<3x64x129xf32, #tpu.memory_space<vmem>> -> memref<1x8x128xf32, #tpu.memory_space<vmem>>
    %dma_wait3A_235 = tpu.memref_squeeze %dma_wait3A_234 : memref<1x8x128xf32, #tpu.memory_space<vmem>> -> memref<8x128xf32, #tpu.memory_space<vmem>>
    %dma_wait3A_236 = arith.constant 0 : i32
    %dma_wait3A_237 = arith.constant 0 : i32
    %dma_wait3A_238 = tpu.memref_slice %arg5[%dma_wait3A_228, %dma_wait3A_229, %dma_wait3A_230, %dma_wait3A_236, %dma_wait3A_237] : memref<50x8x32x8x128xf32, #tpu.memory_space<hbm>> -> memref<1x1x1x8x128xf32, #tpu.memory_space<hbm>>
    %dma_wait3A_239 = tpu.memref_squeeze %dma_wait3A_238 : memref<1x1x1x8x128xf32, #tpu.memory_space<hbm>> -> memref<8x128xf32, #tpu.memory_space<hbm>>
    %dma_wait3A_240 = tpu.memref_slice %arg12[%dma_wait3A_231] : memref<3x!tpu.dma_semaphore, #tpu.memory_space<semaphore_mem>> -> memref<1x!tpu.dma_semaphore, #tpu.memory_space<semaphore_mem>>
    %dma_wait3A_241 = tpu.memref_squeeze %dma_wait3A_240 : memref<1x!tpu.dma_semaphore, #tpu.memory_space<semaphore_mem>> -> memref<!tpu.dma_semaphore, #tpu.memory_space<semaphore_mem>>
    %dma_wait3A_242 = arith.constant 0 : i32
    %dma_wait3A_243 = arith.constant 0 : i32
    %dma_wait3A_244 = tpu.memref_slice %arg5[%dma_wait3A_228, %dma_wait3A_229, %dma_wait3A_230, %dma_wait3A_242, %dma_wait3A_243] : memref<50x8x32x8x128xf32, #tpu.memory_space<hbm>> -> memref<1x1x1x8x128xf32, #tpu.memory_space<hbm>>
    %dma_wait3A_245 = tpu.memref_squeeze %dma_wait3A_244 : memref<1x1x1x8x128xf32, #tpu.memory_space<hbm>> -> memref<8x128xf32, #tpu.memory_space<hbm>>
    %dma_wait3A_246 = arith.constant 56 : i32
    %dma_wait3A_247 = arith.constant 0 : i32
    %dma_wait3A_248 = tpu.memref_slice %arg9[%dma_wait3A_227, %dma_wait3A_246, %dma_wait3A_247] : memref<3x64x129xf32, #tpu.memory_space<vmem>> -> memref<1x8x128xf32, #tpu.memory_space<vmem>>
    %dma_wait3A_249 = tpu.memref_squeeze %dma_wait3A_248 : memref<1x8x128xf32, #tpu.memory_space<vmem>> -> memref<8x128xf32, #tpu.memory_space<vmem>>
    tpu.wait_dma2 semaphore(%dma_wait3A_241 : memref<!tpu.dma_semaphore, #tpu.memory_space<semaphore_mem>>) src(%dma_wait3A_249 : memref<8x128xf32, #tpu.memory_space<vmem>>) dst(%dma_wait3A_245 : memref<8x128xf32, #tpu.memory_space<hbm>>)
    %dma_wait3A_250 = arith.constant 1 : i32
    %dma_wait3A_251 = arith.constant 0 : i32
    %dma_wait3A_252 = arith.constant 0 : i32
    %dma_wait3A_253 = arith.constant 0 : i32
    %dma_wait3A_254 = arith.constant 1 : i32
    %dma_wait3A_255 = arith.constant 0 : i32
    %dma_wait3A_256 = arith.constant 0 : i32
    %dma_wait3A_257 = tpu.memref_slice %arg9[%dma_wait3A_250, %dma_wait3A_255, %dma_wait3A_256] : memref<3x64x129xf32, #tpu.memory_space<vmem>> -> memref<1x8x128xf32, #tpu.memory_space<vmem>>
    %dma_wait3A_258 = tpu.memref_squeeze %dma_wait3A_257 : memref<1x8x128xf32, #tpu.memory_space<vmem>> -> memref<8x128xf32, #tpu.memory_space<vmem>>
    %dma_wait3A_259 = arith.constant 0 : i32
    %dma_wait3A_260 = arith.constant 0 : i32
    %dma_wait3A_261 = tpu.memref_slice %arg5[%dma_wait3A_251, %dma_wait3A_252, %dma_wait3A_253, %dma_wait3A_259, %dma_wait3A_260] : memref<50x8x32x8x128xf32, #tpu.memory_space<hbm>> -> memref<1x1x1x8x128xf32, #tpu.memory_space<hbm>>
    %dma_wait3A_262 = tpu.memref_squeeze %dma_wait3A_261 : memref<1x1x1x8x128xf32, #tpu.memory_space<hbm>> -> memref<8x128xf32, #tpu.memory_space<hbm>>
    %dma_wait3A_263 = tpu.memref_slice %arg12[%dma_wait3A_254] : memref<3x!tpu.dma_semaphore, #tpu.memory_space<semaphore_mem>> -> memref<1x!tpu.dma_semaphore, #tpu.memory_space<semaphore_mem>>
    %dma_wait3A_264 = tpu.memref_squeeze %dma_wait3A_263 : memref<1x!tpu.dma_semaphore, #tpu.memory_space<semaphore_mem>> -> memref<!tpu.dma_semaphore, #tpu.memory_space<semaphore_mem>>
    %dma_wait3A_265 = arith.constant 0 : i32
    %dma_wait3A_266 = arith.constant 0 : i32
    %dma_wait3A_267 = tpu.memref_slice %arg5[%dma_wait3A_251, %dma_wait3A_252, %dma_wait3A_253, %dma_wait3A_265, %dma_wait3A_266] : memref<50x8x32x8x128xf32, #tpu.memory_space<hbm>> -> memref<1x1x1x8x128xf32, #tpu.memory_space<hbm>>
    %dma_wait3A_268 = tpu.memref_squeeze %dma_wait3A_267 : memref<1x1x1x8x128xf32, #tpu.memory_space<hbm>> -> memref<8x128xf32, #tpu.memory_space<hbm>>
    %dma_wait3A_269 = arith.constant 0 : i32
    %dma_wait3A_270 = arith.constant 0 : i32
    %dma_wait3A_271 = tpu.memref_slice %arg9[%dma_wait3A_250, %dma_wait3A_269, %dma_wait3A_270] : memref<3x64x129xf32, #tpu.memory_space<vmem>> -> memref<1x8x128xf32, #tpu.memory_space<vmem>>
    %dma_wait3A_272 = tpu.memref_squeeze %dma_wait3A_271 : memref<1x8x128xf32, #tpu.memory_space<vmem>> -> memref<8x128xf32, #tpu.memory_space<vmem>>
    tpu.wait_dma2 semaphore(%dma_wait3A_264 : memref<!tpu.dma_semaphore, #tpu.memory_space<semaphore_mem>>) src(%dma_wait3A_272 : memref<8x128xf32, #tpu.memory_space<vmem>>) dst(%dma_wait3A_268 : memref<8x128xf32, #tpu.memory_space<hbm>>)
    %dma_wait3A_273 = arith.constant 1 : i32
    %dma_wait3A_274 = arith.constant 0 : i32
    %dma_wait3A_275 = arith.constant 1 : i32
    %dma_wait3A_276 = arith.constant 0 : i32
    %dma_wait3A_277 = arith.constant 1 : i32
    %dma_wait3A_278 = arith.constant 8 : i32
    %dma_wait3A_279 = arith.constant 0 : i32
    %dma_wait3A_280 = tpu.memref_slice %arg9[%dma_wait3A_273, %dma_wait3A_278, %dma_wait3A_279] : memref<3x64x129xf32, #tpu.memory_space<vmem>> -> memref<1x8x128xf32, #tpu.memory_space<vmem>>
    %dma_wait3A_281 = tpu.memref_squeeze %dma_wait3A_280 : memref<1x8x128xf32, #tpu.memory_space<vmem>> -> memref<8x128xf32, #tpu.memory_space<vmem>>
    %dma_wait3A_282 = arith.constant 0 : i32
    %dma_wait3A_283 = arith.constant 0 : i32
    %dma_wait3A_284 = tpu.memref_slice %arg5[%dma_wait3A_274, %dma_wait3A_275, %dma_wait3A_276, %dma_wait3A_282, %dma_wait3A_283] : memref<50x8x32x8x128xf32, #tpu.memory_space<hbm>> -> memref<1x1x1x8x128xf32, #tpu.memory_space<hbm>>
    %dma_wait3A_285 = tpu.memref_squeeze %dma_wait3A_284 : memref<1x1x1x8x128xf32, #tpu.memory_space<hbm>> -> memref<8x128xf32, #tpu.memory_space<hbm>>
    %dma_wait3A_286 = tpu.memref_slice %arg12[%dma_wait3A_277] : memref<3x!tpu.dma_semaphore, #tpu.memory_space<semaphore_mem>> -> memref<1x!tpu.dma_semaphore, #tpu.memory_space<semaphore_mem>>
    %dma_wait3A_287 = tpu.memref_squeeze %dma_wait3A_286 : memref<1x!tpu.dma_semaphore, #tpu.memory_space<semaphore_mem>> -> memref<!tpu.dma_semaphore, #tpu.memory_space<semaphore_mem>>
    %dma_wait3A_288 = arith.constant 0 : i32
    %dma_wait3A_289 = arith.constant 0 : i32
    %dma_wait3A_290 = tpu.memref_slice %arg5[%dma_wait3A_274, %dma_wait3A_275, %dma_wait3A_276, %dma_wait3A_288, %dma_wait3A_289] : memref<50x8x32x8x128xf32, #tpu.memory_space<hbm>> -> memref<1x1x1x8x128xf32, #tpu.memory_space<hbm>>
    %dma_wait3A_291 = tpu.memref_squeeze %dma_wait3A_290 : memref<1x1x1x8x128xf32, #tpu.memory_space<hbm>> -> memref<8x128xf32, #tpu.memory_space<hbm>>
    %dma_wait3A_292 = arith.constant 8 : i32
    %dma_wait3A_293 = arith.constant 0 : i32
    %dma_wait3A_294 = tpu.memref_slice %arg9[%dma_wait3A_273, %dma_wait3A_292, %dma_wait3A_293] : memref<3x64x129xf32, #tpu.memory_space<vmem>> -> memref<1x8x128xf32, #tpu.memory_space<vmem>>
    %dma_wait3A_295 = tpu.memref_squeeze %dma_wait3A_294 : memref<1x8x128xf32, #tpu.memory_space<vmem>> -> memref<8x128xf32, #tpu.memory_space<vmem>>
    tpu.wait_dma2 semaphore(%dma_wait3A_287 : memref<!tpu.dma_semaphore, #tpu.memory_space<semaphore_mem>>) src(%dma_wait3A_295 : memref<8x128xf32, #tpu.memory_space<vmem>>) dst(%dma_wait3A_291 : memref<8x128xf32, #tpu.memory_space<hbm>>)
    %dma_wait3A_296 = arith.constant 1 : i32
    %dma_wait3A_297 = arith.constant 0 : i32
    %dma_wait3A_298 = arith.constant 2 : i32
    %dma_wait3A_299 = arith.constant 0 : i32
    %dma_wait3A_300 = arith.constant 1 : i32
    %dma_wait3A_301 = arith.constant 16 : i32
    %dma_wait3A_302 = arith.constant 0 : i32
    %dma_wait3A_303 = tpu.memref_slice %arg9[%dma_wait3A_296, %dma_wait3A_301, %dma_wait3A_302] : memref<3x64x129xf32, #tpu.memory_space<vmem>> -> memref<1x8x128xf32, #tpu.memory_space<vmem>>
    %dma_wait3A_304 = tpu.memref_squeeze %dma_wait3A_303 : memref<1x8x128xf32, #tpu.memory_space<vmem>> -> memref<8x128xf32, #tpu.memory_space<vmem>>
    %dma_wait3A_305 = arith.constant 0 : i32
    %dma_wait3A_306 = arith.constant 0 : i32
    %dma_wait3A_307 = tpu.memref_slice %arg5[%dma_wait3A_297, %dma_wait3A_298, %dma_wait3A_299, %dma_wait3A_305, %dma_wait3A_306] : memref<50x8x32x8x128xf32, #tpu.memory_space<hbm>> -> memref<1x1x1x8x128xf32, #tpu.memory_space<hbm>>
    %dma_wait3A_308 = tpu.memref_squeeze %dma_wait3A_307 : memref<1x1x1x8x128xf32, #tpu.memory_space<hbm>> -> memref<8x128xf32, #tpu.memory_space<hbm>>
    %dma_wait3A_309 = tpu.memref_slice %arg12[%dma_wait3A_300] : memref<3x!tpu.dma_semaphore, #tpu.memory_space<semaphore_mem>> -> memref<1x!tpu.dma_semaphore, #tpu.memory_space<semaphore_mem>>
    %dma_wait3A_310 = tpu.memref_squeeze %dma_wait3A_309 : memref<1x!tpu.dma_semaphore, #tpu.memory_space<semaphore_mem>> -> memref<!tpu.dma_semaphore, #tpu.memory_space<semaphore_mem>>
    %dma_wait3A_311 = arith.constant 0 : i32
    %dma_wait3A_312 = arith.constant 0 : i32
    %dma_wait3A_313 = tpu.memref_slice %arg5[%dma_wait3A_297, %dma_wait3A_298, %dma_wait3A_299, %dma_wait3A_311, %dma_wait3A_312] : memref<50x8x32x8x128xf32, #tpu.memory_space<hbm>> -> memref<1x1x1x8x128xf32, #tpu.memory_space<hbm>>
    %dma_wait3A_314 = tpu.memref_squeeze %dma_wait3A_313 : memref<1x1x1x8x128xf32, #tpu.memory_space<hbm>> -> memref<8x128xf32, #tpu.memory_space<hbm>>
    %dma_wait3A_315 = arith.constant 16 : i32
    %dma_wait3A_316 = arith.constant 0 : i32
    %dma_wait3A_317 = tpu.memref_slice %arg9[%dma_wait3A_296, %dma_wait3A_315, %dma_wait3A_316] : memref<3x64x129xf32, #tpu.memory_space<vmem>> -> memref<1x8x128xf32, #tpu.memory_space<vmem>>
    %dma_wait3A_318 = tpu.memref_squeeze %dma_wait3A_317 : memref<1x8x128xf32, #tpu.memory_space<vmem>> -> memref<8x128xf32, #tpu.memory_space<vmem>>
    tpu.wait_dma2 semaphore(%dma_wait3A_310 : memref<!tpu.dma_semaphore, #tpu.memory_space<semaphore_mem>>) src(%dma_wait3A_318 : memref<8x128xf32, #tpu.memory_space<vmem>>) dst(%dma_wait3A_314 : memref<8x128xf32, #tpu.memory_space<hbm>>)
    %dma_wait3A_319 = arith.constant 1 : i32
    %dma_wait3A_320 = arith.constant 0 : i32
    %dma_wait3A_321 = arith.constant 3 : i32
    %dma_wait3A_322 = arith.constant 0 : i32
    %dma_wait3A_323 = arith.constant 1 : i32
    %dma_wait3A_324 = arith.constant 24 : i32
    %dma_wait3A_325 = arith.constant 0 : i32
    %dma_wait3A_326 = tpu.memref_slice %arg9[%dma_wait3A_319, %dma_wait3A_324, %dma_wait3A_325] : memref<3x64x129xf32, #tpu.memory_space<vmem>> -> memref<1x8x128xf32, #tpu.memory_space<vmem>>
    %dma_wait3A_327 = tpu.memref_squeeze %dma_wait3A_326 : memref<1x8x128xf32, #tpu.memory_space<vmem>> -> memref<8x128xf32, #tpu.memory_space<vmem>>
    %dma_wait3A_328 = arith.constant 0 : i32
    %dma_wait3A_329 = arith.constant 0 : i32
    %dma_wait3A_330 = tpu.memref_slice %arg5[%dma_wait3A_320, %dma_wait3A_321, %dma_wait3A_322, %dma_wait3A_328, %dma_wait3A_329] : memref<50x8x32x8x128xf32, #tpu.memory_space<hbm>> -> memref<1x1x1x8x128xf32, #tpu.memory_space<hbm>>
    %dma_wait3A_331 = tpu.memref_squeeze %dma_wait3A_330 : memref<1x1x1x8x128xf32, #tpu.memory_space<hbm>> -> memref<8x128xf32, #tpu.memory_space<hbm>>
    %dma_wait3A_332 = tpu.memref_slice %arg12[%dma_wait3A_323] : memref<3x!tpu.dma_semaphore, #tpu.memory_space<semaphore_mem>> -> memref<1x!tpu.dma_semaphore, #tpu.memory_space<semaphore_mem>>
    %dma_wait3A_333 = tpu.memref_squeeze %dma_wait3A_332 : memref<1x!tpu.dma_semaphore, #tpu.memory_space<semaphore_mem>> -> memref<!tpu.dma_semaphore, #tpu.memory_space<semaphore_mem>>
    %dma_wait3A_334 = arith.constant 0 : i32
    %dma_wait3A_335 = arith.constant 0 : i32
    %dma_wait3A_336 = tpu.memref_slice %arg5[%dma_wait3A_320, %dma_wait3A_321, %dma_wait3A_322, %dma_wait3A_334, %dma_wait3A_335] : memref<50x8x32x8x128xf32, #tpu.memory_space<hbm>> -> memref<1x1x1x8x128xf32, #tpu.memory_space<hbm>>
    %dma_wait3A_337 = tpu.memref_squeeze %dma_wait3A_336 : memref<1x1x1x8x128xf32, #tpu.memory_space<hbm>> -> memref<8x128xf32, #tpu.memory_space<hbm>>
    %dma_wait3A_338 = arith.constant 24 : i32
    %dma_wait3A_339 = arith.constant 0 : i32
    %dma_wait3A_340 = tpu.memref_slice %arg9[%dma_wait3A_319, %dma_wait3A_338, %dma_wait3A_339] : memref<3x64x129xf32, #tpu.memory_space<vmem>> -> memref<1x8x128xf32, #tpu.memory_space<vmem>>
    %dma_wait3A_341 = tpu.memref_squeeze %dma_wait3A_340 : memref<1x8x128xf32, #tpu.memory_space<vmem>> -> memref<8x128xf32, #tpu.memory_space<vmem>>
    tpu.wait_dma2 semaphore(%dma_wait3A_333 : memref<!tpu.dma_semaphore, #tpu.memory_space<semaphore_mem>>) src(%dma_wait3A_341 : memref<8x128xf32, #tpu.memory_space<vmem>>) dst(%dma_wait3A_337 : memref<8x128xf32, #tpu.memory_space<hbm>>)
    %dma_wait3A_342 = arith.constant 1 : i32
    %dma_wait3A_343 = arith.constant 0 : i32
    %dma_wait3A_344 = arith.constant 4 : i32
    %dma_wait3A_345 = arith.constant 0 : i32
    %dma_wait3A_346 = arith.constant 1 : i32
    %dma_wait3A_347 = arith.constant 32 : i32
    %dma_wait3A_348 = arith.constant 0 : i32
    %dma_wait3A_349 = tpu.memref_slice %arg9[%dma_wait3A_342, %dma_wait3A_347, %dma_wait3A_348] : memref<3x64x129xf32, #tpu.memory_space<vmem>> -> memref<1x8x128xf32, #tpu.memory_space<vmem>>
    %dma_wait3A_350 = tpu.memref_squeeze %dma_wait3A_349 : memref<1x8x128xf32, #tpu.memory_space<vmem>> -> memref<8x128xf32, #tpu.memory_space<vmem>>
    %dma_wait3A_351 = arith.constant 0 : i32
    %dma_wait3A_352 = arith.constant 0 : i32
    %dma_wait3A_353 = tpu.memref_slice %arg5[%dma_wait3A_343, %dma_wait3A_344, %dma_wait3A_345, %dma_wait3A_351, %dma_wait3A_352] : memref<50x8x32x8x128xf32, #tpu.memory_space<hbm>> -> memref<1x1x1x8x128xf32, #tpu.memory_space<hbm>>
    %dma_wait3A_354 = tpu.memref_squeeze %dma_wait3A_353 : memref<1x1x1x8x128xf32, #tpu.memory_space<hbm>> -> memref<8x128xf32, #tpu.memory_space<hbm>>
    %dma_wait3A_355 = tpu.memref_slice %arg12[%dma_wait3A_346] : memref<3x!tpu.dma_semaphore, #tpu.memory_space<semaphore_mem>> -> memref<1x!tpu.dma_semaphore, #tpu.memory_space<semaphore_mem>>
    %dma_wait3A_356 = tpu.memref_squeeze %dma_wait3A_355 : memref<1x!tpu.dma_semaphore, #tpu.memory_space<semaphore_mem>> -> memref<!tpu.dma_semaphore, #tpu.memory_space<semaphore_mem>>
    %dma_wait3A_357 = arith.constant 0 : i32
    %dma_wait3A_358 = arith.constant 0 : i32
    %dma_wait3A_359 = tpu.memref_slice %arg5[%dma_wait3A_343, %dma_wait3A_344, %dma_wait3A_345, %dma_wait3A_357, %dma_wait3A_358] : memref<50x8x32x8x128xf32, #tpu.memory_space<hbm>> -> memref<1x1x1x8x128xf32, #tpu.memory_space<hbm>>
    %dma_wait3A_360 = tpu.memref_squeeze %dma_wait3A_359 : memref<1x1x1x8x128xf32, #tpu.memory_space<hbm>> -> memref<8x128xf32, #tpu.memory_space<hbm>>
    %dma_wait3A_361 = arith.constant 32 : i32
    %dma_wait3A_362 = arith.constant 0 : i32
    %dma_wait3A_363 = tpu.memref_slice %arg9[%dma_wait3A_342, %dma_wait3A_361, %dma_wait3A_362] : memref<3x64x129xf32, #tpu.memory_space<vmem>> -> memref<1x8x128xf32, #tpu.memory_space<vmem>>
    %dma_wait3A_364 = tpu.memref_squeeze %dma_wait3A_363 : memref<1x8x128xf32, #tpu.memory_space<vmem>> -> memref<8x128xf32, #tpu.memory_space<vmem>>
    tpu.wait_dma2 semaphore(%dma_wait3A_356 : memref<!tpu.dma_semaphore, #tpu.memory_space<semaphore_mem>>) src(%dma_wait3A_364 : memref<8x128xf32, #tpu.memory_space<vmem>>) dst(%dma_wait3A_360 : memref<8x128xf32, #tpu.memory_space<hbm>>)
    %dma_wait3A_365 = arith.constant 1 : i32
    %dma_wait3A_366 = arith.constant 0 : i32
    %dma_wait3A_367 = arith.constant 5 : i32
    %dma_wait3A_368 = arith.constant 0 : i32
    %dma_wait3A_369 = arith.constant 1 : i32
    %dma_wait3A_370 = arith.constant 40 : i32
    %dma_wait3A_371 = arith.constant 0 : i32
    %dma_wait3A_372 = tpu.memref_slice %arg9[%dma_wait3A_365, %dma_wait3A_370, %dma_wait3A_371] : memref<3x64x129xf32, #tpu.memory_space<vmem>> -> memref<1x8x128xf32, #tpu.memory_space<vmem>>
    %dma_wait3A_373 = tpu.memref_squeeze %dma_wait3A_372 : memref<1x8x128xf32, #tpu.memory_space<vmem>> -> memref<8x128xf32, #tpu.memory_space<vmem>>
    %dma_wait3A_374 = arith.constant 0 : i32
    %dma_wait3A_375 = arith.constant 0 : i32
    %dma_wait3A_376 = tpu.memref_slice %arg5[%dma_wait3A_366, %dma_wait3A_367, %dma_wait3A_368, %dma_wait3A_374, %dma_wait3A_375] : memref<50x8x32x8x128xf32, #tpu.memory_space<hbm>> -> memref<1x1x1x8x128xf32, #tpu.memory_space<hbm>>
    %dma_wait3A_377 = tpu.memref_squeeze %dma_wait3A_376 : memref<1x1x1x8x128xf32, #tpu.memory_space<hbm>> -> memref<8x128xf32, #tpu.memory_space<hbm>>
    %dma_wait3A_378 = tpu.memref_slice %arg12[%dma_wait3A_369] : memref<3x!tpu.dma_semaphore, #tpu.memory_space<semaphore_mem>> -> memref<1x!tpu.dma_semaphore, #tpu.memory_space<semaphore_mem>>
    %dma_wait3A_379 = tpu.memref_squeeze %dma_wait3A_378 : memref<1x!tpu.dma_semaphore, #tpu.memory_space<semaphore_mem>> -> memref<!tpu.dma_semaphore, #tpu.memory_space<semaphore_mem>>
    %dma_wait3A_380 = arith.constant 0 : i32
    %dma_wait3A_381 = arith.constant 0 : i32
    %dma_wait3A_382 = tpu.memref_slice %arg5[%dma_wait3A_366, %dma_wait3A_367, %dma_wait3A_368, %dma_wait3A_380, %dma_wait3A_381] : memref<50x8x32x8x128xf32, #tpu.memory_space<hbm>> -> memref<1x1x1x8x128xf32, #tpu.memory_space<hbm>>
    %dma_wait3A_383 = tpu.memref_squeeze %dma_wait3A_382 : memref<1x1x1x8x128xf32, #tpu.memory_space<hbm>> -> memref<8x128xf32, #tpu.memory_space<hbm>>
    %dma_wait3A_384 = arith.constant 40 : i32
    %dma_wait3A_385 = arith.constant 0 : i32
    %dma_wait3A_386 = tpu.memref_slice %arg9[%dma_wait3A_365, %dma_wait3A_384, %dma_wait3A_385] : memref<3x64x129xf32, #tpu.memory_space<vmem>> -> memref<1x8x128xf32, #tpu.memory_space<vmem>>
    %dma_wait3A_387 = tpu.memref_squeeze %dma_wait3A_386 : memref<1x8x128xf32, #tpu.memory_space<vmem>> -> memref<8x128xf32, #tpu.memory_space<vmem>>
    tpu.wait_dma2 semaphore(%dma_wait3A_379 : memref<!tpu.dma_semaphore, #tpu.memory_space<semaphore_mem>>) src(%dma_wait3A_387 : memref<8x128xf32, #tpu.memory_space<vmem>>) dst(%dma_wait3A_383 : memref<8x128xf32, #tpu.memory_space<hbm>>)
    %dma_wait3A_388 = arith.constant 1 : i32
    %dma_wait3A_389 = arith.constant 0 : i32
    %dma_wait3A_390 = arith.constant 6 : i32
    %dma_wait3A_391 = arith.constant 0 : i32
    %dma_wait3A_392 = arith.constant 1 : i32
    %dma_wait3A_393 = arith.constant 48 : i32
    %dma_wait3A_394 = arith.constant 0 : i32
    %dma_wait3A_395 = tpu.memref_slice %arg9[%dma_wait3A_388, %dma_wait3A_393, %dma_wait3A_394] : memref<3x64x129xf32, #tpu.memory_space<vmem>> -> memref<1x8x128xf32, #tpu.memory_space<vmem>>
    %dma_wait3A_396 = tpu.memref_squeeze %dma_wait3A_395 : memref<1x8x128xf32, #tpu.memory_space<vmem>> -> memref<8x128xf32, #tpu.memory_space<vmem>>
    %dma_wait3A_397 = arith.constant 0 : i32
    %dma_wait3A_398 = arith.constant 0 : i32
    %dma_wait3A_399 = tpu.memref_slice %arg5[%dma_wait3A_389, %dma_wait3A_390, %dma_wait3A_391, %dma_wait3A_397, %dma_wait3A_398] : memref<50x8x32x8x128xf32, #tpu.memory_space<hbm>> -> memref<1x1x1x8x128xf32, #tpu.memory_space<hbm>>
    %dma_wait3A_400 = tpu.memref_squeeze %dma_wait3A_399 : memref<1x1x1x8x128xf32, #tpu.memory_space<hbm>> -> memref<8x128xf32, #tpu.memory_space<hbm>>
    %dma_wait3A_401 = tpu.memref_slice %arg12[%dma_wait3A_392] : memref<3x!tpu.dma_semaphore, #tpu.memory_space<semaphore_mem>> -> memref<1x!tpu.dma_semaphore, #tpu.memory_space<semaphore_mem>>
    %dma_wait3A_402 = tpu.memref_squeeze %dma_wait3A_401 : memref<1x!tpu.dma_semaphore, #tpu.memory_space<semaphore_mem>> -> memref<!tpu.dma_semaphore, #tpu.memory_space<semaphore_mem>>
    %dma_wait3A_403 = arith.constant 0 : i32
    %dma_wait3A_404 = arith.constant 0 : i32
    %dma_wait3A_405 = tpu.memref_slice %arg5[%dma_wait3A_389, %dma_wait3A_390, %dma_wait3A_391, %dma_wait3A_403, %dma_wait3A_404] : memref<50x8x32x8x128xf32, #tpu.memory_space<hbm>> -> memref<1x1x1x8x128xf32, #tpu.memory_space<hbm>>
    %dma_wait3A_406 = tpu.memref_squeeze %dma_wait3A_405 : memref<1x1x1x8x128xf32, #tpu.memory_space<hbm>> -> memref<8x128xf32, #tpu.memory_space<hbm>>
    %dma_wait3A_407 = arith.constant 48 : i32
    %dma_wait3A_408 = arith.constant 0 : i32
    %dma_wait3A_409 = tpu.memref_slice %arg9[%dma_wait3A_388, %dma_wait3A_407, %dma_wait3A_408] : memref<3x64x129xf32, #tpu.memory_space<vmem>> -> memref<1x8x128xf32, #tpu.memory_space<vmem>>
    %dma_wait3A_410 = tpu.memref_squeeze %dma_wait3A_409 : memref<1x8x128xf32, #tpu.memory_space<vmem>> -> memref<8x128xf32, #tpu.memory_space<vmem>>
    tpu.wait_dma2 semaphore(%dma_wait3A_402 : memref<!tpu.dma_semaphore, #tpu.memory_space<semaphore_mem>>) src(%dma_wait3A_410 : memref<8x128xf32, #tpu.memory_space<vmem>>) dst(%dma_wait3A_406 : memref<8x128xf32, #tpu.memory_space<hbm>>)
    %dma_wait3A_411 = arith.constant 1 : i32
    %dma_wait3A_412 = arith.constant 0 : i32
    %dma_wait3A_413 = arith.constant 7 : i32
    %dma_wait3A_414 = arith.constant 0 : i32
    %dma_wait3A_415 = arith.constant 1 : i32
    %dma_wait3A_416 = arith.constant 56 : i32
    %dma_wait3A_417 = arith.constant 0 : i32
    %dma_wait3A_418 = tpu.memref_slice %arg9[%dma_wait3A_411, %dma_wait3A_416, %dma_wait3A_417] : memref<3x64x129xf32, #tpu.memory_space<vmem>> -> memref<1x8x128xf32, #tpu.memory_space<vmem>>
    %dma_wait3A_419 = tpu.memref_squeeze %dma_wait3A_418 : memref<1x8x128xf32, #tpu.memory_space<vmem>> -> memref<8x128xf32, #tpu.memory_space<vmem>>
    %dma_wait3A_420 = arith.constant 0 : i32
    %dma_wait3A_421 = arith.constant 0 : i32
    %dma_wait3A_422 = tpu.memref_slice %arg5[%dma_wait3A_412, %dma_wait3A_413, %dma_wait3A_414, %dma_wait3A_420, %dma_wait3A_421] : memref<50x8x32x8x128xf32, #tpu.memory_space<hbm>> -> memref<1x1x1x8x128xf32, #tpu.memory_space<hbm>>
    %dma_wait3A_423 = tpu.memref_squeeze %dma_wait3A_422 : memref<1x1x1x8x128xf32, #tpu.memory_space<hbm>> -> memref<8x128xf32, #tpu.memory_space<hbm>>
    %dma_wait3A_424 = tpu.memref_slice %arg12[%dma_wait3A_415] : memref<3x!tpu.dma_semaphore, #tpu.memory_space<semaphore_mem>> -> memref<1x!tpu.dma_semaphore, #tpu.memory_space<semaphore_mem>>
    %dma_wait3A_425 = tpu.memref_squeeze %dma_wait3A_424 : memref<1x!tpu.dma_semaphore, #tpu.memory_space<semaphore_mem>> -> memref<!tpu.dma_semaphore, #tpu.memory_space<semaphore_mem>>
    %dma_wait3A_426 = arith.constant 0 : i32
    %dma_wait3A_427 = arith.constant 0 : i32
    %dma_wait3A_428 = tpu.memref_slice %arg5[%dma_wait3A_412, %dma_wait3A_413, %dma_wait3A_414, %dma_wait3A_426, %dma_wait3A_427] : memref<50x8x32x8x128xf32, #tpu.memory_space<hbm>> -> memref<1x1x1x8x128xf32, #tpu.memory_space<hbm>>
    %dma_wait3A_429 = tpu.memref_squeeze %dma_wait3A_428 : memref<1x1x1x8x128xf32, #tpu.memory_space<hbm>> -> memref<8x128xf32, #tpu.memory_space<hbm>>
    %dma_wait3A_430 = arith.constant 56 : i32
    %dma_wait3A_431 = arith.constant 0 : i32
    %dma_wait3A_432 = tpu.memref_slice %arg9[%dma_wait3A_411, %dma_wait3A_430, %dma_wait3A_431] : memref<3x64x129xf32, #tpu.memory_space<vmem>> -> memref<1x8x128xf32, #tpu.memory_space<vmem>>
    %dma_wait3A_433 = tpu.memref_squeeze %dma_wait3A_432 : memref<1x8x128xf32, #tpu.memory_space<vmem>> -> memref<8x128xf32, #tpu.memory_space<vmem>>
    tpu.wait_dma2 semaphore(%dma_wait3A_425 : memref<!tpu.dma_semaphore, #tpu.memory_space<semaphore_mem>>) src(%dma_wait3A_433 : memref<8x128xf32, #tpu.memory_space<vmem>>) dst(%dma_wait3A_429 : memref<8x128xf32, #tpu.memory_space<hbm>>)
    %dma_wait3A_434 = arith.constant 2 : i32
    %dma_wait3A_435 = arith.constant 0 : i32
    %dma_wait3A_436 = arith.constant 0 : i32
    %dma_wait3A_437 = arith.constant 0 : i32
    %dma_wait3A_438 = arith.constant 2 : i32
    %dma_wait3A_439 = arith.constant 0 : i32
    %dma_wait3A_440 = arith.constant 0 : i32
    %dma_wait3A_441 = tpu.memref_slice %arg9[%dma_wait3A_434, %dma_wait3A_439, %dma_wait3A_440] : memref<3x64x129xf32, #tpu.memory_space<vmem>> -> memref<1x8x128xf32, #tpu.memory_space<vmem>>
    %dma_wait3A_442 = tpu.memref_squeeze %dma_wait3A_441 : memref<1x8x128xf32, #tpu.memory_space<vmem>> -> memref<8x128xf32, #tpu.memory_space<vmem>>
    %dma_wait3A_443 = arith.constant 0 : i32
    %dma_wait3A_444 = arith.constant 0 : i32
    %dma_wait3A_445 = tpu.memref_slice %arg5[%dma_wait3A_435, %dma_wait3A_436, %dma_wait3A_437, %dma_wait3A_443, %dma_wait3A_444] : memref<50x8x32x8x128xf32, #tpu.memory_space<hbm>> -> memref<1x1x1x8x128xf32, #tpu.memory_space<hbm>>
    %dma_wait3A_446 = tpu.memref_squeeze %dma_wait3A_445 : memref<1x1x1x8x128xf32, #tpu.memory_space<hbm>> -> memref<8x128xf32, #tpu.memory_space<hbm>>
    %dma_wait3A_447 = tpu.memref_slice %arg12[%dma_wait3A_438] : memref<3x!tpu.dma_semaphore, #tpu.memory_space<semaphore_mem>> -> memref<1x!tpu.dma_semaphore, #tpu.memory_space<semaphore_mem>>
    %dma_wait3A_448 = tpu.memref_squeeze %dma_wait3A_447 : memref<1x!tpu.dma_semaphore, #tpu.memory_space<semaphore_mem>> -> memref<!tpu.dma_semaphore, #tpu.memory_space<semaphore_mem>>
    %dma_wait3A_449 = arith.constant 0 : i32
    %dma_wait3A_450 = arith.constant 0 : i32
    %dma_wait3A_451 = tpu.memref_slice %arg5[%dma_wait3A_435, %dma_wait3A_436, %dma_wait3A_437, %dma_wait3A_449, %dma_wait3A_450] : memref<50x8x32x8x128xf32, #tpu.memory_space<hbm>> -> memref<1x1x1x8x128xf32, #tpu.memory_space<hbm>>
    %dma_wait3A_452 = tpu.memref_squeeze %dma_wait3A_451 : memref<1x1x1x8x128xf32, #tpu.memory_space<hbm>> -> memref<8x128xf32, #tpu.memory_space<hbm>>
    %dma_wait3A_453 = arith.constant 0 : i32
    %dma_wait3A_454 = arith.constant 0 : i32
    %dma_wait3A_455 = tpu.memref_slice %arg9[%dma_wait3A_434, %dma_wait3A_453, %dma_wait3A_454] : memref<3x64x129xf32, #tpu.memory_space<vmem>> -> memref<1x8x128xf32, #tpu.memory_space<vmem>>
    %dma_wait3A_456 = tpu.memref_squeeze %dma_wait3A_455 : memref<1x8x128xf32, #tpu.memory_space<vmem>> -> memref<8x128xf32, #tpu.memory_space<vmem>>
    tpu.wait_dma2 semaphore(%dma_wait3A_448 : memref<!tpu.dma_semaphore, #tpu.memory_space<semaphore_mem>>) src(%dma_wait3A_456 : memref<8x128xf32, #tpu.memory_space<vmem>>) dst(%dma_wait3A_452 : memref<8x128xf32, #tpu.memory_space<hbm>>)
    %dma_wait3A_457 = arith.constant 2 : i32
    %dma_wait3A_458 = arith.constant 0 : i32
    %dma_wait3A_459 = arith.constant 1 : i32
    %dma_wait3A_460 = arith.constant 0 : i32
    %dma_wait3A_461 = arith.constant 2 : i32
    %dma_wait3A_462 = arith.constant 8 : i32
    %dma_wait3A_463 = arith.constant 0 : i32
    %dma_wait3A_464 = tpu.memref_slice %arg9[%dma_wait3A_457, %dma_wait3A_462, %dma_wait3A_463] : memref<3x64x129xf32, #tpu.memory_space<vmem>> -> memref<1x8x128xf32, #tpu.memory_space<vmem>>
    %dma_wait3A_465 = tpu.memref_squeeze %dma_wait3A_464 : memref<1x8x128xf32, #tpu.memory_space<vmem>> -> memref<8x128xf32, #tpu.memory_space<vmem>>
    %dma_wait3A_466 = arith.constant 0 : i32
    %dma_wait3A_467 = arith.constant 0 : i32
    %dma_wait3A_468 = tpu.memref_slice %arg5[%dma_wait3A_458, %dma_wait3A_459, %dma_wait3A_460, %dma_wait3A_466, %dma_wait3A_467] : memref<50x8x32x8x128xf32, #tpu.memory_space<hbm>> -> memref<1x1x1x8x128xf32, #tpu.memory_space<hbm>>
    %dma_wait3A_469 = tpu.memref_squeeze %dma_wait3A_468 : memref<1x1x1x8x128xf32, #tpu.memory_space<hbm>> -> memref<8x128xf32, #tpu.memory_space<hbm>>
    %dma_wait3A_470 = tpu.memref_slice %arg12[%dma_wait3A_461] : memref<3x!tpu.dma_semaphore, #tpu.memory_space<semaphore_mem>> -> memref<1x!tpu.dma_semaphore, #tpu.memory_space<semaphore_mem>>
    %dma_wait3A_471 = tpu.memref_squeeze %dma_wait3A_470 : memref<1x!tpu.dma_semaphore, #tpu.memory_space<semaphore_mem>> -> memref<!tpu.dma_semaphore, #tpu.memory_space<semaphore_mem>>
    %dma_wait3A_472 = arith.constant 0 : i32
    %dma_wait3A_473 = arith.constant 0 : i32
    %dma_wait3A_474 = tpu.memref_slice %arg5[%dma_wait3A_458, %dma_wait3A_459, %dma_wait3A_460, %dma_wait3A_472, %dma_wait3A_473] : memref<50x8x32x8x128xf32, #tpu.memory_space<hbm>> -> memref<1x1x1x8x128xf32, #tpu.memory_space<hbm>>
    %dma_wait3A_475 = tpu.memref_squeeze %dma_wait3A_474 : memref<1x1x1x8x128xf32, #tpu.memory_space<hbm>> -> memref<8x128xf32, #tpu.memory_space<hbm>>
    %dma_wait3A_476 = arith.constant 8 : i32
    %dma_wait3A_477 = arith.constant 0 : i32
    %dma_wait3A_478 = tpu.memref_slice %arg9[%dma_wait3A_457, %dma_wait3A_476, %dma_wait3A_477] : memref<3x64x129xf32, #tpu.memory_space<vmem>> -> memref<1x8x128xf32, #tpu.memory_space<vmem>>
    %dma_wait3A_479 = tpu.memref_squeeze %dma_wait3A_478 : memref<1x8x128xf32, #tpu.memory_space<vmem>> -> memref<8x128xf32, #tpu.memory_space<vmem>>
    tpu.wait_dma2 semaphore(%dma_wait3A_471 : memref<!tpu.dma_semaphore, #tpu.memory_space<semaphore_mem>>) src(%dma_wait3A_479 : memref<8x128xf32, #tpu.memory_space<vmem>>) dst(%dma_wait3A_475 : memref<8x128xf32, #tpu.memory_space<hbm>>)
    %dma_wait3A_480 = arith.constant 2 : i32
    %dma_wait3A_481 = arith.constant 0 : i32
    %dma_wait3A_482 = arith.constant 2 : i32
    %dma_wait3A_483 = arith.constant 0 : i32
    %dma_wait3A_484 = arith.constant 2 : i32
    %dma_wait3A_485 = arith.constant 16 : i32
    %dma_wait3A_486 = arith.constant 0 : i32
    %dma_wait3A_487 = tpu.memref_slice %arg9[%dma_wait3A_480, %dma_wait3A_485, %dma_wait3A_486] : memref<3x64x129xf32, #tpu.memory_space<vmem>> -> memref<1x8x128xf32, #tpu.memory_space<vmem>>
    %dma_wait3A_488 = tpu.memref_squeeze %dma_wait3A_487 : memref<1x8x128xf32, #tpu.memory_space<vmem>> -> memref<8x128xf32, #tpu.memory_space<vmem>>
    %dma_wait3A_489 = arith.constant 0 : i32
    %dma_wait3A_490 = arith.constant 0 : i32
    %dma_wait3A_491 = tpu.memref_slice %arg5[%dma_wait3A_481, %dma_wait3A_482, %dma_wait3A_483, %dma_wait3A_489, %dma_wait3A_490] : memref<50x8x32x8x128xf32, #tpu.memory_space<hbm>> -> memref<1x1x1x8x128xf32, #tpu.memory_space<hbm>>
    %dma_wait3A_492 = tpu.memref_squeeze %dma_wait3A_491 : memref<1x1x1x8x128xf32, #tpu.memory_space<hbm>> -> memref<8x128xf32, #tpu.memory_space<hbm>>
    %dma_wait3A_493 = tpu.memref_slice %arg12[%dma_wait3A_484] : memref<3x!tpu.dma_semaphore, #tpu.memory_space<semaphore_mem>> -> memref<1x!tpu.dma_semaphore, #tpu.memory_space<semaphore_mem>>
    %dma_wait3A_494 = tpu.memref_squeeze %dma_wait3A_493 : memref<1x!tpu.dma_semaphore, #tpu.memory_space<semaphore_mem>> -> memref<!tpu.dma_semaphore, #tpu.memory_space<semaphore_mem>>
    %dma_wait3A_495 = arith.constant 0 : i32
    %dma_wait3A_496 = arith.constant 0 : i32
    %dma_wait3A_497 = tpu.memref_slice %arg5[%dma_wait3A_481, %dma_wait3A_482, %dma_wait3A_483, %dma_wait3A_495, %dma_wait3A_496] : memref<50x8x32x8x128xf32, #tpu.memory_space<hbm>> -> memref<1x1x1x8x128xf32, #tpu.memory_space<hbm>>
    %dma_wait3A_498 = tpu.memref_squeeze %dma_wait3A_497 : memref<1x1x1x8x128xf32, #tpu.memory_space<hbm>> -> memref<8x128xf32, #tpu.memory_space<hbm>>
    %dma_wait3A_499 = arith.constant 16 : i32
    %dma_wait3A_500 = arith.constant 0 : i32
    %dma_wait3A_501 = tpu.memref_slice %arg9[%dma_wait3A_480, %dma_wait3A_499, %dma_wait3A_500] : memref<3x64x129xf32, #tpu.memory_space<vmem>> -> memref<1x8x128xf32, #tpu.memory_space<vmem>>
    %dma_wait3A_502 = tpu.memref_squeeze %dma_wait3A_501 : memref<1x8x128xf32, #tpu.memory_space<vmem>> -> memref<8x128xf32, #tpu.memory_space<vmem>>
    tpu.wait_dma2 semaphore(%dma_wait3A_494 : memref<!tpu.dma_semaphore, #tpu.memory_space<semaphore_mem>>) src(%dma_wait3A_502 : memref<8x128xf32, #tpu.memory_space<vmem>>) dst(%dma_wait3A_498 : memref<8x128xf32, #tpu.memory_space<hbm>>)
    %dma_wait3A_503 = arith.constant 2 : i32
    %dma_wait3A_504 = arith.constant 0 : i32
    %dma_wait3A_505 = arith.constant 3 : i32
    %dma_wait3A_506 = arith.constant 0 : i32
    %dma_wait3A_507 = arith.constant 2 : i32
    %dma_wait3A_508 = arith.constant 24 : i32
    %dma_wait3A_509 = arith.constant 0 : i32
    %dma_wait3A_510 = tpu.memref_slice %arg9[%dma_wait3A_503, %dma_wait3A_508, %dma_wait3A_509] : memref<3x64x129xf32, #tpu.memory_space<vmem>> -> memref<1x8x128xf32, #tpu.memory_space<vmem>>
    %dma_wait3A_511 = tpu.memref_squeeze %dma_wait3A_510 : memref<1x8x128xf32, #tpu.memory_space<vmem>> -> memref<8x128xf32, #tpu.memory_space<vmem>>
    %dma_wait3A_512 = arith.constant 0 : i32
    %dma_wait3A_513 = arith.constant 0 : i32
    %dma_wait3A_514 = tpu.memref_slice %arg5[%dma_wait3A_504, %dma_wait3A_505, %dma_wait3A_506, %dma_wait3A_512, %dma_wait3A_513] : memref<50x8x32x8x128xf32, #tpu.memory_space<hbm>> -> memref<1x1x1x8x128xf32, #tpu.memory_space<hbm>>
    %dma_wait3A_515 = tpu.memref_squeeze %dma_wait3A_514 : memref<1x1x1x8x128xf32, #tpu.memory_space<hbm>> -> memref<8x128xf32, #tpu.memory_space<hbm>>
    %dma_wait3A_516 = tpu.memref_slice %arg12[%dma_wait3A_507] : memref<3x!tpu.dma_semaphore, #tpu.memory_space<semaphore_mem>> -> memref<1x!tpu.dma_semaphore, #tpu.memory_space<semaphore_mem>>
    %dma_wait3A_517 = tpu.memref_squeeze %dma_wait3A_516 : memref<1x!tpu.dma_semaphore, #tpu.memory_space<semaphore_mem>> -> memref<!tpu.dma_semaphore, #tpu.memory_space<semaphore_mem>>
    %dma_wait3A_518 = arith.constant 0 : i32
    %dma_wait3A_519 = arith.constant 0 : i32
    %dma_wait3A_520 = tpu.memref_slice %arg5[%dma_wait3A_504, %dma_wait3A_505, %dma_wait3A_506, %dma_wait3A_518, %dma_wait3A_519] : memref<50x8x32x8x128xf32, #tpu.memory_space<hbm>> -> memref<1x1x1x8x128xf32, #tpu.memory_space<hbm>>
    %dma_wait3A_521 = tpu.memref_squeeze %dma_wait3A_520 : memref<1x1x1x8x128xf32, #tpu.memory_space<hbm>> -> memref<8x128xf32, #tpu.memory_space<hbm>>
    %dma_wait3A_522 = arith.constant 24 : i32
    %dma_wait3A_523 = arith.constant 0 : i32
    %dma_wait3A_524 = tpu.memref_slice %arg9[%dma_wait3A_503, %dma_wait3A_522, %dma_wait3A_523] : memref<3x64x129xf32, #tpu.memory_space<vmem>> -> memref<1x8x128xf32, #tpu.memory_space<vmem>>
    %dma_wait3A_525 = tpu.memref_squeeze %dma_wait3A_524 : memref<1x8x128xf32, #tpu.memory_space<vmem>> -> memref<8x128xf32, #tpu.memory_space<vmem>>
    tpu.wait_dma2 semaphore(%dma_wait3A_517 : memref<!tpu.dma_semaphore, #tpu.memory_space<semaphore_mem>>) src(%dma_wait3A_525 : memref<8x128xf32, #tpu.memory_space<vmem>>) dst(%dma_wait3A_521 : memref<8x128xf32, #tpu.memory_space<hbm>>)
    %dma_wait3A_526 = arith.constant 2 : i32
    %dma_wait3A_527 = arith.constant 0 : i32
    %dma_wait3A_528 = arith.constant 4 : i32
    %dma_wait3A_529 = arith.constant 0 : i32
    %dma_wait3A_530 = arith.constant 2 : i32
    %dma_wait3A_531 = arith.constant 32 : i32
    %dma_wait3A_532 = arith.constant 0 : i32
    %dma_wait3A_533 = tpu.memref_slice %arg9[%dma_wait3A_526, %dma_wait3A_531, %dma_wait3A_532] : memref<3x64x129xf32, #tpu.memory_space<vmem>> -> memref<1x8x128xf32, #tpu.memory_space<vmem>>
    %dma_wait3A_534 = tpu.memref_squeeze %dma_wait3A_533 : memref<1x8x128xf32, #tpu.memory_space<vmem>> -> memref<8x128xf32, #tpu.memory_space<vmem>>
    %dma_wait3A_535 = arith.constant 0 : i32
    %dma_wait3A_536 = arith.constant 0 : i32
    %dma_wait3A_537 = tpu.memref_slice %arg5[%dma_wait3A_527, %dma_wait3A_528, %dma_wait3A_529, %dma_wait3A_535, %dma_wait3A_536] : memref<50x8x32x8x128xf32, #tpu.memory_space<hbm>> -> memref<1x1x1x8x128xf32, #tpu.memory_space<hbm>>
    %dma_wait3A_538 = tpu.memref_squeeze %dma_wait3A_537 : memref<1x1x1x8x128xf32, #tpu.memory_space<hbm>> -> memref<8x128xf32, #tpu.memory_space<hbm>>
    %dma_wait3A_539 = tpu.memref_slice %arg12[%dma_wait3A_530] : memref<3x!tpu.dma_semaphore, #tpu.memory_space<semaphore_mem>> -> memref<1x!tpu.dma_semaphore, #tpu.memory_space<semaphore_mem>>
    %dma_wait3A_540 = tpu.memref_squeeze %dma_wait3A_539 : memref<1x!tpu.dma_semaphore, #tpu.memory_space<semaphore_mem>> -> memref<!tpu.dma_semaphore, #tpu.memory_space<semaphore_mem>>
    %dma_wait3A_541 = arith.constant 0 : i32
    %dma_wait3A_542 = arith.constant 0 : i32
    %dma_wait3A_543 = tpu.memref_slice %arg5[%dma_wait3A_527, %dma_wait3A_528, %dma_wait3A_529, %dma_wait3A_541, %dma_wait3A_542] : memref<50x8x32x8x128xf32, #tpu.memory_space<hbm>> -> memref<1x1x1x8x128xf32, #tpu.memory_space<hbm>>
    %dma_wait3A_544 = tpu.memref_squeeze %dma_wait3A_543 : memref<1x1x1x8x128xf32, #tpu.memory_space<hbm>> -> memref<8x128xf32, #tpu.memory_space<hbm>>
    %dma_wait3A_545 = arith.constant 32 : i32
    %dma_wait3A_546 = arith.constant 0 : i32
    %dma_wait3A_547 = tpu.memref_slice %arg9[%dma_wait3A_526, %dma_wait3A_545, %dma_wait3A_546] : memref<3x64x129xf32, #tpu.memory_space<vmem>> -> memref<1x8x128xf32, #tpu.memory_space<vmem>>
    %dma_wait3A_548 = tpu.memref_squeeze %dma_wait3A_547 : memref<1x8x128xf32, #tpu.memory_space<vmem>> -> memref<8x128xf32, #tpu.memory_space<vmem>>
    tpu.wait_dma2 semaphore(%dma_wait3A_540 : memref<!tpu.dma_semaphore, #tpu.memory_space<semaphore_mem>>) src(%dma_wait3A_548 : memref<8x128xf32, #tpu.memory_space<vmem>>) dst(%dma_wait3A_544 : memref<8x128xf32, #tpu.memory_space<hbm>>)
    %dma_wait3A_549 = arith.constant 2 : i32
    %dma_wait3A_550 = arith.constant 0 : i32
    %dma_wait3A_551 = arith.constant 5 : i32
    %dma_wait3A_552 = arith.constant 0 : i32
    %dma_wait3A_553 = arith.constant 2 : i32
    %dma_wait3A_554 = arith.constant 40 : i32
    %dma_wait3A_555 = arith.constant 0 : i32
    %dma_wait3A_556 = tpu.memref_slice %arg9[%dma_wait3A_549, %dma_wait3A_554, %dma_wait3A_555] : memref<3x64x129xf32, #tpu.memory_space<vmem>> -> memref<1x8x128xf32, #tpu.memory_space<vmem>>
    %dma_wait3A_557 = tpu.memref_squeeze %dma_wait3A_556 : memref<1x8x128xf32, #tpu.memory_space<vmem>> -> memref<8x128xf32, #tpu.memory_space<vmem>>
    %dma_wait3A_558 = arith.constant 0 : i32
    %dma_wait3A_559 = arith.constant 0 : i32
    %dma_wait3A_560 = tpu.memref_slice %arg5[%dma_wait3A_550, %dma_wait3A_551, %dma_wait3A_552, %dma_wait3A_558, %dma_wait3A_559] : memref<50x8x32x8x128xf32, #tpu.memory_space<hbm>> -> memref<1x1x1x8x128xf32, #tpu.memory_space<hbm>>
    %dma_wait3A_561 = tpu.memref_squeeze %dma_wait3A_560 : memref<1x1x1x8x128xf32, #tpu.memory_space<hbm>> -> memref<8x128xf32, #tpu.memory_space<hbm>>
    %dma_wait3A_562 = tpu.memref_slice %arg12[%dma_wait3A_553] : memref<3x!tpu.dma_semaphore, #tpu.memory_space<semaphore_mem>> -> memref<1x!tpu.dma_semaphore, #tpu.memory_space<semaphore_mem>>
    %dma_wait3A_563 = tpu.memref_squeeze %dma_wait3A_562 : memref<1x!tpu.dma_semaphore, #tpu.memory_space<semaphore_mem>> -> memref<!tpu.dma_semaphore, #tpu.memory_space<semaphore_mem>>
    %dma_wait3A_564 = arith.constant 0 : i32
    %dma_wait3A_565 = arith.constant 0 : i32
    %dma_wait3A_566 = tpu.memref_slice %arg5[%dma_wait3A_550, %dma_wait3A_551, %dma_wait3A_552, %dma_wait3A_564, %dma_wait3A_565] : memref<50x8x32x8x128xf32, #tpu.memory_space<hbm>> -> memref<1x1x1x8x128xf32, #tpu.memory_space<hbm>>
    %dma_wait3A_567 = tpu.memref_squeeze %dma_wait3A_566 : memref<1x1x1x8x128xf32, #tpu.memory_space<hbm>> -> memref<8x128xf32, #tpu.memory_space<hbm>>
    %dma_wait3A_568 = arith.constant 40 : i32
    %dma_wait3A_569 = arith.constant 0 : i32
    %dma_wait3A_570 = tpu.memref_slice %arg9[%dma_wait3A_549, %dma_wait3A_568, %dma_wait3A_569] : memref<3x64x129xf32, #tpu.memory_space<vmem>> -> memref<1x8x128xf32, #tpu.memory_space<vmem>>
    %dma_wait3A_571 = tpu.memref_squeeze %dma_wait3A_570 : memref<1x8x128xf32, #tpu.memory_space<vmem>> -> memref<8x128xf32, #tpu.memory_space<vmem>>
    tpu.wait_dma2 semaphore(%dma_wait3A_563 : memref<!tpu.dma_semaphore, #tpu.memory_space<semaphore_mem>>) src(%dma_wait3A_571 : memref<8x128xf32, #tpu.memory_space<vmem>>) dst(%dma_wait3A_567 : memref<8x128xf32, #tpu.memory_space<hbm>>)
    %dma_wait3A_572 = arith.constant 2 : i32
    %dma_wait3A_573 = arith.constant 0 : i32
    %dma_wait3A_574 = arith.constant 6 : i32
    %dma_wait3A_575 = arith.constant 0 : i32
    %dma_wait3A_576 = arith.constant 2 : i32
    %dma_wait3A_577 = arith.constant 48 : i32
    %dma_wait3A_578 = arith.constant 0 : i32
    %dma_wait3A_579 = tpu.memref_slice %arg9[%dma_wait3A_572, %dma_wait3A_577, %dma_wait3A_578] : memref<3x64x129xf32, #tpu.memory_space<vmem>> -> memref<1x8x128xf32, #tpu.memory_space<vmem>>
    %dma_wait3A_580 = tpu.memref_squeeze %dma_wait3A_579 : memref<1x8x128xf32, #tpu.memory_space<vmem>> -> memref<8x128xf32, #tpu.memory_space<vmem>>
    %dma_wait3A_581 = arith.constant 0 : i32
    %dma_wait3A_582 = arith.constant 0 : i32
    %dma_wait3A_583 = tpu.memref_slice %arg5[%dma_wait3A_573, %dma_wait3A_574, %dma_wait3A_575, %dma_wait3A_581, %dma_wait3A_582] : memref<50x8x32x8x128xf32, #tpu.memory_space<hbm>> -> memref<1x1x1x8x128xf32, #tpu.memory_space<hbm>>
    %dma_wait3A_584 = tpu.memref_squeeze %dma_wait3A_583 : memref<1x1x1x8x128xf32, #tpu.memory_space<hbm>> -> memref<8x128xf32, #tpu.memory_space<hbm>>
    %dma_wait3A_585 = tpu.memref_slice %arg12[%dma_wait3A_576] : memref<3x!tpu.dma_semaphore, #tpu.memory_space<semaphore_mem>> -> memref<1x!tpu.dma_semaphore, #tpu.memory_space<semaphore_mem>>
    %dma_wait3A_586 = tpu.memref_squeeze %dma_wait3A_585 : memref<1x!tpu.dma_semaphore, #tpu.memory_space<semaphore_mem>> -> memref<!tpu.dma_semaphore, #tpu.memory_space<semaphore_mem>>
    %dma_wait3A_587 = arith.constant 0 : i32
    %dma_wait3A_588 = arith.constant 0 : i32
    %dma_wait3A_589 = tpu.memref_slice %arg5[%dma_wait3A_573, %dma_wait3A_574, %dma_wait3A_575, %dma_wait3A_587, %dma_wait3A_588] : memref<50x8x32x8x128xf32, #tpu.memory_space<hbm>> -> memref<1x1x1x8x128xf32, #tpu.memory_space<hbm>>
    %dma_wait3A_590 = tpu.memref_squeeze %dma_wait3A_589 : memref<1x1x1x8x128xf32, #tpu.memory_space<hbm>> -> memref<8x128xf32, #tpu.memory_space<hbm>>
    %dma_wait3A_591 = arith.constant 48 : i32
    %dma_wait3A_592 = arith.constant 0 : i32
    %dma_wait3A_593 = tpu.memref_slice %arg9[%dma_wait3A_572, %dma_wait3A_591, %dma_wait3A_592] : memref<3x64x129xf32, #tpu.memory_space<vmem>> -> memref<1x8x128xf32, #tpu.memory_space<vmem>>
    %dma_wait3A_594 = tpu.memref_squeeze %dma_wait3A_593 : memref<1x8x128xf32, #tpu.memory_space<vmem>> -> memref<8x128xf32, #tpu.memory_space<vmem>>
    tpu.wait_dma2 semaphore(%dma_wait3A_586 : memref<!tpu.dma_semaphore, #tpu.memory_space<semaphore_mem>>) src(%dma_wait3A_594 : memref<8x128xf32, #tpu.memory_space<vmem>>) dst(%dma_wait3A_590 : memref<8x128xf32, #tpu.memory_space<hbm>>)
    %dma_wait3A_595 = arith.constant 2 : i32
    %dma_wait3A_596 = arith.constant 0 : i32
    %dma_wait3A_597 = arith.constant 7 : i32
    %dma_wait3A_598 = arith.constant 0 : i32
    %dma_wait3A_599 = arith.constant 2 : i32
    %dma_wait3A_600 = arith.constant 56 : i32
    %dma_wait3A_601 = arith.constant 0 : i32
    %dma_wait3A_602 = tpu.memref_slice %arg9[%dma_wait3A_595, %dma_wait3A_600, %dma_wait3A_601] : memref<3x64x129xf32, #tpu.memory_space<vmem>> -> memref<1x8x128xf32, #tpu.memory_space<vmem>>
    %dma_wait3A_603 = tpu.memref_squeeze %dma_wait3A_602 : memref<1x8x128xf32, #tpu.memory_space<vmem>> -> memref<8x128xf32, #tpu.memory_space<vmem>>
    %dma_wait3A_604 = arith.constant 0 : i32
    %dma_wait3A_605 = arith.constant 0 : i32
    %dma_wait3A_606 = tpu.memref_slice %arg5[%dma_wait3A_596, %dma_wait3A_597, %dma_wait3A_598, %dma_wait3A_604, %dma_wait3A_605] : memref<50x8x32x8x128xf32, #tpu.memory_space<hbm>> -> memref<1x1x1x8x128xf32, #tpu.memory_space<hbm>>
    %dma_wait3A_607 = tpu.memref_squeeze %dma_wait3A_606 : memref<1x1x1x8x128xf32, #tpu.memory_space<hbm>> -> memref<8x128xf32, #tpu.memory_space<hbm>>
    %dma_wait3A_608 = tpu.memref_slice %arg12[%dma_wait3A_599] : memref<3x!tpu.dma_semaphore, #tpu.memory_space<semaphore_mem>> -> memref<1x!tpu.dma_semaphore, #tpu.memory_space<semaphore_mem>>
    %dma_wait3A_609 = tpu.memref_squeeze %dma_wait3A_608 : memref<1x!tpu.dma_semaphore, #tpu.memory_space<semaphore_mem>> -> memref<!tpu.dma_semaphore, #tpu.memory_space<semaphore_mem>>
    %dma_wait3A_610 = arith.constant 0 : i32
    %dma_wait3A_611 = arith.constant 0 : i32
    %dma_wait3A_612 = tpu.memref_slice %arg5[%dma_wait3A_596, %dma_wait3A_597, %dma_wait3A_598, %dma_wait3A_610, %dma_wait3A_611] : memref<50x8x32x8x128xf32, #tpu.memory_space<hbm>> -> memref<1x1x1x8x128xf32, #tpu.memory_space<hbm>>
    %dma_wait3A_613 = tpu.memref_squeeze %dma_wait3A_612 : memref<1x1x1x8x128xf32, #tpu.memory_space<hbm>> -> memref<8x128xf32, #tpu.memory_space<hbm>>
    %dma_wait3A_614 = arith.constant 56 : i32
    %dma_wait3A_615 = arith.constant 0 : i32
    %dma_wait3A_616 = tpu.memref_slice %arg9[%dma_wait3A_595, %dma_wait3A_614, %dma_wait3A_615] : memref<3x64x129xf32, #tpu.memory_space<vmem>> -> memref<1x8x128xf32, #tpu.memory_space<vmem>>
    %dma_wait3A_617 = tpu.memref_squeeze %dma_wait3A_616 : memref<1x8x128xf32, #tpu.memory_space<vmem>> -> memref<8x128xf32, #tpu.memory_space<vmem>>
    tpu.wait_dma2 semaphore(%dma_wait3A_609 : memref<!tpu.dma_semaphore, #tpu.memory_space<semaphore_mem>>) src(%dma_wait3A_617 : memref<8x128xf32, #tpu.memory_space<vmem>>) dst(%dma_wait3A_613 : memref<8x128xf32, #tpu.memory_space<hbm>>)
    %dma_wait3A_618 = arith.constant 0 : i32
    %dma_wait3A_619 = tpu.memref_slice %arg4[%dma_wait3A_618] : memref<100000xf32, #tpu.memory_space<hbm>> -> memref<6400xf32, #tpu.memory_space<hbm>>
    %dma_wait3A_620 = arith.constant 0 : i32
    %dma_wait3A_621 = tpu.memref_slice %arg4[%dma_wait3A_620] : memref<100000xf32, #tpu.memory_space<hbm>> -> memref<6400xf32, #tpu.memory_space<hbm>>
    tpu.wait_dma2 semaphore(%arg13 : memref<!tpu.dma_semaphore, #tpu.memory_space<semaphore_mem>>) src(%dma_wait3A_621 : memref<6400xf32, #tpu.memory_space<hbm>>) dst(%arg10 : memref<50x128xf32, #tpu.memory_space<vmem>>)
    "tpu.region"() ({
      %run_scoped3A = tpu.sem_alloc : memref<!tpu.dma_semaphore, #tpu.memory_space<semaphore_mem>>
      %dma_start3A_622 = arith.constant 0 : i32
      %dma_start3A_623 = tpu.memref_slice %arg6[%dma_start3A_622, %mul3A_2] : memref<50x4096xf32, #tpu.memory_space<hbm>> -> memref<50x128xf32, #tpu.memory_space<hbm>>
      %dma_start3A_624 = arith.constant 0 : i32
      %dma_start3A_625 = tpu.memref_slice %arg6[%dma_start3A_624, %mul3A_2] : memref<50x4096xf32, #tpu.memory_space<hbm>> -> memref<50x128xf32, #tpu.memory_space<hbm>>
      tpu.enqueue_dma source(%arg10 : memref<50x128xf32, #tpu.memory_space<vmem>>) target(%dma_start3A_625 : memref<50x128xf32, #tpu.memory_space<hbm>>) target_semaphore(%run_scoped3A : memref<!tpu.dma_semaphore, #tpu.memory_space<semaphore_mem>>)
      %dma_wait3A_626 = arith.constant 0 : i32
      %dma_wait3A_627 = tpu.memref_slice %arg6[%dma_wait3A_626, %mul3A_2] : memref<50x4096xf32, #tpu.memory_space<hbm>> -> memref<50x128xf32, #tpu.memory_space<hbm>>
      %dma_wait3A_628 = arith.constant 0 : i32
      %dma_wait3A_629 = tpu.memref_slice %arg6[%dma_wait3A_628, %mul3A_2] : memref<50x4096xf32, #tpu.memory_space<hbm>> -> memref<50x128xf32, #tpu.memory_space<hbm>>
      tpu.wait_dma2 semaphore(%run_scoped3A : memref<!tpu.dma_semaphore, #tpu.memory_space<semaphore_mem>>) src(%arg10 : memref<50x128xf32, #tpu.memory_space<vmem>>) dst(%dma_wait3A_629 : memref<50x128xf32, #tpu.memory_space<hbm>>)
      tpu.yield
    }) : () -> ()
    return
  }
}

#map = affine_map<(d0, d1) -> (0, 0)>
#map1 = affine_map<(d0, d1) -> (0)>
#map2 = affine_map<(d0, d1) -> (0, 0, 0, 0, 0)>
module attributes {stable_mosaic.version = 14 : i64} {
  func.func @_lookup_body(%arg0: i32, %arg1: i32, %arg2: memref<50x4096xi32, #tpu.memory_space<hbm>>, %arg3: memref<100000x64xf32, #tpu.memory_space<hbm>>, %arg4: memref<100000xf32, #tpu.memory_space<hbm>>, %arg5: memref<50x8x32x8x128xf32, #tpu.memory_space<hbm>>, %arg6: memref<50x4096xf32, #tpu.memory_space<hbm>>, %arg7: memref<50x128xi32, #tpu.memory_space<vmem>>, %arg8: memref<4x128x64xf32, #tpu.memory_space<vmem>>, %arg9: memref<3x64x129xf32, #tpu.memory_space<vmem>>, %arg10: memref<50x128xf32, #tpu.memory_space<vmem>>, %arg11: memref<4x!tpu.dma_semaphore, #tpu.memory_space<semaphore_mem>>, %arg12: memref<3x!tpu.dma_semaphore, #tpu.memory_space<semaphore_mem>>, %arg13: memref<!tpu.dma_semaphore, #tpu.memory_space<semaphore_mem>>) attributes {dimension_semantics = [#tpu.dimension_semantics<core_parallel>, #tpu.dimension_semantics<subcore_parallel>], iteration_bounds = array<i64: 2, 16>, scalar_prefetch = 0 : i64, scratch_operands = 7 : i64, tpu.core_type = #tpu.core_type<sc_vector_subcore>, window_params = [{transform_indices = #map}, {transform_indices = #map}, {transform_indices = #map1}, {transform_indices = #map2}, {transform_indices = #map}]} {
    %mul3A = arith.constant 2 : i32
    %mul3A_0 = arith.muli %arg1, %mul3A : i32
    %add3A = arith.addi %mul3A_0, %arg0 : i32
    %mul3A_1 = arith.constant 128 : i32
    %mul3A_2 = arith.muli %add3A, %mul3A_1 : i32
    "tpu.region"() ({
      %run_scoped3A = tpu.sem_alloc : memref<!tpu.dma_semaphore, #tpu.memory_space<semaphore_mem>>
      %dma_start3A_622 = arith.constant 0 : i32
      %dma_start3A_623 = tpu.memref_slice %arg2[%dma_start3A_622, %mul3A_2] : memref<50x4096xi32, #tpu.memory_space<hbm>> -> memref<50x128xi32, #tpu.memory_space<hbm>>
      %dma_start3A_624 = arith.constant 0 : i32
      %dma_start3A_625 = tpu.memref_slice %arg2[%dma_start3A_624, %mul3A_2] : memref<50x4096xi32, #tpu.memory_space<hbm>> -> memref<50x128xi32, #tpu.memory_space<hbm>>
      tpu.enqueue_dma source(%dma_start3A_625 : memref<50x128xi32, #tpu.memory_space<hbm>>) target(%arg7 : memref<50x128xi32, #tpu.memory_space<vmem>>) target_semaphore(%run_scoped3A : memref<!tpu.dma_semaphore, #tpu.memory_space<semaphore_mem>>)
      %dma_wait3A_626 = arith.constant 0 : i32
      %dma_wait3A_627 = tpu.memref_slice %arg2[%dma_wait3A_626, %mul3A_2] : memref<50x4096xi32, #tpu.memory_space<hbm>> -> memref<50x128xi32, #tpu.memory_space<hbm>>
      %dma_wait3A_628 = arith.constant 0 : i32
      %dma_wait3A_629 = tpu.memref_slice %arg2[%dma_wait3A_628, %mul3A_2] : memref<50x4096xi32, #tpu.memory_space<hbm>> -> memref<50x128xi32, #tpu.memory_space<hbm>>
      tpu.wait_dma2 semaphore(%run_scoped3A : memref<!tpu.dma_semaphore, #tpu.memory_space<semaphore_mem>>) src(%dma_wait3A_629 : memref<50x128xi32, #tpu.memory_space<hbm>>) dst(%arg7 : memref<50x128xi32, #tpu.memory_space<vmem>>)
      tpu.yield
    }) : () -> ()
    %iota3A = tpu.iota {dimensions = array<i32: 0>} : vector<16xi32>
    %add3A_3 = arith.constant 0 : i32
    %add3A_4 = vector.broadcast %add3A_3 : i32 to vector<16xi32>
    %add3A_5 = arith.addi %iota3A, %add3A_4 : vector<16xi32>
    %iota3A_6 = tpu.iota {dimensions = array<i32: 0>} : vector<16xi32>
    %add3A_7 = arith.constant 16 : i32
    %add3A_8 = vector.broadcast %add3A_7 : i32 to vector<16xi32>
    %add3A_9 = arith.addi %iota3A_6, %add3A_8 : vector<16xi32>
    %iota3A_10 = tpu.iota {dimensions = array<i32: 0>} : vector<16xi32>
    %add3A_11 = arith.constant 32 : i32
    %add3A_12 = vector.broadcast %add3A_11 : i32 to vector<16xi32>
    %add3A_13 = arith.addi %iota3A_10, %add3A_12 : vector<16xi32>
    %iota3A_14 = tpu.iota {dimensions = array<i32: 0>} : vector<16xi32>
    %add3A_15 = arith.constant 48 : i32
    %add3A_16 = vector.broadcast %add3A_15 : i32 to vector<16xi32>
    %add3A_17 = arith.addi %iota3A_14, %add3A_16 : vector<16xi32>
    %dma_start3A = arith.constant 0 : i32
    %dma_start3A_18 = arith.constant 0 : i32
    %dma_start3A_19 = arith.constant 0 : i32
    %dma_start3A_20 = arith.constant 0 : i32
    %dma_start3A_21 = arith.constant 0 : i32
    %dma_start3A_22 = tpu.memref_slice %arg8[%dma_start3A_18, %dma_start3A_20, %dma_start3A_21] : memref<4x128x64xf32, #tpu.memory_space<vmem>> -> memref<1x128x64xf32, #tpu.memory_space<vmem>>
    %dma_start3A_23 = tpu.memref_squeeze %dma_start3A_22 : memref<1x128x64xf32, #tpu.memory_space<vmem>> -> memref<128x64xf32, #tpu.memory_space<vmem>>
    %dma_start3A_24 = arith.constant 0 : i32
    %dma_start3A_25 = tpu.memref_slice %arg7[%dma_start3A, %dma_start3A_24] : memref<50x128xi32, #tpu.memory_space<vmem>> -> memref<1x128xi32, #tpu.memory_space<vmem>>
    %dma_start3A_26 = tpu.memref_squeeze %dma_start3A_25 : memref<1x128xi32, #tpu.memory_space<vmem>> -> memref<128xi32, #tpu.memory_space<vmem>>
    %dma_start3A_27 = arith.constant 0 : i32
    %dma_start3A_28 = arith.constant 0 : i32
    %dma_start3A_29 = tpu.memref_slice %arg3[%dma_start3A_27, %dma_start3A_28] : memref<100000x64xf32, #tpu.memory_space<hbm>> -> memref<100000x64xf32, #tpu.memory_space<hbm>>
    %dma_start3A_30 = tpu.memref_slice %arg11[%dma_start3A_19] : memref<4x!tpu.dma_semaphore, #tpu.memory_space<semaphore_mem>> -> memref<1x!tpu.dma_semaphore, #tpu.memory_space<semaphore_mem>>
    %dma_start3A_31 = tpu.memref_squeeze %dma_start3A_30 : memref<1x!tpu.dma_semaphore, #tpu.memory_space<semaphore_mem>> -> memref<!tpu.dma_semaphore, #tpu.memory_space<semaphore_mem>>
    tpu.enqueue_indirect_dma source(%dma_start3A_29 : memref<100000x64xf32, #tpu.memory_space<hbm>>) target(%dma_start3A_23 : memref<128x64xf32, #tpu.memory_space<vmem>>) offsets(%dma_start3A_26 : memref<128xi32, #tpu.memory_space<vmem>>) semaphore(%dma_start3A_31 : memref<!tpu.dma_semaphore, #tpu.memory_space<semaphore_mem>>)
    %dma_start3A_32 = arith.constant 1 : i32
    %dma_start3A_33 = arith.constant 1 : i32
    %dma_start3A_34 = arith.constant 1 : i32
    %dma_start3A_35 = arith.constant 0 : i32
    %dma_start3A_36 = arith.constant 0 : i32
    %dma_start3A_37 = tpu.memref_slice %arg8[%dma_start3A_33, %dma_start3A_35, %dma_start3A_36] : memref<4x128x64xf32, #tpu.memory_space<vmem>> -> memref<1x128x64xf32, #tpu.memory_space<vmem>>
    %dma_start3A_38 = tpu.memref_squeeze %dma_start3A_37 : memref<1x128x64xf32, #tpu.memory_space<vmem>> -> memref<128x64xf32, #tpu.memory_space<vmem>>
    %dma_start3A_39 = arith.constant 0 : i32
    %dma_start3A_40 = tpu.memref_slice %arg7[%dma_start3A_32, %dma_start3A_39] : memref<50x128xi32, #tpu.memory_space<vmem>> -> memref<1x128xi32, #tpu.memory_space<vmem>>
    %dma_start3A_41 = tpu.memref_squeeze %dma_start3A_40 : memref<1x128xi32, #tpu.memory_space<vmem>> -> memref<128xi32, #tpu.memory_space<vmem>>
    %dma_start3A_42 = arith.constant 0 : i32
    %dma_start3A_43 = arith.constant 0 : i32
    %dma_start3A_44 = tpu.memref_slice %arg3[%dma_start3A_42, %dma_start3A_43] : memref<100000x64xf32, #tpu.memory_space<hbm>> -> memref<100000x64xf32, #tpu.memory_space<hbm>>
    %dma_start3A_45 = tpu.memref_slice %arg11[%dma_start3A_34] : memref<4x!tpu.dma_semaphore, #tpu.memory_space<semaphore_mem>> -> memref<1x!tpu.dma_semaphore, #tpu.memory_space<semaphore_mem>>
    %dma_start3A_46 = tpu.memref_squeeze %dma_start3A_45 : memref<1x!tpu.dma_semaphore, #tpu.memory_space<semaphore_mem>> -> memref<!tpu.dma_semaphore, #tpu.memory_space<semaphore_mem>>
    tpu.enqueue_indirect_dma source(%dma_start3A_44 : memref<100000x64xf32, #tpu.memory_space<hbm>>) target(%dma_start3A_38 : memref<128x64xf32, #tpu.memory_space<vmem>>) offsets(%dma_start3A_41 : memref<128xi32, #tpu.memory_space<vmem>>) semaphore(%dma_start3A_46 : memref<!tpu.dma_semaphore, #tpu.memory_space<semaphore_mem>>)
    %dma_start3A_47 = arith.constant 2 : i32
    %dma_start3A_48 = arith.constant 2 : i32
    %dma_start3A_49 = arith.constant 2 : i32
    %dma_start3A_50 = arith.constant 0 : i32
    %dma_start3A_51 = arith.constant 0 : i32
    %dma_start3A_52 = tpu.memref_slice %arg8[%dma_start3A_48, %dma_start3A_50, %dma_start3A_51] : memref<4x128x64xf32, #tpu.memory_space<vmem>> -> memref<1x128x64xf32, #tpu.memory_space<vmem>>
    %dma_start3A_53 = tpu.memref_squeeze %dma_start3A_52 : memref<1x128x64xf32, #tpu.memory_space<vmem>> -> memref<128x64xf32, #tpu.memory_space<vmem>>
    %dma_start3A_54 = arith.constant 0 : i32
    %dma_start3A_55 = tpu.memref_slice %arg7[%dma_start3A_47, %dma_start3A_54] : memref<50x128xi32, #tpu.memory_space<vmem>> -> memref<1x128xi32, #tpu.memory_space<vmem>>
    %dma_start3A_56 = tpu.memref_squeeze %dma_start3A_55 : memref<1x128xi32, #tpu.memory_space<vmem>> -> memref<128xi32, #tpu.memory_space<vmem>>
    %dma_start3A_57 = arith.constant 0 : i32
    %dma_start3A_58 = arith.constant 0 : i32
    %dma_start3A_59 = tpu.memref_slice %arg3[%dma_start3A_57, %dma_start3A_58] : memref<100000x64xf32, #tpu.memory_space<hbm>> -> memref<100000x64xf32, #tpu.memory_space<hbm>>
    %dma_start3A_60 = tpu.memref_slice %arg11[%dma_start3A_49] : memref<4x!tpu.dma_semaphore, #tpu.memory_space<semaphore_mem>> -> memref<1x!tpu.dma_semaphore, #tpu.memory_space<semaphore_mem>>
    %dma_start3A_61 = tpu.memref_squeeze %dma_start3A_60 : memref<1x!tpu.dma_semaphore, #tpu.memory_space<semaphore_mem>> -> memref<!tpu.dma_semaphore, #tpu.memory_space<semaphore_mem>>
    tpu.enqueue_indirect_dma source(%dma_start3A_59 : memref<100000x64xf32, #tpu.memory_space<hbm>>) target(%dma_start3A_53 : memref<128x64xf32, #tpu.memory_space<vmem>>) offsets(%dma_start3A_56 : memref<128xi32, #tpu.memory_space<vmem>>) semaphore(%dma_start3A_61 : memref<!tpu.dma_semaphore, #tpu.memory_space<semaphore_mem>>)
    %scan3A = arith.constant 0 : i32
    %scan3A_62 = arith.constant 0 : i32
    %scan3A_63 = arith.constant 50 : i32
    %scan3A_64 = arith.addi %scan3A_62, %scan3A_63 : i32
    %scan3A_65 = arith.constant 1 : i32
    scf.for %scan3A_622 = %scan3A_62 to %scan3A_64 step %scan3A_65  : i32 {
      %rem3A = arith.constant 3 : i32
      %rem3A_623 = arith.remsi %scan3A_622, %rem3A : i32
      %rem3A_624 = arith.constant 4 : i32
      %rem3A_625 = arith.remsi %scan3A_622, %rem3A_624 : i32
      %dma_wait3A_626 = arith.constant 0 : i32
      %dma_wait3A_627 = arith.constant 0 : i32
      %dma_wait3A_628 = tpu.memref_slice %arg8[%rem3A_625, %dma_wait3A_626, %dma_wait3A_627] : memref<4x128x64xf32, #tpu.memory_space<vmem>> -> memref<1x128x64xf32, #tpu.memory_space<vmem>>
      %dma_wait3A_629 = tpu.memref_squeeze %dma_wait3A_628 : memref<1x128x64xf32, #tpu.memory_space<vmem>> -> memref<128x64xf32, #tpu.memory_space<vmem>>
      %dma_wait3A_630 = arith.constant 0 : i32
      %dma_wait3A_631 = tpu.memref_slice %arg7[%scan3A_622, %dma_wait3A_630] : memref<50x128xi32, #tpu.memory_space<vmem>> -> memref<1x128xi32, #tpu.memory_space<vmem>>
      %dma_wait3A_632 = tpu.memref_squeeze %dma_wait3A_631 : memref<1x128xi32, #tpu.memory_space<vmem>> -> memref<128xi32, #tpu.memory_space<vmem>>
      %dma_wait3A_633 = arith.constant 0 : i32
      %dma_wait3A_634 = arith.constant 0 : i32
      %dma_wait3A_635 = tpu.memref_slice %arg3[%dma_wait3A_633, %dma_wait3A_634] : memref<100000x64xf32, #tpu.memory_space<hbm>> -> memref<100000x64xf32, #tpu.memory_space<hbm>>
      %dma_wait3A_636 = tpu.memref_slice %arg11[%rem3A_625] : memref<4x!tpu.dma_semaphore, #tpu.memory_space<semaphore_mem>> -> memref<1x!tpu.dma_semaphore, #tpu.memory_space<semaphore_mem>>
      %dma_wait3A_637 = tpu.memref_squeeze %dma_wait3A_636 : memref<1x!tpu.dma_semaphore, #tpu.memory_space<semaphore_mem>> -> memref<!tpu.dma_semaphore, #tpu.memory_space<semaphore_mem>>
      tpu.wait_indirect_dma semaphore(%dma_wait3A_637 : memref<!tpu.dma_semaphore, #tpu.memory_space<semaphore_mem>>) src(%dma_wait3A_635 : memref<100000x64xf32, #tpu.memory_space<hbm>>) dst(%dma_wait3A_629 : memref<128x64xf32, #tpu.memory_space<vmem>>)
      %add3A_638 = arith.constant 3 : i32
      %add3A_639 = arith.addi %scan3A_622, %add3A_638 : i32
      %rem3A_640 = arith.constant 4 : i32
      %rem3A_641 = arith.remsi %add3A_639, %rem3A_640 : i32
      %lt3A = arith.constant 50 : i32
      %lt3A_642 = arith.cmpi slt, %add3A_639, %lt3A : i32
      %convert_element_type3A = arith.extui %lt3A_642 : i1 to i32
      %cond3A = arith.constant 0 : i32
      %cond3A_643 = arith.cmpi ne, %convert_element_type3A, %cond3A : i32
      scf.if %cond3A_643 {
        %dma_start3A_814 = arith.constant 0 : i32
        %dma_start3A_815 = arith.constant 0 : i32
        %dma_start3A_816 = tpu.memref_slice %arg8[%rem3A_641, %dma_start3A_814, %dma_start3A_815] : memref<4x128x64xf32, #tpu.memory_space<vmem>> -> memref<1x128x64xf32, #tpu.memory_space<vmem>>
        %dma_start3A_817 = tpu.memref_squeeze %dma_start3A_816 : memref<1x128x64xf32, #tpu.memory_space<vmem>> -> memref<128x64xf32, #tpu.memory_space<vmem>>
        %dma_start3A_818 = arith.constant 0 : i32
        %dma_start3A_819 = tpu.memref_slice %arg7[%add3A_639, %dma_start3A_818] : memref<50x128xi32, #tpu.memory_space<vmem>> -> memref<1x128xi32, #tpu.memory_space<vmem>>
        %dma_start3A_820 = tpu.memref_squeeze %dma_start3A_819 : memref<1x128xi32, #tpu.memory_space<vmem>> -> memref<128xi32, #tpu.memory_space<vmem>>
        %dma_start3A_821 = arith.constant 0 : i32
        %dma_start3A_822 = arith.constant 0 : i32
        %dma_start3A_823 = tpu.memref_slice %arg3[%dma_start3A_821, %dma_start3A_822] : memref<100000x64xf32, #tpu.memory_space<hbm>> -> memref<100000x64xf32, #tpu.memory_space<hbm>>
        %dma_start3A_824 = tpu.memref_slice %arg11[%rem3A_641] : memref<4x!tpu.dma_semaphore, #tpu.memory_space<semaphore_mem>> -> memref<1x!tpu.dma_semaphore, #tpu.memory_space<semaphore_mem>>
        %dma_start3A_825 = tpu.memref_squeeze %dma_start3A_824 : memref<1x!tpu.dma_semaphore, #tpu.memory_space<semaphore_mem>> -> memref<!tpu.dma_semaphore, #tpu.memory_space<semaphore_mem>>
        tpu.enqueue_indirect_dma source(%dma_start3A_823 : memref<100000x64xf32, #tpu.memory_space<hbm>>) target(%dma_start3A_817 : memref<128x64xf32, #tpu.memory_space<vmem>>) offsets(%dma_start3A_820 : memref<128xi32, #tpu.memory_space<vmem>>) semaphore(%dma_start3A_825 : memref<!tpu.dma_semaphore, #tpu.memory_space<semaphore_mem>>)
      } else {
      }
      %dma_start3A_644 = arith.constant 0 : i32
      %dma_start3A_645 = tpu.memref_slice %arg10[%scan3A_622, %dma_start3A_644] : memref<50x128xf32, #tpu.memory_space<vmem>> -> memref<1x128xf32, #tpu.memory_space<vmem>>
      %dma_start3A_646 = tpu.memref_squeeze %dma_start3A_645 : memref<1x128xf32, #tpu.memory_space<vmem>> -> memref<128xf32, #tpu.memory_space<vmem>>
      %dma_start3A_647 = arith.constant 0 : i32
      %dma_start3A_648 = tpu.memref_slice %arg7[%scan3A_622, %dma_start3A_647] : memref<50x128xi32, #tpu.memory_space<vmem>> -> memref<1x128xi32, #tpu.memory_space<vmem>>
      %dma_start3A_649 = tpu.memref_squeeze %dma_start3A_648 : memref<1x128xi32, #tpu.memory_space<vmem>> -> memref<128xi32, #tpu.memory_space<vmem>>
      %dma_start3A_650 = arith.constant 0 : i32
      %dma_start3A_651 = tpu.memref_slice %arg4[%dma_start3A_650] : memref<100000xf32, #tpu.memory_space<hbm>> -> memref<100000xf32, #tpu.memory_space<hbm>>
      tpu.enqueue_indirect_dma source(%dma_start3A_651 : memref<100000xf32, #tpu.memory_space<hbm>>) target(%dma_start3A_646 : memref<128xf32, #tpu.memory_space<vmem>>) offsets(%dma_start3A_649 : memref<128xi32, #tpu.memory_space<vmem>>) semaphore(%arg13 : memref<!tpu.dma_semaphore, #tpu.memory_space<semaphore_mem>>)
      %ge3A = arith.constant 3 : i32
      %ge3A_652 = arith.cmpi sge, %scan3A_622, %ge3A : i32
      %convert_element_type3A_653 = arith.extui %ge3A_652 : i1 to i32
      %cond3A_654 = arith.constant 0 : i32
      %cond3A_655 = arith.cmpi ne, %convert_element_type3A_653, %cond3A_654 : i32
      scf.if %cond3A_655 {
        %dma_wait3A_814 = arith.constant 0 : i32
        %dma_wait3A_815 = arith.constant 0 : i32
        %dma_wait3A_816 = arith.constant 0 : i32
        %dma_wait3A_817 = arith.constant 0 : i32
        %dma_wait3A_818 = arith.constant 0 : i32
        %dma_wait3A_819 = tpu.memref_slice %arg9[%rem3A_623, %dma_wait3A_817, %dma_wait3A_818] : memref<3x64x129xf32, #tpu.memory_space<vmem>> -> memref<1x8x128xf32, #tpu.memory_space<vmem>>
        %dma_wait3A_820 = tpu.memref_squeeze %dma_wait3A_819 : memref<1x8x128xf32, #tpu.memory_space<vmem>> -> memref<8x128xf32, #tpu.memory_space<vmem>>
        %dma_wait3A_821 = arith.constant 0 : i32
        %dma_wait3A_822 = arith.constant 0 : i32
        %dma_wait3A_823 = tpu.memref_slice %arg5[%dma_wait3A_814, %dma_wait3A_815, %dma_wait3A_816, %dma_wait3A_821, %dma_wait3A_822] : memref<50x8x32x8x128xf32, #tpu.memory_space<hbm>> -> memref<1x1x1x8x128xf32, #tpu.memory_space<hbm>>
        %dma_wait3A_824 = tpu.memref_squeeze %dma_wait3A_823 : memref<1x1x1x8x128xf32, #tpu.memory_space<hbm>> -> memref<8x128xf32, #tpu.memory_space<hbm>>
        %dma_wait3A_825 = tpu.memref_slice %arg12[%rem3A_623] : memref<3x!tpu.dma_semaphore, #tpu.memory_space<semaphore_mem>> -> memref<1x!tpu.dma_semaphore, #tpu.memory_space<semaphore_mem>>
        %dma_wait3A_826 = tpu.memref_squeeze %dma_wait3A_825 : memref<1x!tpu.dma_semaphore, #tpu.memory_space<semaphore_mem>> -> memref<!tpu.dma_semaphore, #tpu.memory_space<semaphore_mem>>
        %dma_wait3A_827 = arith.constant 0 : i32
        %dma_wait3A_828 = arith.constant 0 : i32
        %dma_wait3A_829 = tpu.memref_slice %arg5[%dma_wait3A_814, %dma_wait3A_815, %dma_wait3A_816, %dma_wait3A_827, %dma_wait3A_828] : memref<50x8x32x8x128xf32, #tpu.memory_space<hbm>> -> memref<1x1x1x8x128xf32, #tpu.memory_space<hbm>>
        %dma_wait3A_830 = tpu.memref_squeeze %dma_wait3A_829 : memref<1x1x1x8x128xf32, #tpu.memory_space<hbm>> -> memref<8x128xf32, #tpu.memory_space<hbm>>
        %dma_wait3A_831 = arith.constant 0 : i32
        %dma_wait3A_832 = arith.constant 0 : i32
        %dma_wait3A_833 = tpu.memref_slice %arg9[%rem3A_623, %dma_wait3A_831, %dma_wait3A_832] : memref<3x64x129xf32, #tpu.memory_space<vmem>> -> memref<1x8x128xf32, #tpu.memory_space<vmem>>
        %dma_wait3A_834 = tpu.memref_squeeze %dma_wait3A_833 : memref<1x8x128xf32, #tpu.memory_space<vmem>> -> memref<8x128xf32, #tpu.memory_space<vmem>>
        tpu.wait_dma2 semaphore(%dma_wait3A_826 : memref<!tpu.dma_semaphore, #tpu.memory_space<semaphore_mem>>) src(%dma_wait3A_834 : memref<8x128xf32, #tpu.memory_space<vmem>>) dst(%dma_wait3A_830 : memref<8x128xf32, #tpu.memory_space<hbm>>)
        %dma_wait3A_835 = arith.constant 0 : i32
        %dma_wait3A_836 = arith.constant 1 : i32
        %dma_wait3A_837 = arith.constant 0 : i32
        %dma_wait3A_838 = arith.constant 8 : i32
        %dma_wait3A_839 = arith.constant 0 : i32
        %dma_wait3A_840 = tpu.memref_slice %arg9[%rem3A_623, %dma_wait3A_838, %dma_wait3A_839] : memref<3x64x129xf32, #tpu.memory_space<vmem>> -> memref<1x8x128xf32, #tpu.memory_space<vmem>>
        %dma_wait3A_841 = tpu.memref_squeeze %dma_wait3A_840 : memref<1x8x128xf32, #tpu.memory_space<vmem>> -> memref<8x128xf32, #tpu.memory_space<vmem>>
        %dma_wait3A_842 = arith.constant 0 : i32
        %dma_wait3A_843 = arith.constant 0 : i32
        %dma_wait3A_844 = tpu.memref_slice %arg5[%dma_wait3A_835, %dma_wait3A_836, %dma_wait3A_837, %dma_wait3A_842, %dma_wait3A_843] : memref<50x8x32x8x128xf32, #tpu.memory_space<hbm>> -> memref<1x1x1x8x128xf32, #tpu.memory_space<hbm>>
        %dma_wait3A_845 = tpu.memref_squeeze %dma_wait3A_844 : memref<1x1x1x8x128xf32, #tpu.memory_space<hbm>> -> memref<8x128xf32, #tpu.memory_space<hbm>>
        %dma_wait3A_846 = tpu.memref_slice %arg12[%rem3A_623] : memref<3x!tpu.dma_semaphore, #tpu.memory_space<semaphore_mem>> -> memref<1x!tpu.dma_semaphore, #tpu.memory_space<semaphore_mem>>
        %dma_wait3A_847 = tpu.memref_squeeze %dma_wait3A_846 : memref<1x!tpu.dma_semaphore, #tpu.memory_space<semaphore_mem>> -> memref<!tpu.dma_semaphore, #tpu.memory_space<semaphore_mem>>
        %dma_wait3A_848 = arith.constant 0 : i32
        %dma_wait3A_849 = arith.constant 0 : i32
        %dma_wait3A_850 = tpu.memref_slice %arg5[%dma_wait3A_835, %dma_wait3A_836, %dma_wait3A_837, %dma_wait3A_848, %dma_wait3A_849] : memref<50x8x32x8x128xf32, #tpu.memory_space<hbm>> -> memref<1x1x1x8x128xf32, #tpu.memory_space<hbm>>
        %dma_wait3A_851 = tpu.memref_squeeze %dma_wait3A_850 : memref<1x1x1x8x128xf32, #tpu.memory_space<hbm>> -> memref<8x128xf32, #tpu.memory_space<hbm>>
        %dma_wait3A_852 = arith.constant 8 : i32
        %dma_wait3A_853 = arith.constant 0 : i32
        %dma_wait3A_854 = tpu.memref_slice %arg9[%rem3A_623, %dma_wait3A_852, %dma_wait3A_853] : memref<3x64x129xf32, #tpu.memory_space<vmem>> -> memref<1x8x128xf32, #tpu.memory_space<vmem>>
        %dma_wait3A_855 = tpu.memref_squeeze %dma_wait3A_854 : memref<1x8x128xf32, #tpu.memory_space<vmem>> -> memref<8x128xf32, #tpu.memory_space<vmem>>
        tpu.wait_dma2 semaphore(%dma_wait3A_847 : memref<!tpu.dma_semaphore, #tpu.memory_space<semaphore_mem>>) src(%dma_wait3A_855 : memref<8x128xf32, #tpu.memory_space<vmem>>) dst(%dma_wait3A_851 : memref<8x128xf32, #tpu.memory_space<hbm>>)
        %dma_wait3A_856 = arith.constant 0 : i32
        %dma_wait3A_857 = arith.constant 2 : i32
        %dma_wait3A_858 = arith.constant 0 : i32
        %dma_wait3A_859 = arith.constant 16 : i32
        %dma_wait3A_860 = arith.constant 0 : i32
        %dma_wait3A_861 = tpu.memref_slice %arg9[%rem3A_623, %dma_wait3A_859, %dma_wait3A_860] : memref<3x64x129xf32, #tpu.memory_space<vmem>> -> memref<1x8x128xf32, #tpu.memory_space<vmem>>
        %dma_wait3A_862 = tpu.memref_squeeze %dma_wait3A_861 : memref<1x8x128xf32, #tpu.memory_space<vmem>> -> memref<8x128xf32, #tpu.memory_space<vmem>>
        %dma_wait3A_863 = arith.constant 0 : i32
        %dma_wait3A_864 = arith.constant 0 : i32
        %dma_wait3A_865 = tpu.memref_slice %arg5[%dma_wait3A_856, %dma_wait3A_857, %dma_wait3A_858, %dma_wait3A_863, %dma_wait3A_864] : memref<50x8x32x8x128xf32, #tpu.memory_space<hbm>> -> memref<1x1x1x8x128xf32, #tpu.memory_space<hbm>>
        %dma_wait3A_866 = tpu.memref_squeeze %dma_wait3A_865 : memref<1x1x1x8x128xf32, #tpu.memory_space<hbm>> -> memref<8x128xf32, #tpu.memory_space<hbm>>
        %dma_wait3A_867 = tpu.memref_slice %arg12[%rem3A_623] : memref<3x!tpu.dma_semaphore, #tpu.memory_space<semaphore_mem>> -> memref<1x!tpu.dma_semaphore, #tpu.memory_space<semaphore_mem>>
        %dma_wait3A_868 = tpu.memref_squeeze %dma_wait3A_867 : memref<1x!tpu.dma_semaphore, #tpu.memory_space<semaphore_mem>> -> memref<!tpu.dma_semaphore, #tpu.memory_space<semaphore_mem>>
        %dma_wait3A_869 = arith.constant 0 : i32
        %dma_wait3A_870 = arith.constant 0 : i32
        %dma_wait3A_871 = tpu.memref_slice %arg5[%dma_wait3A_856, %dma_wait3A_857, %dma_wait3A_858, %dma_wait3A_869, %dma_wait3A_870] : memref<50x8x32x8x128xf32, #tpu.memory_space<hbm>> -> memref<1x1x1x8x128xf32, #tpu.memory_space<hbm>>
        %dma_wait3A_872 = tpu.memref_squeeze %dma_wait3A_871 : memref<1x1x1x8x128xf32, #tpu.memory_space<hbm>> -> memref<8x128xf32, #tpu.memory_space<hbm>>
        %dma_wait3A_873 = arith.constant 16 : i32
        %dma_wait3A_874 = arith.constant 0 : i32
        %dma_wait3A_875 = tpu.memref_slice %arg9[%rem3A_623, %dma_wait3A_873, %dma_wait3A_874] : memref<3x64x129xf32, #tpu.memory_space<vmem>> -> memref<1x8x128xf32, #tpu.memory_space<vmem>>
        %dma_wait3A_876 = tpu.memref_squeeze %dma_wait3A_875 : memref<1x8x128xf32, #tpu.memory_space<vmem>> -> memref<8x128xf32, #tpu.memory_space<vmem>>
        tpu.wait_dma2 semaphore(%dma_wait3A_868 : memref<!tpu.dma_semaphore, #tpu.memory_space<semaphore_mem>>) src(%dma_wait3A_876 : memref<8x128xf32, #tpu.memory_space<vmem>>) dst(%dma_wait3A_872 : memref<8x128xf32, #tpu.memory_space<hbm>>)
        %dma_wait3A_877 = arith.constant 0 : i32
        %dma_wait3A_878 = arith.constant 3 : i32
        %dma_wait3A_879 = arith.constant 0 : i32
        %dma_wait3A_880 = arith.constant 24 : i32
        %dma_wait3A_881 = arith.constant 0 : i32
        %dma_wait3A_882 = tpu.memref_slice %arg9[%rem3A_623, %dma_wait3A_880, %dma_wait3A_881] : memref<3x64x129xf32, #tpu.memory_space<vmem>> -> memref<1x8x128xf32, #tpu.memory_space<vmem>>
        %dma_wait3A_883 = tpu.memref_squeeze %dma_wait3A_882 : memref<1x8x128xf32, #tpu.memory_space<vmem>> -> memref<8x128xf32, #tpu.memory_space<vmem>>
        %dma_wait3A_884 = arith.constant 0 : i32
        %dma_wait3A_885 = arith.constant 0 : i32
        %dma_wait3A_886 = tpu.memref_slice %arg5[%dma_wait3A_877, %dma_wait3A_878, %dma_wait3A_879, %dma_wait3A_884, %dma_wait3A_885] : memref<50x8x32x8x128xf32, #tpu.memory_space<hbm>> -> memref<1x1x1x8x128xf32, #tpu.memory_space<hbm>>
        %dma_wait3A_887 = tpu.memref_squeeze %dma_wait3A_886 : memref<1x1x1x8x128xf32, #tpu.memory_space<hbm>> -> memref<8x128xf32, #tpu.memory_space<hbm>>
        %dma_wait3A_888 = tpu.memref_slice %arg12[%rem3A_623] : memref<3x!tpu.dma_semaphore, #tpu.memory_space<semaphore_mem>> -> memref<1x!tpu.dma_semaphore, #tpu.memory_space<semaphore_mem>>
        %dma_wait3A_889 = tpu.memref_squeeze %dma_wait3A_888 : memref<1x!tpu.dma_semaphore, #tpu.memory_space<semaphore_mem>> -> memref<!tpu.dma_semaphore, #tpu.memory_space<semaphore_mem>>
        %dma_wait3A_890 = arith.constant 0 : i32
        %dma_wait3A_891 = arith.constant 0 : i32
        %dma_wait3A_892 = tpu.memref_slice %arg5[%dma_wait3A_877, %dma_wait3A_878, %dma_wait3A_879, %dma_wait3A_890, %dma_wait3A_891] : memref<50x8x32x8x128xf32, #tpu.memory_space<hbm>> -> memref<1x1x1x8x128xf32, #tpu.memory_space<hbm>>
        %dma_wait3A_893 = tpu.memref_squeeze %dma_wait3A_892 : memref<1x1x1x8x128xf32, #tpu.memory_space<hbm>> -> memref<8x128xf32, #tpu.memory_space<hbm>>
        %dma_wait3A_894 = arith.constant 24 : i32
        %dma_wait3A_895 = arith.constant 0 : i32
        %dma_wait3A_896 = tpu.memref_slice %arg9[%rem3A_623, %dma_wait3A_894, %dma_wait3A_895] : memref<3x64x129xf32, #tpu.memory_space<vmem>> -> memref<1x8x128xf32, #tpu.memory_space<vmem>>
        %dma_wait3A_897 = tpu.memref_squeeze %dma_wait3A_896 : memref<1x8x128xf32, #tpu.memory_space<vmem>> -> memref<8x128xf32, #tpu.memory_space<vmem>>
        tpu.wait_dma2 semaphore(%dma_wait3A_889 : memref<!tpu.dma_semaphore, #tpu.memory_space<semaphore_mem>>) src(%dma_wait3A_897 : memref<8x128xf32, #tpu.memory_space<vmem>>) dst(%dma_wait3A_893 : memref<8x128xf32, #tpu.memory_space<hbm>>)
        %dma_wait3A_898 = arith.constant 0 : i32
        %dma_wait3A_899 = arith.constant 4 : i32
        %dma_wait3A_900 = arith.constant 0 : i32
        %dma_wait3A_901 = arith.constant 32 : i32
        %dma_wait3A_902 = arith.constant 0 : i32
        %dma_wait3A_903 = tpu.memref_slice %arg9[%rem3A_623, %dma_wait3A_901, %dma_wait3A_902] : memref<3x64x129xf32, #tpu.memory_space<vmem>> -> memref<1x8x128xf32, #tpu.memory_space<vmem>>
        %dma_wait3A_904 = tpu.memref_squeeze %dma_wait3A_903 : memref<1x8x128xf32, #tpu.memory_space<vmem>> -> memref<8x128xf32, #tpu.memory_space<vmem>>
        %dma_wait3A_905 = arith.constant 0 : i32
        %dma_wait3A_906 = arith.constant 0 : i32
        %dma_wait3A_907 = tpu.memref_slice %arg5[%dma_wait3A_898, %dma_wait3A_899, %dma_wait3A_900, %dma_wait3A_905, %dma_wait3A_906] : memref<50x8x32x8x128xf32, #tpu.memory_space<hbm>> -> memref<1x1x1x8x128xf32, #tpu.memory_space<hbm>>
        %dma_wait3A_908 = tpu.memref_squeeze %dma_wait3A_907 : memref<1x1x1x8x128xf32, #tpu.memory_space<hbm>> -> memref<8x128xf32, #tpu.memory_space<hbm>>
        %dma_wait3A_909 = tpu.memref_slice %arg12[%rem3A_623] : memref<3x!tpu.dma_semaphore, #tpu.memory_space<semaphore_mem>> -> memref<1x!tpu.dma_semaphore, #tpu.memory_space<semaphore_mem>>
        %dma_wait3A_910 = tpu.memref_squeeze %dma_wait3A_909 : memref<1x!tpu.dma_semaphore, #tpu.memory_space<semaphore_mem>> -> memref<!tpu.dma_semaphore, #tpu.memory_space<semaphore_mem>>
        %dma_wait3A_911 = arith.constant 0 : i32
        %dma_wait3A_912 = arith.constant 0 : i32
        %dma_wait3A_913 = tpu.memref_slice %arg5[%dma_wait3A_898, %dma_wait3A_899, %dma_wait3A_900, %dma_wait3A_911, %dma_wait3A_912] : memref<50x8x32x8x128xf32, #tpu.memory_space<hbm>> -> memref<1x1x1x8x128xf32, #tpu.memory_space<hbm>>
        %dma_wait3A_914 = tpu.memref_squeeze %dma_wait3A_913 : memref<1x1x1x8x128xf32, #tpu.memory_space<hbm>> -> memref<8x128xf32, #tpu.memory_space<hbm>>
        %dma_wait3A_915 = arith.constant 32 : i32
        %dma_wait3A_916 = arith.constant 0 : i32
        %dma_wait3A_917 = tpu.memref_slice %arg9[%rem3A_623, %dma_wait3A_915, %dma_wait3A_916] : memref<3x64x129xf32, #tpu.memory_space<vmem>> -> memref<1x8x128xf32, #tpu.memory_space<vmem>>
        %dma_wait3A_918 = tpu.memref_squeeze %dma_wait3A_917 : memref<1x8x128xf32, #tpu.memory_space<vmem>> -> memref<8x128xf32, #tpu.memory_space<vmem>>
        tpu.wait_dma2 semaphore(%dma_wait3A_910 : memref<!tpu.dma_semaphore, #tpu.memory_space<semaphore_mem>>) src(%dma_wait3A_918 : memref<8x128xf32, #tpu.memory_space<vmem>>) dst(%dma_wait3A_914 : memref<8x128xf32, #tpu.memory_space<hbm>>)
        %dma_wait3A_919 = arith.constant 0 : i32
        %dma_wait3A_920 = arith.constant 5 : i32
        %dma_wait3A_921 = arith.constant 0 : i32
        %dma_wait3A_922 = arith.constant 40 : i32
        %dma_wait3A_923 = arith.constant 0 : i32
        %dma_wait3A_924 = tpu.memref_slice %arg9[%rem3A_623, %dma_wait3A_922, %dma_wait3A_923] : memref<3x64x129xf32, #tpu.memory_space<vmem>> -> memref<1x8x128xf32, #tpu.memory_space<vmem>>
        %dma_wait3A_925 = tpu.memref_squeeze %dma_wait3A_924 : memref<1x8x128xf32, #tpu.memory_space<vmem>> -> memref<8x128xf32, #tpu.memory_space<vmem>>
        %dma_wait3A_926 = arith.constant 0 : i32
        %dma_wait3A_927 = arith.constant 0 : i32
        %dma_wait3A_928 = tpu.memref_slice %arg5[%dma_wait3A_919, %dma_wait3A_920, %dma_wait3A_921, %dma_wait3A_926, %dma_wait3A_927] : memref<50x8x32x8x128xf32, #tpu.memory_space<hbm>> -> memref<1x1x1x8x128xf32, #tpu.memory_space<hbm>>
        %dma_wait3A_929 = tpu.memref_squeeze %dma_wait3A_928 : memref<1x1x1x8x128xf32, #tpu.memory_space<hbm>> -> memref<8x128xf32, #tpu.memory_space<hbm>>
        %dma_wait3A_930 = tpu.memref_slice %arg12[%rem3A_623] : memref<3x!tpu.dma_semaphore, #tpu.memory_space<semaphore_mem>> -> memref<1x!tpu.dma_semaphore, #tpu.memory_space<semaphore_mem>>
        %dma_wait3A_931 = tpu.memref_squeeze %dma_wait3A_930 : memref<1x!tpu.dma_semaphore, #tpu.memory_space<semaphore_mem>> -> memref<!tpu.dma_semaphore, #tpu.memory_space<semaphore_mem>>
        %dma_wait3A_932 = arith.constant 0 : i32
        %dma_wait3A_933 = arith.constant 0 : i32
        %dma_wait3A_934 = tpu.memref_slice %arg5[%dma_wait3A_919, %dma_wait3A_920, %dma_wait3A_921, %dma_wait3A_932, %dma_wait3A_933] : memref<50x8x32x8x128xf32, #tpu.memory_space<hbm>> -> memref<1x1x1x8x128xf32, #tpu.memory_space<hbm>>
        %dma_wait3A_935 = tpu.memref_squeeze %dma_wait3A_934 : memref<1x1x1x8x128xf32, #tpu.memory_space<hbm>> -> memref<8x128xf32, #tpu.memory_space<hbm>>
        %dma_wait3A_936 = arith.constant 40 : i32
        %dma_wait3A_937 = arith.constant 0 : i32
        %dma_wait3A_938 = tpu.memref_slice %arg9[%rem3A_623, %dma_wait3A_936, %dma_wait3A_937] : memref<3x64x129xf32, #tpu.memory_space<vmem>> -> memref<1x8x128xf32, #tpu.memory_space<vmem>>
        %dma_wait3A_939 = tpu.memref_squeeze %dma_wait3A_938 : memref<1x8x128xf32, #tpu.memory_space<vmem>> -> memref<8x128xf32, #tpu.memory_space<vmem>>
        tpu.wait_dma2 semaphore(%dma_wait3A_931 : memref<!tpu.dma_semaphore, #tpu.memory_space<semaphore_mem>>) src(%dma_wait3A_939 : memref<8x128xf32, #tpu.memory_space<vmem>>) dst(%dma_wait3A_935 : memref<8x128xf32, #tpu.memory_space<hbm>>)
        %dma_wait3A_940 = arith.constant 0 : i32
        %dma_wait3A_941 = arith.constant 6 : i32
        %dma_wait3A_942 = arith.constant 0 : i32
        %dma_wait3A_943 = arith.constant 48 : i32
        %dma_wait3A_944 = arith.constant 0 : i32
        %dma_wait3A_945 = tpu.memref_slice %arg9[%rem3A_623, %dma_wait3A_943, %dma_wait3A_944] : memref<3x64x129xf32, #tpu.memory_space<vmem>> -> memref<1x8x128xf32, #tpu.memory_space<vmem>>
        %dma_wait3A_946 = tpu.memref_squeeze %dma_wait3A_945 : memref<1x8x128xf32, #tpu.memory_space<vmem>> -> memref<8x128xf32, #tpu.memory_space<vmem>>
        %dma_wait3A_947 = arith.constant 0 : i32
        %dma_wait3A_948 = arith.constant 0 : i32
        %dma_wait3A_949 = tpu.memref_slice %arg5[%dma_wait3A_940, %dma_wait3A_941, %dma_wait3A_942, %dma_wait3A_947, %dma_wait3A_948] : memref<50x8x32x8x128xf32, #tpu.memory_space<hbm>> -> memref<1x1x1x8x128xf32, #tpu.memory_space<hbm>>
        %dma_wait3A_950 = tpu.memref_squeeze %dma_wait3A_949 : memref<1x1x1x8x128xf32, #tpu.memory_space<hbm>> -> memref<8x128xf32, #tpu.memory_space<hbm>>
        %dma_wait3A_951 = tpu.memref_slice %arg12[%rem3A_623] : memref<3x!tpu.dma_semaphore, #tpu.memory_space<semaphore_mem>> -> memref<1x!tpu.dma_semaphore, #tpu.memory_space<semaphore_mem>>
        %dma_wait3A_952 = tpu.memref_squeeze %dma_wait3A_951 : memref<1x!tpu.dma_semaphore, #tpu.memory_space<semaphore_mem>> -> memref<!tpu.dma_semaphore, #tpu.memory_space<semaphore_mem>>
        %dma_wait3A_953 = arith.constant 0 : i32
        %dma_wait3A_954 = arith.constant 0 : i32
        %dma_wait3A_955 = tpu.memref_slice %arg5[%dma_wait3A_940, %dma_wait3A_941, %dma_wait3A_942, %dma_wait3A_953, %dma_wait3A_954] : memref<50x8x32x8x128xf32, #tpu.memory_space<hbm>> -> memref<1x1x1x8x128xf32, #tpu.memory_space<hbm>>
        %dma_wait3A_956 = tpu.memref_squeeze %dma_wait3A_955 : memref<1x1x1x8x128xf32, #tpu.memory_space<hbm>> -> memref<8x128xf32, #tpu.memory_space<hbm>>
        %dma_wait3A_957 = arith.constant 48 : i32
        %dma_wait3A_958 = arith.constant 0 : i32
        %dma_wait3A_959 = tpu.memref_slice %arg9[%rem3A_623, %dma_wait3A_957, %dma_wait3A_958] : memref<3x64x129xf32, #tpu.memory_space<vmem>> -> memref<1x8x128xf32, #tpu.memory_space<vmem>>
        %dma_wait3A_960 = tpu.memref_squeeze %dma_wait3A_959 : memref<1x8x128xf32, #tpu.memory_space<vmem>> -> memref<8x128xf32, #tpu.memory_space<vmem>>
        tpu.wait_dma2 semaphore(%dma_wait3A_952 : memref<!tpu.dma_semaphore, #tpu.memory_space<semaphore_mem>>) src(%dma_wait3A_960 : memref<8x128xf32, #tpu.memory_space<vmem>>) dst(%dma_wait3A_956 : memref<8x128xf32, #tpu.memory_space<hbm>>)
        %dma_wait3A_961 = arith.constant 0 : i32
        %dma_wait3A_962 = arith.constant 7 : i32
        %dma_wait3A_963 = arith.constant 0 : i32
        %dma_wait3A_964 = arith.constant 56 : i32
        %dma_wait3A_965 = arith.constant 0 : i32
        %dma_wait3A_966 = tpu.memref_slice %arg9[%rem3A_623, %dma_wait3A_964, %dma_wait3A_965] : memref<3x64x129xf32, #tpu.memory_space<vmem>> -> memref<1x8x128xf32, #tpu.memory_space<vmem>>
        %dma_wait3A_967 = tpu.memref_squeeze %dma_wait3A_966 : memref<1x8x128xf32, #tpu.memory_space<vmem>> -> memref<8x128xf32, #tpu.memory_space<vmem>>
        %dma_wait3A_968 = arith.constant 0 : i32
        %dma_wait3A_969 = arith.constant 0 : i32
        %dma_wait3A_970 = tpu.memref_slice %arg5[%dma_wait3A_961, %dma_wait3A_962, %dma_wait3A_963, %dma_wait3A_968, %dma_wait3A_969] : memref<50x8x32x8x128xf32, #tpu.memory_space<hbm>> -> memref<1x1x1x8x128xf32, #tpu.memory_space<hbm>>
        %dma_wait3A_971 = tpu.memref_squeeze %dma_wait3A_970 : memref<1x1x1x8x128xf32, #tpu.memory_space<hbm>> -> memref<8x128xf32, #tpu.memory_space<hbm>>
        %dma_wait3A_972 = tpu.memref_slice %arg12[%rem3A_623] : memref<3x!tpu.dma_semaphore, #tpu.memory_space<semaphore_mem>> -> memref<1x!tpu.dma_semaphore, #tpu.memory_space<semaphore_mem>>
        %dma_wait3A_973 = tpu.memref_squeeze %dma_wait3A_972 : memref<1x!tpu.dma_semaphore, #tpu.memory_space<semaphore_mem>> -> memref<!tpu.dma_semaphore, #tpu.memory_space<semaphore_mem>>
        %dma_wait3A_974 = arith.constant 0 : i32
        %dma_wait3A_975 = arith.constant 0 : i32
        %dma_wait3A_976 = tpu.memref_slice %arg5[%dma_wait3A_961, %dma_wait3A_962, %dma_wait3A_963, %dma_wait3A_974, %dma_wait3A_975] : memref<50x8x32x8x128xf32, #tpu.memory_space<hbm>> -> memref<1x1x1x8x128xf32, #tpu.memory_space<hbm>>
        %dma_wait3A_977 = tpu.memref_squeeze %dma_wait3A_976 : memref<1x1x1x8x128xf32, #tpu.memory_space<hbm>> -> memref<8x128xf32, #tpu.memory_space<hbm>>
        %dma_wait3A_978 = arith.constant 56 : i32
        %dma_wait3A_979 = arith.constant 0 : i32
        %dma_wait3A_980 = tpu.memref_slice %arg9[%rem3A_623, %dma_wait3A_978, %dma_wait3A_979] : memref<3x64x129xf32, #tpu.memory_space<vmem>> -> memref<1x8x128xf32, #tpu.memory_space<vmem>>
        %dma_wait3A_981 = tpu.memref_squeeze %dma_wait3A_980 : memref<1x8x128xf32, #tpu.memory_space<vmem>> -> memref<8x128xf32, #tpu.memory_space<vmem>>
        tpu.wait_dma2 semaphore(%dma_wait3A_973 : memref<!tpu.dma_semaphore, #tpu.memory_space<semaphore_mem>>) src(%dma_wait3A_981 : memref<8x128xf32, #tpu.memory_space<vmem>>) dst(%dma_wait3A_977 : memref<8x128xf32, #tpu.memory_space<hbm>>)
      } else {
      }
      %scan3A_656 = arith.constant 0 : i32
      %scan3A_657 = arith.constant 0 : i32
      %scan3A_658 = arith.constant 128 : i32
      %scan3A_659 = arith.addi %scan3A_657, %scan3A_658 : i32
      %scan3A_660 = arith.constant 8 : i32
      scf.for %scan3A_814 = %scan3A_657 to %scan3A_659 step %scan3A_660  : i32 {
        %broadcast_in_dim3A = vector.broadcast %scan3A_814 : i32 to vector<16xi32>
        %get3A = arith.constant 0 : i32
        %get3A_815 = arith.constant 0 : i32
        %get3A_816 = tpu.memref_slice %arg8[%rem3A_625, %get3A, %get3A_815] : memref<4x128x64xf32, #tpu.memory_space<vmem>> -> memref<1x128x64xf32, #tpu.memory_space<vmem>>
        %get3A_817 = tpu.memref_squeeze %get3A_816 : memref<1x128x64xf32, #tpu.memory_space<vmem>> -> memref<128x64xf32, #tpu.memory_space<vmem>>
        %get3A_818 = arith.index_cast %scan3A_814 : i32 to index
        %get3A_819 = arith.constant 0 : index
        %get3A_820 = tpu.vector_load %get3A_817[%get3A_818, %get3A_819] {strides = array<i32>} : memref<128x64xf32, #tpu.memory_space<vmem>>, vector<16xf32>,
        %scatter3A = arith.constant 0 : i32
        %scatter3A_821 = arith.constant 0 : i32
        %scatter3A_822 = tpu.memref_slice %arg9[%rem3A_623, %scatter3A, %scatter3A_821] : memref<3x64x129xf32, #tpu.memory_space<vmem>> -> memref<1x64x129xf32, #tpu.memory_space<vmem>>
        %scatter3A_823 = tpu.memref_squeeze %scatter3A_822 : memref<1x64x129xf32, #tpu.memory_space<vmem>> -> memref<64x129xf32, #tpu.memory_space<vmem>>
        tpu.vector_store_idx %scatter3A_823[%add3A_5, %broadcast_in_dim3A], %get3A_820 : memref<64x129xf32, #tpu.memory_space<vmem>>[vector<16xi32>, vector<16xi32>], vector<16xf32>,
        %get3A_824 = arith.constant 0 : i32
        %get3A_825 = arith.constant 0 : i32
        %get3A_826 = tpu.memref_slice %arg8[%rem3A_625, %get3A_824, %get3A_825] : memref<4x128x64xf32, #tpu.memory_space<vmem>> -> memref<1x128x64xf32, #tpu.memory_space<vmem>>
        %get3A_827 = tpu.memref_squeeze %get3A_826 : memref<1x128x64xf32, #tpu.memory_space<vmem>> -> memref<128x64xf32, #tpu.memory_space<vmem>>
        %get3A_828 = arith.index_cast %scan3A_814 : i32 to index
        %get3A_829 = arith.constant 16 : index
        %get3A_830 = tpu.vector_load %get3A_827[%get3A_828, %get3A_829] {strides = array<i32>} : memref<128x64xf32, #tpu.memory_space<vmem>>, vector<16xf32>,
        %scatter3A_831 = arith.constant 0 : i32
        %scatter3A_832 = arith.constant 0 : i32
        %scatter3A_833 = tpu.memref_slice %arg9[%rem3A_623, %scatter3A_831, %scatter3A_832] : memref<3x64x129xf32, #tpu.memory_space<vmem>> -> memref<1x64x129xf32, #tpu.memory_space<vmem>>
        %scatter3A_834 = tpu.memref_squeeze %scatter3A_833 : memref<1x64x129xf32, #tpu.memory_space<vmem>> -> memref<64x129xf32, #tpu.memory_space<vmem>>
        tpu.vector_store_idx %scatter3A_834[%add3A_9, %broadcast_in_dim3A], %get3A_830 : memref<64x129xf32, #tpu.memory_space<vmem>>[vector<16xi32>, vector<16xi32>], vector<16xf32>,
        %get3A_835 = arith.constant 0 : i32
        %get3A_836 = arith.constant 0 : i32
        %get3A_837 = tpu.memref_slice %arg8[%rem3A_625, %get3A_835, %get3A_836] : memref<4x128x64xf32, #tpu.memory_space<vmem>> -> memref<1x128x64xf32, #tpu.memory_space<vmem>>
        %get3A_838 = tpu.memref_squeeze %get3A_837 : memref<1x128x64xf32, #tpu.memory_space<vmem>> -> memref<128x64xf32, #tpu.memory_space<vmem>>
        %get3A_839 = arith.index_cast %scan3A_814 : i32 to index
        %get3A_840 = arith.constant 32 : index
        %get3A_841 = tpu.vector_load %get3A_838[%get3A_839, %get3A_840] {strides = array<i32>} : memref<128x64xf32, #tpu.memory_space<vmem>>, vector<16xf32>,
        %scatter3A_842 = arith.constant 0 : i32
        %scatter3A_843 = arith.constant 0 : i32
        %scatter3A_844 = tpu.memref_slice %arg9[%rem3A_623, %scatter3A_842, %scatter3A_843] : memref<3x64x129xf32, #tpu.memory_space<vmem>> -> memref<1x64x129xf32, #tpu.memory_space<vmem>>
        %scatter3A_845 = tpu.memref_squeeze %scatter3A_844 : memref<1x64x129xf32, #tpu.memory_space<vmem>> -> memref<64x129xf32, #tpu.memory_space<vmem>>
        tpu.vector_store_idx %scatter3A_845[%add3A_13, %broadcast_in_dim3A], %get3A_841 : memref<64x129xf32, #tpu.memory_space<vmem>>[vector<16xi32>, vector<16xi32>], vector<16xf32>,
        %get3A_846 = arith.constant 0 : i32
        %get3A_847 = arith.constant 0 : i32
        %get3A_848 = tpu.memref_slice %arg8[%rem3A_625, %get3A_846, %get3A_847] : memref<4x128x64xf32, #tpu.memory_space<vmem>> -> memref<1x128x64xf32, #tpu.memory_space<vmem>>
        %get3A_849 = tpu.memref_squeeze %get3A_848 : memref<1x128x64xf32, #tpu.memory_space<vmem>> -> memref<128x64xf32, #tpu.memory_space<vmem>>
        %get3A_850 = arith.index_cast %scan3A_814 : i32 to index
        %get3A_851 = arith.constant 48 : index
        %get3A_852 = tpu.vector_load %get3A_849[%get3A_850, %get3A_851] {strides = array<i32>} : memref<128x64xf32, #tpu.memory_space<vmem>>, vector<16xf32>,
        %scatter3A_853 = arith.constant 0 : i32
        %scatter3A_854 = arith.constant 0 : i32
        %scatter3A_855 = tpu.memref_slice %arg9[%rem3A_623, %scatter3A_853, %scatter3A_854] : memref<3x64x129xf32, #tpu.memory_space<vmem>> -> memref<1x64x129xf32, #tpu.memory_space<vmem>>
        %scatter3A_856 = tpu.memref_squeeze %scatter3A_855 : memref<1x64x129xf32, #tpu.memory_space<vmem>> -> memref<64x129xf32, #tpu.memory_space<vmem>>
        tpu.vector_store_idx %scatter3A_856[%add3A_17, %broadcast_in_dim3A], %get3A_852 : memref<64x129xf32, #tpu.memory_space<vmem>>[vector<16xi32>, vector<16xi32>], vector<16xf32>,
        %scan3A_857 = arith.constant 1 : i32
        %scan3A_858 = arith.addi %scan3A_814, %scan3A_857 : i32
        %broadcast_in_dim3A_859 = vector.broadcast %scan3A_858 : i32 to vector<16xi32>
        %get3A_860 = arith.constant 0 : i32
        %get3A_861 = arith.constant 0 : i32
        %get3A_862 = tpu.memref_slice %arg8[%rem3A_625, %get3A_860, %get3A_861] : memref<4x128x64xf32, #tpu.memory_space<vmem>> -> memref<1x128x64xf32, #tpu.memory_space<vmem>>
        %get3A_863 = tpu.memref_squeeze %get3A_862 : memref<1x128x64xf32, #tpu.memory_space<vmem>> -> memref<128x64xf32, #tpu.memory_space<vmem>>
        %get3A_864 = arith.index_cast %scan3A_858 : i32 to index
        %get3A_865 = arith.constant 0 : index
        %get3A_866 = tpu.vector_load %get3A_863[%get3A_864, %get3A_865] {strides = array<i32>} : memref<128x64xf32, #tpu.memory_space<vmem>>, vector<16xf32>,
        %scatter3A_867 = arith.constant 0 : i32
        %scatter3A_868 = arith.constant 0 : i32
        %scatter3A_869 = tpu.memref_slice %arg9[%rem3A_623, %scatter3A_867, %scatter3A_868] : memref<3x64x129xf32, #tpu.memory_space<vmem>> -> memref<1x64x129xf32, #tpu.memory_space<vmem>>
        %scatter3A_870 = tpu.memref_squeeze %scatter3A_869 : memref<1x64x129xf32, #tpu.memory_space<vmem>> -> memref<64x129xf32, #tpu.memory_space<vmem>>
        tpu.vector_store_idx %scatter3A_870[%add3A_5, %broadcast_in_dim3A_859], %get3A_866 : memref<64x129xf32, #tpu.memory_space<vmem>>[vector<16xi32>, vector<16xi32>], vector<16xf32>,
        %get3A_871 = arith.constant 0 : i32
        %get3A_872 = arith.constant 0 : i32
        %get3A_873 = tpu.memref_slice %arg8[%rem3A_625, %get3A_871, %get3A_872] : memref<4x128x64xf32, #tpu.memory_space<vmem>> -> memref<1x128x64xf32, #tpu.memory_space<vmem>>
        %get3A_874 = tpu.memref_squeeze %get3A_873 : memref<1x128x64xf32, #tpu.memory_space<vmem>> -> memref<128x64xf32, #tpu.memory_space<vmem>>
        %get3A_875 = arith.index_cast %scan3A_858 : i32 to index
        %get3A_876 = arith.constant 16 : index
        %get3A_877 = tpu.vector_load %get3A_874[%get3A_875, %get3A_876] {strides = array<i32>} : memref<128x64xf32, #tpu.memory_space<vmem>>, vector<16xf32>,
        %scatter3A_878 = arith.constant 0 : i32
        %scatter3A_879 = arith.constant 0 : i32
        %scatter3A_880 = tpu.memref_slice %arg9[%rem3A_623, %scatter3A_878, %scatter3A_879] : memref<3x64x129xf32, #tpu.memory_space<vmem>> -> memref<1x64x129xf32, #tpu.memory_space<vmem>>
        %scatter3A_881 = tpu.memref_squeeze %scatter3A_880 : memref<1x64x129xf32, #tpu.memory_space<vmem>> -> memref<64x129xf32, #tpu.memory_space<vmem>>
        tpu.vector_store_idx %scatter3A_881[%add3A_9, %broadcast_in_dim3A_859], %get3A_877 : memref<64x129xf32, #tpu.memory_space<vmem>>[vector<16xi32>, vector<16xi32>], vector<16xf32>,
        %get3A_882 = arith.constant 0 : i32
        %get3A_883 = arith.constant 0 : i32
        %get3A_884 = tpu.memref_slice %arg8[%rem3A_625, %get3A_882, %get3A_883] : memref<4x128x64xf32, #tpu.memory_space<vmem>> -> memref<1x128x64xf32, #tpu.memory_space<vmem>>
        %get3A_885 = tpu.memref_squeeze %get3A_884 : memref<1x128x64xf32, #tpu.memory_space<vmem>> -> memref<128x64xf32, #tpu.memory_space<vmem>>
        %get3A_886 = arith.index_cast %scan3A_858 : i32 to index
        %get3A_887 = arith.constant 32 : index
        %get3A_888 = tpu.vector_load %get3A_885[%get3A_886, %get3A_887] {strides = array<i32>} : memref<128x64xf32, #tpu.memory_space<vmem>>, vector<16xf32>,
        %scatter3A_889 = arith.constant 0 : i32
        %scatter3A_890 = arith.constant 0 : i32
        %scatter3A_891 = tpu.memref_slice %arg9[%rem3A_623, %scatter3A_889, %scatter3A_890] : memref<3x64x129xf32, #tpu.memory_space<vmem>> -> memref<1x64x129xf32, #tpu.memory_space<vmem>>
        %scatter3A_892 = tpu.memref_squeeze %scatter3A_891 : memref<1x64x129xf32, #tpu.memory_space<vmem>> -> memref<64x129xf32, #tpu.memory_space<vmem>>
        tpu.vector_store_idx %scatter3A_892[%add3A_13, %broadcast_in_dim3A_859], %get3A_888 : memref<64x129xf32, #tpu.memory_space<vmem>>[vector<16xi32>, vector<16xi32>], vector<16xf32>,
        %get3A_893 = arith.constant 0 : i32
        %get3A_894 = arith.constant 0 : i32
        %get3A_895 = tpu.memref_slice %arg8[%rem3A_625, %get3A_893, %get3A_894] : memref<4x128x64xf32, #tpu.memory_space<vmem>> -> memref<1x128x64xf32, #tpu.memory_space<vmem>>
        %get3A_896 = tpu.memref_squeeze %get3A_895 : memref<1x128x64xf32, #tpu.memory_space<vmem>> -> memref<128x64xf32, #tpu.memory_space<vmem>>
        %get3A_897 = arith.index_cast %scan3A_858 : i32 to index
        %get3A_898 = arith.constant 48 : index
        %get3A_899 = tpu.vector_load %get3A_896[%get3A_897, %get3A_898] {strides = array<i32>} : memref<128x64xf32, #tpu.memory_space<vmem>>, vector<16xf32>,
        %scatter3A_900 = arith.constant 0 : i32
        %scatter3A_901 = arith.constant 0 : i32
        %scatter3A_902 = tpu.memref_slice %arg9[%rem3A_623, %scatter3A_900, %scatter3A_901] : memref<3x64x129xf32, #tpu.memory_space<vmem>> -> memref<1x64x129xf32, #tpu.memory_space<vmem>>
        %scatter3A_903 = tpu.memref_squeeze %scatter3A_902 : memref<1x64x129xf32, #tpu.memory_space<vmem>> -> memref<64x129xf32, #tpu.memory_space<vmem>>
        tpu.vector_store_idx %scatter3A_903[%add3A_17, %broadcast_in_dim3A_859], %get3A_899 : memref<64x129xf32, #tpu.memory_space<vmem>>[vector<16xi32>, vector<16xi32>], vector<16xf32>,
        %scan3A_904 = arith.constant 2 : i32
        %scan3A_905 = arith.addi %scan3A_814, %scan3A_904 : i32
        %broadcast_in_dim3A_906 = vector.broadcast %scan3A_905 : i32 to vector<16xi32>
        %get3A_907 = arith.constant 0 : i32
        %get3A_908 = arith.constant 0 : i32
        %get3A_909 = tpu.memref_slice %arg8[%rem3A_625, %get3A_907, %get3A_908] : memref<4x128x64xf32, #tpu.memory_space<vmem>> -> memref<1x128x64xf32, #tpu.memory_space<vmem>>
        %get3A_910 = tpu.memref_squeeze %get3A_909 : memref<1x128x64xf32, #tpu.memory_space<vmem>> -> memref<128x64xf32, #tpu.memory_space<vmem>>
        %get3A_911 = arith.index_cast %scan3A_905 : i32 to index
        %get3A_912 = arith.constant 0 : index
        %get3A_913 = tpu.vector_load %get3A_910[%get3A_911, %get3A_912] {strides = array<i32>} : memref<128x64xf32, #tpu.memory_space<vmem>>, vector<16xf32>,
        %scatter3A_914 = arith.constant 0 : i32
        %scatter3A_915 = arith.constant 0 : i32
        %scatter3A_916 = tpu.memref_slice %arg9[%rem3A_623, %scatter3A_914, %scatter3A_915] : memref<3x64x129xf32, #tpu.memory_space<vmem>> -> memref<1x64x129xf32, #tpu.memory_space<vmem>>
        %scatter3A_917 = tpu.memref_squeeze %scatter3A_916 : memref<1x64x129xf32, #tpu.memory_space<vmem>> -> memref<64x129xf32, #tpu.memory_space<vmem>>
        tpu.vector_store_idx %scatter3A_917[%add3A_5, %broadcast_in_dim3A_906], %get3A_913 : memref<64x129xf32, #tpu.memory_space<vmem>>[vector<16xi32>, vector<16xi32>], vector<16xf32>,
        %get3A_918 = arith.constant 0 : i32
        %get3A_919 = arith.constant 0 : i32
        %get3A_920 = tpu.memref_slice %arg8[%rem3A_625, %get3A_918, %get3A_919] : memref<4x128x64xf32, #tpu.memory_space<vmem>> -> memref<1x128x64xf32, #tpu.memory_space<vmem>>
        %get3A_921 = tpu.memref_squeeze %get3A_920 : memref<1x128x64xf32, #tpu.memory_space<vmem>> -> memref<128x64xf32, #tpu.memory_space<vmem>>
        %get3A_922 = arith.index_cast %scan3A_905 : i32 to index
        %get3A_923 = arith.constant 16 : index
        %get3A_924 = tpu.vector_load %get3A_921[%get3A_922, %get3A_923] {strides = array<i32>} : memref<128x64xf32, #tpu.memory_space<vmem>>, vector<16xf32>,
        %scatter3A_925 = arith.constant 0 : i32
        %scatter3A_926 = arith.constant 0 : i32
        %scatter3A_927 = tpu.memref_slice %arg9[%rem3A_623, %scatter3A_925, %scatter3A_926] : memref<3x64x129xf32, #tpu.memory_space<vmem>> -> memref<1x64x129xf32, #tpu.memory_space<vmem>>
        %scatter3A_928 = tpu.memref_squeeze %scatter3A_927 : memref<1x64x129xf32, #tpu.memory_space<vmem>> -> memref<64x129xf32, #tpu.memory_space<vmem>>
        tpu.vector_store_idx %scatter3A_928[%add3A_9, %broadcast_in_dim3A_906], %get3A_924 : memref<64x129xf32, #tpu.memory_space<vmem>>[vector<16xi32>, vector<16xi32>], vector<16xf32>,
        %get3A_929 = arith.constant 0 : i32
        %get3A_930 = arith.constant 0 : i32
        %get3A_931 = tpu.memref_slice %arg8[%rem3A_625, %get3A_929, %get3A_930] : memref<4x128x64xf32, #tpu.memory_space<vmem>> -> memref<1x128x64xf32, #tpu.memory_space<vmem>>
        %get3A_932 = tpu.memref_squeeze %get3A_931 : memref<1x128x64xf32, #tpu.memory_space<vmem>> -> memref<128x64xf32, #tpu.memory_space<vmem>>
        %get3A_933 = arith.index_cast %scan3A_905 : i32 to index
        %get3A_934 = arith.constant 32 : index
        %get3A_935 = tpu.vector_load %get3A_932[%get3A_933, %get3A_934] {strides = array<i32>} : memref<128x64xf32, #tpu.memory_space<vmem>>, vector<16xf32>,
        %scatter3A_936 = arith.constant 0 : i32
        %scatter3A_937 = arith.constant 0 : i32
        %scatter3A_938 = tpu.memref_slice %arg9[%rem3A_623, %scatter3A_936, %scatter3A_937] : memref<3x64x129xf32, #tpu.memory_space<vmem>> -> memref<1x64x129xf32, #tpu.memory_space<vmem>>
        %scatter3A_939 = tpu.memref_squeeze %scatter3A_938 : memref<1x64x129xf32, #tpu.memory_space<vmem>> -> memref<64x129xf32, #tpu.memory_space<vmem>>
        tpu.vector_store_idx %scatter3A_939[%add3A_13, %broadcast_in_dim3A_906], %get3A_935 : memref<64x129xf32, #tpu.memory_space<vmem>>[vector<16xi32>, vector<16xi32>], vector<16xf32>,
        %get3A_940 = arith.constant 0 : i32
        %get3A_941 = arith.constant 0 : i32
        %get3A_942 = tpu.memref_slice %arg8[%rem3A_625, %get3A_940, %get3A_941] : memref<4x128x64xf32, #tpu.memory_space<vmem>> -> memref<1x128x64xf32, #tpu.memory_space<vmem>>
        %get3A_943 = tpu.memref_squeeze %get3A_942 : memref<1x128x64xf32, #tpu.memory_space<vmem>> -> memref<128x64xf32, #tpu.memory_space<vmem>>
        %get3A_944 = arith.index_cast %scan3A_905 : i32 to index
        %get3A_945 = arith.constant 48 : index
        %get3A_946 = tpu.vector_load %get3A_943[%get3A_944, %get3A_945] {strides = array<i32>} : memref<128x64xf32, #tpu.memory_space<vmem>>, vector<16xf32>,
        %scatter3A_947 = arith.constant 0 : i32
        %scatter3A_948 = arith.constant 0 : i32
        %scatter3A_949 = tpu.memref_slice %arg9[%rem3A_623, %scatter3A_947, %scatter3A_948] : memref<3x64x129xf32, #tpu.memory_space<vmem>> -> memref<1x64x129xf32, #tpu.memory_space<vmem>>
        %scatter3A_950 = tpu.memref_squeeze %scatter3A_949 : memref<1x64x129xf32, #tpu.memory_space<vmem>> -> memref<64x129xf32, #tpu.memory_space<vmem>>
        tpu.vector_store_idx %scatter3A_950[%add3A_17, %broadcast_in_dim3A_906], %get3A_946 : memref<64x129xf32, #tpu.memory_space<vmem>>[vector<16xi32>, vector<16xi32>], vector<16xf32>,
        %scan3A_951 = arith.constant 3 : i32
        %scan3A_952 = arith.addi %scan3A_814, %scan3A_951 : i32
        %broadcast_in_dim3A_953 = vector.broadcast %scan3A_952 : i32 to vector<16xi32>
        %get3A_954 = arith.constant 0 : i32
        %get3A_955 = arith.constant 0 : i32
        %get3A_956 = tpu.memref_slice %arg8[%rem3A_625, %get3A_954, %get3A_955] : memref<4x128x64xf32, #tpu.memory_space<vmem>> -> memref<1x128x64xf32, #tpu.memory_space<vmem>>
        %get3A_957 = tpu.memref_squeeze %get3A_956 : memref<1x128x64xf32, #tpu.memory_space<vmem>> -> memref<128x64xf32, #tpu.memory_space<vmem>>
        %get3A_958 = arith.index_cast %scan3A_952 : i32 to index
        %get3A_959 = arith.constant 0 : index
        %get3A_960 = tpu.vector_load %get3A_957[%get3A_958, %get3A_959] {strides = array<i32>} : memref<128x64xf32, #tpu.memory_space<vmem>>, vector<16xf32>,
        %scatter3A_961 = arith.constant 0 : i32
        %scatter3A_962 = arith.constant 0 : i32
        %scatter3A_963 = tpu.memref_slice %arg9[%rem3A_623, %scatter3A_961, %scatter3A_962] : memref<3x64x129xf32, #tpu.memory_space<vmem>> -> memref<1x64x129xf32, #tpu.memory_space<vmem>>
        %scatter3A_964 = tpu.memref_squeeze %scatter3A_963 : memref<1x64x129xf32, #tpu.memory_space<vmem>> -> memref<64x129xf32, #tpu.memory_space<vmem>>
        tpu.vector_store_idx %scatter3A_964[%add3A_5, %broadcast_in_dim3A_953], %get3A_960 : memref<64x129xf32, #tpu.memory_space<vmem>>[vector<16xi32>, vector<16xi32>], vector<16xf32>,
        %get3A_965 = arith.constant 0 : i32
        %get3A_966 = arith.constant 0 : i32
        %get3A_967 = tpu.memref_slice %arg8[%rem3A_625, %get3A_965, %get3A_966] : memref<4x128x64xf32, #tpu.memory_space<vmem>> -> memref<1x128x64xf32, #tpu.memory_space<vmem>>
        %get3A_968 = tpu.memref_squeeze %get3A_967 : memref<1x128x64xf32, #tpu.memory_space<vmem>> -> memref<128x64xf32, #tpu.memory_space<vmem>>
        %get3A_969 = arith.index_cast %scan3A_952 : i32 to index
        %get3A_970 = arith.constant 16 : index
        %get3A_971 = tpu.vector_load %get3A_968[%get3A_969, %get3A_970] {strides = array<i32>} : memref<128x64xf32, #tpu.memory_space<vmem>>, vector<16xf32>,
        %scatter3A_972 = arith.constant 0 : i32
        %scatter3A_973 = arith.constant 0 : i32
        %scatter3A_974 = tpu.memref_slice %arg9[%rem3A_623, %scatter3A_972, %scatter3A_973] : memref<3x64x129xf32, #tpu.memory_space<vmem>> -> memref<1x64x129xf32, #tpu.memory_space<vmem>>
        %scatter3A_975 = tpu.memref_squeeze %scatter3A_974 : memref<1x64x129xf32, #tpu.memory_space<vmem>> -> memref<64x129xf32, #tpu.memory_space<vmem>>
        tpu.vector_store_idx %scatter3A_975[%add3A_9, %broadcast_in_dim3A_953], %get3A_971 : memref<64x129xf32, #tpu.memory_space<vmem>>[vector<16xi32>, vector<16xi32>], vector<16xf32>,
        %get3A_976 = arith.constant 0 : i32
        %get3A_977 = arith.constant 0 : i32
        %get3A_978 = tpu.memref_slice %arg8[%rem3A_625, %get3A_976, %get3A_977] : memref<4x128x64xf32, #tpu.memory_space<vmem>> -> memref<1x128x64xf32, #tpu.memory_space<vmem>>
        %get3A_979 = tpu.memref_squeeze %get3A_978 : memref<1x128x64xf32, #tpu.memory_space<vmem>> -> memref<128x64xf32, #tpu.memory_space<vmem>>
        %get3A_980 = arith.index_cast %scan3A_952 : i32 to index
        %get3A_981 = arith.constant 32 : index
        %get3A_982 = tpu.vector_load %get3A_979[%get3A_980, %get3A_981] {strides = array<i32>} : memref<128x64xf32, #tpu.memory_space<vmem>>, vector<16xf32>,
        %scatter3A_983 = arith.constant 0 : i32
        %scatter3A_984 = arith.constant 0 : i32
        %scatter3A_985 = tpu.memref_slice %arg9[%rem3A_623, %scatter3A_983, %scatter3A_984] : memref<3x64x129xf32, #tpu.memory_space<vmem>> -> memref<1x64x129xf32, #tpu.memory_space<vmem>>
        %scatter3A_986 = tpu.memref_squeeze %scatter3A_985 : memref<1x64x129xf32, #tpu.memory_space<vmem>> -> memref<64x129xf32, #tpu.memory_space<vmem>>
        tpu.vector_store_idx %scatter3A_986[%add3A_13, %broadcast_in_dim3A_953], %get3A_982 : memref<64x129xf32, #tpu.memory_space<vmem>>[vector<16xi32>, vector<16xi32>], vector<16xf32>,
        %get3A_987 = arith.constant 0 : i32
        %get3A_988 = arith.constant 0 : i32
        %get3A_989 = tpu.memref_slice %arg8[%rem3A_625, %get3A_987, %get3A_988] : memref<4x128x64xf32, #tpu.memory_space<vmem>> -> memref<1x128x64xf32, #tpu.memory_space<vmem>>
        %get3A_990 = tpu.memref_squeeze %get3A_989 : memref<1x128x64xf32, #tpu.memory_space<vmem>> -> memref<128x64xf32, #tpu.memory_space<vmem>>
        %get3A_991 = arith.index_cast %scan3A_952 : i32 to index
        %get3A_992 = arith.constant 48 : index
        %get3A_993 = tpu.vector_load %get3A_990[%get3A_991, %get3A_992] {strides = array<i32>} : memref<128x64xf32, #tpu.memory_space<vmem>>, vector<16xf32>,
        %scatter3A_994 = arith.constant 0 : i32
        %scatter3A_995 = arith.constant 0 : i32
        %scatter3A_996 = tpu.memref_slice %arg9[%rem3A_623, %scatter3A_994, %scatter3A_995] : memref<3x64x129xf32, #tpu.memory_space<vmem>> -> memref<1x64x129xf32, #tpu.memory_space<vmem>>
        %scatter3A_997 = tpu.memref_squeeze %scatter3A_996 : memref<1x64x129xf32, #tpu.memory_space<vmem>> -> memref<64x129xf32, #tpu.memory_space<vmem>>
        tpu.vector_store_idx %scatter3A_997[%add3A_17, %broadcast_in_dim3A_953], %get3A_993 : memref<64x129xf32, #tpu.memory_space<vmem>>[vector<16xi32>, vector<16xi32>], vector<16xf32>,
        %scan3A_998 = arith.constant 4 : i32
        %scan3A_999 = arith.addi %scan3A_814, %scan3A_998 : i32
        %broadcast_in_dim3A_1000 = vector.broadcast %scan3A_999 : i32 to vector<16xi32>
        %get3A_1001 = arith.constant 0 : i32
        %get3A_1002 = arith.constant 0 : i32
        %get3A_1003 = tpu.memref_slice %arg8[%rem3A_625, %get3A_1001, %get3A_1002] : memref<4x128x64xf32, #tpu.memory_space<vmem>> -> memref<1x128x64xf32, #tpu.memory_space<vmem>>
        %get3A_1004 = tpu.memref_squeeze %get3A_1003 : memref<1x128x64xf32, #tpu.memory_space<vmem>> -> memref<128x64xf32, #tpu.memory_space<vmem>>
        %get3A_1005 = arith.index_cast %scan3A_999 : i32 to index
        %get3A_1006 = arith.constant 0 : index
        %get3A_1007 = tpu.vector_load %get3A_1004[%get3A_1005, %get3A_1006] {strides = array<i32>} : memref<128x64xf32, #tpu.memory_space<vmem>>, vector<16xf32>,
        %scatter3A_1008 = arith.constant 0 : i32
        %scatter3A_1009 = arith.constant 0 : i32
        %scatter3A_1010 = tpu.memref_slice %arg9[%rem3A_623, %scatter3A_1008, %scatter3A_1009] : memref<3x64x129xf32, #tpu.memory_space<vmem>> -> memref<1x64x129xf32, #tpu.memory_space<vmem>>
        %scatter3A_1011 = tpu.memref_squeeze %scatter3A_1010 : memref<1x64x129xf32, #tpu.memory_space<vmem>> -> memref<64x129xf32, #tpu.memory_space<vmem>>
        tpu.vector_store_idx %scatter3A_1011[%add3A_5, %broadcast_in_dim3A_1000], %get3A_1007 : memref<64x129xf32, #tpu.memory_space<vmem>>[vector<16xi32>, vector<16xi32>], vector<16xf32>,
        %get3A_1012 = arith.constant 0 : i32
        %get3A_1013 = arith.constant 0 : i32
        %get3A_1014 = tpu.memref_slice %arg8[%rem3A_625, %get3A_1012, %get3A_1013] : memref<4x128x64xf32, #tpu.memory_space<vmem>> -> memref<1x128x64xf32, #tpu.memory_space<vmem>>
        %get3A_1015 = tpu.memref_squeeze %get3A_1014 : memref<1x128x64xf32, #tpu.memory_space<vmem>> -> memref<128x64xf32, #tpu.memory_space<vmem>>
        %get3A_1016 = arith.index_cast %scan3A_999 : i32 to index
        %get3A_1017 = arith.constant 16 : index
        %get3A_1018 = tpu.vector_load %get3A_1015[%get3A_1016, %get3A_1017] {strides = array<i32>} : memref<128x64xf32, #tpu.memory_space<vmem>>, vector<16xf32>,
        %scatter3A_1019 = arith.constant 0 : i32
        %scatter3A_1020 = arith.constant 0 : i32
        %scatter3A_1021 = tpu.memref_slice %arg9[%rem3A_623, %scatter3A_1019, %scatter3A_1020] : memref<3x64x129xf32, #tpu.memory_space<vmem>> -> memref<1x64x129xf32, #tpu.memory_space<vmem>>
        %scatter3A_1022 = tpu.memref_squeeze %scatter3A_1021 : memref<1x64x129xf32, #tpu.memory_space<vmem>> -> memref<64x129xf32, #tpu.memory_space<vmem>>
        tpu.vector_store_idx %scatter3A_1022[%add3A_9, %broadcast_in_dim3A_1000], %get3A_1018 : memref<64x129xf32, #tpu.memory_space<vmem>>[vector<16xi32>, vector<16xi32>], vector<16xf32>,
        %get3A_1023 = arith.constant 0 : i32
        %get3A_1024 = arith.constant 0 : i32
        %get3A_1025 = tpu.memref_slice %arg8[%rem3A_625, %get3A_1023, %get3A_1024] : memref<4x128x64xf32, #tpu.memory_space<vmem>> -> memref<1x128x64xf32, #tpu.memory_space<vmem>>
        %get3A_1026 = tpu.memref_squeeze %get3A_1025 : memref<1x128x64xf32, #tpu.memory_space<vmem>> -> memref<128x64xf32, #tpu.memory_space<vmem>>
        %get3A_1027 = arith.index_cast %scan3A_999 : i32 to index
        %get3A_1028 = arith.constant 32 : index
        %get3A_1029 = tpu.vector_load %get3A_1026[%get3A_1027, %get3A_1028] {strides = array<i32>} : memref<128x64xf32, #tpu.memory_space<vmem>>, vector<16xf32>,
        %scatter3A_1030 = arith.constant 0 : i32
        %scatter3A_1031 = arith.constant 0 : i32
        %scatter3A_1032 = tpu.memref_slice %arg9[%rem3A_623, %scatter3A_1030, %scatter3A_1031] : memref<3x64x129xf32, #tpu.memory_space<vmem>> -> memref<1x64x129xf32, #tpu.memory_space<vmem>>
        %scatter3A_1033 = tpu.memref_squeeze %scatter3A_1032 : memref<1x64x129xf32, #tpu.memory_space<vmem>> -> memref<64x129xf32, #tpu.memory_space<vmem>>
        tpu.vector_store_idx %scatter3A_1033[%add3A_13, %broadcast_in_dim3A_1000], %get3A_1029 : memref<64x129xf32, #tpu.memory_space<vmem>>[vector<16xi32>, vector<16xi32>], vector<16xf32>,
        %get3A_1034 = arith.constant 0 : i32
        %get3A_1035 = arith.constant 0 : i32
        %get3A_1036 = tpu.memref_slice %arg8[%rem3A_625, %get3A_1034, %get3A_1035] : memref<4x128x64xf32, #tpu.memory_space<vmem>> -> memref<1x128x64xf32, #tpu.memory_space<vmem>>
        %get3A_1037 = tpu.memref_squeeze %get3A_1036 : memref<1x128x64xf32, #tpu.memory_space<vmem>> -> memref<128x64xf32, #tpu.memory_space<vmem>>
        %get3A_1038 = arith.index_cast %scan3A_999 : i32 to index
        %get3A_1039 = arith.constant 48 : index
        %get3A_1040 = tpu.vector_load %get3A_1037[%get3A_1038, %get3A_1039] {strides = array<i32>} : memref<128x64xf32, #tpu.memory_space<vmem>>, vector<16xf32>,
        %scatter3A_1041 = arith.constant 0 : i32
        %scatter3A_1042 = arith.constant 0 : i32
        %scatter3A_1043 = tpu.memref_slice %arg9[%rem3A_623, %scatter3A_1041, %scatter3A_1042] : memref<3x64x129xf32, #tpu.memory_space<vmem>> -> memref<1x64x129xf32, #tpu.memory_space<vmem>>
        %scatter3A_1044 = tpu.memref_squeeze %scatter3A_1043 : memref<1x64x129xf32, #tpu.memory_space<vmem>> -> memref<64x129xf32, #tpu.memory_space<vmem>>
        tpu.vector_store_idx %scatter3A_1044[%add3A_17, %broadcast_in_dim3A_1000], %get3A_1040 : memref<64x129xf32, #tpu.memory_space<vmem>>[vector<16xi32>, vector<16xi32>], vector<16xf32>,
        %scan3A_1045 = arith.constant 5 : i32
        %scan3A_1046 = arith.addi %scan3A_814, %scan3A_1045 : i32
        %broadcast_in_dim3A_1047 = vector.broadcast %scan3A_1046 : i32 to vector<16xi32>
        %get3A_1048 = arith.constant 0 : i32
        %get3A_1049 = arith.constant 0 : i32
        %get3A_1050 = tpu.memref_slice %arg8[%rem3A_625, %get3A_1048, %get3A_1049] : memref<4x128x64xf32, #tpu.memory_space<vmem>> -> memref<1x128x64xf32, #tpu.memory_space<vmem>>
        %get3A_1051 = tpu.memref_squeeze %get3A_1050 : memref<1x128x64xf32, #tpu.memory_space<vmem>> -> memref<128x64xf32, #tpu.memory_space<vmem>>
        %get3A_1052 = arith.index_cast %scan3A_1046 : i32 to index
        %get3A_1053 = arith.constant 0 : index
        %get3A_1054 = tpu.vector_load %get3A_1051[%get3A_1052, %get3A_1053] {strides = array<i32>} : memref<128x64xf32, #tpu.memory_space<vmem>>, vector<16xf32>,
        %scatter3A_1055 = arith.constant 0 : i32
        %scatter3A_1056 = arith.constant 0 : i32
        %scatter3A_1057 = tpu.memref_slice %arg9[%rem3A_623, %scatter3A_1055, %scatter3A_1056] : memref<3x64x129xf32, #tpu.memory_space<vmem>> -> memref<1x64x129xf32, #tpu.memory_space<vmem>>
        %scatter3A_1058 = tpu.memref_squeeze %scatter3A_1057 : memref<1x64x129xf32, #tpu.memory_space<vmem>> -> memref<64x129xf32, #tpu.memory_space<vmem>>
        tpu.vector_store_idx %scatter3A_1058[%add3A_5, %broadcast_in_dim3A_1047], %get3A_1054 : memref<64x129xf32, #tpu.memory_space<vmem>>[vector<16xi32>, vector<16xi32>], vector<16xf32>,
        %get3A_1059 = arith.constant 0 : i32
        %get3A_1060 = arith.constant 0 : i32
        %get3A_1061 = tpu.memref_slice %arg8[%rem3A_625, %get3A_1059, %get3A_1060] : memref<4x128x64xf32, #tpu.memory_space<vmem>> -> memref<1x128x64xf32, #tpu.memory_space<vmem>>
        %get3A_1062 = tpu.memref_squeeze %get3A_1061 : memref<1x128x64xf32, #tpu.memory_space<vmem>> -> memref<128x64xf32, #tpu.memory_space<vmem>>
        %get3A_1063 = arith.index_cast %scan3A_1046 : i32 to index
        %get3A_1064 = arith.constant 16 : index
        %get3A_1065 = tpu.vector_load %get3A_1062[%get3A_1063, %get3A_1064] {strides = array<i32>} : memref<128x64xf32, #tpu.memory_space<vmem>>, vector<16xf32>,
        %scatter3A_1066 = arith.constant 0 : i32
        %scatter3A_1067 = arith.constant 0 : i32
        %scatter3A_1068 = tpu.memref_slice %arg9[%rem3A_623, %scatter3A_1066, %scatter3A_1067] : memref<3x64x129xf32, #tpu.memory_space<vmem>> -> memref<1x64x129xf32, #tpu.memory_space<vmem>>
        %scatter3A_1069 = tpu.memref_squeeze %scatter3A_1068 : memref<1x64x129xf32, #tpu.memory_space<vmem>> -> memref<64x129xf32, #tpu.memory_space<vmem>>
        tpu.vector_store_idx %scatter3A_1069[%add3A_9, %broadcast_in_dim3A_1047], %get3A_1065 : memref<64x129xf32, #tpu.memory_space<vmem>>[vector<16xi32>, vector<16xi32>], vector<16xf32>,
        %get3A_1070 = arith.constant 0 : i32
        %get3A_1071 = arith.constant 0 : i32
        %get3A_1072 = tpu.memref_slice %arg8[%rem3A_625, %get3A_1070, %get3A_1071] : memref<4x128x64xf32, #tpu.memory_space<vmem>> -> memref<1x128x64xf32, #tpu.memory_space<vmem>>
        %get3A_1073 = tpu.memref_squeeze %get3A_1072 : memref<1x128x64xf32, #tpu.memory_space<vmem>> -> memref<128x64xf32, #tpu.memory_space<vmem>>
        %get3A_1074 = arith.index_cast %scan3A_1046 : i32 to index
        %get3A_1075 = arith.constant 32 : index
        %get3A_1076 = tpu.vector_load %get3A_1073[%get3A_1074, %get3A_1075] {strides = array<i32>} : memref<128x64xf32, #tpu.memory_space<vmem>>, vector<16xf32>,
        %scatter3A_1077 = arith.constant 0 : i32
        %scatter3A_1078 = arith.constant 0 : i32
        %scatter3A_1079 = tpu.memref_slice %arg9[%rem3A_623, %scatter3A_1077, %scatter3A_1078] : memref<3x64x129xf32, #tpu.memory_space<vmem>> -> memref<1x64x129xf32, #tpu.memory_space<vmem>>
        %scatter3A_1080 = tpu.memref_squeeze %scatter3A_1079 : memref<1x64x129xf32, #tpu.memory_space<vmem>> -> memref<64x129xf32, #tpu.memory_space<vmem>>
        tpu.vector_store_idx %scatter3A_1080[%add3A_13, %broadcast_in_dim3A_1047], %get3A_1076 : memref<64x129xf32, #tpu.memory_space<vmem>>[vector<16xi32>, vector<16xi32>], vector<16xf32>,
        %get3A_1081 = arith.constant 0 : i32
        %get3A_1082 = arith.constant 0 : i32
        %get3A_1083 = tpu.memref_slice %arg8[%rem3A_625, %get3A_1081, %get3A_1082] : memref<4x128x64xf32, #tpu.memory_space<vmem>> -> memref<1x128x64xf32, #tpu.memory_space<vmem>>
        %get3A_1084 = tpu.memref_squeeze %get3A_1083 : memref<1x128x64xf32, #tpu.memory_space<vmem>> -> memref<128x64xf32, #tpu.memory_space<vmem>>
        %get3A_1085 = arith.index_cast %scan3A_1046 : i32 to index
        %get3A_1086 = arith.constant 48 : index
        %get3A_1087 = tpu.vector_load %get3A_1084[%get3A_1085, %get3A_1086] {strides = array<i32>} : memref<128x64xf32, #tpu.memory_space<vmem>>, vector<16xf32>,
        %scatter3A_1088 = arith.constant 0 : i32
        %scatter3A_1089 = arith.constant 0 : i32
        %scatter3A_1090 = tpu.memref_slice %arg9[%rem3A_623, %scatter3A_1088, %scatter3A_1089] : memref<3x64x129xf32, #tpu.memory_space<vmem>> -> memref<1x64x129xf32, #tpu.memory_space<vmem>>
        %scatter3A_1091 = tpu.memref_squeeze %scatter3A_1090 : memref<1x64x129xf32, #tpu.memory_space<vmem>> -> memref<64x129xf32, #tpu.memory_space<vmem>>
        tpu.vector_store_idx %scatter3A_1091[%add3A_17, %broadcast_in_dim3A_1047], %get3A_1087 : memref<64x129xf32, #tpu.memory_space<vmem>>[vector<16xi32>, vector<16xi32>], vector<16xf32>,
        %scan3A_1092 = arith.constant 6 : i32
        %scan3A_1093 = arith.addi %scan3A_814, %scan3A_1092 : i32
        %broadcast_in_dim3A_1094 = vector.broadcast %scan3A_1093 : i32 to vector<16xi32>
        %get3A_1095 = arith.constant 0 : i32
        %get3A_1096 = arith.constant 0 : i32
        %get3A_1097 = tpu.memref_slice %arg8[%rem3A_625, %get3A_1095, %get3A_1096] : memref<4x128x64xf32, #tpu.memory_space<vmem>> -> memref<1x128x64xf32, #tpu.memory_space<vmem>>
        %get3A_1098 = tpu.memref_squeeze %get3A_1097 : memref<1x128x64xf32, #tpu.memory_space<vmem>> -> memref<128x64xf32, #tpu.memory_space<vmem>>
        %get3A_1099 = arith.index_cast %scan3A_1093 : i32 to index
        %get3A_1100 = arith.constant 0 : index
        %get3A_1101 = tpu.vector_load %get3A_1098[%get3A_1099, %get3A_1100] {strides = array<i32>} : memref<128x64xf32, #tpu.memory_space<vmem>>, vector<16xf32>,
        %scatter3A_1102 = arith.constant 0 : i32
        %scatter3A_1103 = arith.constant 0 : i32
        %scatter3A_1104 = tpu.memref_slice %arg9[%rem3A_623, %scatter3A_1102, %scatter3A_1103] : memref<3x64x129xf32, #tpu.memory_space<vmem>> -> memref<1x64x129xf32, #tpu.memory_space<vmem>>
        %scatter3A_1105 = tpu.memref_squeeze %scatter3A_1104 : memref<1x64x129xf32, #tpu.memory_space<vmem>> -> memref<64x129xf32, #tpu.memory_space<vmem>>
        tpu.vector_store_idx %scatter3A_1105[%add3A_5, %broadcast_in_dim3A_1094], %get3A_1101 : memref<64x129xf32, #tpu.memory_space<vmem>>[vector<16xi32>, vector<16xi32>], vector<16xf32>,
        %get3A_1106 = arith.constant 0 : i32
        %get3A_1107 = arith.constant 0 : i32
        %get3A_1108 = tpu.memref_slice %arg8[%rem3A_625, %get3A_1106, %get3A_1107] : memref<4x128x64xf32, #tpu.memory_space<vmem>> -> memref<1x128x64xf32, #tpu.memory_space<vmem>>
        %get3A_1109 = tpu.memref_squeeze %get3A_1108 : memref<1x128x64xf32, #tpu.memory_space<vmem>> -> memref<128x64xf32, #tpu.memory_space<vmem>>
        %get3A_1110 = arith.index_cast %scan3A_1093 : i32 to index
        %get3A_1111 = arith.constant 16 : index
        %get3A_1112 = tpu.vector_load %get3A_1109[%get3A_1110, %get3A_1111] {strides = array<i32>} : memref<128x64xf32, #tpu.memory_space<vmem>>, vector<16xf32>,
        %scatter3A_1113 = arith.constant 0 : i32
        %scatter3A_1114 = arith.constant 0 : i32
        %scatter3A_1115 = tpu.memref_slice %arg9[%rem3A_623, %scatter3A_1113, %scatter3A_1114] : memref<3x64x129xf32, #tpu.memory_space<vmem>> -> memref<1x64x129xf32, #tpu.memory_space<vmem>>
        %scatter3A_1116 = tpu.memref_squeeze %scatter3A_1115 : memref<1x64x129xf32, #tpu.memory_space<vmem>> -> memref<64x129xf32, #tpu.memory_space<vmem>>
        tpu.vector_store_idx %scatter3A_1116[%add3A_9, %broadcast_in_dim3A_1094], %get3A_1112 : memref<64x129xf32, #tpu.memory_space<vmem>>[vector<16xi32>, vector<16xi32>], vector<16xf32>,
        %get3A_1117 = arith.constant 0 : i32
        %get3A_1118 = arith.constant 0 : i32
        %get3A_1119 = tpu.memref_slice %arg8[%rem3A_625, %get3A_1117, %get3A_1118] : memref<4x128x64xf32, #tpu.memory_space<vmem>> -> memref<1x128x64xf32, #tpu.memory_space<vmem>>
        %get3A_1120 = tpu.memref_squeeze %get3A_1119 : memref<1x128x64xf32, #tpu.memory_space<vmem>> -> memref<128x64xf32, #tpu.memory_space<vmem>>
        %get3A_1121 = arith.index_cast %scan3A_1093 : i32 to index
        %get3A_1122 = arith.constant 32 : index
        %get3A_1123 = tpu.vector_load %get3A_1120[%get3A_1121, %get3A_1122] {strides = array<i32>} : memref<128x64xf32, #tpu.memory_space<vmem>>, vector<16xf32>,
        %scatter3A_1124 = arith.constant 0 : i32
        %scatter3A_1125 = arith.constant 0 : i32
        %scatter3A_1126 = tpu.memref_slice %arg9[%rem3A_623, %scatter3A_1124, %scatter3A_1125] : memref<3x64x129xf32, #tpu.memory_space<vmem>> -> memref<1x64x129xf32, #tpu.memory_space<vmem>>
        %scatter3A_1127 = tpu.memref_squeeze %scatter3A_1126 : memref<1x64x129xf32, #tpu.memory_space<vmem>> -> memref<64x129xf32, #tpu.memory_space<vmem>>
        tpu.vector_store_idx %scatter3A_1127[%add3A_13, %broadcast_in_dim3A_1094], %get3A_1123 : memref<64x129xf32, #tpu.memory_space<vmem>>[vector<16xi32>, vector<16xi32>], vector<16xf32>,
        %get3A_1128 = arith.constant 0 : i32
        %get3A_1129 = arith.constant 0 : i32
        %get3A_1130 = tpu.memref_slice %arg8[%rem3A_625, %get3A_1128, %get3A_1129] : memref<4x128x64xf32, #tpu.memory_space<vmem>> -> memref<1x128x64xf32, #tpu.memory_space<vmem>>
        %get3A_1131 = tpu.memref_squeeze %get3A_1130 : memref<1x128x64xf32, #tpu.memory_space<vmem>> -> memref<128x64xf32, #tpu.memory_space<vmem>>
        %get3A_1132 = arith.index_cast %scan3A_1093 : i32 to index
        %get3A_1133 = arith.constant 48 : index
        %get3A_1134 = tpu.vector_load %get3A_1131[%get3A_1132, %get3A_1133] {strides = array<i32>} : memref<128x64xf32, #tpu.memory_space<vmem>>, vector<16xf32>,
        %scatter3A_1135 = arith.constant 0 : i32
        %scatter3A_1136 = arith.constant 0 : i32
        %scatter3A_1137 = tpu.memref_slice %arg9[%rem3A_623, %scatter3A_1135, %scatter3A_1136] : memref<3x64x129xf32, #tpu.memory_space<vmem>> -> memref<1x64x129xf32, #tpu.memory_space<vmem>>
        %scatter3A_1138 = tpu.memref_squeeze %scatter3A_1137 : memref<1x64x129xf32, #tpu.memory_space<vmem>> -> memref<64x129xf32, #tpu.memory_space<vmem>>
        tpu.vector_store_idx %scatter3A_1138[%add3A_17, %broadcast_in_dim3A_1094], %get3A_1134 : memref<64x129xf32, #tpu.memory_space<vmem>>[vector<16xi32>, vector<16xi32>], vector<16xf32>,
        %scan3A_1139 = arith.constant 7 : i32
        %scan3A_1140 = arith.addi %scan3A_814, %scan3A_1139 : i32
        %broadcast_in_dim3A_1141 = vector.broadcast %scan3A_1140 : i32 to vector<16xi32>
        %get3A_1142 = arith.constant 0 : i32
        %get3A_1143 = arith.constant 0 : i32
        %get3A_1144 = tpu.memref_slice %arg8[%rem3A_625, %get3A_1142, %get3A_1143] : memref<4x128x64xf32, #tpu.memory_space<vmem>> -> memref<1x128x64xf32, #tpu.memory_space<vmem>>
        %get3A_1145 = tpu.memref_squeeze %get3A_1144 : memref<1x128x64xf32, #tpu.memory_space<vmem>> -> memref<128x64xf32, #tpu.memory_space<vmem>>
        %get3A_1146 = arith.index_cast %scan3A_1140 : i32 to index
        %get3A_1147 = arith.constant 0 : index
        %get3A_1148 = tpu.vector_load %get3A_1145[%get3A_1146, %get3A_1147] {strides = array<i32>} : memref<128x64xf32, #tpu.memory_space<vmem>>, vector<16xf32>,
        %scatter3A_1149 = arith.constant 0 : i32
        %scatter3A_1150 = arith.constant 0 : i32
        %scatter3A_1151 = tpu.memref_slice %arg9[%rem3A_623, %scatter3A_1149, %scatter3A_1150] : memref<3x64x129xf32, #tpu.memory_space<vmem>> -> memref<1x64x129xf32, #tpu.memory_space<vmem>>
        %scatter3A_1152 = tpu.memref_squeeze %scatter3A_1151 : memref<1x64x129xf32, #tpu.memory_space<vmem>> -> memref<64x129xf32, #tpu.memory_space<vmem>>
        tpu.vector_store_idx %scatter3A_1152[%add3A_5, %broadcast_in_dim3A_1141], %get3A_1148 : memref<64x129xf32, #tpu.memory_space<vmem>>[vector<16xi32>, vector<16xi32>], vector<16xf32>,
        %get3A_1153 = arith.constant 0 : i32
        %get3A_1154 = arith.constant 0 : i32
        %get3A_1155 = tpu.memref_slice %arg8[%rem3A_625, %get3A_1153, %get3A_1154] : memref<4x128x64xf32, #tpu.memory_space<vmem>> -> memref<1x128x64xf32, #tpu.memory_space<vmem>>
        %get3A_1156 = tpu.memref_squeeze %get3A_1155 : memref<1x128x64xf32, #tpu.memory_space<vmem>> -> memref<128x64xf32, #tpu.memory_space<vmem>>
        %get3A_1157 = arith.index_cast %scan3A_1140 : i32 to index
        %get3A_1158 = arith.constant 16 : index
        %get3A_1159 = tpu.vector_load %get3A_1156[%get3A_1157, %get3A_1158] {strides = array<i32>} : memref<128x64xf32, #tpu.memory_space<vmem>>, vector<16xf32>,
        %scatter3A_1160 = arith.constant 0 : i32
        %scatter3A_1161 = arith.constant 0 : i32
        %scatter3A_1162 = tpu.memref_slice %arg9[%rem3A_623, %scatter3A_1160, %scatter3A_1161] : memref<3x64x129xf32, #tpu.memory_space<vmem>> -> memref<1x64x129xf32, #tpu.memory_space<vmem>>
        %scatter3A_1163 = tpu.memref_squeeze %scatter3A_1162 : memref<1x64x129xf32, #tpu.memory_space<vmem>> -> memref<64x129xf32, #tpu.memory_space<vmem>>
        tpu.vector_store_idx %scatter3A_1163[%add3A_9, %broadcast_in_dim3A_1141], %get3A_1159 : memref<64x129xf32, #tpu.memory_space<vmem>>[vector<16xi32>, vector<16xi32>], vector<16xf32>,
        %get3A_1164 = arith.constant 0 : i32
        %get3A_1165 = arith.constant 0 : i32
        %get3A_1166 = tpu.memref_slice %arg8[%rem3A_625, %get3A_1164, %get3A_1165] : memref<4x128x64xf32, #tpu.memory_space<vmem>> -> memref<1x128x64xf32, #tpu.memory_space<vmem>>
        %get3A_1167 = tpu.memref_squeeze %get3A_1166 : memref<1x128x64xf32, #tpu.memory_space<vmem>> -> memref<128x64xf32, #tpu.memory_space<vmem>>
        %get3A_1168 = arith.index_cast %scan3A_1140 : i32 to index
        %get3A_1169 = arith.constant 32 : index
        %get3A_1170 = tpu.vector_load %get3A_1167[%get3A_1168, %get3A_1169] {strides = array<i32>} : memref<128x64xf32, #tpu.memory_space<vmem>>, vector<16xf32>,
        %scatter3A_1171 = arith.constant 0 : i32
        %scatter3A_1172 = arith.constant 0 : i32
        %scatter3A_1173 = tpu.memref_slice %arg9[%rem3A_623, %scatter3A_1171, %scatter3A_1172] : memref<3x64x129xf32, #tpu.memory_space<vmem>> -> memref<1x64x129xf32, #tpu.memory_space<vmem>>
        %scatter3A_1174 = tpu.memref_squeeze %scatter3A_1173 : memref<1x64x129xf32, #tpu.memory_space<vmem>> -> memref<64x129xf32, #tpu.memory_space<vmem>>
        tpu.vector_store_idx %scatter3A_1174[%add3A_13, %broadcast_in_dim3A_1141], %get3A_1170 : memref<64x129xf32, #tpu.memory_space<vmem>>[vector<16xi32>, vector<16xi32>], vector<16xf32>,
        %get3A_1175 = arith.constant 0 : i32
        %get3A_1176 = arith.constant 0 : i32
        %get3A_1177 = tpu.memref_slice %arg8[%rem3A_625, %get3A_1175, %get3A_1176] : memref<4x128x64xf32, #tpu.memory_space<vmem>> -> memref<1x128x64xf32, #tpu.memory_space<vmem>>
        %get3A_1178 = tpu.memref_squeeze %get3A_1177 : memref<1x128x64xf32, #tpu.memory_space<vmem>> -> memref<128x64xf32, #tpu.memory_space<vmem>>
        %get3A_1179 = arith.index_cast %scan3A_1140 : i32 to index
        %get3A_1180 = arith.constant 48 : index
        %get3A_1181 = tpu.vector_load %get3A_1178[%get3A_1179, %get3A_1180] {strides = array<i32>} : memref<128x64xf32, #tpu.memory_space<vmem>>, vector<16xf32>,
        %scatter3A_1182 = arith.constant 0 : i32
        %scatter3A_1183 = arith.constant 0 : i32
        %scatter3A_1184 = tpu.memref_slice %arg9[%rem3A_623, %scatter3A_1182, %scatter3A_1183] : memref<3x64x129xf32, #tpu.memory_space<vmem>> -> memref<1x64x129xf32, #tpu.memory_space<vmem>>
        %scatter3A_1185 = tpu.memref_squeeze %scatter3A_1184 : memref<1x64x129xf32, #tpu.memory_space<vmem>> -> memref<64x129xf32, #tpu.memory_space<vmem>>
        tpu.vector_store_idx %scatter3A_1185[%add3A_17, %broadcast_in_dim3A_1141], %get3A_1181 : memref<64x129xf32, #tpu.memory_space<vmem>>[vector<16xi32>, vector<16xi32>], vector<16xf32>,
      }
      %scan3A_661 = arith.constant 128 : i32
      %dma_start3A_662 = arith.constant 0 : i32
      %dma_start3A_663 = arith.constant 0 : i32
      %dma_start3A_664 = arith.constant 0 : i32
      %dma_start3A_665 = tpu.memref_slice %arg9[%rem3A_623, %dma_start3A_663, %dma_start3A_664] : memref<3x64x129xf32, #tpu.memory_space<vmem>> -> memref<1x8x128xf32, #tpu.memory_space<vmem>>
      %dma_start3A_666 = tpu.memref_squeeze %dma_start3A_665 : memref<1x8x128xf32, #tpu.memory_space<vmem>> -> memref<8x128xf32, #tpu.memory_space<vmem>>
      %dma_start3A_667 = arith.constant 0 : i32
      %dma_start3A_668 = arith.constant 0 : i32
      %dma_start3A_669 = tpu.memref_slice %arg5[%scan3A_622, %dma_start3A_662, %add3A, %dma_start3A_667, %dma_start3A_668] : memref<50x8x32x8x128xf32, #tpu.memory_space<hbm>> -> memref<1x1x1x8x128xf32, #tpu.memory_space<hbm>>
      %dma_start3A_670 = tpu.memref_squeeze %dma_start3A_669 : memref<1x1x1x8x128xf32, #tpu.memory_space<hbm>> -> memref<8x128xf32, #tpu.memory_space<hbm>>
      %dma_start3A_671 = tpu.memref_slice %arg12[%rem3A_623] : memref<3x!tpu.dma_semaphore, #tpu.memory_space<semaphore_mem>> -> memref<1x!tpu.dma_semaphore, #tpu.memory_space<semaphore_mem>>
      %dma_start3A_672 = tpu.memref_squeeze %dma_start3A_671 : memref<1x!tpu.dma_semaphore, #tpu.memory_space<semaphore_mem>> -> memref<!tpu.dma_semaphore, #tpu.memory_space<semaphore_mem>>
      %dma_start3A_673 = arith.constant 0 : i32
      %dma_start3A_674 = arith.constant 0 : i32
      %dma_start3A_675 = tpu.memref_slice %arg5[%scan3A_622, %dma_start3A_662, %add3A, %dma_start3A_673, %dma_start3A_674] : memref<50x8x32x8x128xf32, #tpu.memory_space<hbm>> -> memref<1x1x1x8x128xf32, #tpu.memory_space<hbm>>
      %dma_start3A_676 = tpu.memref_squeeze %dma_start3A_675 : memref<1x1x1x8x128xf32, #tpu.memory_space<hbm>> -> memref<8x128xf32, #tpu.memory_space<hbm>>
      %dma_start3A_677 = arith.constant 0 : i32
      %dma_start3A_678 = arith.constant 0 : i32
      %dma_start3A_679 = tpu.memref_slice %arg9[%rem3A_623, %dma_start3A_677, %dma_start3A_678] : memref<3x64x129xf32, #tpu.memory_space<vmem>> -> memref<1x8x128xf32, #tpu.memory_space<vmem>>
      %dma_start3A_680 = tpu.memref_squeeze %dma_start3A_679 : memref<1x8x128xf32, #tpu.memory_space<vmem>> -> memref<8x128xf32, #tpu.memory_space<vmem>>
      tpu.enqueue_dma source(%dma_start3A_680 : memref<8x128xf32, #tpu.memory_space<vmem>>) target(%dma_start3A_676 : memref<8x128xf32, #tpu.memory_space<hbm>>) target_semaphore(%dma_start3A_672 : memref<!tpu.dma_semaphore, #tpu.memory_space<semaphore_mem>>)
      %dma_start3A_681 = arith.constant 1 : i32
      %dma_start3A_682 = arith.constant 8 : i32
      %dma_start3A_683 = arith.constant 0 : i32
      %dma_start3A_684 = tpu.memref_slice %arg9[%rem3A_623, %dma_start3A_682, %dma_start3A_683] : memref<3x64x129xf32, #tpu.memory_space<vmem>> -> memref<1x8x128xf32, #tpu.memory_space<vmem>>
      %dma_start3A_685 = tpu.memref_squeeze %dma_start3A_684 : memref<1x8x128xf32, #tpu.memory_space<vmem>> -> memref<8x128xf32, #tpu.memory_space<vmem>>
      %dma_start3A_686 = arith.constant 0 : i32
      %dma_start3A_687 = arith.constant 0 : i32
      %dma_start3A_688 = tpu.memref_slice %arg5[%scan3A_622, %dma_start3A_681, %add3A, %dma_start3A_686, %dma_start3A_687] : memref<50x8x32x8x128xf32, #tpu.memory_space<hbm>> -> memref<1x1x1x8x128xf32, #tpu.memory_space<hbm>>
      %dma_start3A_689 = tpu.memref_squeeze %dma_start3A_688 : memref<1x1x1x8x128xf32, #tpu.memory_space<hbm>> -> memref<8x128xf32, #tpu.memory_space<hbm>>
      %dma_start3A_690 = tpu.memref_slice %arg12[%rem3A_623] : memref<3x!tpu.dma_semaphore, #tpu.memory_space<semaphore_mem>> -> memref<1x!tpu.dma_semaphore, #tpu.memory_space<semaphore_mem>>
      %dma_start3A_691 = tpu.memref_squeeze %dma_start3A_690 : memref<1x!tpu.dma_semaphore, #tpu.memory_space<semaphore_mem>> -> memref<!tpu.dma_semaphore, #tpu.memory_space<semaphore_mem>>
      %dma_start3A_692 = arith.constant 0 : i32
      %dma_start3A_693 = arith.constant 0 : i32
      %dma_start3A_694 = tpu.memref_slice %arg5[%scan3A_622, %dma_start3A_681, %add3A, %dma_start3A_692, %dma_start3A_693] : memref<50x8x32x8x128xf32, #tpu.memory_space<hbm>> -> memref<1x1x1x8x128xf32, #tpu.memory_space<hbm>>
      %dma_start3A_695 = tpu.memref_squeeze %dma_start3A_694 : memref<1x1x1x8x128xf32, #tpu.memory_space<hbm>> -> memref<8x128xf32, #tpu.memory_space<hbm>>
      %dma_start3A_696 = arith.constant 8 : i32
      %dma_start3A_697 = arith.constant 0 : i32
      %dma_start3A_698 = tpu.memref_slice %arg9[%rem3A_623, %dma_start3A_696, %dma_start3A_697] : memref<3x64x129xf32, #tpu.memory_space<vmem>> -> memref<1x8x128xf32, #tpu.memory_space<vmem>>
      %dma_start3A_699 = tpu.memref_squeeze %dma_start3A_698 : memref<1x8x128xf32, #tpu.memory_space<vmem>> -> memref<8x128xf32, #tpu.memory_space<vmem>>
      tpu.enqueue_dma source(%dma_start3A_699 : memref<8x128xf32, #tpu.memory_space<vmem>>) target(%dma_start3A_695 : memref<8x128xf32, #tpu.memory_space<hbm>>) target_semaphore(%dma_start3A_691 : memref<!tpu.dma_semaphore, #tpu.memory_space<semaphore_mem>>)
      %dma_start3A_700 = arith.constant 2 : i32
      %dma_start3A_701 = arith.constant 16 : i32
      %dma_start3A_702 = arith.constant 0 : i32
      %dma_start3A_703 = tpu.memref_slice %arg9[%rem3A_623, %dma_start3A_701, %dma_start3A_702] : memref<3x64x129xf32, #tpu.memory_space<vmem>> -> memref<1x8x128xf32, #tpu.memory_space<vmem>>
      %dma_start3A_704 = tpu.memref_squeeze %dma_start3A_703 : memref<1x8x128xf32, #tpu.memory_space<vmem>> -> memref<8x128xf32, #tpu.memory_space<vmem>>
      %dma_start3A_705 = arith.constant 0 : i32
      %dma_start3A_706 = arith.constant 0 : i32
      %dma_start3A_707 = tpu.memref_slice %arg5[%scan3A_622, %dma_start3A_700, %add3A, %dma_start3A_705, %dma_start3A_706] : memref<50x8x32x8x128xf32, #tpu.memory_space<hbm>> -> memref<1x1x1x8x128xf32, #tpu.memory_space<hbm>>
      %dma_start3A_708 = tpu.memref_squeeze %dma_start3A_707 : memref<1x1x1x8x128xf32, #tpu.memory_space<hbm>> -> memref<8x128xf32, #tpu.memory_space<hbm>>
      %dma_start3A_709 = tpu.memref_slice %arg12[%rem3A_623] : memref<3x!tpu.dma_semaphore, #tpu.memory_space<semaphore_mem>> -> memref<1x!tpu.dma_semaphore, #tpu.memory_space<semaphore_mem>>
      %dma_start3A_710 = tpu.memref_squeeze %dma_start3A_709 : memref<1x!tpu.dma_semaphore, #tpu.memory_space<semaphore_mem>> -> memref<!tpu.dma_semaphore, #tpu.memory_space<semaphore_mem>>
      %dma_start3A_711 = arith.constant 0 : i32
      %dma_start3A_712 = arith.constant 0 : i32
      %dma_start3A_713 = tpu.memref_slice %arg5[%scan3A_622, %dma_start3A_700, %add3A, %dma_start3A_711, %dma_start3A_712] : memref<50x8x32x8x128xf32, #tpu.memory_space<hbm>> -> memref<1x1x1x8x128xf32, #tpu.memory_space<hbm>>
      %dma_start3A_714 = tpu.memref_squeeze %dma_start3A_713 : memref<1x1x1x8x128xf32, #tpu.memory_space<hbm>> -> memref<8x128xf32, #tpu.memory_space<hbm>>
      %dma_start3A_715 = arith.constant 16 : i32
      %dma_start3A_716 = arith.constant 0 : i32
      %dma_start3A_717 = tpu.memref_slice %arg9[%rem3A_623, %dma_start3A_715, %dma_start3A_716] : memref<3x64x129xf32, #tpu.memory_space<vmem>> -> memref<1x8x128xf32, #tpu.memory_space<vmem>>
      %dma_start3A_718 = tpu.memref_squeeze %dma_start3A_717 : memref<1x8x128xf32, #tpu.memory_space<vmem>> -> memref<8x128xf32, #tpu.memory_space<vmem>>
      tpu.enqueue_dma source(%dma_start3A_718 : memref<8x128xf32, #tpu.memory_space<vmem>>) target(%dma_start3A_714 : memref<8x128xf32, #tpu.memory_space<hbm>>) target_semaphore(%dma_start3A_710 : memref<!tpu.dma_semaphore, #tpu.memory_space<semaphore_mem>>)
      %dma_start3A_719 = arith.constant 3 : i32
      %dma_start3A_720 = arith.constant 24 : i32
      %dma_start3A_721 = arith.constant 0 : i32
      %dma_start3A_722 = tpu.memref_slice %arg9[%rem3A_623, %dma_start3A_720, %dma_start3A_721] : memref<3x64x129xf32, #tpu.memory_space<vmem>> -> memref<1x8x128xf32, #tpu.memory_space<vmem>>
      %dma_start3A_723 = tpu.memref_squeeze %dma_start3A_722 : memref<1x8x128xf32, #tpu.memory_space<vmem>> -> memref<8x128xf32, #tpu.memory_space<vmem>>
      %dma_start3A_724 = arith.constant 0 : i32
      %dma_start3A_725 = arith.constant 0 : i32
      %dma_start3A_726 = tpu.memref_slice %arg5[%scan3A_622, %dma_start3A_719, %add3A, %dma_start3A_724, %dma_start3A_725] : memref<50x8x32x8x128xf32, #tpu.memory_space<hbm>> -> memref<1x1x1x8x128xf32, #tpu.memory_space<hbm>>
      %dma_start3A_727 = tpu.memref_squeeze %dma_start3A_726 : memref<1x1x1x8x128xf32, #tpu.memory_space<hbm>> -> memref<8x128xf32, #tpu.memory_space<hbm>>
      %dma_start3A_728 = tpu.memref_slice %arg12[%rem3A_623] : memref<3x!tpu.dma_semaphore, #tpu.memory_space<semaphore_mem>> -> memref<1x!tpu.dma_semaphore, #tpu.memory_space<semaphore_mem>>
      %dma_start3A_729 = tpu.memref_squeeze %dma_start3A_728 : memref<1x!tpu.dma_semaphore, #tpu.memory_space<semaphore_mem>> -> memref<!tpu.dma_semaphore, #tpu.memory_space<semaphore_mem>>
      %dma_start3A_730 = arith.constant 0 : i32
      %dma_start3A_731 = arith.constant 0 : i32
      %dma_start3A_732 = tpu.memref_slice %arg5[%scan3A_622, %dma_start3A_719, %add3A, %dma_start3A_730, %dma_start3A_731] : memref<50x8x32x8x128xf32, #tpu.memory_space<hbm>> -> memref<1x1x1x8x128xf32, #tpu.memory_space<hbm>>
      %dma_start3A_733 = tpu.memref_squeeze %dma_start3A_732 : memref<1x1x1x8x128xf32, #tpu.memory_space<hbm>> -> memref<8x128xf32, #tpu.memory_space<hbm>>
      %dma_start3A_734 = arith.constant 24 : i32
      %dma_start3A_735 = arith.constant 0 : i32
      %dma_start3A_736 = tpu.memref_slice %arg9[%rem3A_623, %dma_start3A_734, %dma_start3A_735] : memref<3x64x129xf32, #tpu.memory_space<vmem>> -> memref<1x8x128xf32, #tpu.memory_space<vmem>>
      %dma_start3A_737 = tpu.memref_squeeze %dma_start3A_736 : memref<1x8x128xf32, #tpu.memory_space<vmem>> -> memref<8x128xf32, #tpu.memory_space<vmem>>
      tpu.enqueue_dma source(%dma_start3A_737 : memref<8x128xf32, #tpu.memory_space<vmem>>) target(%dma_start3A_733 : memref<8x128xf32, #tpu.memory_space<hbm>>) target_semaphore(%dma_start3A_729 : memref<!tpu.dma_semaphore, #tpu.memory_space<semaphore_mem>>)
      %dma_start3A_738 = arith.constant 4 : i32
      %dma_start3A_739 = arith.constant 32 : i32
      %dma_start3A_740 = arith.constant 0 : i32
      %dma_start3A_741 = tpu.memref_slice %arg9[%rem3A_623, %dma_start3A_739, %dma_start3A_740] : memref<3x64x129xf32, #tpu.memory_space<vmem>> -> memref<1x8x128xf32, #tpu.memory_space<vmem>>
      %dma_start3A_742 = tpu.memref_squeeze %dma_start3A_741 : memref<1x8x128xf32, #tpu.memory_space<vmem>> -> memref<8x128xf32, #tpu.memory_space<vmem>>
      %dma_start3A_743 = arith.constant 0 : i32
      %dma_start3A_744 = arith.constant 0 : i32
      %dma_start3A_745 = tpu.memref_slice %arg5[%scan3A_622, %dma_start3A_738, %add3A, %dma_start3A_743, %dma_start3A_744] : memref<50x8x32x8x128xf32, #tpu.memory_space<hbm>> -> memref<1x1x1x8x128xf32, #tpu.memory_space<hbm>>
      %dma_start3A_746 = tpu.memref_squeeze %dma_start3A_745 : memref<1x1x1x8x128xf32, #tpu.memory_space<hbm>> -> memref<8x128xf32, #tpu.memory_space<hbm>>
      %dma_start3A_747 = tpu.memref_slice %arg12[%rem3A_623] : memref<3x!tpu.dma_semaphore, #tpu.memory_space<semaphore_mem>> -> memref<1x!tpu.dma_semaphore, #tpu.memory_space<semaphore_mem>>
      %dma_start3A_748 = tpu.memref_squeeze %dma_start3A_747 : memref<1x!tpu.dma_semaphore, #tpu.memory_space<semaphore_mem>> -> memref<!tpu.dma_semaphore, #tpu.memory_space<semaphore_mem>>
      %dma_start3A_749 = arith.constant 0 : i32
      %dma_start3A_750 = arith.constant 0 : i32
      %dma_start3A_751 = tpu.memref_slice %arg5[%scan3A_622, %dma_start3A_738, %add3A, %dma_start3A_749, %dma_start3A_750] : memref<50x8x32x8x128xf32, #tpu.memory_space<hbm>> -> memref<1x1x1x8x128xf32, #tpu.memory_space<hbm>>
      %dma_start3A_752 = tpu.memref_squeeze %dma_start3A_751 : memref<1x1x1x8x128xf32, #tpu.memory_space<hbm>> -> memref<8x128xf32, #tpu.memory_space<hbm>>
      %dma_start3A_753 = arith.constant 32 : i32
      %dma_start3A_754 = arith.constant 0 : i32
      %dma_start3A_755 = tpu.memref_slice %arg9[%rem3A_623, %dma_start3A_753, %dma_start3A_754] : memref<3x64x129xf32, #tpu.memory_space<vmem>> -> memref<1x8x128xf32, #tpu.memory_space<vmem>>
      %dma_start3A_756 = tpu.memref_squeeze %dma_start3A_755 : memref<1x8x128xf32, #tpu.memory_space<vmem>> -> memref<8x128xf32, #tpu.memory_space<vmem>>
      tpu.enqueue_dma source(%dma_start3A_756 : memref<8x128xf32, #tpu.memory_space<vmem>>) target(%dma_start3A_752 : memref<8x128xf32, #tpu.memory_space<hbm>>) target_semaphore(%dma_start3A_748 : memref<!tpu.dma_semaphore, #tpu.memory_space<semaphore_mem>>)
      %dma_start3A_757 = arith.constant 5 : i32
      %dma_start3A_758 = arith.constant 40 : i32
      %dma_start3A_759 = arith.constant 0 : i32
      %dma_start3A_760 = tpu.memref_slice %arg9[%rem3A_623, %dma_start3A_758, %dma_start3A_759] : memref<3x64x129xf32, #tpu.memory_space<vmem>> -> memref<1x8x128xf32, #tpu.memory_space<vmem>>
      %dma_start3A_761 = tpu.memref_squeeze %dma_start3A_760 : memref<1x8x128xf32, #tpu.memory_space<vmem>> -> memref<8x128xf32, #tpu.memory_space<vmem>>
      %dma_start3A_762 = arith.constant 0 : i32
      %dma_start3A_763 = arith.constant 0 : i32
      %dma_start3A_764 = tpu.memref_slice %arg5[%scan3A_622, %dma_start3A_757, %add3A, %dma_start3A_762, %dma_start3A_763] : memref<50x8x32x8x128xf32, #tpu.memory_space<hbm>> -> memref<1x1x1x8x128xf32, #tpu.memory_space<hbm>>
      %dma_start3A_765 = tpu.memref_squeeze %dma_start3A_764 : memref<1x1x1x8x128xf32, #tpu.memory_space<hbm>> -> memref<8x128xf32, #tpu.memory_space<hbm>>
      %dma_start3A_766 = tpu.memref_slice %arg12[%rem3A_623] : memref<3x!tpu.dma_semaphore, #tpu.memory_space<semaphore_mem>> -> memref<1x!tpu.dma_semaphore, #tpu.memory_space<semaphore_mem>>
      %dma_start3A_767 = tpu.memref_squeeze %dma_start3A_766 : memref<1x!tpu.dma_semaphore, #tpu.memory_space<semaphore_mem>> -> memref<!tpu.dma_semaphore, #tpu.memory_space<semaphore_mem>>
      %dma_start3A_768 = arith.constant 0 : i32
      %dma_start3A_769 = arith.constant 0 : i32
      %dma_start3A_770 = tpu.memref_slice %arg5[%scan3A_622, %dma_start3A_757, %add3A, %dma_start3A_768, %dma_start3A_769] : memref<50x8x32x8x128xf32, #tpu.memory_space<hbm>> -> memref<1x1x1x8x128xf32, #tpu.memory_space<hbm>>
      %dma_start3A_771 = tpu.memref_squeeze %dma_start3A_770 : memref<1x1x1x8x128xf32, #tpu.memory_space<hbm>> -> memref<8x128xf32, #tpu.memory_space<hbm>>
      %dma_start3A_772 = arith.constant 40 : i32
      %dma_start3A_773 = arith.constant 0 : i32
      %dma_start3A_774 = tpu.memref_slice %arg9[%rem3A_623, %dma_start3A_772, %dma_start3A_773] : memref<3x64x129xf32, #tpu.memory_space<vmem>> -> memref<1x8x128xf32, #tpu.memory_space<vmem>>
      %dma_start3A_775 = tpu.memref_squeeze %dma_start3A_774 : memref<1x8x128xf32, #tpu.memory_space<vmem>> -> memref<8x128xf32, #tpu.memory_space<vmem>>
      tpu.enqueue_dma source(%dma_start3A_775 : memref<8x128xf32, #tpu.memory_space<vmem>>) target(%dma_start3A_771 : memref<8x128xf32, #tpu.memory_space<hbm>>) target_semaphore(%dma_start3A_767 : memref<!tpu.dma_semaphore, #tpu.memory_space<semaphore_mem>>)
      %dma_start3A_776 = arith.constant 6 : i32
      %dma_start3A_777 = arith.constant 48 : i32
      %dma_start3A_778 = arith.constant 0 : i32
      %dma_start3A_779 = tpu.memref_slice %arg9[%rem3A_623, %dma_start3A_777, %dma_start3A_778] : memref<3x64x129xf32, #tpu.memory_space<vmem>> -> memref<1x8x128xf32, #tpu.memory_space<vmem>>
      %dma_start3A_780 = tpu.memref_squeeze %dma_start3A_779 : memref<1x8x128xf32, #tpu.memory_space<vmem>> -> memref<8x128xf32, #tpu.memory_space<vmem>>
      %dma_start3A_781 = arith.constant 0 : i32
      %dma_start3A_782 = arith.constant 0 : i32
      %dma_start3A_783 = tpu.memref_slice %arg5[%scan3A_622, %dma_start3A_776, %add3A, %dma_start3A_781, %dma_start3A_782] : memref<50x8x32x8x128xf32, #tpu.memory_space<hbm>> -> memref<1x1x1x8x128xf32, #tpu.memory_space<hbm>>
      %dma_start3A_784 = tpu.memref_squeeze %dma_start3A_783 : memref<1x1x1x8x128xf32, #tpu.memory_space<hbm>> -> memref<8x128xf32, #tpu.memory_space<hbm>>
      %dma_start3A_785 = tpu.memref_slice %arg12[%rem3A_623] : memref<3x!tpu.dma_semaphore, #tpu.memory_space<semaphore_mem>> -> memref<1x!tpu.dma_semaphore, #tpu.memory_space<semaphore_mem>>
      %dma_start3A_786 = tpu.memref_squeeze %dma_start3A_785 : memref<1x!tpu.dma_semaphore, #tpu.memory_space<semaphore_mem>> -> memref<!tpu.dma_semaphore, #tpu.memory_space<semaphore_mem>>
      %dma_start3A_787 = arith.constant 0 : i32
      %dma_start3A_788 = arith.constant 0 : i32
      %dma_start3A_789 = tpu.memref_slice %arg5[%scan3A_622, %dma_start3A_776, %add3A, %dma_start3A_787, %dma_start3A_788] : memref<50x8x32x8x128xf32, #tpu.memory_space<hbm>> -> memref<1x1x1x8x128xf32, #tpu.memory_space<hbm>>
      %dma_start3A_790 = tpu.memref_squeeze %dma_start3A_789 : memref<1x1x1x8x128xf32, #tpu.memory_space<hbm>> -> memref<8x128xf32, #tpu.memory_space<hbm>>
      %dma_start3A_791 = arith.constant 48 : i32
      %dma_start3A_792 = arith.constant 0 : i32
      %dma_start3A_793 = tpu.memref_slice %arg9[%rem3A_623, %dma_start3A_791, %dma_start3A_792] : memref<3x64x129xf32, #tpu.memory_space<vmem>> -> memref<1x8x128xf32, #tpu.memory_space<vmem>>
      %dma_start3A_794 = tpu.memref_squeeze %dma_start3A_793 : memref<1x8x128xf32, #tpu.memory_space<vmem>> -> memref<8x128xf32, #tpu.memory_space<vmem>>
      tpu.enqueue_dma source(%dma_start3A_794 : memref<8x128xf32, #tpu.memory_space<vmem>>) target(%dma_start3A_790 : memref<8x128xf32, #tpu.memory_space<hbm>>) target_semaphore(%dma_start3A_786 : memref<!tpu.dma_semaphore, #tpu.memory_space<semaphore_mem>>)
      %dma_start3A_795 = arith.constant 7 : i32
      %dma_start3A_796 = arith.constant 56 : i32
      %dma_start3A_797 = arith.constant 0 : i32
      %dma_start3A_798 = tpu.memref_slice %arg9[%rem3A_623, %dma_start3A_796, %dma_start3A_797] : memref<3x64x129xf32, #tpu.memory_space<vmem>> -> memref<1x8x128xf32, #tpu.memory_space<vmem>>
      %dma_start3A_799 = tpu.memref_squeeze %dma_start3A_798 : memref<1x8x128xf32, #tpu.memory_space<vmem>> -> memref<8x128xf32, #tpu.memory_space<vmem>>
      %dma_start3A_800 = arith.constant 0 : i32
      %dma_start3A_801 = arith.constant 0 : i32
      %dma_start3A_802 = tpu.memref_slice %arg5[%scan3A_622, %dma_start3A_795, %add3A, %dma_start3A_800, %dma_start3A_801] : memref<50x8x32x8x128xf32, #tpu.memory_space<hbm>> -> memref<1x1x1x8x128xf32, #tpu.memory_space<hbm>>
      %dma_start3A_803 = tpu.memref_squeeze %dma_start3A_802 : memref<1x1x1x8x128xf32, #tpu.memory_space<hbm>> -> memref<8x128xf32, #tpu.memory_space<hbm>>
      %dma_start3A_804 = tpu.memref_slice %arg12[%rem3A_623] : memref<3x!tpu.dma_semaphore, #tpu.memory_space<semaphore_mem>> -> memref<1x!tpu.dma_semaphore, #tpu.memory_space<semaphore_mem>>
      %dma_start3A_805 = tpu.memref_squeeze %dma_start3A_804 : memref<1x!tpu.dma_semaphore, #tpu.memory_space<semaphore_mem>> -> memref<!tpu.dma_semaphore, #tpu.memory_space<semaphore_mem>>
      %dma_start3A_806 = arith.constant 0 : i32
      %dma_start3A_807 = arith.constant 0 : i32
      %dma_start3A_808 = tpu.memref_slice %arg5[%scan3A_622, %dma_start3A_795, %add3A, %dma_start3A_806, %dma_start3A_807] : memref<50x8x32x8x128xf32, #tpu.memory_space<hbm>> -> memref<1x1x1x8x128xf32, #tpu.memory_space<hbm>>
      %dma_start3A_809 = tpu.memref_squeeze %dma_start3A_808 : memref<1x1x1x8x128xf32, #tpu.memory_space<hbm>> -> memref<8x128xf32, #tpu.memory_space<hbm>>
      %dma_start3A_810 = arith.constant 56 : i32
      %dma_start3A_811 = arith.constant 0 : i32
      %dma_start3A_812 = tpu.memref_slice %arg9[%rem3A_623, %dma_start3A_810, %dma_start3A_811] : memref<3x64x129xf32, #tpu.memory_space<vmem>> -> memref<1x8x128xf32, #tpu.memory_space<vmem>>
      %dma_start3A_813 = tpu.memref_squeeze %dma_start3A_812 : memref<1x8x128xf32, #tpu.memory_space<vmem>> -> memref<8x128xf32, #tpu.memory_space<vmem>>
      tpu.enqueue_dma source(%dma_start3A_813 : memref<8x128xf32, #tpu.memory_space<vmem>>) target(%dma_start3A_809 : memref<8x128xf32, #tpu.memory_space<hbm>>) target_semaphore(%dma_start3A_805 : memref<!tpu.dma_semaphore, #tpu.memory_space<semaphore_mem>>)
    }
    %scan3A_66 = arith.constant 50 : i32
    %dma_wait3A = arith.constant 0 : i32
    %dma_wait3A_67 = arith.constant 0 : i32
    %dma_wait3A_68 = arith.constant 0 : i32
    %dma_wait3A_69 = arith.constant 0 : i32
    %dma_wait3A_70 = arith.constant 0 : i32
    %dma_wait3A_71 = arith.constant 0 : i32
    %dma_wait3A_72 = arith.constant 0 : i32
    %dma_wait3A_73 = tpu.memref_slice %arg9[%dma_wait3A, %dma_wait3A_71, %dma_wait3A_72] : memref<3x64x129xf32, #tpu.memory_space<vmem>> -> memref<1x8x128xf32, #tpu.memory_space<vmem>>
    %dma_wait3A_74 = tpu.memref_squeeze %dma_wait3A_73 : memref<1x8x128xf32, #tpu.memory_space<vmem>> -> memref<8x128xf32, #tpu.memory_space<vmem>>
    %dma_wait3A_75 = arith.constant 0 : i32
    %dma_wait3A_76 = arith.constant 0 : i32
    %dma_wait3A_77 = tpu.memref_slice %arg5[%dma_wait3A_67, %dma_wait3A_68, %dma_wait3A_69, %dma_wait3A_75, %dma_wait3A_76] : memref<50x8x32x8x128xf32, #tpu.memory_space<hbm>> -> memref<1x1x1x8x128xf32, #tpu.memory_space<hbm>>
    %dma_wait3A_78 = tpu.memref_squeeze %dma_wait3A_77 : memref<1x1x1x8x128xf32, #tpu.memory_space<hbm>> -> memref<8x128xf32, #tpu.memory_space<hbm>>
    %dma_wait3A_79 = tpu.memref_slice %arg12[%dma_wait3A_70] : memref<3x!tpu.dma_semaphore, #tpu.memory_space<semaphore_mem>> -> memref<1x!tpu.dma_semaphore, #tpu.memory_space<semaphore_mem>>
    %dma_wait3A_80 = tpu.memref_squeeze %dma_wait3A_79 : memref<1x!tpu.dma_semaphore, #tpu.memory_space<semaphore_mem>> -> memref<!tpu.dma_semaphore, #tpu.memory_space<semaphore_mem>>
    %dma_wait3A_81 = arith.constant 0 : i32
    %dma_wait3A_82 = arith.constant 0 : i32
    %dma_wait3A_83 = tpu.memref_slice %arg5[%dma_wait3A_67, %dma_wait3A_68, %dma_wait3A_69, %dma_wait3A_81, %dma_wait3A_82] : memref<50x8x32x8x128xf32, #tpu.memory_space<hbm>> -> memref<1x1x1x8x128xf32, #tpu.memory_space<hbm>>
    %dma_wait3A_84 = tpu.memref_squeeze %dma_wait3A_83 : memref<1x1x1x8x128xf32, #tpu.memory_space<hbm>> -> memref<8x128xf32, #tpu.memory_space<hbm>>
    %dma_wait3A_85 = arith.constant 0 : i32
    %dma_wait3A_86 = arith.constant 0 : i32
    %dma_wait3A_87 = tpu.memref_slice %arg9[%dma_wait3A, %dma_wait3A_85, %dma_wait3A_86] : memref<3x64x129xf32, #tpu.memory_space<vmem>> -> memref<1x8x128xf32, #tpu.memory_space<vmem>>
    %dma_wait3A_88 = tpu.memref_squeeze %dma_wait3A_87 : memref<1x8x128xf32, #tpu.memory_space<vmem>> -> memref<8x128xf32, #tpu.memory_space<vmem>>
    tpu.wait_dma2 semaphore(%dma_wait3A_80 : memref<!tpu.dma_semaphore, #tpu.memory_space<semaphore_mem>>) src(%dma_wait3A_88 : memref<8x128xf32, #tpu.memory_space<vmem>>) dst(%dma_wait3A_84 : memref<8x128xf32, #tpu.memory_space<hbm>>)
    %dma_wait3A_89 = arith.constant 0 : i32
    %dma_wait3A_90 = arith.constant 0 : i32
    %dma_wait3A_91 = arith.constant 1 : i32
    %dma_wait3A_92 = arith.constant 0 : i32
    %dma_wait3A_93 = arith.constant 0 : i32
    %dma_wait3A_94 = arith.constant 8 : i32
    %dma_wait3A_95 = arith.constant 0 : i32
    %dma_wait3A_96 = tpu.memref_slice %arg9[%dma_wait3A_89, %dma_wait3A_94, %dma_wait3A_95] : memref<3x64x129xf32, #tpu.memory_space<vmem>> -> memref<1x8x128xf32, #tpu.memory_space<vmem>>
    %dma_wait3A_97 = tpu.memref_squeeze %dma_wait3A_96 : memref<1x8x128xf32, #tpu.memory_space<vmem>> -> memref<8x128xf32, #tpu.memory_space<vmem>>
    %dma_wait3A_98 = arith.constant 0 : i32
    %dma_wait3A_99 = arith.constant 0 : i32
    %dma_wait3A_100 = tpu.memref_slice %arg5[%dma_wait3A_90, %dma_wait3A_91, %dma_wait3A_92, %dma_wait3A_98, %dma_wait3A_99] : memref<50x8x32x8x128xf32, #tpu.memory_space<hbm>> -> memref<1x1x1x8x128xf32, #tpu.memory_space<hbm>>
    %dma_wait3A_101 = tpu.memref_squeeze %dma_wait3A_100 : memref<1x1x1x8x128xf32, #tpu.memory_space<hbm>> -> memref<8x128xf32, #tpu.memory_space<hbm>>
    %dma_wait3A_102 = tpu.memref_slice %arg12[%dma_wait3A_93] : memref<3x!tpu.dma_semaphore, #tpu.memory_space<semaphore_mem>> -> memref<1x!tpu.dma_semaphore, #tpu.memory_space<semaphore_mem>>
    %dma_wait3A_103 = tpu.memref_squeeze %dma_wait3A_102 : memref<1x!tpu.dma_semaphore, #tpu.memory_space<semaphore_mem>> -> memref<!tpu.dma_semaphore, #tpu.memory_space<semaphore_mem>>
    %dma_wait3A_104 = arith.constant 0 : i32
    %dma_wait3A_105 = arith.constant 0 : i32
    %dma_wait3A_106 = tpu.memref_slice %arg5[%dma_wait3A_90, %dma_wait3A_91, %dma_wait3A_92, %dma_wait3A_104, %dma_wait3A_105] : memref<50x8x32x8x128xf32, #tpu.memory_space<hbm>> -> memref<1x1x1x8x128xf32, #tpu.memory_space<hbm>>
    %dma_wait3A_107 = tpu.memref_squeeze %dma_wait3A_106 : memref<1x1x1x8x128xf32, #tpu.memory_space<hbm>> -> memref<8x128xf32, #tpu.memory_space<hbm>>
    %dma_wait3A_108 = arith.constant 8 : i32
    %dma_wait3A_109 = arith.constant 0 : i32
    %dma_wait3A_110 = tpu.memref_slice %arg9[%dma_wait3A_89, %dma_wait3A_108, %dma_wait3A_109] : memref<3x64x129xf32, #tpu.memory_space<vmem>> -> memref<1x8x128xf32, #tpu.memory_space<vmem>>
    %dma_wait3A_111 = tpu.memref_squeeze %dma_wait3A_110 : memref<1x8x128xf32, #tpu.memory_space<vmem>> -> memref<8x128xf32, #tpu.memory_space<vmem>>
    tpu.wait_dma2 semaphore(%dma_wait3A_103 : memref<!tpu.dma_semaphore, #tpu.memory_space<semaphore_mem>>) src(%dma_wait3A_111 : memref<8x128xf32, #tpu.memory_space<vmem>>) dst(%dma_wait3A_107 : memref<8x128xf32, #tpu.memory_space<hbm>>)
    %dma_wait3A_112 = arith.constant 0 : i32
    %dma_wait3A_113 = arith.constant 0 : i32
    %dma_wait3A_114 = arith.constant 2 : i32
    %dma_wait3A_115 = arith.constant 0 : i32
    %dma_wait3A_116 = arith.constant 0 : i32
    %dma_wait3A_117 = arith.constant 16 : i32
    %dma_wait3A_118 = arith.constant 0 : i32
    %dma_wait3A_119 = tpu.memref_slice %arg9[%dma_wait3A_112, %dma_wait3A_117, %dma_wait3A_118] : memref<3x64x129xf32, #tpu.memory_space<vmem>> -> memref<1x8x128xf32, #tpu.memory_space<vmem>>
    %dma_wait3A_120 = tpu.memref_squeeze %dma_wait3A_119 : memref<1x8x128xf32, #tpu.memory_space<vmem>> -> memref<8x128xf32, #tpu.memory_space<vmem>>
    %dma_wait3A_121 = arith.constant 0 : i32
    %dma_wait3A_122 = arith.constant 0 : i32
    %dma_wait3A_123 = tpu.memref_slice %arg5[%dma_wait3A_113, %dma_wait3A_114, %dma_wait3A_115, %dma_wait3A_121, %dma_wait3A_122] : memref<50x8x32x8x128xf32, #tpu.memory_space<hbm>> -> memref<1x1x1x8x128xf32, #tpu.memory_space<hbm>>
    %dma_wait3A_124 = tpu.memref_squeeze %dma_wait3A_123 : memref<1x1x1x8x128xf32, #tpu.memory_space<hbm>> -> memref<8x128xf32, #tpu.memory_space<hbm>>
    %dma_wait3A_125 = tpu.memref_slice %arg12[%dma_wait3A_116] : memref<3x!tpu.dma_semaphore, #tpu.memory_space<semaphore_mem>> -> memref<1x!tpu.dma_semaphore, #tpu.memory_space<semaphore_mem>>
    %dma_wait3A_126 = tpu.memref_squeeze %dma_wait3A_125 : memref<1x!tpu.dma_semaphore, #tpu.memory_space<semaphore_mem>> -> memref<!tpu.dma_semaphore, #tpu.memory_space<semaphore_mem>>
    %dma_wait3A_127 = arith.constant 0 : i32
    %dma_wait3A_128 = arith.constant 0 : i32
    %dma_wait3A_129 = tpu.memref_slice %arg5[%dma_wait3A_113, %dma_wait3A_114, %dma_wait3A_115, %dma_wait3A_127, %dma_wait3A_128] : memref<50x8x32x8x128xf32, #tpu.memory_space<hbm>> -> memref<1x1x1x8x128xf32, #tpu.memory_space<hbm>>
    %dma_wait3A_130 = tpu.memref_squeeze %dma_wait3A_129 : memref<1x1x1x8x128xf32, #tpu.memory_space<hbm>> -> memref<8x128xf32, #tpu.memory_space<hbm>>
    %dma_wait3A_131 = arith.constant 16 : i32
    %dma_wait3A_132 = arith.constant 0 : i32
    %dma_wait3A_133 = tpu.memref_slice %arg9[%dma_wait3A_112, %dma_wait3A_131, %dma_wait3A_132] : memref<3x64x129xf32, #tpu.memory_space<vmem>> -> memref<1x8x128xf32, #tpu.memory_space<vmem>>
    %dma_wait3A_134 = tpu.memref_squeeze %dma_wait3A_133 : memref<1x8x128xf32, #tpu.memory_space<vmem>> -> memref<8x128xf32, #tpu.memory_space<vmem>>
    tpu.wait_dma2 semaphore(%dma_wait3A_126 : memref<!tpu.dma_semaphore, #tpu.memory_space<semaphore_mem>>) src(%dma_wait3A_134 : memref<8x128xf32, #tpu.memory_space<vmem>>) dst(%dma_wait3A_130 : memref<8x128xf32, #tpu.memory_space<hbm>>)
    %dma_wait3A_135 = arith.constant 0 : i32
    %dma_wait3A_136 = arith.constant 0 : i32
    %dma_wait3A_137 = arith.constant 3 : i32
    %dma_wait3A_138 = arith.constant 0 : i32
    %dma_wait3A_139 = arith.constant 0 : i32
    %dma_wait3A_140 = arith.constant 24 : i32
    %dma_wait3A_141 = arith.constant 0 : i32
    %dma_wait3A_142 = tpu.memref_slice %arg9[%dma_wait3A_135, %dma_wait3A_140, %dma_wait3A_141] : memref<3x64x129xf32, #tpu.memory_space<vmem>> -> memref<1x8x128xf32, #tpu.memory_space<vmem>>
    %dma_wait3A_143 = tpu.memref_squeeze %dma_wait3A_142 : memref<1x8x128xf32, #tpu.memory_space<vmem>> -> memref<8x128xf32, #tpu.memory_space<vmem>>
    %dma_wait3A_144 = arith.constant 0 : i32
    %dma_wait3A_145 = arith.constant 0 : i32
    %dma_wait3A_146 = tpu.memref_slice %arg5[%dma_wait3A_136, %dma_wait3A_137, %dma_wait3A_138, %dma_wait3A_144, %dma_wait3A_145] : memref<50x8x32x8x128xf32, #tpu.memory_space<hbm>> -> memref<1x1x1x8x128xf32, #tpu.memory_space<hbm>>
    %dma_wait3A_147 = tpu.memref_squeeze %dma_wait3A_146 : memref<1x1x1x8x128xf32, #tpu.memory_space<hbm>> -> memref<8x128xf32, #tpu.memory_space<hbm>>
    %dma_wait3A_148 = tpu.memref_slice %arg12[%dma_wait3A_139] : memref<3x!tpu.dma_semaphore, #tpu.memory_space<semaphore_mem>> -> memref<1x!tpu.dma_semaphore, #tpu.memory_space<semaphore_mem>>
    %dma_wait3A_149 = tpu.memref_squeeze %dma_wait3A_148 : memref<1x!tpu.dma_semaphore, #tpu.memory_space<semaphore_mem>> -> memref<!tpu.dma_semaphore, #tpu.memory_space<semaphore_mem>>
    %dma_wait3A_150 = arith.constant 0 : i32
    %dma_wait3A_151 = arith.constant 0 : i32
    %dma_wait3A_152 = tpu.memref_slice %arg5[%dma_wait3A_136, %dma_wait3A_137, %dma_wait3A_138, %dma_wait3A_150, %dma_wait3A_151] : memref<50x8x32x8x128xf32, #tpu.memory_space<hbm>> -> memref<1x1x1x8x128xf32, #tpu.memory_space<hbm>>
    %dma_wait3A_153 = tpu.memref_squeeze %dma_wait3A_152 : memref<1x1x1x8x128xf32, #tpu.memory_space<hbm>> -> memref<8x128xf32, #tpu.memory_space<hbm>>
    %dma_wait3A_154 = arith.constant 24 : i32
    %dma_wait3A_155 = arith.constant 0 : i32
    %dma_wait3A_156 = tpu.memref_slice %arg9[%dma_wait3A_135, %dma_wait3A_154, %dma_wait3A_155] : memref<3x64x129xf32, #tpu.memory_space<vmem>> -> memref<1x8x128xf32, #tpu.memory_space<vmem>>
    %dma_wait3A_157 = tpu.memref_squeeze %dma_wait3A_156 : memref<1x8x128xf32, #tpu.memory_space<vmem>> -> memref<8x128xf32, #tpu.memory_space<vmem>>
    tpu.wait_dma2 semaphore(%dma_wait3A_149 : memref<!tpu.dma_semaphore, #tpu.memory_space<semaphore_mem>>) src(%dma_wait3A_157 : memref<8x128xf32, #tpu.memory_space<vmem>>) dst(%dma_wait3A_153 : memref<8x128xf32, #tpu.memory_space<hbm>>)
    %dma_wait3A_158 = arith.constant 0 : i32
    %dma_wait3A_159 = arith.constant 0 : i32
    %dma_wait3A_160 = arith.constant 4 : i32
    %dma_wait3A_161 = arith.constant 0 : i32
    %dma_wait3A_162 = arith.constant 0 : i32
    %dma_wait3A_163 = arith.constant 32 : i32
    %dma_wait3A_164 = arith.constant 0 : i32
    %dma_wait3A_165 = tpu.memref_slice %arg9[%dma_wait3A_158, %dma_wait3A_163, %dma_wait3A_164] : memref<3x64x129xf32, #tpu.memory_space<vmem>> -> memref<1x8x128xf32, #tpu.memory_space<vmem>>
    %dma_wait3A_166 = tpu.memref_squeeze %dma_wait3A_165 : memref<1x8x128xf32, #tpu.memory_space<vmem>> -> memref<8x128xf32, #tpu.memory_space<vmem>>
    %dma_wait3A_167 = arith.constant 0 : i32
    %dma_wait3A_168 = arith.constant 0 : i32
    %dma_wait3A_169 = tpu.memref_slice %arg5[%dma_wait3A_159, %dma_wait3A_160, %dma_wait3A_161, %dma_wait3A_167, %dma_wait3A_168] : memref<50x8x32x8x128xf32, #tpu.memory_space<hbm>> -> memref<1x1x1x8x128xf32, #tpu.memory_space<hbm>>
    %dma_wait3A_170 = tpu.memref_squeeze %dma_wait3A_169 : memref<1x1x1x8x128xf32, #tpu.memory_space<hbm>> -> memref<8x128xf32, #tpu.memory_space<hbm>>
    %dma_wait3A_171 = tpu.memref_slice %arg12[%dma_wait3A_162] : memref<3x!tpu.dma_semaphore, #tpu.memory_space<semaphore_mem>> -> memref<1x!tpu.dma_semaphore, #tpu.memory_space<semaphore_mem>>
    %dma_wait3A_172 = tpu.memref_squeeze %dma_wait3A_171 : memref<1x!tpu.dma_semaphore, #tpu.memory_space<semaphore_mem>> -> memref<!tpu.dma_semaphore, #tpu.memory_space<semaphore_mem>>
    %dma_wait3A_173 = arith.constant 0 : i32
    %dma_wait3A_174 = arith.constant 0 : i32
    %dma_wait3A_175 = tpu.memref_slice %arg5[%dma_wait3A_159, %dma_wait3A_160, %dma_wait3A_161, %dma_wait3A_173, %dma_wait3A_174] : memref<50x8x32x8x128xf32, #tpu.memory_space<hbm>> -> memref<1x1x1x8x128xf32, #tpu.memory_space<hbm>>
    %dma_wait3A_176 = tpu.memref_squeeze %dma_wait3A_175 : memref<1x1x1x8x128xf32, #tpu.memory_space<hbm>> -> memref<8x128xf32, #tpu.memory_space<hbm>>
    %dma_wait3A_177 = arith.constant 32 : i32
    %dma_wait3A_178 = arith.constant 0 : i32
    %dma_wait3A_179 = tpu.memref_slice %arg9[%dma_wait3A_158, %dma_wait3A_177, %dma_wait3A_178] : memref<3x64x129xf32, #tpu.memory_space<vmem>> -> memref<1x8x128xf32, #tpu.memory_space<vmem>>
    %dma_wait3A_180 = tpu.memref_squeeze %dma_wait3A_179 : memref<1x8x128xf32, #tpu.memory_space<vmem>> -> memref<8x128xf32, #tpu.memory_space<vmem>>
    tpu.wait_dma2 semaphore(%dma_wait3A_172 : memref<!tpu.dma_semaphore, #tpu.memory_space<semaphore_mem>>) src(%dma_wait3A_180 : memref<8x128xf32, #tpu.memory_space<vmem>>) dst(%dma_wait3A_176 : memref<8x128xf32, #tpu.memory_space<hbm>>)
    %dma_wait3A_181 = arith.constant 0 : i32
    %dma_wait3A_182 = arith.constant 0 : i32
    %dma_wait3A_183 = arith.constant 5 : i32
    %dma_wait3A_184 = arith.constant 0 : i32
    %dma_wait3A_185 = arith.constant 0 : i32
    %dma_wait3A_186 = arith.constant 40 : i32
    %dma_wait3A_187 = arith.constant 0 : i32
    %dma_wait3A_188 = tpu.memref_slice %arg9[%dma_wait3A_181, %dma_wait3A_186, %dma_wait3A_187] : memref<3x64x129xf32, #tpu.memory_space<vmem>> -> memref<1x8x128xf32, #tpu.memory_space<vmem>>
    %dma_wait3A_189 = tpu.memref_squeeze %dma_wait3A_188 : memref<1x8x128xf32, #tpu.memory_space<vmem>> -> memref<8x128xf32, #tpu.memory_space<vmem>>
    %dma_wait3A_190 = arith.constant 0 : i32
    %dma_wait3A_191 = arith.constant 0 : i32
    %dma_wait3A_192 = tpu.memref_slice %arg5[%dma_wait3A_182, %dma_wait3A_183, %dma_wait3A_184, %dma_wait3A_190, %dma_wait3A_191] : memref<50x8x32x8x128xf32, #tpu.memory_space<hbm>> -> memref<1x1x1x8x128xf32, #tpu.memory_space<hbm>>
    %dma_wait3A_193 = tpu.memref_squeeze %dma_wait3A_192 : memref<1x1x1x8x128xf32, #tpu.memory_space<hbm>> -> memref<8x128xf32, #tpu.memory_space<hbm>>
    %dma_wait3A_194 = tpu.memref_slice %arg12[%dma_wait3A_185] : memref<3x!tpu.dma_semaphore, #tpu.memory_space<semaphore_mem>> -> memref<1x!tpu.dma_semaphore, #tpu.memory_space<semaphore_mem>>
    %dma_wait3A_195 = tpu.memref_squeeze %dma_wait3A_194 : memref<1x!tpu.dma_semaphore, #tpu.memory_space<semaphore_mem>> -> memref<!tpu.dma_semaphore, #tpu.memory_space<semaphore_mem>>
    %dma_wait3A_196 = arith.constant 0 : i32
    %dma_wait3A_197 = arith.constant 0 : i32
    %dma_wait3A_198 = tpu.memref_slice %arg5[%dma_wait3A_182, %dma_wait3A_183, %dma_wait3A_184, %dma_wait3A_196, %dma_wait3A_197] : memref<50x8x32x8x128xf32, #tpu.memory_space<hbm>> -> memref<1x1x1x8x128xf32, #tpu.memory_space<hbm>>
    %dma_wait3A_199 = tpu.memref_squeeze %dma_wait3A_198 : memref<1x1x1x8x128xf32, #tpu.memory_space<hbm>> -> memref<8x128xf32, #tpu.memory_space<hbm>>
    %dma_wait3A_200 = arith.constant 40 : i32
    %dma_wait3A_201 = arith.constant 0 : i32
    %dma_wait3A_202 = tpu.memref_slice %arg9[%dma_wait3A_181, %dma_wait3A_200, %dma_wait3A_201] : memref<3x64x129xf32, #tpu.memory_space<vmem>> -> memref<1x8x128xf32, #tpu.memory_space<vmem>>
    %dma_wait3A_203 = tpu.memref_squeeze %dma_wait3A_202 : memref<1x8x128xf32, #tpu.memory_space<vmem>> -> memref<8x128xf32, #tpu.memory_space<vmem>>
    tpu.wait_dma2 semaphore(%dma_wait3A_195 : memref<!tpu.dma_semaphore, #tpu.memory_space<semaphore_mem>>) src(%dma_wait3A_203 : memref<8x128xf32, #tpu.memory_space<vmem>>) dst(%dma_wait3A_199 : memref<8x128xf32, #tpu.memory_space<hbm>>)
    %dma_wait3A_204 = arith.constant 0 : i32
    %dma_wait3A_205 = arith.constant 0 : i32
    %dma_wait3A_206 = arith.constant 6 : i32
    %dma_wait3A_207 = arith.constant 0 : i32
    %dma_wait3A_208 = arith.constant 0 : i32
    %dma_wait3A_209 = arith.constant 48 : i32
    %dma_wait3A_210 = arith.constant 0 : i32
    %dma_wait3A_211 = tpu.memref_slice %arg9[%dma_wait3A_204, %dma_wait3A_209, %dma_wait3A_210] : memref<3x64x129xf32, #tpu.memory_space<vmem>> -> memref<1x8x128xf32, #tpu.memory_space<vmem>>
    %dma_wait3A_212 = tpu.memref_squeeze %dma_wait3A_211 : memref<1x8x128xf32, #tpu.memory_space<vmem>> -> memref<8x128xf32, #tpu.memory_space<vmem>>
    %dma_wait3A_213 = arith.constant 0 : i32
    %dma_wait3A_214 = arith.constant 0 : i32
    %dma_wait3A_215 = tpu.memref_slice %arg5[%dma_wait3A_205, %dma_wait3A_206, %dma_wait3A_207, %dma_wait3A_213, %dma_wait3A_214] : memref<50x8x32x8x128xf32, #tpu.memory_space<hbm>> -> memref<1x1x1x8x128xf32, #tpu.memory_space<hbm>>
    %dma_wait3A_216 = tpu.memref_squeeze %dma_wait3A_215 : memref<1x1x1x8x128xf32, #tpu.memory_space<hbm>> -> memref<8x128xf32, #tpu.memory_space<hbm>>
    %dma_wait3A_217 = tpu.memref_slice %arg12[%dma_wait3A_208] : memref<3x!tpu.dma_semaphore, #tpu.memory_space<semaphore_mem>> -> memref<1x!tpu.dma_semaphore, #tpu.memory_space<semaphore_mem>>
    %dma_wait3A_218 = tpu.memref_squeeze %dma_wait3A_217 : memref<1x!tpu.dma_semaphore, #tpu.memory_space<semaphore_mem>> -> memref<!tpu.dma_semaphore, #tpu.memory_space<semaphore_mem>>
    %dma_wait3A_219 = arith.constant 0 : i32
    %dma_wait3A_220 = arith.constant 0 : i32
    %dma_wait3A_221 = tpu.memref_slice %arg5[%dma_wait3A_205, %dma_wait3A_206, %dma_wait3A_207, %dma_wait3A_219, %dma_wait3A_220] : memref<50x8x32x8x128xf32, #tpu.memory_space<hbm>> -> memref<1x1x1x8x128xf32, #tpu.memory_space<hbm>>
    %dma_wait3A_222 = tpu.memref_squeeze %dma_wait3A_221 : memref<1x1x1x8x128xf32, #tpu.memory_space<hbm>> -> memref<8x128xf32, #tpu.memory_space<hbm>>
    %dma_wait3A_223 = arith.constant 48 : i32
    %dma_wait3A_224 = arith.constant 0 : i32
    %dma_wait3A_225 = tpu.memref_slice %arg9[%dma_wait3A_204, %dma_wait3A_223, %dma_wait3A_224] : memref<3x64x129xf32, #tpu.memory_space<vmem>> -> memref<1x8x128xf32, #tpu.memory_space<vmem>>
    %dma_wait3A_226 = tpu.memref_squeeze %dma_wait3A_225 : memref<1x8x128xf32, #tpu.memory_space<vmem>> -> memref<8x128xf32, #tpu.memory_space<vmem>>
    tpu.wait_dma2 semaphore(%dma_wait3A_218 : memref<!tpu.dma_semaphore, #tpu.memory_space<semaphore_mem>>) src(%dma_wait3A_226 : memref<8x128xf32, #tpu.memory_space<vmem>>) dst(%dma_wait3A_222 : memref<8x128xf32, #tpu.memory_space<hbm>>)
    %dma_wait3A_227 = arith.constant 0 : i32
    %dma_wait3A_228 = arith.constant 0 : i32
    %dma_wait3A_229 = arith.constant 7 : i32
    %dma_wait3A_230 = arith.constant 0 : i32
    %dma_wait3A_231 = arith.constant 0 : i32
    %dma_wait3A_232 = arith.constant 56 : i32
    %dma_wait3A_233 = arith.constant 0 : i32
    %dma_wait3A_234 = tpu.memref_slice %arg9[%dma_wait3A_227, %dma_wait3A_232, %dma_wait3A_233] : memref<3x64x129xf32, #tpu.memory_space<vmem>> -> memref<1x8x128xf32, #tpu.memory_space<vmem>>
    %dma_wait3A_235 = tpu.memref_squeeze %dma_wait3A_234 : memref<1x8x128xf32, #tpu.memory_space<vmem>> -> memref<8x128xf32, #tpu.memory_space<vmem>>
    %dma_wait3A_236 = arith.constant 0 : i32
    %dma_wait3A_237 = arith.constant 0 : i32
    %dma_wait3A_238 = tpu.memref_slice %arg5[%dma_wait3A_228, %dma_wait3A_229, %dma_wait3A_230, %dma_wait3A_236, %dma_wait3A_237] : memref<50x8x32x8x128xf32, #tpu.memory_space<hbm>> -> memref<1x1x1x8x128xf32, #tpu.memory_space<hbm>>
    %dma_wait3A_239 = tpu.memref_squeeze %dma_wait3A_238 : memref<1x1x1x8x128xf32, #tpu.memory_space<hbm>> -> memref<8x128xf32, #tpu.memory_space<hbm>>
    %dma_wait3A_240 = tpu.memref_slice %arg12[%dma_wait3A_231] : memref<3x!tpu.dma_semaphore, #tpu.memory_space<semaphore_mem>> -> memref<1x!tpu.dma_semaphore, #tpu.memory_space<semaphore_mem>>
    %dma_wait3A_241 = tpu.memref_squeeze %dma_wait3A_240 : memref<1x!tpu.dma_semaphore, #tpu.memory_space<semaphore_mem>> -> memref<!tpu.dma_semaphore, #tpu.memory_space<semaphore_mem>>
    %dma_wait3A_242 = arith.constant 0 : i32
    %dma_wait3A_243 = arith.constant 0 : i32
    %dma_wait3A_244 = tpu.memref_slice %arg5[%dma_wait3A_228, %dma_wait3A_229, %dma_wait3A_230, %dma_wait3A_242, %dma_wait3A_243] : memref<50x8x32x8x128xf32, #tpu.memory_space<hbm>> -> memref<1x1x1x8x128xf32, #tpu.memory_space<hbm>>
    %dma_wait3A_245 = tpu.memref_squeeze %dma_wait3A_244 : memref<1x1x1x8x128xf32, #tpu.memory_space<hbm>> -> memref<8x128xf32, #tpu.memory_space<hbm>>
    %dma_wait3A_246 = arith.constant 56 : i32
    %dma_wait3A_247 = arith.constant 0 : i32
    %dma_wait3A_248 = tpu.memref_slice %arg9[%dma_wait3A_227, %dma_wait3A_246, %dma_wait3A_247] : memref<3x64x129xf32, #tpu.memory_space<vmem>> -> memref<1x8x128xf32, #tpu.memory_space<vmem>>
    %dma_wait3A_249 = tpu.memref_squeeze %dma_wait3A_248 : memref<1x8x128xf32, #tpu.memory_space<vmem>> -> memref<8x128xf32, #tpu.memory_space<vmem>>
    tpu.wait_dma2 semaphore(%dma_wait3A_241 : memref<!tpu.dma_semaphore, #tpu.memory_space<semaphore_mem>>) src(%dma_wait3A_249 : memref<8x128xf32, #tpu.memory_space<vmem>>) dst(%dma_wait3A_245 : memref<8x128xf32, #tpu.memory_space<hbm>>)
    %dma_wait3A_250 = arith.constant 1 : i32
    %dma_wait3A_251 = arith.constant 0 : i32
    %dma_wait3A_252 = arith.constant 0 : i32
    %dma_wait3A_253 = arith.constant 0 : i32
    %dma_wait3A_254 = arith.constant 1 : i32
    %dma_wait3A_255 = arith.constant 0 : i32
    %dma_wait3A_256 = arith.constant 0 : i32
    %dma_wait3A_257 = tpu.memref_slice %arg9[%dma_wait3A_250, %dma_wait3A_255, %dma_wait3A_256] : memref<3x64x129xf32, #tpu.memory_space<vmem>> -> memref<1x8x128xf32, #tpu.memory_space<vmem>>
    %dma_wait3A_258 = tpu.memref_squeeze %dma_wait3A_257 : memref<1x8x128xf32, #tpu.memory_space<vmem>> -> memref<8x128xf32, #tpu.memory_space<vmem>>
    %dma_wait3A_259 = arith.constant 0 : i32
    %dma_wait3A_260 = arith.constant 0 : i32
    %dma_wait3A_261 = tpu.memref_slice %arg5[%dma_wait3A_251, %dma_wait3A_252, %dma_wait3A_253, %dma_wait3A_259, %dma_wait3A_260] : memref<50x8x32x8x128xf32, #tpu.memory_space<hbm>> -> memref<1x1x1x8x128xf32, #tpu.memory_space<hbm>>
    %dma_wait3A_262 = tpu.memref_squeeze %dma_wait3A_261 : memref<1x1x1x8x128xf32, #tpu.memory_space<hbm>> -> memref<8x128xf32, #tpu.memory_space<hbm>>
    %dma_wait3A_263 = tpu.memref_slice %arg12[%dma_wait3A_254] : memref<3x!tpu.dma_semaphore, #tpu.memory_space<semaphore_mem>> -> memref<1x!tpu.dma_semaphore, #tpu.memory_space<semaphore_mem>>
    %dma_wait3A_264 = tpu.memref_squeeze %dma_wait3A_263 : memref<1x!tpu.dma_semaphore, #tpu.memory_space<semaphore_mem>> -> memref<!tpu.dma_semaphore, #tpu.memory_space<semaphore_mem>>
    %dma_wait3A_265 = arith.constant 0 : i32
    %dma_wait3A_266 = arith.constant 0 : i32
    %dma_wait3A_267 = tpu.memref_slice %arg5[%dma_wait3A_251, %dma_wait3A_252, %dma_wait3A_253, %dma_wait3A_265, %dma_wait3A_266] : memref<50x8x32x8x128xf32, #tpu.memory_space<hbm>> -> memref<1x1x1x8x128xf32, #tpu.memory_space<hbm>>
    %dma_wait3A_268 = tpu.memref_squeeze %dma_wait3A_267 : memref<1x1x1x8x128xf32, #tpu.memory_space<hbm>> -> memref<8x128xf32, #tpu.memory_space<hbm>>
    %dma_wait3A_269 = arith.constant 0 : i32
    %dma_wait3A_270 = arith.constant 0 : i32
    %dma_wait3A_271 = tpu.memref_slice %arg9[%dma_wait3A_250, %dma_wait3A_269, %dma_wait3A_270] : memref<3x64x129xf32, #tpu.memory_space<vmem>> -> memref<1x8x128xf32, #tpu.memory_space<vmem>>
    %dma_wait3A_272 = tpu.memref_squeeze %dma_wait3A_271 : memref<1x8x128xf32, #tpu.memory_space<vmem>> -> memref<8x128xf32, #tpu.memory_space<vmem>>
    tpu.wait_dma2 semaphore(%dma_wait3A_264 : memref<!tpu.dma_semaphore, #tpu.memory_space<semaphore_mem>>) src(%dma_wait3A_272 : memref<8x128xf32, #tpu.memory_space<vmem>>) dst(%dma_wait3A_268 : memref<8x128xf32, #tpu.memory_space<hbm>>)
    %dma_wait3A_273 = arith.constant 1 : i32
    %dma_wait3A_274 = arith.constant 0 : i32
    %dma_wait3A_275 = arith.constant 1 : i32
    %dma_wait3A_276 = arith.constant 0 : i32
    %dma_wait3A_277 = arith.constant 1 : i32
    %dma_wait3A_278 = arith.constant 8 : i32
    %dma_wait3A_279 = arith.constant 0 : i32
    %dma_wait3A_280 = tpu.memref_slice %arg9[%dma_wait3A_273, %dma_wait3A_278, %dma_wait3A_279] : memref<3x64x129xf32, #tpu.memory_space<vmem>> -> memref<1x8x128xf32, #tpu.memory_space<vmem>>
    %dma_wait3A_281 = tpu.memref_squeeze %dma_wait3A_280 : memref<1x8x128xf32, #tpu.memory_space<vmem>> -> memref<8x128xf32, #tpu.memory_space<vmem>>
    %dma_wait3A_282 = arith.constant 0 : i32
    %dma_wait3A_283 = arith.constant 0 : i32
    %dma_wait3A_284 = tpu.memref_slice %arg5[%dma_wait3A_274, %dma_wait3A_275, %dma_wait3A_276, %dma_wait3A_282, %dma_wait3A_283] : memref<50x8x32x8x128xf32, #tpu.memory_space<hbm>> -> memref<1x1x1x8x128xf32, #tpu.memory_space<hbm>>
    %dma_wait3A_285 = tpu.memref_squeeze %dma_wait3A_284 : memref<1x1x1x8x128xf32, #tpu.memory_space<hbm>> -> memref<8x128xf32, #tpu.memory_space<hbm>>
    %dma_wait3A_286 = tpu.memref_slice %arg12[%dma_wait3A_277] : memref<3x!tpu.dma_semaphore, #tpu.memory_space<semaphore_mem>> -> memref<1x!tpu.dma_semaphore, #tpu.memory_space<semaphore_mem>>
    %dma_wait3A_287 = tpu.memref_squeeze %dma_wait3A_286 : memref<1x!tpu.dma_semaphore, #tpu.memory_space<semaphore_mem>> -> memref<!tpu.dma_semaphore, #tpu.memory_space<semaphore_mem>>
    %dma_wait3A_288 = arith.constant 0 : i32
    %dma_wait3A_289 = arith.constant 0 : i32
    %dma_wait3A_290 = tpu.memref_slice %arg5[%dma_wait3A_274, %dma_wait3A_275, %dma_wait3A_276, %dma_wait3A_288, %dma_wait3A_289] : memref<50x8x32x8x128xf32, #tpu.memory_space<hbm>> -> memref<1x1x1x8x128xf32, #tpu.memory_space<hbm>>
    %dma_wait3A_291 = tpu.memref_squeeze %dma_wait3A_290 : memref<1x1x1x8x128xf32, #tpu.memory_space<hbm>> -> memref<8x128xf32, #tpu.memory_space<hbm>>
    %dma_wait3A_292 = arith.constant 8 : i32
    %dma_wait3A_293 = arith.constant 0 : i32
    %dma_wait3A_294 = tpu.memref_slice %arg9[%dma_wait3A_273, %dma_wait3A_292, %dma_wait3A_293] : memref<3x64x129xf32, #tpu.memory_space<vmem>> -> memref<1x8x128xf32, #tpu.memory_space<vmem>>
    %dma_wait3A_295 = tpu.memref_squeeze %dma_wait3A_294 : memref<1x8x128xf32, #tpu.memory_space<vmem>> -> memref<8x128xf32, #tpu.memory_space<vmem>>
    tpu.wait_dma2 semaphore(%dma_wait3A_287 : memref<!tpu.dma_semaphore, #tpu.memory_space<semaphore_mem>>) src(%dma_wait3A_295 : memref<8x128xf32, #tpu.memory_space<vmem>>) dst(%dma_wait3A_291 : memref<8x128xf32, #tpu.memory_space<hbm>>)
    %dma_wait3A_296 = arith.constant 1 : i32
    %dma_wait3A_297 = arith.constant 0 : i32
    %dma_wait3A_298 = arith.constant 2 : i32
    %dma_wait3A_299 = arith.constant 0 : i32
    %dma_wait3A_300 = arith.constant 1 : i32
    %dma_wait3A_301 = arith.constant 16 : i32
    %dma_wait3A_302 = arith.constant 0 : i32
    %dma_wait3A_303 = tpu.memref_slice %arg9[%dma_wait3A_296, %dma_wait3A_301, %dma_wait3A_302] : memref<3x64x129xf32, #tpu.memory_space<vmem>> -> memref<1x8x128xf32, #tpu.memory_space<vmem>>
    %dma_wait3A_304 = tpu.memref_squeeze %dma_wait3A_303 : memref<1x8x128xf32, #tpu.memory_space<vmem>> -> memref<8x128xf32, #tpu.memory_space<vmem>>
    %dma_wait3A_305 = arith.constant 0 : i32
    %dma_wait3A_306 = arith.constant 0 : i32
    %dma_wait3A_307 = tpu.memref_slice %arg5[%dma_wait3A_297, %dma_wait3A_298, %dma_wait3A_299, %dma_wait3A_305, %dma_wait3A_306] : memref<50x8x32x8x128xf32, #tpu.memory_space<hbm>> -> memref<1x1x1x8x128xf32, #tpu.memory_space<hbm>>
    %dma_wait3A_308 = tpu.memref_squeeze %dma_wait3A_307 : memref<1x1x1x8x128xf32, #tpu.memory_space<hbm>> -> memref<8x128xf32, #tpu.memory_space<hbm>>
    %dma_wait3A_309 = tpu.memref_slice %arg12[%dma_wait3A_300] : memref<3x!tpu.dma_semaphore, #tpu.memory_space<semaphore_mem>> -> memref<1x!tpu.dma_semaphore, #tpu.memory_space<semaphore_mem>>
    %dma_wait3A_310 = tpu.memref_squeeze %dma_wait3A_309 : memref<1x!tpu.dma_semaphore, #tpu.memory_space<semaphore_mem>> -> memref<!tpu.dma_semaphore, #tpu.memory_space<semaphore_mem>>
    %dma_wait3A_311 = arith.constant 0 : i32
    %dma_wait3A_312 = arith.constant 0 : i32
    %dma_wait3A_313 = tpu.memref_slice %arg5[%dma_wait3A_297, %dma_wait3A_298, %dma_wait3A_299, %dma_wait3A_311, %dma_wait3A_312] : memref<50x8x32x8x128xf32, #tpu.memory_space<hbm>> -> memref<1x1x1x8x128xf32, #tpu.memory_space<hbm>>
    %dma_wait3A_314 = tpu.memref_squeeze %dma_wait3A_313 : memref<1x1x1x8x128xf32, #tpu.memory_space<hbm>> -> memref<8x128xf32, #tpu.memory_space<hbm>>
    %dma_wait3A_315 = arith.constant 16 : i32
    %dma_wait3A_316 = arith.constant 0 : i32
    %dma_wait3A_317 = tpu.memref_slice %arg9[%dma_wait3A_296, %dma_wait3A_315, %dma_wait3A_316] : memref<3x64x129xf32, #tpu.memory_space<vmem>> -> memref<1x8x128xf32, #tpu.memory_space<vmem>>
    %dma_wait3A_318 = tpu.memref_squeeze %dma_wait3A_317 : memref<1x8x128xf32, #tpu.memory_space<vmem>> -> memref<8x128xf32, #tpu.memory_space<vmem>>
    tpu.wait_dma2 semaphore(%dma_wait3A_310 : memref<!tpu.dma_semaphore, #tpu.memory_space<semaphore_mem>>) src(%dma_wait3A_318 : memref<8x128xf32, #tpu.memory_space<vmem>>) dst(%dma_wait3A_314 : memref<8x128xf32, #tpu.memory_space<hbm>>)
    %dma_wait3A_319 = arith.constant 1 : i32
    %dma_wait3A_320 = arith.constant 0 : i32
    %dma_wait3A_321 = arith.constant 3 : i32
    %dma_wait3A_322 = arith.constant 0 : i32
    %dma_wait3A_323 = arith.constant 1 : i32
    %dma_wait3A_324 = arith.constant 24 : i32
    %dma_wait3A_325 = arith.constant 0 : i32
    %dma_wait3A_326 = tpu.memref_slice %arg9[%dma_wait3A_319, %dma_wait3A_324, %dma_wait3A_325] : memref<3x64x129xf32, #tpu.memory_space<vmem>> -> memref<1x8x128xf32, #tpu.memory_space<vmem>>
    %dma_wait3A_327 = tpu.memref_squeeze %dma_wait3A_326 : memref<1x8x128xf32, #tpu.memory_space<vmem>> -> memref<8x128xf32, #tpu.memory_space<vmem>>
    %dma_wait3A_328 = arith.constant 0 : i32
    %dma_wait3A_329 = arith.constant 0 : i32
    %dma_wait3A_330 = tpu.memref_slice %arg5[%dma_wait3A_320, %dma_wait3A_321, %dma_wait3A_322, %dma_wait3A_328, %dma_wait3A_329] : memref<50x8x32x8x128xf32, #tpu.memory_space<hbm>> -> memref<1x1x1x8x128xf32, #tpu.memory_space<hbm>>
    %dma_wait3A_331 = tpu.memref_squeeze %dma_wait3A_330 : memref<1x1x1x8x128xf32, #tpu.memory_space<hbm>> -> memref<8x128xf32, #tpu.memory_space<hbm>>
    %dma_wait3A_332 = tpu.memref_slice %arg12[%dma_wait3A_323] : memref<3x!tpu.dma_semaphore, #tpu.memory_space<semaphore_mem>> -> memref<1x!tpu.dma_semaphore, #tpu.memory_space<semaphore_mem>>
    %dma_wait3A_333 = tpu.memref_squeeze %dma_wait3A_332 : memref<1x!tpu.dma_semaphore, #tpu.memory_space<semaphore_mem>> -> memref<!tpu.dma_semaphore, #tpu.memory_space<semaphore_mem>>
    %dma_wait3A_334 = arith.constant 0 : i32
    %dma_wait3A_335 = arith.constant 0 : i32
    %dma_wait3A_336 = tpu.memref_slice %arg5[%dma_wait3A_320, %dma_wait3A_321, %dma_wait3A_322, %dma_wait3A_334, %dma_wait3A_335] : memref<50x8x32x8x128xf32, #tpu.memory_space<hbm>> -> memref<1x1x1x8x128xf32, #tpu.memory_space<hbm>>
    %dma_wait3A_337 = tpu.memref_squeeze %dma_wait3A_336 : memref<1x1x1x8x128xf32, #tpu.memory_space<hbm>> -> memref<8x128xf32, #tpu.memory_space<hbm>>
    %dma_wait3A_338 = arith.constant 24 : i32
    %dma_wait3A_339 = arith.constant 0 : i32
    %dma_wait3A_340 = tpu.memref_slice %arg9[%dma_wait3A_319, %dma_wait3A_338, %dma_wait3A_339] : memref<3x64x129xf32, #tpu.memory_space<vmem>> -> memref<1x8x128xf32, #tpu.memory_space<vmem>>
    %dma_wait3A_341 = tpu.memref_squeeze %dma_wait3A_340 : memref<1x8x128xf32, #tpu.memory_space<vmem>> -> memref<8x128xf32, #tpu.memory_space<vmem>>
    tpu.wait_dma2 semaphore(%dma_wait3A_333 : memref<!tpu.dma_semaphore, #tpu.memory_space<semaphore_mem>>) src(%dma_wait3A_341 : memref<8x128xf32, #tpu.memory_space<vmem>>) dst(%dma_wait3A_337 : memref<8x128xf32, #tpu.memory_space<hbm>>)
    %dma_wait3A_342 = arith.constant 1 : i32
    %dma_wait3A_343 = arith.constant 0 : i32
    %dma_wait3A_344 = arith.constant 4 : i32
    %dma_wait3A_345 = arith.constant 0 : i32
    %dma_wait3A_346 = arith.constant 1 : i32
    %dma_wait3A_347 = arith.constant 32 : i32
    %dma_wait3A_348 = arith.constant 0 : i32
    %dma_wait3A_349 = tpu.memref_slice %arg9[%dma_wait3A_342, %dma_wait3A_347, %dma_wait3A_348] : memref<3x64x129xf32, #tpu.memory_space<vmem>> -> memref<1x8x128xf32, #tpu.memory_space<vmem>>
    %dma_wait3A_350 = tpu.memref_squeeze %dma_wait3A_349 : memref<1x8x128xf32, #tpu.memory_space<vmem>> -> memref<8x128xf32, #tpu.memory_space<vmem>>
    %dma_wait3A_351 = arith.constant 0 : i32
    %dma_wait3A_352 = arith.constant 0 : i32
    %dma_wait3A_353 = tpu.memref_slice %arg5[%dma_wait3A_343, %dma_wait3A_344, %dma_wait3A_345, %dma_wait3A_351, %dma_wait3A_352] : memref<50x8x32x8x128xf32, #tpu.memory_space<hbm>> -> memref<1x1x1x8x128xf32, #tpu.memory_space<hbm>>
    %dma_wait3A_354 = tpu.memref_squeeze %dma_wait3A_353 : memref<1x1x1x8x128xf32, #tpu.memory_space<hbm>> -> memref<8x128xf32, #tpu.memory_space<hbm>>
    %dma_wait3A_355 = tpu.memref_slice %arg12[%dma_wait3A_346] : memref<3x!tpu.dma_semaphore, #tpu.memory_space<semaphore_mem>> -> memref<1x!tpu.dma_semaphore, #tpu.memory_space<semaphore_mem>>
    %dma_wait3A_356 = tpu.memref_squeeze %dma_wait3A_355 : memref<1x!tpu.dma_semaphore, #tpu.memory_space<semaphore_mem>> -> memref<!tpu.dma_semaphore, #tpu.memory_space<semaphore_mem>>
    %dma_wait3A_357 = arith.constant 0 : i32
    %dma_wait3A_358 = arith.constant 0 : i32
    %dma_wait3A_359 = tpu.memref_slice %arg5[%dma_wait3A_343, %dma_wait3A_344, %dma_wait3A_345, %dma_wait3A_357, %dma_wait3A_358] : memref<50x8x32x8x128xf32, #tpu.memory_space<hbm>> -> memref<1x1x1x8x128xf32, #tpu.memory_space<hbm>>
    %dma_wait3A_360 = tpu.memref_squeeze %dma_wait3A_359 : memref<1x1x1x8x128xf32, #tpu.memory_space<hbm>> -> memref<8x128xf32, #tpu.memory_space<hbm>>
    %dma_wait3A_361 = arith.constant 32 : i32
    %dma_wait3A_362 = arith.constant 0 : i32
    %dma_wait3A_363 = tpu.memref_slice %arg9[%dma_wait3A_342, %dma_wait3A_361, %dma_wait3A_362] : memref<3x64x129xf32, #tpu.memory_space<vmem>> -> memref<1x8x128xf32, #tpu.memory_space<vmem>>
    %dma_wait3A_364 = tpu.memref_squeeze %dma_wait3A_363 : memref<1x8x128xf32, #tpu.memory_space<vmem>> -> memref<8x128xf32, #tpu.memory_space<vmem>>
    tpu.wait_dma2 semaphore(%dma_wait3A_356 : memref<!tpu.dma_semaphore, #tpu.memory_space<semaphore_mem>>) src(%dma_wait3A_364 : memref<8x128xf32, #tpu.memory_space<vmem>>) dst(%dma_wait3A_360 : memref<8x128xf32, #tpu.memory_space<hbm>>)
    %dma_wait3A_365 = arith.constant 1 : i32
    %dma_wait3A_366 = arith.constant 0 : i32
    %dma_wait3A_367 = arith.constant 5 : i32
    %dma_wait3A_368 = arith.constant 0 : i32
    %dma_wait3A_369 = arith.constant 1 : i32
    %dma_wait3A_370 = arith.constant 40 : i32
    %dma_wait3A_371 = arith.constant 0 : i32
    %dma_wait3A_372 = tpu.memref_slice %arg9[%dma_wait3A_365, %dma_wait3A_370, %dma_wait3A_371] : memref<3x64x129xf32, #tpu.memory_space<vmem>> -> memref<1x8x128xf32, #tpu.memory_space<vmem>>
    %dma_wait3A_373 = tpu.memref_squeeze %dma_wait3A_372 : memref<1x8x128xf32, #tpu.memory_space<vmem>> -> memref<8x128xf32, #tpu.memory_space<vmem>>
    %dma_wait3A_374 = arith.constant 0 : i32
    %dma_wait3A_375 = arith.constant 0 : i32
    %dma_wait3A_376 = tpu.memref_slice %arg5[%dma_wait3A_366, %dma_wait3A_367, %dma_wait3A_368, %dma_wait3A_374, %dma_wait3A_375] : memref<50x8x32x8x128xf32, #tpu.memory_space<hbm>> -> memref<1x1x1x8x128xf32, #tpu.memory_space<hbm>>
    %dma_wait3A_377 = tpu.memref_squeeze %dma_wait3A_376 : memref<1x1x1x8x128xf32, #tpu.memory_space<hbm>> -> memref<8x128xf32, #tpu.memory_space<hbm>>
    %dma_wait3A_378 = tpu.memref_slice %arg12[%dma_wait3A_369] : memref<3x!tpu.dma_semaphore, #tpu.memory_space<semaphore_mem>> -> memref<1x!tpu.dma_semaphore, #tpu.memory_space<semaphore_mem>>
    %dma_wait3A_379 = tpu.memref_squeeze %dma_wait3A_378 : memref<1x!tpu.dma_semaphore, #tpu.memory_space<semaphore_mem>> -> memref<!tpu.dma_semaphore, #tpu.memory_space<semaphore_mem>>
    %dma_wait3A_380 = arith.constant 0 : i32
    %dma_wait3A_381 = arith.constant 0 : i32
    %dma_wait3A_382 = tpu.memref_slice %arg5[%dma_wait3A_366, %dma_wait3A_367, %dma_wait3A_368, %dma_wait3A_380, %dma_wait3A_381] : memref<50x8x32x8x128xf32, #tpu.memory_space<hbm>> -> memref<1x1x1x8x128xf32, #tpu.memory_space<hbm>>
    %dma_wait3A_383 = tpu.memref_squeeze %dma_wait3A_382 : memref<1x1x1x8x128xf32, #tpu.memory_space<hbm>> -> memref<8x128xf32, #tpu.memory_space<hbm>>
    %dma_wait3A_384 = arith.constant 40 : i32
    %dma_wait3A_385 = arith.constant 0 : i32
    %dma_wait3A_386 = tpu.memref_slice %arg9[%dma_wait3A_365, %dma_wait3A_384, %dma_wait3A_385] : memref<3x64x129xf32, #tpu.memory_space<vmem>> -> memref<1x8x128xf32, #tpu.memory_space<vmem>>
    %dma_wait3A_387 = tpu.memref_squeeze %dma_wait3A_386 : memref<1x8x128xf32, #tpu.memory_space<vmem>> -> memref<8x128xf32, #tpu.memory_space<vmem>>
    tpu.wait_dma2 semaphore(%dma_wait3A_379 : memref<!tpu.dma_semaphore, #tpu.memory_space<semaphore_mem>>) src(%dma_wait3A_387 : memref<8x128xf32, #tpu.memory_space<vmem>>) dst(%dma_wait3A_383 : memref<8x128xf32, #tpu.memory_space<hbm>>)
    %dma_wait3A_388 = arith.constant 1 : i32
    %dma_wait3A_389 = arith.constant 0 : i32
    %dma_wait3A_390 = arith.constant 6 : i32
    %dma_wait3A_391 = arith.constant 0 : i32
    %dma_wait3A_392 = arith.constant 1 : i32
    %dma_wait3A_393 = arith.constant 48 : i32
    %dma_wait3A_394 = arith.constant 0 : i32
    %dma_wait3A_395 = tpu.memref_slice %arg9[%dma_wait3A_388, %dma_wait3A_393, %dma_wait3A_394] : memref<3x64x129xf32, #tpu.memory_space<vmem>> -> memref<1x8x128xf32, #tpu.memory_space<vmem>>
    %dma_wait3A_396 = tpu.memref_squeeze %dma_wait3A_395 : memref<1x8x128xf32, #tpu.memory_space<vmem>> -> memref<8x128xf32, #tpu.memory_space<vmem>>
    %dma_wait3A_397 = arith.constant 0 : i32
    %dma_wait3A_398 = arith.constant 0 : i32
    %dma_wait3A_399 = tpu.memref_slice %arg5[%dma_wait3A_389, %dma_wait3A_390, %dma_wait3A_391, %dma_wait3A_397, %dma_wait3A_398] : memref<50x8x32x8x128xf32, #tpu.memory_space<hbm>> -> memref<1x1x1x8x128xf32, #tpu.memory_space<hbm>>
    %dma_wait3A_400 = tpu.memref_squeeze %dma_wait3A_399 : memref<1x1x1x8x128xf32, #tpu.memory_space<hbm>> -> memref<8x128xf32, #tpu.memory_space<hbm>>
    %dma_wait3A_401 = tpu.memref_slice %arg12[%dma_wait3A_392] : memref<3x!tpu.dma_semaphore, #tpu.memory_space<semaphore_mem>> -> memref<1x!tpu.dma_semaphore, #tpu.memory_space<semaphore_mem>>
    %dma_wait3A_402 = tpu.memref_squeeze %dma_wait3A_401 : memref<1x!tpu.dma_semaphore, #tpu.memory_space<semaphore_mem>> -> memref<!tpu.dma_semaphore, #tpu.memory_space<semaphore_mem>>
    %dma_wait3A_403 = arith.constant 0 : i32
    %dma_wait3A_404 = arith.constant 0 : i32
    %dma_wait3A_405 = tpu.memref_slice %arg5[%dma_wait3A_389, %dma_wait3A_390, %dma_wait3A_391, %dma_wait3A_403, %dma_wait3A_404] : memref<50x8x32x8x128xf32, #tpu.memory_space<hbm>> -> memref<1x1x1x8x128xf32, #tpu.memory_space<hbm>>
    %dma_wait3A_406 = tpu.memref_squeeze %dma_wait3A_405 : memref<1x1x1x8x128xf32, #tpu.memory_space<hbm>> -> memref<8x128xf32, #tpu.memory_space<hbm>>
    %dma_wait3A_407 = arith.constant 48 : i32
    %dma_wait3A_408 = arith.constant 0 : i32
    %dma_wait3A_409 = tpu.memref_slice %arg9[%dma_wait3A_388, %dma_wait3A_407, %dma_wait3A_408] : memref<3x64x129xf32, #tpu.memory_space<vmem>> -> memref<1x8x128xf32, #tpu.memory_space<vmem>>
    %dma_wait3A_410 = tpu.memref_squeeze %dma_wait3A_409 : memref<1x8x128xf32, #tpu.memory_space<vmem>> -> memref<8x128xf32, #tpu.memory_space<vmem>>
    tpu.wait_dma2 semaphore(%dma_wait3A_402 : memref<!tpu.dma_semaphore, #tpu.memory_space<semaphore_mem>>) src(%dma_wait3A_410 : memref<8x128xf32, #tpu.memory_space<vmem>>) dst(%dma_wait3A_406 : memref<8x128xf32, #tpu.memory_space<hbm>>)
    %dma_wait3A_411 = arith.constant 1 : i32
    %dma_wait3A_412 = arith.constant 0 : i32
    %dma_wait3A_413 = arith.constant 7 : i32
    %dma_wait3A_414 = arith.constant 0 : i32
    %dma_wait3A_415 = arith.constant 1 : i32
    %dma_wait3A_416 = arith.constant 56 : i32
    %dma_wait3A_417 = arith.constant 0 : i32
    %dma_wait3A_418 = tpu.memref_slice %arg9[%dma_wait3A_411, %dma_wait3A_416, %dma_wait3A_417] : memref<3x64x129xf32, #tpu.memory_space<vmem>> -> memref<1x8x128xf32, #tpu.memory_space<vmem>>
    %dma_wait3A_419 = tpu.memref_squeeze %dma_wait3A_418 : memref<1x8x128xf32, #tpu.memory_space<vmem>> -> memref<8x128xf32, #tpu.memory_space<vmem>>
    %dma_wait3A_420 = arith.constant 0 : i32
    %dma_wait3A_421 = arith.constant 0 : i32
    %dma_wait3A_422 = tpu.memref_slice %arg5[%dma_wait3A_412, %dma_wait3A_413, %dma_wait3A_414, %dma_wait3A_420, %dma_wait3A_421] : memref<50x8x32x8x128xf32, #tpu.memory_space<hbm>> -> memref<1x1x1x8x128xf32, #tpu.memory_space<hbm>>
    %dma_wait3A_423 = tpu.memref_squeeze %dma_wait3A_422 : memref<1x1x1x8x128xf32, #tpu.memory_space<hbm>> -> memref<8x128xf32, #tpu.memory_space<hbm>>
    %dma_wait3A_424 = tpu.memref_slice %arg12[%dma_wait3A_415] : memref<3x!tpu.dma_semaphore, #tpu.memory_space<semaphore_mem>> -> memref<1x!tpu.dma_semaphore, #tpu.memory_space<semaphore_mem>>
    %dma_wait3A_425 = tpu.memref_squeeze %dma_wait3A_424 : memref<1x!tpu.dma_semaphore, #tpu.memory_space<semaphore_mem>> -> memref<!tpu.dma_semaphore, #tpu.memory_space<semaphore_mem>>
    %dma_wait3A_426 = arith.constant 0 : i32
    %dma_wait3A_427 = arith.constant 0 : i32
    %dma_wait3A_428 = tpu.memref_slice %arg5[%dma_wait3A_412, %dma_wait3A_413, %dma_wait3A_414, %dma_wait3A_426, %dma_wait3A_427] : memref<50x8x32x8x128xf32, #tpu.memory_space<hbm>> -> memref<1x1x1x8x128xf32, #tpu.memory_space<hbm>>
    %dma_wait3A_429 = tpu.memref_squeeze %dma_wait3A_428 : memref<1x1x1x8x128xf32, #tpu.memory_space<hbm>> -> memref<8x128xf32, #tpu.memory_space<hbm>>
    %dma_wait3A_430 = arith.constant 56 : i32
    %dma_wait3A_431 = arith.constant 0 : i32
    %dma_wait3A_432 = tpu.memref_slice %arg9[%dma_wait3A_411, %dma_wait3A_430, %dma_wait3A_431] : memref<3x64x129xf32, #tpu.memory_space<vmem>> -> memref<1x8x128xf32, #tpu.memory_space<vmem>>
    %dma_wait3A_433 = tpu.memref_squeeze %dma_wait3A_432 : memref<1x8x128xf32, #tpu.memory_space<vmem>> -> memref<8x128xf32, #tpu.memory_space<vmem>>
    tpu.wait_dma2 semaphore(%dma_wait3A_425 : memref<!tpu.dma_semaphore, #tpu.memory_space<semaphore_mem>>) src(%dma_wait3A_433 : memref<8x128xf32, #tpu.memory_space<vmem>>) dst(%dma_wait3A_429 : memref<8x128xf32, #tpu.memory_space<hbm>>)
    %dma_wait3A_434 = arith.constant 2 : i32
    %dma_wait3A_435 = arith.constant 0 : i32
    %dma_wait3A_436 = arith.constant 0 : i32
    %dma_wait3A_437 = arith.constant 0 : i32
    %dma_wait3A_438 = arith.constant 2 : i32
    %dma_wait3A_439 = arith.constant 0 : i32
    %dma_wait3A_440 = arith.constant 0 : i32
    %dma_wait3A_441 = tpu.memref_slice %arg9[%dma_wait3A_434, %dma_wait3A_439, %dma_wait3A_440] : memref<3x64x129xf32, #tpu.memory_space<vmem>> -> memref<1x8x128xf32, #tpu.memory_space<vmem>>
    %dma_wait3A_442 = tpu.memref_squeeze %dma_wait3A_441 : memref<1x8x128xf32, #tpu.memory_space<vmem>> -> memref<8x128xf32, #tpu.memory_space<vmem>>
    %dma_wait3A_443 = arith.constant 0 : i32
    %dma_wait3A_444 = arith.constant 0 : i32
    %dma_wait3A_445 = tpu.memref_slice %arg5[%dma_wait3A_435, %dma_wait3A_436, %dma_wait3A_437, %dma_wait3A_443, %dma_wait3A_444] : memref<50x8x32x8x128xf32, #tpu.memory_space<hbm>> -> memref<1x1x1x8x128xf32, #tpu.memory_space<hbm>>
    %dma_wait3A_446 = tpu.memref_squeeze %dma_wait3A_445 : memref<1x1x1x8x128xf32, #tpu.memory_space<hbm>> -> memref<8x128xf32, #tpu.memory_space<hbm>>
    %dma_wait3A_447 = tpu.memref_slice %arg12[%dma_wait3A_438] : memref<3x!tpu.dma_semaphore, #tpu.memory_space<semaphore_mem>> -> memref<1x!tpu.dma_semaphore, #tpu.memory_space<semaphore_mem>>
    %dma_wait3A_448 = tpu.memref_squeeze %dma_wait3A_447 : memref<1x!tpu.dma_semaphore, #tpu.memory_space<semaphore_mem>> -> memref<!tpu.dma_semaphore, #tpu.memory_space<semaphore_mem>>
    %dma_wait3A_449 = arith.constant 0 : i32
    %dma_wait3A_450 = arith.constant 0 : i32
    %dma_wait3A_451 = tpu.memref_slice %arg5[%dma_wait3A_435, %dma_wait3A_436, %dma_wait3A_437, %dma_wait3A_449, %dma_wait3A_450] : memref<50x8x32x8x128xf32, #tpu.memory_space<hbm>> -> memref<1x1x1x8x128xf32, #tpu.memory_space<hbm>>
    %dma_wait3A_452 = tpu.memref_squeeze %dma_wait3A_451 : memref<1x1x1x8x128xf32, #tpu.memory_space<hbm>> -> memref<8x128xf32, #tpu.memory_space<hbm>>
    %dma_wait3A_453 = arith.constant 0 : i32
    %dma_wait3A_454 = arith.constant 0 : i32
    %dma_wait3A_455 = tpu.memref_slice %arg9[%dma_wait3A_434, %dma_wait3A_453, %dma_wait3A_454] : memref<3x64x129xf32, #tpu.memory_space<vmem>> -> memref<1x8x128xf32, #tpu.memory_space<vmem>>
    %dma_wait3A_456 = tpu.memref_squeeze %dma_wait3A_455 : memref<1x8x128xf32, #tpu.memory_space<vmem>> -> memref<8x128xf32, #tpu.memory_space<vmem>>
    tpu.wait_dma2 semaphore(%dma_wait3A_448 : memref<!tpu.dma_semaphore, #tpu.memory_space<semaphore_mem>>) src(%dma_wait3A_456 : memref<8x128xf32, #tpu.memory_space<vmem>>) dst(%dma_wait3A_452 : memref<8x128xf32, #tpu.memory_space<hbm>>)
    %dma_wait3A_457 = arith.constant 2 : i32
    %dma_wait3A_458 = arith.constant 0 : i32
    %dma_wait3A_459 = arith.constant 1 : i32
    %dma_wait3A_460 = arith.constant 0 : i32
    %dma_wait3A_461 = arith.constant 2 : i32
    %dma_wait3A_462 = arith.constant 8 : i32
    %dma_wait3A_463 = arith.constant 0 : i32
    %dma_wait3A_464 = tpu.memref_slice %arg9[%dma_wait3A_457, %dma_wait3A_462, %dma_wait3A_463] : memref<3x64x129xf32, #tpu.memory_space<vmem>> -> memref<1x8x128xf32, #tpu.memory_space<vmem>>
    %dma_wait3A_465 = tpu.memref_squeeze %dma_wait3A_464 : memref<1x8x128xf32, #tpu.memory_space<vmem>> -> memref<8x128xf32, #tpu.memory_space<vmem>>
    %dma_wait3A_466 = arith.constant 0 : i32
    %dma_wait3A_467 = arith.constant 0 : i32
    %dma_wait3A_468 = tpu.memref_slice %arg5[%dma_wait3A_458, %dma_wait3A_459, %dma_wait3A_460, %dma_wait3A_466, %dma_wait3A_467] : memref<50x8x32x8x128xf32, #tpu.memory_space<hbm>> -> memref<1x1x1x8x128xf32, #tpu.memory_space<hbm>>
    %dma_wait3A_469 = tpu.memref_squeeze %dma_wait3A_468 : memref<1x1x1x8x128xf32, #tpu.memory_space<hbm>> -> memref<8x128xf32, #tpu.memory_space<hbm>>
    %dma_wait3A_470 = tpu.memref_slice %arg12[%dma_wait3A_461] : memref<3x!tpu.dma_semaphore, #tpu.memory_space<semaphore_mem>> -> memref<1x!tpu.dma_semaphore, #tpu.memory_space<semaphore_mem>>
    %dma_wait3A_471 = tpu.memref_squeeze %dma_wait3A_470 : memref<1x!tpu.dma_semaphore, #tpu.memory_space<semaphore_mem>> -> memref<!tpu.dma_semaphore, #tpu.memory_space<semaphore_mem>>
    %dma_wait3A_472 = arith.constant 0 : i32
    %dma_wait3A_473 = arith.constant 0 : i32
    %dma_wait3A_474 = tpu.memref_slice %arg5[%dma_wait3A_458, %dma_wait3A_459, %dma_wait3A_460, %dma_wait3A_472, %dma_wait3A_473] : memref<50x8x32x8x128xf32, #tpu.memory_space<hbm>> -> memref<1x1x1x8x128xf32, #tpu.memory_space<hbm>>
    %dma_wait3A_475 = tpu.memref_squeeze %dma_wait3A_474 : memref<1x1x1x8x128xf32, #tpu.memory_space<hbm>> -> memref<8x128xf32, #tpu.memory_space<hbm>>
    %dma_wait3A_476 = arith.constant 8 : i32
    %dma_wait3A_477 = arith.constant 0 : i32
    %dma_wait3A_478 = tpu.memref_slice %arg9[%dma_wait3A_457, %dma_wait3A_476, %dma_wait3A_477] : memref<3x64x129xf32, #tpu.memory_space<vmem>> -> memref<1x8x128xf32, #tpu.memory_space<vmem>>
    %dma_wait3A_479 = tpu.memref_squeeze %dma_wait3A_478 : memref<1x8x128xf32, #tpu.memory_space<vmem>> -> memref<8x128xf32, #tpu.memory_space<vmem>>
    tpu.wait_dma2 semaphore(%dma_wait3A_471 : memref<!tpu.dma_semaphore, #tpu.memory_space<semaphore_mem>>) src(%dma_wait3A_479 : memref<8x128xf32, #tpu.memory_space<vmem>>) dst(%dma_wait3A_475 : memref<8x128xf32, #tpu.memory_space<hbm>>)
    %dma_wait3A_480 = arith.constant 2 : i32
    %dma_wait3A_481 = arith.constant 0 : i32
    %dma_wait3A_482 = arith.constant 2 : i32
    %dma_wait3A_483 = arith.constant 0 : i32
    %dma_wait3A_484 = arith.constant 2 : i32
    %dma_wait3A_485 = arith.constant 16 : i32
    %dma_wait3A_486 = arith.constant 0 : i32
    %dma_wait3A_487 = tpu.memref_slice %arg9[%dma_wait3A_480, %dma_wait3A_485, %dma_wait3A_486] : memref<3x64x129xf32, #tpu.memory_space<vmem>> -> memref<1x8x128xf32, #tpu.memory_space<vmem>>
    %dma_wait3A_488 = tpu.memref_squeeze %dma_wait3A_487 : memref<1x8x128xf32, #tpu.memory_space<vmem>> -> memref<8x128xf32, #tpu.memory_space<vmem>>
    %dma_wait3A_489 = arith.constant 0 : i32
    %dma_wait3A_490 = arith.constant 0 : i32
    %dma_wait3A_491 = tpu.memref_slice %arg5[%dma_wait3A_481, %dma_wait3A_482, %dma_wait3A_483, %dma_wait3A_489, %dma_wait3A_490] : memref<50x8x32x8x128xf32, #tpu.memory_space<hbm>> -> memref<1x1x1x8x128xf32, #tpu.memory_space<hbm>>
    %dma_wait3A_492 = tpu.memref_squeeze %dma_wait3A_491 : memref<1x1x1x8x128xf32, #tpu.memory_space<hbm>> -> memref<8x128xf32, #tpu.memory_space<hbm>>
    %dma_wait3A_493 = tpu.memref_slice %arg12[%dma_wait3A_484] : memref<3x!tpu.dma_semaphore, #tpu.memory_space<semaphore_mem>> -> memref<1x!tpu.dma_semaphore, #tpu.memory_space<semaphore_mem>>
    %dma_wait3A_494 = tpu.memref_squeeze %dma_wait3A_493 : memref<1x!tpu.dma_semaphore, #tpu.memory_space<semaphore_mem>> -> memref<!tpu.dma_semaphore, #tpu.memory_space<semaphore_mem>>
    %dma_wait3A_495 = arith.constant 0 : i32
    %dma_wait3A_496 = arith.constant 0 : i32
    %dma_wait3A_497 = tpu.memref_slice %arg5[%dma_wait3A_481, %dma_wait3A_482, %dma_wait3A_483, %dma_wait3A_495, %dma_wait3A_496] : memref<50x8x32x8x128xf32, #tpu.memory_space<hbm>> -> memref<1x1x1x8x128xf32, #tpu.memory_space<hbm>>
    %dma_wait3A_498 = tpu.memref_squeeze %dma_wait3A_497 : memref<1x1x1x8x128xf32, #tpu.memory_space<hbm>> -> memref<8x128xf32, #tpu.memory_space<hbm>>
    %dma_wait3A_499 = arith.constant 16 : i32
    %dma_wait3A_500 = arith.constant 0 : i32
    %dma_wait3A_501 = tpu.memref_slice %arg9[%dma_wait3A_480, %dma_wait3A_499, %dma_wait3A_500] : memref<3x64x129xf32, #tpu.memory_space<vmem>> -> memref<1x8x128xf32, #tpu.memory_space<vmem>>
    %dma_wait3A_502 = tpu.memref_squeeze %dma_wait3A_501 : memref<1x8x128xf32, #tpu.memory_space<vmem>> -> memref<8x128xf32, #tpu.memory_space<vmem>>
    tpu.wait_dma2 semaphore(%dma_wait3A_494 : memref<!tpu.dma_semaphore, #tpu.memory_space<semaphore_mem>>) src(%dma_wait3A_502 : memref<8x128xf32, #tpu.memory_space<vmem>>) dst(%dma_wait3A_498 : memref<8x128xf32, #tpu.memory_space<hbm>>)
    %dma_wait3A_503 = arith.constant 2 : i32
    %dma_wait3A_504 = arith.constant 0 : i32
    %dma_wait3A_505 = arith.constant 3 : i32
    %dma_wait3A_506 = arith.constant 0 : i32
    %dma_wait3A_507 = arith.constant 2 : i32
    %dma_wait3A_508 = arith.constant 24 : i32
    %dma_wait3A_509 = arith.constant 0 : i32
    %dma_wait3A_510 = tpu.memref_slice %arg9[%dma_wait3A_503, %dma_wait3A_508, %dma_wait3A_509] : memref<3x64x129xf32, #tpu.memory_space<vmem>> -> memref<1x8x128xf32, #tpu.memory_space<vmem>>
    %dma_wait3A_511 = tpu.memref_squeeze %dma_wait3A_510 : memref<1x8x128xf32, #tpu.memory_space<vmem>> -> memref<8x128xf32, #tpu.memory_space<vmem>>
    %dma_wait3A_512 = arith.constant 0 : i32
    %dma_wait3A_513 = arith.constant 0 : i32
    %dma_wait3A_514 = tpu.memref_slice %arg5[%dma_wait3A_504, %dma_wait3A_505, %dma_wait3A_506, %dma_wait3A_512, %dma_wait3A_513] : memref<50x8x32x8x128xf32, #tpu.memory_space<hbm>> -> memref<1x1x1x8x128xf32, #tpu.memory_space<hbm>>
    %dma_wait3A_515 = tpu.memref_squeeze %dma_wait3A_514 : memref<1x1x1x8x128xf32, #tpu.memory_space<hbm>> -> memref<8x128xf32, #tpu.memory_space<hbm>>
    %dma_wait3A_516 = tpu.memref_slice %arg12[%dma_wait3A_507] : memref<3x!tpu.dma_semaphore, #tpu.memory_space<semaphore_mem>> -> memref<1x!tpu.dma_semaphore, #tpu.memory_space<semaphore_mem>>
    %dma_wait3A_517 = tpu.memref_squeeze %dma_wait3A_516 : memref<1x!tpu.dma_semaphore, #tpu.memory_space<semaphore_mem>> -> memref<!tpu.dma_semaphore, #tpu.memory_space<semaphore_mem>>
    %dma_wait3A_518 = arith.constant 0 : i32
    %dma_wait3A_519 = arith.constant 0 : i32
    %dma_wait3A_520 = tpu.memref_slice %arg5[%dma_wait3A_504, %dma_wait3A_505, %dma_wait3A_506, %dma_wait3A_518, %dma_wait3A_519] : memref<50x8x32x8x128xf32, #tpu.memory_space<hbm>> -> memref<1x1x1x8x128xf32, #tpu.memory_space<hbm>>
    %dma_wait3A_521 = tpu.memref_squeeze %dma_wait3A_520 : memref<1x1x1x8x128xf32, #tpu.memory_space<hbm>> -> memref<8x128xf32, #tpu.memory_space<hbm>>
    %dma_wait3A_522 = arith.constant 24 : i32
    %dma_wait3A_523 = arith.constant 0 : i32
    %dma_wait3A_524 = tpu.memref_slice %arg9[%dma_wait3A_503, %dma_wait3A_522, %dma_wait3A_523] : memref<3x64x129xf32, #tpu.memory_space<vmem>> -> memref<1x8x128xf32, #tpu.memory_space<vmem>>
    %dma_wait3A_525 = tpu.memref_squeeze %dma_wait3A_524 : memref<1x8x128xf32, #tpu.memory_space<vmem>> -> memref<8x128xf32, #tpu.memory_space<vmem>>
    tpu.wait_dma2 semaphore(%dma_wait3A_517 : memref<!tpu.dma_semaphore, #tpu.memory_space<semaphore_mem>>) src(%dma_wait3A_525 : memref<8x128xf32, #tpu.memory_space<vmem>>) dst(%dma_wait3A_521 : memref<8x128xf32, #tpu.memory_space<hbm>>)
    %dma_wait3A_526 = arith.constant 2 : i32
    %dma_wait3A_527 = arith.constant 0 : i32
    %dma_wait3A_528 = arith.constant 4 : i32
    %dma_wait3A_529 = arith.constant 0 : i32
    %dma_wait3A_530 = arith.constant 2 : i32
    %dma_wait3A_531 = arith.constant 32 : i32
    %dma_wait3A_532 = arith.constant 0 : i32
    %dma_wait3A_533 = tpu.memref_slice %arg9[%dma_wait3A_526, %dma_wait3A_531, %dma_wait3A_532] : memref<3x64x129xf32, #tpu.memory_space<vmem>> -> memref<1x8x128xf32, #tpu.memory_space<vmem>>
    %dma_wait3A_534 = tpu.memref_squeeze %dma_wait3A_533 : memref<1x8x128xf32, #tpu.memory_space<vmem>> -> memref<8x128xf32, #tpu.memory_space<vmem>>
    %dma_wait3A_535 = arith.constant 0 : i32
    %dma_wait3A_536 = arith.constant 0 : i32
    %dma_wait3A_537 = tpu.memref_slice %arg5[%dma_wait3A_527, %dma_wait3A_528, %dma_wait3A_529, %dma_wait3A_535, %dma_wait3A_536] : memref<50x8x32x8x128xf32, #tpu.memory_space<hbm>> -> memref<1x1x1x8x128xf32, #tpu.memory_space<hbm>>
    %dma_wait3A_538 = tpu.memref_squeeze %dma_wait3A_537 : memref<1x1x1x8x128xf32, #tpu.memory_space<hbm>> -> memref<8x128xf32, #tpu.memory_space<hbm>>
    %dma_wait3A_539 = tpu.memref_slice %arg12[%dma_wait3A_530] : memref<3x!tpu.dma_semaphore, #tpu.memory_space<semaphore_mem>> -> memref<1x!tpu.dma_semaphore, #tpu.memory_space<semaphore_mem>>
    %dma_wait3A_540 = tpu.memref_squeeze %dma_wait3A_539 : memref<1x!tpu.dma_semaphore, #tpu.memory_space<semaphore_mem>> -> memref<!tpu.dma_semaphore, #tpu.memory_space<semaphore_mem>>
    %dma_wait3A_541 = arith.constant 0 : i32
    %dma_wait3A_542 = arith.constant 0 : i32
    %dma_wait3A_543 = tpu.memref_slice %arg5[%dma_wait3A_527, %dma_wait3A_528, %dma_wait3A_529, %dma_wait3A_541, %dma_wait3A_542] : memref<50x8x32x8x128xf32, #tpu.memory_space<hbm>> -> memref<1x1x1x8x128xf32, #tpu.memory_space<hbm>>
    %dma_wait3A_544 = tpu.memref_squeeze %dma_wait3A_543 : memref<1x1x1x8x128xf32, #tpu.memory_space<hbm>> -> memref<8x128xf32, #tpu.memory_space<hbm>>
    %dma_wait3A_545 = arith.constant 32 : i32
    %dma_wait3A_546 = arith.constant 0 : i32
    %dma_wait3A_547 = tpu.memref_slice %arg9[%dma_wait3A_526, %dma_wait3A_545, %dma_wait3A_546] : memref<3x64x129xf32, #tpu.memory_space<vmem>> -> memref<1x8x128xf32, #tpu.memory_space<vmem>>
    %dma_wait3A_548 = tpu.memref_squeeze %dma_wait3A_547 : memref<1x8x128xf32, #tpu.memory_space<vmem>> -> memref<8x128xf32, #tpu.memory_space<vmem>>
    tpu.wait_dma2 semaphore(%dma_wait3A_540 : memref<!tpu.dma_semaphore, #tpu.memory_space<semaphore_mem>>) src(%dma_wait3A_548 : memref<8x128xf32, #tpu.memory_space<vmem>>) dst(%dma_wait3A_544 : memref<8x128xf32, #tpu.memory_space<hbm>>)
    %dma_wait3A_549 = arith.constant 2 : i32
    %dma_wait3A_550 = arith.constant 0 : i32
    %dma_wait3A_551 = arith.constant 5 : i32
    %dma_wait3A_552 = arith.constant 0 : i32
    %dma_wait3A_553 = arith.constant 2 : i32
    %dma_wait3A_554 = arith.constant 40 : i32
    %dma_wait3A_555 = arith.constant 0 : i32
    %dma_wait3A_556 = tpu.memref_slice %arg9[%dma_wait3A_549, %dma_wait3A_554, %dma_wait3A_555] : memref<3x64x129xf32, #tpu.memory_space<vmem>> -> memref<1x8x128xf32, #tpu.memory_space<vmem>>
    %dma_wait3A_557 = tpu.memref_squeeze %dma_wait3A_556 : memref<1x8x128xf32, #tpu.memory_space<vmem>> -> memref<8x128xf32, #tpu.memory_space<vmem>>
    %dma_wait3A_558 = arith.constant 0 : i32
    %dma_wait3A_559 = arith.constant 0 : i32
    %dma_wait3A_560 = tpu.memref_slice %arg5[%dma_wait3A_550, %dma_wait3A_551, %dma_wait3A_552, %dma_wait3A_558, %dma_wait3A_559] : memref<50x8x32x8x128xf32, #tpu.memory_space<hbm>> -> memref<1x1x1x8x128xf32, #tpu.memory_space<hbm>>
    %dma_wait3A_561 = tpu.memref_squeeze %dma_wait3A_560 : memref<1x1x1x8x128xf32, #tpu.memory_space<hbm>> -> memref<8x128xf32, #tpu.memory_space<hbm>>
    %dma_wait3A_562 = tpu.memref_slice %arg12[%dma_wait3A_553] : memref<3x!tpu.dma_semaphore, #tpu.memory_space<semaphore_mem>> -> memref<1x!tpu.dma_semaphore, #tpu.memory_space<semaphore_mem>>
    %dma_wait3A_563 = tpu.memref_squeeze %dma_wait3A_562 : memref<1x!tpu.dma_semaphore, #tpu.memory_space<semaphore_mem>> -> memref<!tpu.dma_semaphore, #tpu.memory_space<semaphore_mem>>
    %dma_wait3A_564 = arith.constant 0 : i32
    %dma_wait3A_565 = arith.constant 0 : i32
    %dma_wait3A_566 = tpu.memref_slice %arg5[%dma_wait3A_550, %dma_wait3A_551, %dma_wait3A_552, %dma_wait3A_564, %dma_wait3A_565] : memref<50x8x32x8x128xf32, #tpu.memory_space<hbm>> -> memref<1x1x1x8x128xf32, #tpu.memory_space<hbm>>
    %dma_wait3A_567 = tpu.memref_squeeze %dma_wait3A_566 : memref<1x1x1x8x128xf32, #tpu.memory_space<hbm>> -> memref<8x128xf32, #tpu.memory_space<hbm>>
    %dma_wait3A_568 = arith.constant 40 : i32
    %dma_wait3A_569 = arith.constant 0 : i32
    %dma_wait3A_570 = tpu.memref_slice %arg9[%dma_wait3A_549, %dma_wait3A_568, %dma_wait3A_569] : memref<3x64x129xf32, #tpu.memory_space<vmem>> -> memref<1x8x128xf32, #tpu.memory_space<vmem>>
    %dma_wait3A_571 = tpu.memref_squeeze %dma_wait3A_570 : memref<1x8x128xf32, #tpu.memory_space<vmem>> -> memref<8x128xf32, #tpu.memory_space<vmem>>
    tpu.wait_dma2 semaphore(%dma_wait3A_563 : memref<!tpu.dma_semaphore, #tpu.memory_space<semaphore_mem>>) src(%dma_wait3A_571 : memref<8x128xf32, #tpu.memory_space<vmem>>) dst(%dma_wait3A_567 : memref<8x128xf32, #tpu.memory_space<hbm>>)
    %dma_wait3A_572 = arith.constant 2 : i32
    %dma_wait3A_573 = arith.constant 0 : i32
    %dma_wait3A_574 = arith.constant 6 : i32
    %dma_wait3A_575 = arith.constant 0 : i32
    %dma_wait3A_576 = arith.constant 2 : i32
    %dma_wait3A_577 = arith.constant 48 : i32
    %dma_wait3A_578 = arith.constant 0 : i32
    %dma_wait3A_579 = tpu.memref_slice %arg9[%dma_wait3A_572, %dma_wait3A_577, %dma_wait3A_578] : memref<3x64x129xf32, #tpu.memory_space<vmem>> -> memref<1x8x128xf32, #tpu.memory_space<vmem>>
    %dma_wait3A_580 = tpu.memref_squeeze %dma_wait3A_579 : memref<1x8x128xf32, #tpu.memory_space<vmem>> -> memref<8x128xf32, #tpu.memory_space<vmem>>
    %dma_wait3A_581 = arith.constant 0 : i32
    %dma_wait3A_582 = arith.constant 0 : i32
    %dma_wait3A_583 = tpu.memref_slice %arg5[%dma_wait3A_573, %dma_wait3A_574, %dma_wait3A_575, %dma_wait3A_581, %dma_wait3A_582] : memref<50x8x32x8x128xf32, #tpu.memory_space<hbm>> -> memref<1x1x1x8x128xf32, #tpu.memory_space<hbm>>
    %dma_wait3A_584 = tpu.memref_squeeze %dma_wait3A_583 : memref<1x1x1x8x128xf32, #tpu.memory_space<hbm>> -> memref<8x128xf32, #tpu.memory_space<hbm>>
    %dma_wait3A_585 = tpu.memref_slice %arg12[%dma_wait3A_576] : memref<3x!tpu.dma_semaphore, #tpu.memory_space<semaphore_mem>> -> memref<1x!tpu.dma_semaphore, #tpu.memory_space<semaphore_mem>>
    %dma_wait3A_586 = tpu.memref_squeeze %dma_wait3A_585 : memref<1x!tpu.dma_semaphore, #tpu.memory_space<semaphore_mem>> -> memref<!tpu.dma_semaphore, #tpu.memory_space<semaphore_mem>>
    %dma_wait3A_587 = arith.constant 0 : i32
    %dma_wait3A_588 = arith.constant 0 : i32
    %dma_wait3A_589 = tpu.memref_slice %arg5[%dma_wait3A_573, %dma_wait3A_574, %dma_wait3A_575, %dma_wait3A_587, %dma_wait3A_588] : memref<50x8x32x8x128xf32, #tpu.memory_space<hbm>> -> memref<1x1x1x8x128xf32, #tpu.memory_space<hbm>>
    %dma_wait3A_590 = tpu.memref_squeeze %dma_wait3A_589 : memref<1x1x1x8x128xf32, #tpu.memory_space<hbm>> -> memref<8x128xf32, #tpu.memory_space<hbm>>
    %dma_wait3A_591 = arith.constant 48 : i32
    %dma_wait3A_592 = arith.constant 0 : i32
    %dma_wait3A_593 = tpu.memref_slice %arg9[%dma_wait3A_572, %dma_wait3A_591, %dma_wait3A_592] : memref<3x64x129xf32, #tpu.memory_space<vmem>> -> memref<1x8x128xf32, #tpu.memory_space<vmem>>
    %dma_wait3A_594 = tpu.memref_squeeze %dma_wait3A_593 : memref<1x8x128xf32, #tpu.memory_space<vmem>> -> memref<8x128xf32, #tpu.memory_space<vmem>>
    tpu.wait_dma2 semaphore(%dma_wait3A_586 : memref<!tpu.dma_semaphore, #tpu.memory_space<semaphore_mem>>) src(%dma_wait3A_594 : memref<8x128xf32, #tpu.memory_space<vmem>>) dst(%dma_wait3A_590 : memref<8x128xf32, #tpu.memory_space<hbm>>)
    %dma_wait3A_595 = arith.constant 2 : i32
    %dma_wait3A_596 = arith.constant 0 : i32
    %dma_wait3A_597 = arith.constant 7 : i32
    %dma_wait3A_598 = arith.constant 0 : i32
    %dma_wait3A_599 = arith.constant 2 : i32
    %dma_wait3A_600 = arith.constant 56 : i32
    %dma_wait3A_601 = arith.constant 0 : i32
    %dma_wait3A_602 = tpu.memref_slice %arg9[%dma_wait3A_595, %dma_wait3A_600, %dma_wait3A_601] : memref<3x64x129xf32, #tpu.memory_space<vmem>> -> memref<1x8x128xf32, #tpu.memory_space<vmem>>
    %dma_wait3A_603 = tpu.memref_squeeze %dma_wait3A_602 : memref<1x8x128xf32, #tpu.memory_space<vmem>> -> memref<8x128xf32, #tpu.memory_space<vmem>>
    %dma_wait3A_604 = arith.constant 0 : i32
    %dma_wait3A_605 = arith.constant 0 : i32
    %dma_wait3A_606 = tpu.memref_slice %arg5[%dma_wait3A_596, %dma_wait3A_597, %dma_wait3A_598, %dma_wait3A_604, %dma_wait3A_605] : memref<50x8x32x8x128xf32, #tpu.memory_space<hbm>> -> memref<1x1x1x8x128xf32, #tpu.memory_space<hbm>>
    %dma_wait3A_607 = tpu.memref_squeeze %dma_wait3A_606 : memref<1x1x1x8x128xf32, #tpu.memory_space<hbm>> -> memref<8x128xf32, #tpu.memory_space<hbm>>
    %dma_wait3A_608 = tpu.memref_slice %arg12[%dma_wait3A_599] : memref<3x!tpu.dma_semaphore, #tpu.memory_space<semaphore_mem>> -> memref<1x!tpu.dma_semaphore, #tpu.memory_space<semaphore_mem>>
    %dma_wait3A_609 = tpu.memref_squeeze %dma_wait3A_608 : memref<1x!tpu.dma_semaphore, #tpu.memory_space<semaphore_mem>> -> memref<!tpu.dma_semaphore, #tpu.memory_space<semaphore_mem>>
    %dma_wait3A_610 = arith.constant 0 : i32
    %dma_wait3A_611 = arith.constant 0 : i32
    %dma_wait3A_612 = tpu.memref_slice %arg5[%dma_wait3A_596, %dma_wait3A_597, %dma_wait3A_598, %dma_wait3A_610, %dma_wait3A_611] : memref<50x8x32x8x128xf32, #tpu.memory_space<hbm>> -> memref<1x1x1x8x128xf32, #tpu.memory_space<hbm>>
    %dma_wait3A_613 = tpu.memref_squeeze %dma_wait3A_612 : memref<1x1x1x8x128xf32, #tpu.memory_space<hbm>> -> memref<8x128xf32, #tpu.memory_space<hbm>>
    %dma_wait3A_614 = arith.constant 56 : i32
    %dma_wait3A_615 = arith.constant 0 : i32
    %dma_wait3A_616 = tpu.memref_slice %arg9[%dma_wait3A_595, %dma_wait3A_614, %dma_wait3A_615] : memref<3x64x129xf32, #tpu.memory_space<vmem>> -> memref<1x8x128xf32, #tpu.memory_space<vmem>>
    %dma_wait3A_617 = tpu.memref_squeeze %dma_wait3A_616 : memref<1x8x128xf32, #tpu.memory_space<vmem>> -> memref<8x128xf32, #tpu.memory_space<vmem>>
    tpu.wait_dma2 semaphore(%dma_wait3A_609 : memref<!tpu.dma_semaphore, #tpu.memory_space<semaphore_mem>>) src(%dma_wait3A_617 : memref<8x128xf32, #tpu.memory_space<vmem>>) dst(%dma_wait3A_613 : memref<8x128xf32, #tpu.memory_space<hbm>>)
    %dma_wait3A_618 = arith.constant 0 : i32
    %dma_wait3A_619 = tpu.memref_slice %arg4[%dma_wait3A_618] : memref<100000xf32, #tpu.memory_space<hbm>> -> memref<6400xf32, #tpu.memory_space<hbm>>
    %dma_wait3A_620 = arith.constant 0 : i32
    %dma_wait3A_621 = tpu.memref_slice %arg4[%dma_wait3A_620] : memref<100000xf32, #tpu.memory_space<hbm>> -> memref<6400xf32, #tpu.memory_space<hbm>>
    tpu.wait_dma2 semaphore(%arg13 : memref<!tpu.dma_semaphore, #tpu.memory_space<semaphore_mem>>) src(%dma_wait3A_621 : memref<6400xf32, #tpu.memory_space<hbm>>) dst(%arg10 : memref<50x128xf32, #tpu.memory_space<vmem>>)
    "tpu.region"() ({
      %run_scoped3A = tpu.sem_alloc : memref<!tpu.dma_semaphore, #tpu.memory_space<semaphore_mem>>
      %dma_start3A_622 = arith.constant 0 : i32
      %dma_start3A_623 = tpu.memref_slice %arg6[%dma_start3A_622, %mul3A_2] : memref<50x4096xf32, #tpu.memory_space<hbm>> -> memref<50x128xf32, #tpu.memory_space<hbm>>
      %dma_start3A_624 = arith.constant 0 : i32
      %dma_start3A_625 = tpu.memref_slice %arg6[%dma_start3A_624, %mul3A_2] : memref<50x4096xf32, #tpu.memory_space<hbm>> -> memref<50x128xf32, #tpu.memory_space<hbm>>
      tpu.enqueue_dma source(%arg10 : memref<50x128xf32, #tpu.memory_space<vmem>>) target(%dma_start3A_625 : memref<50x128xf32, #tpu.memory_space<hbm>>) target_semaphore(%run_scoped3A : memref<!tpu.dma_semaphore, #tpu.memory_space<semaphore_mem>>)
      %dma_wait3A_626 = arith.constant 0 : i32
      %dma_wait3A_627 = tpu.memref_slice %arg6[%dma_wait3A_626, %mul3A_2] : memref<50x4096xf32, #tpu.memory_space<hbm>> -> memref<50x128xf32, #tpu.memory_space<hbm>>
      %dma_wait3A_628 = arith.constant 0 : i32
      %dma_wait3A_629 = tpu.memref_slice %arg6[%dma_wait3A_628, %mul3A_2] : memref<50x4096xf32, #tpu.memory_space<hbm>> -> memref<50x128xf32, #tpu.memory_space<hbm>>
      tpu.wait_dma2 semaphore(%run_scoped3A : memref<!tpu.dma_semaphore, #tpu.memory_space<semaphore_mem>>) src(%arg10 : memref<50x128xf32, #tpu.memory_space<vmem>>) dst(%dma_wait3A_629 : memref<50x128xf32, #tpu.memory_space<hbm>>)
      tpu.yield
    }) : () -> ()
    return
  }
}

</mosaic_0001>

<sc_bundles>
// kernel: _glove_sc.4.cloned.1.call-start
scs
__scs_entry_jumppad:
0x0: {  	(pc) =	sbr.rel $0x88, $3  }
0x1: {  	(tag) =	ssettag $0x0;
	lr =	simm.s32 $0x1  }
0x2: {  	[smem:$0x3F9B] =	sst lr;
	_ =	strace $0xD0000000  }
0x3: {  	_ = 	snop  }
0x4: {  	_ = 	snop  }
0x5: {  	_ = 	snop  }
0x6: {  	_ = 	snop  }
0x7: {  	_ = 	snop  }
__scs_overlays_trampoline_lowered:
0x8: {  	[smem:$0x3FAA] =	sst s0  }
0x9: {  	[smem:$0x3FAB] =	sst s1  }
0xa: {  	[smem:$0x3FAC] =	sst s2  }
0xb: {  	[smem:$0x3FAD] =	sst s3  }
0xc: {  	[smem:$0x3FAE] =	sst s4  }
0xd: {  	[smem:$0x3FAF] =	sst s5  }
0xe: {  	[smem:$0x3FB0] =	sst s6  }
0xf: {  	[smem:$0x3FB1] =	sst s7  }
0x10: {  	[smem:$0x3FB2] =	sst s8  }
0x11: {  	[smem:$0x3FB3] =	sst s9;
	s0 =	simm.s32 @!p0 $0x0  }
0x12: {  	s1 =	sld [smem:$0x3F99];
	s0 =	simm.s32 @p0 $0x1  }
0x13: {  	[smem:$0x3FB4] =	sst s0;
	s0 =	simm.s32 @!p1 $0x0  }
0x14: {  	s2 =	sld [smem:$0x3F98];
	s0 =	simm.s32 @p1 $0x1  }
0x15: {  	[smem:$0x3FB5] =	sst s0;
	s0 =	simm.s32 @!p2 $0x0  }
0x16: {  	s3 =	sld [smem:$0x3FDB];
	s0 =	simm.s32 @p2 $0x1  }
0x17: {  	s4 =	simm.s32 $0x1BF5;
	[smem:$0x3FB7] =	sst s0  }
0x18: {  	s0 =	sld [smem:$0x3F9A];
	_ =	swait.ge [sflag:s4], $0x0  }
0x19: {  	s7 =	sld [smem:$0x3F9B]  }
0x1a: {  	s8 =	sadd.s32 $0xFFFFE003, lr  }
0x1b: {  	s9 =	sadd.s32 $0xFFFFFEF7, lr;
	s5 =	simm.s32 $0xFFFFFFFF;
	p2 =	slt.u32 s8, $0xFFFFF086  }
0x1c: {  	p1 =	slt.u32 s9, $0xF7A;
	s5 =	simm.s32 @!p2 $0x0  }
0x1d: {  	s5 =	simm.s32 @p1 $0x1;
	p0 =	seq.s32 s7, s2  }
0x1e: {  	s7 =	smul.u32 @!p0 $0xF7A, s2;
	p2 =	seq.s32 @!p0 s5, $0x0  }
0x1f: {  	s9 =	smul.u32 $0xF7A, s1;
	s8 =	simm.s32 @!p0 $0x1BF5;
	p2 =	por !p2, p0  }
0x20: {  	[sflag:s8] =	ssyncset.s32 @!p0 $0xFFFFF086;
	s6 =	sadd.s32 @!p0 s3, s7;
	s7 =	simm.s32 @!p0 $0x108  }
0x21: {  	s3 =	sadd.s32 s3, s9;
	s6 =	sadd.s32 @!p0 $0x88, s6;
	s7 =	simm.s32 @p2 $0x1082  }
0x22: {  	[simem:s7], [sflag:s8] =	dma.local @!p0 [hbm:s6], $0xF7A  }
0x23: {  	s9 =	sor.u32 $0xD0000000, s2;
	s6 =	simm.s32 $0x108;
	_ =	swait.ge @!p0 [sflag:s8], $0x0  }
0x24: {  	s3 =	sadd.s32 $0x88, s3;
	s6 =	simm.s32 @!p1 $0x1082;
	[sflag:s4] =	ssyncset.s32 $0xFFFFF086  }
0x25: {  	[simem:s6], [sflag:s4] =	dma.local [hbm:s3], $0xF7A  }
0x26: {  	[smem:$0x3F9B] =	sst s1;
	(tag) =	ssettag s2;
	_ =	strace s9  }
0x27: {  	s1 =	sld [smem:$0x3FAB]  }
0x28: {  	s2 =	sld [smem:$0x3FAC]  }
0x29: {  	s4 =	sld [smem:$0x3FAE]  }
0x2a: {  	p0 =	seq.s32 s5, $0x0;
	s5 =	sld [smem:$0x3FAF]  }
0x2b: {  	s6 =	sld [smem:$0x3FB0]  }
0x2c: {  	s7 =	sld [smem:$0x3FB1]  }
0x2d: {  	s3 =	simm.s32 $0x108;
	s8 =	sld [smem:$0x3FB2]  }
0x2e: {  	s3 =	simm.s32 @!p0 $0x1082;
	s9 =	sld [smem:$0x3FB3]  }
0x2f: {  	lr =	sadd.s32 s0, s3;
	s0 =	sld [smem:$0x3FAA]  }
0x30: {  	s3 =	sld [smem:$0x3FAD]  }
0x31: {  	[smem:$0x3FB6] =	sst s10  }
0x32: {  	s10 =	sld [smem:$0x3FB4];
	_ =	sdelay $0x3  }
0x33: {  	p0 =	seq.s32 s10, $0x1;
	s10 =	sld [smem:$0x3FB6];
	_ =	sdelay $0x3  }
0x34: {  	[smem:$0x3FB6] =	sst s10  }
0x35: {  	s10 =	sld [smem:$0x3FB5];
	_ =	sdelay $0x3  }
0x36: {  	p1 =	seq.s32 s10, $0x1;
	s10 =	sld [smem:$0x3FB6];
	_ =	sdelay $0x3  }
0x37: {  	[smem:$0x3FB6] =	sst s10  }
0x38: {  	s10 =	sld [smem:$0x3FB7]  }
0x39: {  	_ = 	snop;
	(pc) =	sbr.ind lr, $3  }
0x3a: {  	_ = 	snop  }
0x3b: {  	_ = 	snop  }
0x3c: {  	p2 =	seq.s32 s10, $0x1;
	s10 =	sld [smem:$0x3FB6]  }
0x3d: {  	_ =	shalt  }
0x3e: {  	_ =	shalt  }
0x3f: {  	_ =	shalt  }
0x40: {  	_ =	shalt  }
0x41: {  	_ =	shalt  }
0x42: {  	_ =	shalt  }
0x43: {  	_ =	shalt  }
0x44: {  	_ =	shalt  }
0x45: {  	_ =	shalt  }
0x46: {  	_ =	shalt  }
0x47: {  	_ =	shalt  }
0x48: {  	_ =	shalt  }
0x49: {  	_ =	shalt  }
0x4a: {  	_ =	shalt  }
0x4b: {  	_ =	shalt  }
0x4c: {  	_ =	shalt  }
0x4d: {  	_ =	shalt  }
0x4e: {  	_ =	shalt  }
0x4f: {  	_ =	shalt  }
0x50: {  	_ =	shalt  }
0x51: {  	_ =	shalt  }
0x52: {  	_ =	shalt  }
0x53: {  	_ =	shalt  }
0x54: {  	_ =	shalt  }
0x55: {  	_ =	shalt  }
0x56: {  	_ =	shalt  }
0x57: {  	_ =	shalt  }
0x58: {  	_ =	shalt  }
0x59: {  	_ =	shalt  }
0x5a: {  	_ =	shalt  }
0x5b: {  	_ =	shalt  }
0x5c: {  	_ =	shalt  }
0x5d: {  	_ =	shalt  }
0x5e: {  	_ =	shalt  }
0x5f: {  	_ =	shalt  }
0x60: {  	_ =	shalt  }
0x61: {  	_ =	shalt  }
0x62: {  	_ =	shalt  }
0x63: {  	_ =	shalt  }
0x64: {  	_ =	shalt  }
0x65: {  	_ =	shalt  }
0x66: {  	_ =	shalt  }
0x67: {  	_ =	shalt  }
0x68: {  	_ =	shalt  }
0x69: {  	_ =	shalt  }
0x6a: {  	_ =	shalt  }
0x6b: {  	_ =	shalt  }
0x6c: {  	_ =	shalt  }
0x6d: {  	_ =	shalt  }
0x6e: {  	_ =	shalt  }
0x6f: {  	_ =	shalt  }
0x70: {  	_ =	shalt  }
0x71: {  	_ =	shalt  }
0x72: {  	_ =	shalt  }
0x73: {  	_ =	shalt  }
0x74: {  	_ =	shalt  }
0x75: {  	_ =	shalt  }
0x76: {  	_ =	shalt  }
0x77: {  	_ =	shalt  }
0x78: {  	_ =	shalt  }
0x79: {  	_ =	shalt  }
0x7a: {  	_ =	shalt  }
0x7b: {  	_ =	shalt  }
0x7c: {  	_ =	shalt  }
0x7d: {  	_ =	shalt  }
0x7e: {  	_ =	shalt  }
0x7f: {  	_ =	shalt  }
0x80: {  	_ =	shalt  }
0x81: {  	_ =	shalt  }
0x82: {  	_ =	shalt  }
0x83: {  	_ =	shalt  }
0x84: {  	_ =	shalt  }
0x85: {  	_ =	shalt  }
0x86: {  	_ =	shalt  }
0x87: {  	_ =	shalt  }
.Lfunc_end0:
.L_simem_size_0:
called_computation_lowered:
.L_overlay_start_0:
0x88: {  	s2 =	sld [smem:$0x3FD9]  }
0x89: {  	s3 =	sld [smem:$0x3FFE];
	_ =	sdelay $0x1  }
0x8a: {  	s1 =	srdreg.scid  }
0x8b: {  	s0 =	sand.u32 $0x1, s1  }
0x8c: {  	s15 =	sshll.u32 s0, $0xA;
	s2 =	sadd.s32 s3, s2  }
0x8d: {  	s2 =	sadd.s32 s2, s15  }
0x8e: {  	[smem:$0x3FC2] =	sst s2  }
0x8f: {  	_ = 	snop  }
0x90: {  	s16 =	sld [smem:$0x3FD0];
	_ =	sdelay $0x2  }
0x91: {  	s5 =	simm.s32 $0xB;
	s4 =	simm.s32 $0x10;
	s2 =	sld [smem:$0x3FC6]  }
0x92: {  	[smem:s4], [sflag:s5] =	dma.local [hbm:s16], $0x1  }
0x93: {  	_ =	swait.eq [sflag:s5], $0x1  }
0x94: {  	[sflag:s5] =	ssyncset.done $0x0  }
0x95: {  	s17 =	sld [smem:$0x10];
	[sflag:s5] =	ssyncadd.s32 $0xFFFFFFFF  }
0x96: {  	s18 =	sld [smem:$0x11];
	(tm) =	ssettm $0x1  }
0x97: {  	s19 =	sld [smem:$0x3FFB];
	_ =	sdelay $0x3  }
0x98: {  	_ =	strace s19  }
0x99: {  	s3 =	sld [smem:$0x3FFC];
	_ =	sdelay $0x3  }
0x9a: {  	_ =	strace s3  }
0x9b: {  	s3 =	sld [smem:$0x3FFD];
	_ =	sdelay $0x3  }
0x9c: {  	_ =	strace s3  }
0x9d: {  	_ =	strace $0x8FFFFFFF  }
0x9e: {  	s20 =	sld [smem:$0x3FDB];
	_ =	sdelay $0x1  }
0x9f: {  	s6 =	simm.s32 $_scs_section_size  }
0xa0: {  	s7 =	simm.s32 $_size__tile_overlayer_lowered;
	s8 =	simm.s32 $_tile_overlayer_lowered  }
0xa1: {  	s9 =	simm.s32 $0x1BFF;
	s21 =	sshll.u32 s8, $0x1;
	s6 =	sadd.s32 s6, s20  }
0xa2: {  	s22 =	simm.s32 $0x0;
	s7 =	sshll.u32 s7, $0x1;
	s8 =	sadd.s32 s21, s6  }
0xa3: {  	[timem:s22], [sflag:s9] =	dma.local [hbm:s8], s7  }
0xa4: {  	_ =	swait.ge [sflag:s9], s7  }
0xa5: {  	s7 =	ssub.s32 $0x0, s7;
	[sflag:s9] =	ssyncset.done $0x0  }
0xa6: {  	[sflag:s9] =	ssyncadd.s32 s7;
	_ =	sdelay $0x1  }
0xa7: {  	s23 =	simm.s32 $0x1B8B  }
0xa8: {  	_ =	swait.ge [sflag:s23], $0x1  }
0xa9: {  	[sflag:s23] =	ssyncset.done $0x0  }
0xaa: {  	[sflag:s23] =	ssyncadd.s32 $0xFFFFFFFF  }
0xab: {  	s7 =	sld [smem:$0x0]  }
0xac: {  	s8 =	sand.u32 $0xFFFFFFFE, s1  }
0xad: {  	p0 =	sne.s32 s1, s8  }
0xae: {  	s8 =	sshll.u32 @p0 s8, $0xE  }
0xaf: {  	s8 =	sadd.s32 @p0 $0x11B8D, s8;
	s9 =	sshll.u32 @p0 s7, $0x11  }
0xb0: {  	s8 =	sor.u32 @p0 s9, s8  }
0xb1: {  	[sflag:s8] =	ssyncadd.remote.s32 @p0 $0x1;
	_ =	sdelay $0x1  }
0xb2: {  	s8 =	simm.s32 @p0 $0x1B8D  }
0xb3: {  	_ =	swait.eq @p0 [sflag:s8], $0x1  }
0xb4: {  	[sflag:s8] =	ssyncadd.s32 @p0 $0xFFFFFFFF  }
0xb5: {  	s9 =	sshll.u32 @!p0 s1, $0xE  }
0xb6: {  	s9 =	sor.u32 @!p0 $0x4000, s9;
	s8 =	simm.s32 @!p0 $0x1B8D  }
0xb7: {  	s7 =	sshll.u32 @!p0 s7, $0x11;
	s9 =	sadd.s32 @!p0 $0x11B8D, s9;
	_ =	swait.eq @!p0 [sflag:s8], $0x1  }
0xb8: {  	s7 =	sor.u32 @!p0 s7, s9;
	[sflag:s8] =	ssyncadd.s32 @!p0 $0xFFFFFFFF  }
0xb9: {  	s25 =	simm.s32 $0x1B8E;
	s24 =	sld [smem:$0x3FFE];
	[sflag:s7] =	ssyncadd.remote.s32 @!p0 $0x1  }
0xba: {  	s26 =	simm.s32 $execute0_lowered;
	[smem:$0x3FD2] =	sst s25  }
0xbb: {  	s8 =	sshll.u32 s26, $0x1;
	_ =	strace $0x80000049;
	[dreg:$0x1] =	wrdreg $0xFFFFFFFF  }
0xbc: {  	s28 =	simm.s32 $_size_execute0_lowered;
	s6 =	sadd.s32 s6, s8;
	[dreg:$0x0] =	wrdreg $0x0  }
0xbd: {  	s8 =	sshll.u32 s28, $0x1;
	[dreg:$0x2] =	wrdreg s6  }
0xbe: {  	[dreg:$0x3] =	wrdreg s8  }
0xbf: {  	[dreg:$0x4] =	wrdreg $0xC0  }
0xc0: {  	_ =	task [dreg:s22], $0x5FFFF  }
0xc1: {  	[dreg:$0x1] =	wrdreg $0xFFFFFFFF  }
0xc2: {  	[dreg:$0x0] =	wrdreg $0x60  }
0xc3: {  	[dreg:$0x2] =	wrdreg s18  }
0xc4: {  	[dreg:$0x3] =	wrdreg s24  }
0xc5: {  	[dreg:$0x4] =	wrdreg s2  }
0xc6: {  	[dreg:$0x5] =	wrdreg s17  }
0xc7: {  	[dreg:$0x6] =	wrdreg $0x9  }
0xc8: {  	_ =	task.clear_ibuf [dreg:s22], $0x7FFFF;
	_ =	strace $0x90000049  }
0xc9: {  	s29 =	simm.s32 $0x9;
	_ =	strace $0x8000004B  }
0xca: {  	_ =	swait.ge [sflag:s29], $0x1  }
0xcb: {  	[sflag:s29] =	ssyncadd.s32 $0xFFFFFFFF  }
0xcc: {  	_ =	strace $0x9000004B  }
0xcd: {  	_ =	sfence  }
0xce: {  	s30 =	sld [smem:$0x0];
	_ =	sdelay $0x2  }
0xcf: {  	s31 =	sshll.u32 s1, $0xD;
	s1 =	sshrl.u32 s1, $0x2  }
0xd0: {  	s4 =	sand.u32 $0x4000, s31;
	s1 =	sadd.s32 s1, s30  }
0xd1: {  	s0 =	sor.u32 s4, s0;
	s1 =	sshll.u32 s1, $0x11  }
0xd2: {  	s0 =	sor.u32 s1, s0  }
0xd3: {  	s0 =	sadd.s32 $0x8F2B, s0  }
0xd4: {  	[sflag:s0] =	ssyncadd.remote.s32 $0x1  }
0xd5: {  	_ =	sfence.sel $0xFFFF  }
0xd6: {  	[dreg:$0x0] =	wrdreg $0xFFFFFFFF;
	(pc) =	sbr.abs _section_cstart, $3  }
0xd7: {  	[dreg:$0x1] =	wrdreg $0xFFFFFFFF  }
0xd8: {  	_ =	task.clear_ibuf [dreg:s22], $0x2FFFF;
	_ =	strace $0x9FFFFFFF  }
0xd9: {  	(tm) =	ssettm $0x7FFFFFFF  }
tec
execute0_lowered:
.L_overlay_start_1:
0x0: {  	(tag) =	ssettag $0x1  }
0x1: {  	s0 =	rddreg [dreg:$0x0]  }
0x2: {  	s2 =	rddreg [dreg:$0x1];
	v0 =	vlaneseq.u32  }
0x3: {  	s1 =	rddreg [dreg:$0x2];
	v0 =	vmul.u32 $0x88, v0  }
0x4: {  	s3 =	rddreg [dreg:$0x3];
	s5 =	srdreg.scid;
	v1 =	vimm.s32 $0x0;
	vm0 =	vcmask $0x300  }
0x5: {  	s6 =	stileid.u32;
	s4 =	simm.s32 $0x0;
	s17 =	simm.s32 $0x80;
	v1 =	vsel vm0, $0x3, v1;
	v2 =	vadd.s32 $0x880, v0  }
0x6: {  	s18 =	simm.s32 $0x1000;
	s19 =	simm.s32 $0x9;
	s24 =	simm.s32 $0x5;
	v3 =	vadd.s32 $0x1100, v0;
	v4 =	vadd.s32 $0x1980, v0;
	v5 =	vor.u32 $0x1, v0  }
0x7: {  	s25 =	simm.s32 $0x6;
	s26 =	simm.s32 $0x7;
	s28 =	simm.s32 $0x8;
	v6 =	vadd.s32 $0x881, v0;
	v7 =	vadd.s32 $0x1101, v0;
	v8 =	vadd.s32 $0x1981, v0  }
0x8: {  	s30 =	simm.s32 $0x0;
	s5 =	sand.u32 $0x1, s5;
	s6 =	sshll.u32 s6, $0x1;
	v9 =	vor.u32 $0x2, v0;
	v10 =	vadd.s32 $0x882, v0;
	v11 =	vadd.s32 $0x1102, v0  }
0x9: {  	[smem:$0x7FF] =	sst s4;
	s10 =	sadd.s32 $0x3000, s3;
	s11 =	sadd.s32 $0x4000, s3;
	v12 =	vadd.s32 $0x1982, v0;
	v13 =	vor.u32 $0x3, v0;
	v14 =	vadd.s32 $0x883, v0  }
0xa: {  	s12 =	sadd.s32 $0x5000, s3;
	s13 =	sadd.s32 $0x6000, s3;
	s14 =	sadd.s32 $0x7000, s3;
	v15 =	vadd.s32 $0x1103, v0;
	v16 =	vadd.s32 $0x1983, v0;
	v17 =	vor.u32 $0x4, v0  }
0xb: {  	s7 =	sor.u32 s5, s6;
	s31 =	ssub.s32 $0x2, s5;
	_ =	strace $0x8000004A;
	v18 =	vadd.s32 $0x884, v0;
	v19 =	vadd.s32 $0x1104, v0;
	v20 =	vadd.s32 $0x1984, v0  }
0xc: {  	s5 =	sadd.s32 $0xCC800, s2;
	s8 =	sshll.u32 s7, $0x4;
	s9 =	sshrl.u32 s31, $0x1;
	v21 =	vor.u32 $0x5, v0;
	v22 =	vadd.s32 $0x885, v0;
	v23 =	vadd.s32 $0x1105, v0  }
0xd: {  	s7 =	sshll.u32 s7, $0x7;
	v24 =	vadd.s32 $0x1985, v0;
	v25 =	vor.u32 $0x6, v0;
	v26 =	vadd.s32 $0x886, v0;
	s2 =	sadd.s32 s8, s2;
	s16 =	ssub.s32 s31, s9  }
0xe: {  	v27 =	vadd.s32 $0x1106, v0;
	v28 =	vadd.s32 $0x1986, v0;
	v29 =	vor.u32 $0x7, v0;
	s0 =	sadd.s32 s0, s8;
	s8 =	sadd.s32 $0x1000, s3;
	s9 =	sadd.s32 $0x2000, s3  }
0xf: {  	v30 =	vadd.s32 $0x887, v0;
	v31 =	vadd.s32 $0x1107, v0;
	v32 =	vadd.s32 $0x1987, v0;
	[dreg:$0x5] =	wrdreg s0;
	s15 =	sadd.s32 $0x18FE00, s2;
	s16 =	smax.u32 s16, $0x1  }
.LBB2_1:
0x10: {  	s0 =	rddreg [dreg:$0x5]  }
0x11: {  	[tilespmem:s4], [sflag:$0x9] =	stream.strided.gather [hbm4b:s0+s17], $0x1900, s18, s17, $0x38;
	[tilespmem:$0x11800] =	vst v63  }
0x12: {  	_ =	swait.ge [sflag:s19], $0x1900  }
0x13: {  	[sflag:s19] =	ssyncset.done $0x0  }
0x14: {  	s22 =	simm.s32 $0x1900;
	[sflag:s19] =	ssyncadd.s32 $0xFFFFE700  }
0x15: {  	[tilespmem:s22], [sflag:$0x1] =	stream.indirect.gather [hbm4b:s5+s17], $0x40, s4, s17, $0xb8;
	[tilespmem:$0x11800] =	vst v63  }
0x16: {  	s23 =	simm.s32 $0x3900;
	s29 =	simm.s32 $0x100  }
0x17: {  	[tilespmem:s23], [sflag:$0x2] =	stream.indirect.gather [hbm4b:s5+s17], $0x40, s17, s17, $0xb8;
	[tilespmem:$0x11800] =	vst v63  }
0x18: {  	s2 =	simm.s32 $0x5900;
	s31 =	simm.s32 $0x0;
	s0 =	simm.s32 $0x0  }
0x19: {  	[tilespmem:s2], [sflag:$0x3] =	stream.indirect.gather [hbm4b:s5+s17], $0x40, s29, s17, $0xb8;
	[tilespmem:$0x11800] =	vst v63  }
.LBB2_2:
0x1a: {  	s2 =	smul.u32 $0xAB, s0;
	_ =	sdelay $0x1  }
0x1b: {  	p0 =	slt.u32 s0, $0x2F;
	s2 =	sshrl.u32 s2, $0x9  }
.Ltmp0:
0x1c: {  	s20 =	sand.u32 $0x3, s0;
	s2 =	sand.u32 $0x7F, s2;
	(pc) =	sbr.rel @!p0 .LBB2_3-.Ltmp0, $4  }
0x1d: {  	s21 =	sadd.s32 $0x1, s20;
	s2 =	smul.u32 $0x3, s2  }
0x1e: {  	_ =	swait.ge [sflag:s21], $0x2000  }
0x1f: {  	[sflag:s21] =	ssyncset.done $0x0;
	s2 =	ssub.s32 s0, s2  }
0x20: {  	[sflag:s21] =	ssyncadd.s32 $0xFFFFE000;
	s20 =	sand.u32 $0xFF, s2  }
0x21: {  	s2 =	sadd.s32 $0x3, s0;
	s23 =	sshll.u32 s0, $0x7  }
0x22: {  	p0 =	slt.u32 s0, $0x3;
	s21 =	sand.u32 $0x3, s2;
	s2 =	sshll.u32 s2, $0x7  }
.Ltmp1:
0x23: {  	s22 =	sshll.u32 s21, $0xD;
	s2 =	sand.u32 $0x3FFFFF80, s2;
	(pc) =	sbr.rel @p0 .LBB2_6-.Ltmp1, $4  }
.Ltmp2:
0x24: {  	s21 =	sadd.s32 $0x1, s21;
	s22 =	sor.u32 $0x1900, s22;
	(pc) =	sbr.rel @!p0 .LBB2_5-.Ltmp2, $4  }
0x25: {  	[tilespmem:s22], [sflag:s21] =	stream.indirect.gather [hbm4b:s5+s17], $0x40, s2, s17, $0xb8;
	[tilespmem:$0x11800] =	vst v63  }
0x26: {  	s29 =	sadd.s32 $0xFF00, s23  }
0x27: {  	[tilespmem:s29], [sflag:$0x8] =	stream.indirect.gather [hbm4b:s1+s17], $0x1, s23, s17, $0xb8;
	[tilespmem:$0x11800] =	vst v63  }
0x28: {  	_ = 	snop  }
.LBB2_3:
0x29: {  	s2 =	sshll.u32 s0, $0x7  }
0x2a: {  	s21 =	sadd.s32 $0xFF00, s2  }
0x2b: {  	[tilespmem:s21], [sflag:$0x8] =	stream.indirect.gather [hbm4b:s1+s17], $0x1, s2, s17, $0xb8;
	[tilespmem:$0x11800] =	vst v63  }
.LBB2_5:
0x2c: {  	s2 =	sadd.s32 $0x5, s20  }
0x2d: {  	_ =	swait.ge [sflag:s2], $0x400  }
0x2e: {  	[sflag:s2] =	ssyncset.done $0x0  }
0x2f: {  	[sflag:s2] =	ssyncadd.s32 $0xFFFFFC00  }
0x30: {  	_ =	swait.ge [sflag:s2], $0x400  }
0x31: {  	[sflag:s2] =	ssyncset.done $0x0  }
0x32: {  	[sflag:s2] =	ssyncadd.s32 $0xFFFFFC00  }
0x33: {  	_ =	swait.ge [sflag:s2], $0x400  }
0x34: {  	[sflag:s2] =	ssyncset.done $0x0  }
0x35: {  	[sflag:s2] =	ssyncadd.s32 $0xFFFFFC00  }
0x36: {  	_ =	swait.ge [sflag:s2], $0x400  }
0x37: {  	[sflag:s2] =	ssyncset.done $0x0  }
0x38: {  	[sflag:s2] =	ssyncadd.s32 $0xFFFFFC00  }
0x39: {  	_ =	swait.ge [sflag:s2], $0x400  }
0x3a: {  	[sflag:s2] =	ssyncset.done $0x0  }
0x3b: {  	[sflag:s2] =	ssyncadd.s32 $0xFFFFFC00  }
0x3c: {  	_ =	swait.ge [sflag:s2], $0x400  }
0x3d: {  	[sflag:s2] =	ssyncset.done $0x0  }
0x3e: {  	[sflag:s2] =	ssyncadd.s32 $0xFFFFFC00  }
0x3f: {  	_ =	swait.ge [sflag:s2], $0x400  }
0x40: {  	[sflag:s2] =	ssyncset.done $0x0  }
0x41: {  	[sflag:s2] =	ssyncadd.s32 $0xFFFFFC00  }
0x42: {  	_ =	swait.ge [sflag:s2], $0x400  }
0x43: {  	[sflag:s2] =	ssyncset.done $0x0  }
0x44: {  	[sflag:s2] =	ssyncadd.s32 $0xFFFFFC00  }
.LBB2_6:
0x45: {  	s2 =	simm.s32 $0x0  }
0x46: {  	v33 =	vmov s2  }
0x47: {  	v33 =	vshrl.u32 v33, $0x3  }
0x48: {  	s22 =	sand.u32 $0x3, s31;
	v33 =	vshll.u32 v33, v1  }
0x49: {  	s2 =	sshll.u32 s22, $0xD;
	v33 =	vbroadcast v33, $0x0  }
0x4a: {  	s22 =	sor.u32 $0x1A00, s2  }
0x4b: {  	v34 =	vld [tilespmem:s22+$0xFFFFFF00];
	v35 =	vadd.s32 v0, v33  }
0x4c: {  	s23 =	smul.u32 $0x8800, s20;
	_ =	sdelay $0x1  }
0x4d: {  	s2 =	sshrl.u32 s23, $0x2  }
0x4e: {  	s21 =	sadd.s32 $0x9900, s2  }
0x4f: {  	[tilespmem:v35+s21+$0x0] =	vst.idx.msk $0xffff, v34  }
0x50: {  	v56 =	vadd.s32 v2, v33;
	v34 =	vld [tilespmem:s22+$0xFFFFFF10];
	_ =	sdelay $0x4  }
0x51: {  	[tilespmem:v56+s21+$0x0] =	vst.idx.msk $0xffff, v34  }
0x52: {  	v57 =	vadd.s32 v3, v33;
	v34 =	vld [tilespmem:s22+$0xFFFFFF20];
	_ =	sdelay $0x4  }
0x53: {  	[tilespmem:v57+s21+$0x0] =	vst.idx.msk $0xffff, v34  }
0x54: {  	s23 =	simm.s32 $0x1;
	v33 =	vadd.s32 v4, v33;
	v34 =	vld [tilespmem:s22+$0xFFFFFF30]  }
0x55: {  	v58 =	vmov s23  }
0x56: {  	v35 =	vshrl.u32 v58, $0x3  }
0x57: {  	v35 =	vshll.u32 v35, v1  }
0x58: {  	v35 =	vbroadcast v35, $0x0  }
0x59: {  	[tilespmem:v33+s21+$0x0] =	vst.idx.msk $0xffff, v34  }
0x5a: {  	v59 =	vadd.s32 v5, v35;
	v33 =	vld [tilespmem:s22+$0xFFFFFF40];
	_ =	sdelay $0x4  }
0x5b: {  	[tilespmem:v59+s21+$0x0] =	vst.idx.msk $0xffff, v33  }
0x5c: {  	v60 =	vadd.s32 v6, v35;
	v33 =	vld [tilespmem:s22+$0xFFFFFF50];
	_ =	sdelay $0x4  }
0x5d: {  	[tilespmem:v60+s21+$0x0] =	vst.idx.msk $0xffff, v33  }
0x5e: {  	v61 =	vadd.s32 v7, v35;
	v33 =	vld [tilespmem:s22+$0xFFFFFF60];
	_ =	sdelay $0x4  }
0x5f: {  	[tilespmem:v61+s21+$0x0] =	vst.idx.msk $0xffff, v33  }
0x60: {  	s6 =	simm.s32 $0x2;
	v62 =	vadd.s32 v8, v35;
	v33 =	vld [tilespmem:s22+$0xFFFFFF70]  }
0x61: {  	v63 =	vmov s6  }
0x62: {  	v35 =	vshrl.u32 v63, $0x3  }
0x63: {  	v35 =	vshll.u32 v35, v1  }
0x64: {  	v35 =	vbroadcast v35, $0x0  }
0x65: {  	[tilespmem:v62+s21+$0x0] =	vst.idx.msk $0xffff, v33  }
0x66: {  	v36 =	vadd.s32 v9, v35;
	v33 =	vld [tilespmem:s22+$0xFFFFFF80];
	_ =	sdelay $0x4  }
0x67: {  	[tilespmem:v36+s21+$0x0] =	vst.idx.msk $0xffff, v33  }
0x68: {  	v37 =	vadd.s32 v10, v35;
	v33 =	vld [tilespmem:s22+$0xFFFFFF90];
	_ =	sdelay $0x4  }
0x69: {  	[tilespmem:v37+s21+$0x0] =	vst.idx.msk $0xffff, v33  }
0x6a: {  	v38 =	vadd.s32 v11, v35;
	v33 =	vld [tilespmem:s22+$0xFFFFFFA0];
	_ =	sdelay $0x4  }
0x6b: {  	[tilespmem:v38+s21+$0x0] =	vst.idx.msk $0xffff, v33  }
0x6c: {  	s6 =	simm.s32 $0x3;
	v39 =	vadd.s32 v12, v35;
	v33 =	vld [tilespmem:s22+$0xFFFFFFB0]  }
0x6d: {  	v40 =	vmov s6  }
0x6e: {  	v35 =	vshrl.u32 v40, $0x3  }
0x6f: {  	v35 =	vshll.u32 v35, v1  }
0x70: {  	v35 =	vbroadcast v35, $0x0  }
0x71: {  	[tilespmem:v39+s21+$0x0] =	vst.idx.msk $0xffff, v33  }
0x72: {  	v41 =	vadd.s32 v13, v35;
	v33 =	vld [tilespmem:s22+$0xFFFFFFC0];
	_ =	sdelay $0x4  }
0x73: {  	[tilespmem:v41+s21+$0x0] =	vst.idx.msk $0xffff, v33  }
0x74: {  	v42 =	vadd.s32 v14, v35;
	v33 =	vld [tilespmem:s22+$0xFFFFFFD0];
	_ =	sdelay $0x4  }
0x75: {  	[tilespmem:v42+s21+$0x0] =	vst.idx.msk $0xffff, v33  }
0x76: {  	v43 =	vadd.s32 v15, v35;
	v33 =	vld [tilespmem:s22+$0xFFFFFFE0];
	_ =	sdelay $0x4  }
0x77: {  	[tilespmem:v43+s21+$0x0] =	vst.idx.msk $0xffff, v33  }
0x78: {  	s6 =	simm.s32 $0x4;
	v44 =	vadd.s32 v16, v35;
	v33 =	vld [tilespmem:s22+$0xFFFFFFF0]  }
0x79: {  	v45 =	vmov s6  }
0x7a: {  	v35 =	vshrl.u32 v45, $0x3  }
0x7b: {  	v35 =	vshll.u32 v35, v1  }
0x7c: {  	v35 =	vbroadcast v35, $0x0  }
0x7d: {  	[tilespmem:v44+s21+$0x0] =	vst.idx.msk $0xffff, v33  }
0x7e: {  	v46 =	vadd.s32 v17, v35;
	v33 =	vld [tilespmem:s22+$0x0];
	_ =	sdelay $0x4  }
0x7f: {  	[tilespmem:v46+s21+$0x0] =	vst.idx.msk $0xffff, v33  }
0x80: {  	v47 =	vadd.s32 v18, v35;
	v33 =	vld [tilespmem:s22+$0x10];
	_ =	sdelay $0x4  }
0x81: {  	[tilespmem:v47+s21+$0x0] =	vst.idx.msk $0xffff, v33  }
0x82: {  	v48 =	vadd.s32 v19, v35;
	v33 =	vld [tilespmem:s22+$0x20];
	_ =	sdelay $0x4  }
0x83: {  	[tilespmem:v48+s21+$0x0] =	vst.idx.msk $0xffff, v33  }
0x84: {  	s6 =	simm.s32 $0x5;
	v49 =	vadd.s32 v20, v35;
	v33 =	vld [tilespmem:s22+$0x30]  }
0x85: {  	v50 =	vmov s6  }
0x86: {  	v35 =	vshrl.u32 v50, $0x3  }
0x87: {  	v35 =	vshll.u32 v35, v1  }
0x88: {  	v35 =	vbroadcast v35, $0x0  }
0x89: {  	[tilespmem:v49+s21+$0x0] =	vst.idx.msk $0xffff, v33  }
0x8a: {  	v51 =	vadd.s32 v21, v35;
	v33 =	vld [tilespmem:s22+$0x40];
	_ =	sdelay $0x4  }
0x8b: {  	[tilespmem:v51+s21+$0x0] =	vst.idx.msk $0xffff, v33  }
0x8c: {  	v52 =	vadd.s32 v22, v35;
	v33 =	vld [tilespmem:s22+$0x50];
	_ =	sdelay $0x4  }
0x8d: {  	[tilespmem:v52+s21+$0x0] =	vst.idx.msk $0xffff, v33  }
0x8e: {  	v53 =	vadd.s32 v23, v35;
	v33 =	vld [tilespmem:s22+$0x60];
	_ =	sdelay $0x4  }
0x8f: {  	[tilespmem:v53+s21+$0x0] =	vst.idx.msk $0xffff, v33  }
0x90: {  	s6 =	simm.s32 $0x6;
	v54 =	vadd.s32 v24, v35;
	v33 =	vld [tilespmem:s22+$0x70]  }
0x91: {  	v55 =	vmov s6  }
0x92: {  	v35 =	vshrl.u32 v55, $0x3  }
0x93: {  	v35 =	vshll.u32 v35, v1  }
0x94: {  	v35 =	vbroadcast v35, $0x0  }
0x95: {  	[tilespmem:v54+s21+$0x0] =	vst.idx.msk $0xffff, v33  }
0x96: {  	v56 =	vadd.s32 v25, v35;
	v33 =	vld [tilespmem:s22+$0x80];
	_ =	sdelay $0x4  }
0x97: {  	[tilespmem:v56+s21+$0x0] =	vst.idx.msk $0xffff, v33  }
0x98: {  	v57 =	vadd.s32 v26, v35;
	v33 =	vld [tilespmem:s22+$0x90];
	_ =	sdelay $0x4  }
0x99: {  	[tilespmem:v57+s21+$0x0] =	vst.idx.msk $0xffff, v33  }
0x9a: {  	v58 =	vadd.s32 v27, v35;
	v33 =	vld [tilespmem:s22+$0xA0];
	_ =	sdelay $0x4  }
0x9b: {  	[tilespmem:v58+s21+$0x0] =	vst.idx.msk $0xffff, v33  }
0x9c: {  	s6 =	simm.s32 $0x7;
	v59 =	vadd.s32 v28, v35;
	v33 =	vld [tilespmem:s22+$0xB0]  }
0x9d: {  	v60 =	vmov s6  }
0x9e: {  	v35 =	vshrl.u32 v60, $0x3  }
0x9f: {  	v35 =	vshll.u32 v35, v1  }
0xa0: {  	v35 =	vbroadcast v35, $0x0  }
0xa1: {  	[tilespmem:v59+s21+$0x0] =	vst.idx.msk $0xffff, v33  }
0xa2: {  	v61 =	vadd.s32 v29, v35;
	v33 =	vld [tilespmem:s22+$0xC0];
	_ =	sdelay $0x4  }
0xa3: {  	[tilespmem:v61+s21+$0x0] =	vst.idx.msk $0xffff, v33  }
0xa4: {  	v62 =	vadd.s32 v30, v35;
	v33 =	vld [tilespmem:s22+$0xD0];
	_ =	sdelay $0x4  }
0xa5: {  	[tilespmem:v62+s21+$0x0] =	vst.idx.msk $0xffff, v33  }
0xa6: {  	v63 =	vadd.s32 v31, v35;
	v33 =	vld [tilespmem:s22+$0xE0];
	_ =	sdelay $0x4  }
0xa7: {  	[tilespmem:v63+s21+$0x0] =	vst.idx.msk $0xffff, v33  }
0xa8: {  	s23 =	simm.s32 $0x8;
	v34 =	vadd.s32 v32, v35;
	v33 =	vld [tilespmem:s22+$0xF0]  }
0xa9: {  	s29 =	simm.s32 $0x10;
	v35 =	vmov s23  }
.LBB2_7:
0xaa: {  	p0 =	slt.u32 s29, $0x78;
	v35 =	vshrl.u32 v35, $0x3  }
0xab: {  	v35 =	vshll.u32 v35, v1  }
0xac: {  	v35 =	vbroadcast v35, $0x0  }
0xad: {  	s22 =	sadd.s32 $0x200, s22;
	[tilespmem:v34+s21+$0x0] =	vst.idx.msk $0xffff, v33  }
0xae: {  	v33 =	vld [tilespmem:s22+$0xFFFFFF00];
	v34 =	vadd.s32 v0, v35;
	_ =	sdelay $0x4  }
0xaf: {  	[tilespmem:v34+s21+$0x0] =	vst.idx.msk $0xffff, v33  }
0xb0: {  	v34 =	vadd.s32 v2, v35;
	v33 =	vld [tilespmem:s22+$0xFFFFFF10];
	_ =	sdelay $0x4  }
0xb1: {  	[tilespmem:v34+s21+$0x0] =	vst.idx.msk $0xffff, v33  }
0xb2: {  	v34 =	vadd.s32 v3, v35;
	v33 =	vld [tilespmem:s22+$0xFFFFFF20];
	_ =	sdelay $0x4  }
0xb3: {  	[tilespmem:v34+s21+$0x0] =	vst.idx.msk $0xffff, v33  }
0xb4: {  	s6 =	sadd.s32 $0x1, s23;
	v34 =	vadd.s32 v4, v35;
	v33 =	vld [tilespmem:s22+$0xFFFFFF30]  }
0xb5: {  	v35 =	vmov s6  }
0xb6: {  	v35 =	vshrl.u32 v35, $0x3  }
0xb7: {  	v35 =	vshll.u32 v35, v1  }
0xb8: {  	v35 =	vbroadcast v35, $0x0  }
0xb9: {  	[tilespmem:v34+s21+$0x0] =	vst.idx.msk $0xffff, v33  }
0xba: {  	v34 =	vadd.s32 v5, v35;
	v33 =	vld [tilespmem:s22+$0xFFFFFF40];
	_ =	sdelay $0x4  }
0xbb: {  	[tilespmem:v34+s21+$0x0] =	vst.idx.msk $0xffff, v33  }
0xbc: {  	v34 =	vadd.s32 v6, v35;
	v33 =	vld [tilespmem:s22+$0xFFFFFF50];
	_ =	sdelay $0x4  }
0xbd: {  	[tilespmem:v34+s21+$0x0] =	vst.idx.msk $0xffff, v33  }
0xbe: {  	v34 =	vadd.s32 v7, v35;
	v33 =	vld [tilespmem:s22+$0xFFFFFF60];
	_ =	sdelay $0x4  }
0xbf: {  	[tilespmem:v34+s21+$0x0] =	vst.idx.msk $0xffff, v33  }
0xc0: {  	s6 =	sadd.s32 $0x2, s23;
	v34 =	vadd.s32 v8, v35;
	v33 =	vld [tilespmem:s22+$0xFFFFFF70]  }
0xc1: {  	v35 =	vmov s6  }
0xc2: {  	v35 =	vshrl.u32 v35, $0x3  }
0xc3: {  	v35 =	vshll.u32 v35, v1  }
0xc4: {  	v35 =	vbroadcast v35, $0x0  }
0xc5: {  	[tilespmem:v34+s21+$0x0] =	vst.idx.msk $0xffff, v33  }
0xc6: {  	v34 =	vadd.s32 v9, v35;
	v33 =	vld [tilespmem:s22+$0xFFFFFF80];
	_ =	sdelay $0x4  }
0xc7: {  	[tilespmem:v34+s21+$0x0] =	vst.idx.msk $0xffff, v33  }
0xc8: {  	v34 =	vadd.s32 v10, v35;
	v33 =	vld [tilespmem:s22+$0xFFFFFF90];
	_ =	sdelay $0x4  }
0xc9: {  	[tilespmem:v34+s21+$0x0] =	vst.idx.msk $0xffff, v33  }
0xca: {  	v34 =	vadd.s32 v11, v35;
	v33 =	vld [tilespmem:s22+$0xFFFFFFA0];
	_ =	sdelay $0x4  }
0xcb: {  	[tilespmem:v34+s21+$0x0] =	vst.idx.msk $0xffff, v33  }
0xcc: {  	s6 =	sadd.s32 $0x3, s23;
	v34 =	vadd.s32 v12, v35;
	v33 =	vld [tilespmem:s22+$0xFFFFFFB0]  }
0xcd: {  	v35 =	vmov s6  }
0xce: {  	v35 =	vshrl.u32 v35, $0x3  }
0xcf: {  	v35 =	vshll.u32 v35, v1  }
0xd0: {  	v35 =	vbroadcast v35, $0x0  }
0xd1: {  	[tilespmem:v34+s21+$0x0] =	vst.idx.msk $0xffff, v33  }
0xd2: {  	v34 =	vadd.s32 v13, v35;
	v33 =	vld [tilespmem:s22+$0xFFFFFFC0];
	_ =	sdelay $0x4  }
0xd3: {  	[tilespmem:v34+s21+$0x0] =	vst.idx.msk $0xffff, v33  }
0xd4: {  	v34 =	vadd.s32 v14, v35;
	v33 =	vld [tilespmem:s22+$0xFFFFFFD0];
	_ =	sdelay $0x4  }
0xd5: {  	[tilespmem:v34+s21+$0x0] =	vst.idx.msk $0xffff, v33  }
0xd6: {  	v34 =	vadd.s32 v15, v35;
	v33 =	vld [tilespmem:s22+$0xFFFFFFE0];
	_ =	sdelay $0x4  }
0xd7: {  	[tilespmem:v34+s21+$0x0] =	vst.idx.msk $0xffff, v33  }
0xd8: {  	s6 =	sadd.s32 $0x4, s23;
	v34 =	vadd.s32 v16, v35;
	v33 =	vld [tilespmem:s22+$0xFFFFFFF0]  }
0xd9: {  	v35 =	vmov s6  }
0xda: {  	v35 =	vshrl.u32 v35, $0x3  }
0xdb: {  	v35 =	vshll.u32 v35, v1  }
0xdc: {  	v35 =	vbroadcast v35, $0x0  }
0xdd: {  	[tilespmem:v34+s21+$0x0] =	vst.idx.msk $0xffff, v33  }
0xde: {  	v34 =	vadd.s32 v17, v35;
	v33 =	vld [tilespmem:s22+$0x0];
	_ =	sdelay $0x4  }
0xdf: {  	[tilespmem:v34+s21+$0x0] =	vst.idx.msk $0xffff, v33  }
0xe0: {  	v34 =	vadd.s32 v18, v35;
	v33 =	vld [tilespmem:s22+$0x10];
	_ =	sdelay $0x4  }
0xe1: {  	[tilespmem:v34+s21+$0x0] =	vst.idx.msk $0xffff, v33  }
0xe2: {  	v34 =	vadd.s32 v19, v35;
	v33 =	vld [tilespmem:s22+$0x20];
	_ =	sdelay $0x4  }
0xe3: {  	[tilespmem:v34+s21+$0x0] =	vst.idx.msk $0xffff, v33  }
0xe4: {  	s6 =	sadd.s32 $0x5, s23;
	v34 =	vadd.s32 v20, v35;
	v33 =	vld [tilespmem:s22+$0x30]  }
0xe5: {  	v35 =	vmov s6  }
0xe6: {  	v35 =	vshrl.u32 v35, $0x3  }
0xe7: {  	v35 =	vshll.u32 v35, v1  }
0xe8: {  	v35 =	vbroadcast v35, $0x0  }
0xe9: {  	[tilespmem:v34+s21+$0x0] =	vst.idx.msk $0xffff, v33  }
0xea: {  	v34 =	vadd.s32 v21, v35;
	v33 =	vld [tilespmem:s22+$0x40];
	_ =	sdelay $0x4  }
0xeb: {  	[tilespmem:v34+s21+$0x0] =	vst.idx.msk $0xffff, v33  }
0xec: {  	v34 =	vadd.s32 v22, v35;
	v33 =	vld [tilespmem:s22+$0x50];
	_ =	sdelay $0x4  }
0xed: {  	[tilespmem:v34+s21+$0x0] =	vst.idx.msk $0xffff, v33  }
0xee: {  	v34 =	vadd.s32 v23, v35;
	v33 =	vld [tilespmem:s22+$0x60];
	_ =	sdelay $0x4  }
0xef: {  	[tilespmem:v34+s21+$0x0] =	vst.idx.msk $0xffff, v33  }
0xf0: {  	s6 =	sadd.s32 $0x6, s23;
	v34 =	vadd.s32 v24, v35;
	v33 =	vld [tilespmem:s22+$0x70]  }
0xf1: {  	v35 =	vmov s6  }
0xf2: {  	v35 =	vshrl.u32 v35, $0x3  }
0xf3: {  	v35 =	vshll.u32 v35, v1  }
0xf4: {  	v35 =	vbroadcast v35, $0x0  }
0xf5: {  	[tilespmem:v34+s21+$0x0] =	vst.idx.msk $0xffff, v33  }
0xf6: {  	v34 =	vadd.s32 v25, v35;
	v33 =	vld [tilespmem:s22+$0x80];
	_ =	sdelay $0x4  }
0xf7: {  	[tilespmem:v34+s21+$0x0] =	vst.idx.msk $0xffff, v33  }
0xf8: {  	v34 =	vadd.s32 v26, v35;
	v33 =	vld [tilespmem:s22+$0x90];
	_ =	sdelay $0x4  }
0xf9: {  	[tilespmem:v34+s21+$0x0] =	vst.idx.msk $0xffff, v33  }
0xfa: {  	v34 =	vadd.s32 v27, v35;
	v33 =	vld [tilespmem:s22+$0xA0];
	_ =	sdelay $0x4  }
0xfb: {  	[tilespmem:v34+s21+$0x0] =	vst.idx.msk $0xffff, v33  }
0xfc: {  	s6 =	sadd.s32 $0x7, s23;
	s23 =	smov.u32 s29;
	v34 =	vadd.s32 v28, v35;
	v33 =	vld [tilespmem:s22+$0xB0]  }
0xfd: {  	v35 =	vmov s6  }
0xfe: {  	v35 =	vshrl.u32 v35, $0x3  }
0xff: {  	v35 =	vshll.u32 v35, v1  }
0x100: {  	v35 =	vbroadcast v35, $0x0  }
0x101: {  	[tilespmem:v34+s21+$0x0] =	vst.idx.msk $0xffff, v33  }
0x102: {  	v34 =	vadd.s32 v29, v35;
	v33 =	vld [tilespmem:s22+$0xC0];
	_ =	sdelay $0x4  }
0x103: {  	[tilespmem:v34+s21+$0x0] =	vst.idx.msk $0xffff, v33  }
0x104: {  	v34 =	vadd.s32 v30, v35;
	v33 =	vld [tilespmem:s22+$0xD0];
	_ =	sdelay $0x4  }
0x105: {  	[tilespmem:v34+s21+$0x0] =	vst.idx.msk $0xffff, v33  }
0x106: {  	v34 =	vadd.s32 v31, v35;
	v33 =	vld [tilespmem:s22+$0xE0];
	_ =	sdelay $0x2  }
.Ltmp3:
0x107: {  	(pc) =	sbr.rel @p0 .LBB2_7-.Ltmp3, $4  }
0x108: {  	_ = 	snop  }
0x109: {  	[tilespmem:v34+s21+$0x0] =	vst.idx.msk $0xffff, v33  }
0x10a: {  	v34 =	vadd.s32 v32, v35;
	v33 =	vld [tilespmem:s22+$0xF0]  }
0x10b: {  	s29 =	sadd.s32 $0x8, s29;
	v35 =	vmov s23  }
0x10c: {  	_ = 	snop  }
0x10d: {  	v35 =	vshrl.u32 v35, $0x3  }
0x10e: {  	v35 =	vshll.u32 v35, v1  }
0x10f: {  	v35 =	vbroadcast v35, $0x0  }
0x110: {  	s22 =	sadd.s32 $0x200, s22;
	[tilespmem:v34+s21+$0x0] =	vst.idx.msk $0xffff, v33  }
0x111: {  	v33 =	vld [tilespmem:s22+$0xFFFFFF00];
	v53 =	vadd.s32 v0, v35;
	_ =	sdelay $0x4  }
0x112: {  	[tilespmem:v53+s21+$0x0] =	vst.idx.msk $0xffff, v33  }
0x113: {  	v54 =	vadd.s32 v2, v35;
	v33 =	vld [tilespmem:s22+$0xFFFFFF10];
	_ =	sdelay $0x4  }
0x114: {  	[tilespmem:v54+s21+$0x0] =	vst.idx.msk $0xffff, v33  }
0x115: {  	v55 =	vadd.s32 v3, v35;
	v33 =	vld [tilespmem:s22+$0xFFFFFF20];
	_ =	sdelay $0x4  }
0x116: {  	[tilespmem:v55+s21+$0x0] =	vst.idx.msk $0xffff, v33  }
0x117: {  	s6 =	sadd.s32 $0x1, s23;
	v56 =	vadd.s32 v4, v35;
	v33 =	vld [tilespmem:s22+$0xFFFFFF30]  }
0x118: {  	v57 =	vmov s6  }
0x119: {  	v35 =	vshrl.u32 v57, $0x3  }
0x11a: {  	v35 =	vshll.u32 v35, v1  }
0x11b: {  	v35 =	vbroadcast v35, $0x0  }
0x11c: {  	[tilespmem:v56+s21+$0x0] =	vst.idx.msk $0xffff, v33  }
0x11d: {  	v58 =	vadd.s32 v5, v35;
	v33 =	vld [tilespmem:s22+$0xFFFFFF40];
	_ =	sdelay $0x4  }
0x11e: {  	[tilespmem:v58+s21+$0x0] =	vst.idx.msk $0xffff, v33  }
0x11f: {  	v59 =	vadd.s32 v6, v35;
	v33 =	vld [tilespmem:s22+$0xFFFFFF50];
	_ =	sdelay $0x4  }
0x120: {  	[tilespmem:v59+s21+$0x0] =	vst.idx.msk $0xffff, v33  }
0x121: {  	v60 =	vadd.s32 v7, v35;
	v33 =	vld [tilespmem:s22+$0xFFFFFF60];
	_ =	sdelay $0x4  }
0x122: {  	[tilespmem:v60+s21+$0x0] =	vst.idx.msk $0xffff, v33  }
0x123: {  	s29 =	sadd.s32 $0x2, s23;
	v61 =	vadd.s32 v8, v35;
	v33 =	vld [tilespmem:s22+$0xFFFFFF70]  }
0x124: {  	v62 =	vmov s29  }
0x125: {  	v35 =	vshrl.u32 v62, $0x3  }
0x126: {  	v35 =	vshll.u32 v35, v1  }
0x127: {  	v35 =	vbroadcast v35, $0x0  }
0x128: {  	[tilespmem:v61+s21+$0x0] =	vst.idx.msk $0xffff, v33  }
0x129: {  	v63 =	vadd.s32 v9, v35;
	v33 =	vld [tilespmem:s22+$0xFFFFFF80];
	_ =	sdelay $0x4  }
0x12a: {  	[tilespmem:v63+s21+$0x0] =	vst.idx.msk $0xffff, v33  }
0x12b: {  	v36 =	vadd.s32 v10, v35;
	v33 =	vld [tilespmem:s22+$0xFFFFFF90];
	_ =	sdelay $0x4  }
0x12c: {  	[tilespmem:v36+s21+$0x0] =	vst.idx.msk $0xffff, v33  }
0x12d: {  	v37 =	vadd.s32 v11, v35;
	v33 =	vld [tilespmem:s22+$0xFFFFFFA0];
	_ =	sdelay $0x4  }
0x12e: {  	[tilespmem:v37+s21+$0x0] =	vst.idx.msk $0xffff, v33  }
0x12f: {  	s29 =	sadd.s32 $0x3, s23;
	v38 =	vadd.s32 v12, v35;
	v33 =	vld [tilespmem:s22+$0xFFFFFFB0]  }
0x130: {  	v39 =	vmov s29  }
0x131: {  	v35 =	vshrl.u32 v39, $0x3  }
0x132: {  	v35 =	vshll.u32 v35, v1  }
0x133: {  	v35 =	vbroadcast v35, $0x0  }
0x134: {  	[tilespmem:v38+s21+$0x0] =	vst.idx.msk $0xffff, v33  }
0x135: {  	v40 =	vadd.s32 v13, v35;
	v33 =	vld [tilespmem:s22+$0xFFFFFFC0];
	_ =	sdelay $0x4  }
0x136: {  	[tilespmem:v40+s21+$0x0] =	vst.idx.msk $0xffff, v33  }
0x137: {  	v41 =	vadd.s32 v14, v35;
	v33 =	vld [tilespmem:s22+$0xFFFFFFD0];
	_ =	sdelay $0x4  }
0x138: {  	[tilespmem:v41+s21+$0x0] =	vst.idx.msk $0xffff, v33  }
0x139: {  	v42 =	vadd.s32 v15, v35;
	v33 =	vld [tilespmem:s22+$0xFFFFFFE0];
	_ =	sdelay $0x4  }
0x13a: {  	[tilespmem:v42+s21+$0x0] =	vst.idx.msk $0xffff, v33  }
0x13b: {  	s29 =	sadd.s32 $0x4, s23;
	v43 =	vadd.s32 v16, v35;
	v33 =	vld [tilespmem:s22+$0xFFFFFFF0]  }
0x13c: {  	v44 =	vmov s29  }
0x13d: {  	v35 =	vshrl.u32 v44, $0x3  }
0x13e: {  	v35 =	vshll.u32 v35, v1  }
0x13f: {  	v35 =	vbroadcast v35, $0x0  }
0x140: {  	[tilespmem:v43+s21+$0x0] =	vst.idx.msk $0xffff, v33  }
0x141: {  	v45 =	vadd.s32 v17, v35;
	v33 =	vld [tilespmem:s22+$0x0];
	_ =	sdelay $0x4  }
0x142: {  	[tilespmem:v45+s21+$0x0] =	vst.idx.msk $0xffff, v33  }
0x143: {  	v46 =	vadd.s32 v18, v35;
	v33 =	vld [tilespmem:s22+$0x10];
	_ =	sdelay $0x4  }
0x144: {  	[tilespmem:v46+s21+$0x0] =	vst.idx.msk $0xffff, v33  }
0x145: {  	v47 =	vadd.s32 v19, v35;
	v33 =	vld [tilespmem:s22+$0x20];
	_ =	sdelay $0x4  }
0x146: {  	[tilespmem:v47+s21+$0x0] =	vst.idx.msk $0xffff, v33  }
0x147: {  	s29 =	sadd.s32 $0x5, s23;
	v48 =	vadd.s32 v20, v35;
	v33 =	vld [tilespmem:s22+$0x30]  }
0x148: {  	v49 =	vmov s29  }
0x149: {  	v35 =	vshrl.u32 v49, $0x3  }
0x14a: {  	v35 =	vshll.u32 v35, v1  }
0x14b: {  	v35 =	vbroadcast v35, $0x0  }
0x14c: {  	[tilespmem:v48+s21+$0x0] =	vst.idx.msk $0xffff, v33  }
0x14d: {  	v50 =	vadd.s32 v21, v35;
	v33 =	vld [tilespmem:s22+$0x40];
	_ =	sdelay $0x4  }
0x14e: {  	[tilespmem:v50+s21+$0x0] =	vst.idx.msk $0xffff, v33  }
0x14f: {  	v51 =	vadd.s32 v22, v35;
	v33 =	vld [tilespmem:s22+$0x50];
	_ =	sdelay $0x4  }
0x150: {  	[tilespmem:v51+s21+$0x0] =	vst.idx.msk $0xffff, v33  }
0x151: {  	v52 =	vadd.s32 v23, v35;
	v33 =	vld [tilespmem:s22+$0x60];
	_ =	sdelay $0x4  }
0x152: {  	[tilespmem:v52+s21+$0x0] =	vst.idx.msk $0xffff, v33  }
0x153: {  	s29 =	sadd.s32 $0x6, s23;
	v53 =	vadd.s32 v24, v35;
	v33 =	vld [tilespmem:s22+$0x70]  }
0x154: {  	v54 =	vmov s29  }
0x155: {  	v35 =	vshrl.u32 v54, $0x3  }
0x156: {  	v35 =	vshll.u32 v35, v1  }
0x157: {  	v35 =	vbroadcast v35, $0x0  }
0x158: {  	[tilespmem:v53+s21+$0x0] =	vst.idx.msk $0xffff, v33  }
0x159: {  	v55 =	vadd.s32 v25, v35;
	v33 =	vld [tilespmem:s22+$0x80];
	_ =	sdelay $0x4  }
0x15a: {  	[tilespmem:v55+s21+$0x0] =	vst.idx.msk $0xffff, v33  }
0x15b: {  	v56 =	vadd.s32 v26, v35;
	v33 =	vld [tilespmem:s22+$0x90];
	_ =	sdelay $0x4  }
0x15c: {  	[tilespmem:v56+s21+$0x0] =	vst.idx.msk $0xffff, v33  }
0x15d: {  	v57 =	vadd.s32 v27, v35;
	v33 =	vld [tilespmem:s22+$0xA0];
	_ =	sdelay $0x4  }
0x15e: {  	[tilespmem:v57+s21+$0x0] =	vst.idx.msk $0xffff, v33  }
0x15f: {  	s29 =	sadd.s32 $0x7, s23;
	v58 =	vadd.s32 v28, v35;
	v33 =	vld [tilespmem:s22+$0xB0]  }
0x160: {  	v59 =	vmov s29  }
0x161: {  	v35 =	vshrl.u32 v59, $0x3  }
0x162: {  	v35 =	vshll.u32 v35, v1  }
0x163: {  	v35 =	vbroadcast v35, $0x0  }
0x164: {  	[tilespmem:v58+s21+$0x0] =	vst.idx.msk $0xffff, v33  }
0x165: {  	v60 =	vadd.s32 v29, v35;
	v33 =	vld [tilespmem:s22+$0xC0];
	_ =	sdelay $0x4  }
0x166: {  	[tilespmem:v60+s21+$0x0] =	vst.idx.msk $0xffff, v33  }
0x167: {  	v61 =	vadd.s32 v30, v35;
	v33 =	vld [tilespmem:s22+$0xD0];
	_ =	sdelay $0x4  }
0x168: {  	[tilespmem:v61+s21+$0x0] =	vst.idx.msk $0xffff, v33  }
0x169: {  	v62 =	vadd.s32 v31, v35;
	v33 =	vld [tilespmem:s22+$0xE0];
	_ =	sdelay $0x4  }
0x16a: {  	[tilespmem:v62+s21+$0x0] =	vst.idx.msk $0xffff, v33  }
0x16b: {  	v63 =	vadd.s32 v32, v35;
	v33 =	vld [tilespmem:s22+$0xF0];
	_ =	sdelay $0x2  }
0x16c: {  	s22 =	sshll.u32 s0, $0xF  }
0x16d: {  	s22 =	sor.u32 s7, s22  }
0x16e: {  	s20 =	sadd.s32 $0x5, s20;
	s6 =	sadd.s32 s3, s22;
	[tilespmem:v63+s21+$0x0] =	vst.idx.msk $0xffff, v33  }
0x16f: {  	[hbm4b:s6+s4] =	stream.linear.scatter [tilespmem:s21], [sflag:s20], $0x80, $0x38;
	[tilespmem:$0x11800] =	vst v63  }
0x170: {  	s23 =	sadd.s32 $0x9988, s2;
	s29 =	sadd.s32 $0x10, s6  }
0x171: {  	[hbm4b:s29+s4] =	stream.linear.scatter [tilespmem:s23], [sflag:s20], $0x80, $0x38;
	[tilespmem:$0x11800] =	vst v63  }
0x172: {  	s23 =	sadd.s32 $0x9A10, s2;
	s29 =	sadd.s32 $0x20, s6  }
0x173: {  	[hbm4b:s29+s4] =	stream.linear.scatter [tilespmem:s23], [sflag:s20], $0x80, $0x38;
	[tilespmem:$0x11800] =	vst v63  }
0x174: {  	s23 =	sadd.s32 $0x9A98, s2;
	s29 =	sadd.s32 $0x30, s6  }
0x175: {  	[hbm4b:s29+s4] =	stream.linear.scatter [tilespmem:s23], [sflag:s20], $0x80, $0x38;
	[tilespmem:$0x11800] =	vst v63  }
0x176: {  	s23 =	sadd.s32 $0x9B20, s2;
	s29 =	sadd.s32 $0x40, s6  }
0x177: {  	[hbm4b:s29+s4] =	stream.linear.scatter [tilespmem:s23], [sflag:s20], $0x80, $0x38;
	[tilespmem:$0x11800] =	vst v63  }
0x178: {  	s23 =	sadd.s32 $0x9BA8, s2;
	s29 =	sadd.s32 $0x50, s6  }
0x179: {  	[hbm4b:s29+s4] =	stream.linear.scatter [tilespmem:s23], [sflag:s20], $0x80, $0x38;
	[tilespmem:$0x11800] =	vst v63  }
0x17a: {  	s23 =	sadd.s32 $0x9C30, s2;
	s29 =	sadd.s32 $0x60, s6  }
0x17b: {  	[hbm4b:s29+s4] =	stream.linear.scatter [tilespmem:s23], [sflag:s20], $0x80, $0x38;
	[tilespmem:$0x11800] =	vst v63  }
0x17c: {  	s6 =	sadd.s32 $0x70, s6;
	s23 =	sadd.s32 $0x9CB8, s2  }
0x17d: {  	[hbm4b:s6+s4] =	stream.linear.scatter [tilespmem:s23], [sflag:s20], $0x80, $0x38;
	[tilespmem:$0x11800] =	vst v63  }
0x17e: {  	s29 =	sadd.s32 $0x9D40, s2;
	s6 =	sadd.s32 s22, s8  }
0x17f: {  	[hbm4b:s6+s4] =	stream.linear.scatter [tilespmem:s29], [sflag:s20], $0x80, $0x38;
	[tilespmem:$0x11800] =	vst v63  }
0x180: {  	s23 =	sadd.s32 $0x9DC8, s2;
	s29 =	sadd.s32 $0x10, s6  }
0x181: {  	[hbm4b:s29+s4] =	stream.linear.scatter [tilespmem:s23], [sflag:s20], $0x80, $0x38;
	[tilespmem:$0x11800] =	vst v63  }
0x182: {  	s23 =	sadd.s32 $0x9E50, s2;
	s29 =	sadd.s32 $0x20, s6  }
0x183: {  	[hbm4b:s29+s4] =	stream.linear.scatter [tilespmem:s23], [sflag:s20], $0x80, $0x38;
	[tilespmem:$0x11800] =	vst v63  }
0x184: {  	s23 =	sadd.s32 $0x9ED8, s2;
	s29 =	sadd.s32 $0x30, s6  }
0x185: {  	[hbm4b:s29+s4] =	stream.linear.scatter [tilespmem:s23], [sflag:s20], $0x80, $0x38;
	[tilespmem:$0x11800] =	vst v63  }
0x186: {  	s23 =	sadd.s32 $0x9F60, s2;
	s29 =	sadd.s32 $0x40, s6  }
0x187: {  	[hbm4b:s29+s4] =	stream.linear.scatter [tilespmem:s23], [sflag:s20], $0x80, $0x38;
	[tilespmem:$0x11800] =	vst v63  }
0x188: {  	s23 =	sadd.s32 $0x9FE8, s2;
	s29 =	sadd.s32 $0x50, s6  }
0x189: {  	[hbm4b:s29+s4] =	stream.linear.scatter [tilespmem:s23], [sflag:s20], $0x80, $0x38;
	[tilespmem:$0x11800] =	vst v63  }
0x18a: {  	s23 =	sadd.s32 $0xA070, s2;
	s29 =	sadd.s32 $0x60, s6  }
0x18b: {  	[hbm4b:s29+s4] =	stream.linear.scatter [tilespmem:s23], [sflag:s20], $0x80, $0x38;
	[tilespmem:$0x11800] =	vst v63  }
0x18c: {  	s6 =	sadd.s32 $0x70, s6;
	s23 =	sadd.s32 $0xA0F8, s2  }
0x18d: {  	[hbm4b:s6+s4] =	stream.linear.scatter [tilespmem:s23], [sflag:s20], $0x80, $0x38;
	[tilespmem:$0x11800] =	vst v63  }
0x18e: {  	s29 =	sadd.s32 $0xA180, s2;
	s6 =	sadd.s32 s22, s9  }
0x18f: {  	[hbm4b:s6+s4] =	stream.linear.scatter [tilespmem:s29], [sflag:s20], $0x80, $0x38;
	[tilespmem:$0x11800] =	vst v63  }
0x190: {  	s23 =	sadd.s32 $0xA208, s2;
	s29 =	sadd.s32 $0x10, s6  }
0x191: {  	[hbm4b:s29+s4] =	stream.linear.scatter [tilespmem:s23], [sflag:s20], $0x80, $0x38;
	[tilespmem:$0x11800] =	vst v63  }
0x192: {  	s23 =	sadd.s32 $0xA290, s2;
	s29 =	sadd.s32 $0x20, s6  }
0x193: {  	[hbm4b:s29+s4] =	stream.linear.scatter [tilespmem:s23], [sflag:s20], $0x80, $0x38;
	[tilespmem:$0x11800] =	vst v63  }
0x194: {  	s23 =	sadd.s32 $0xA318, s2;
	s29 =	sadd.s32 $0x30, s6  }
0x195: {  	[hbm4b:s29+s4] =	stream.linear.scatter [tilespmem:s23], [sflag:s20], $0x80, $0x38;
	[tilespmem:$0x11800] =	vst v63  }
0x196: {  	s23 =	sadd.s32 $0xA3A0, s2;
	s29 =	sadd.s32 $0x40, s6  }
0x197: {  	[hbm4b:s29+s4] =	stream.linear.scatter [tilespmem:s23], [sflag:s20], $0x80, $0x38;
	[tilespmem:$0x11800] =	vst v63  }
0x198: {  	s23 =	sadd.s32 $0xA428, s2;
	s29 =	sadd.s32 $0x50, s6  }
0x199: {  	[hbm4b:s29+s4] =	stream.linear.scatter [tilespmem:s23], [sflag:s20], $0x80, $0x38;
	[tilespmem:$0x11800] =	vst v63  }
0x19a: {  	s23 =	sadd.s32 $0xA4B0, s2;
	s29 =	sadd.s32 $0x60, s6  }
0x19b: {  	[hbm4b:s29+s4] =	stream.linear.scatter [tilespmem:s23], [sflag:s20], $0x80, $0x38;
	[tilespmem:$0x11800] =	vst v63  }
0x19c: {  	s6 =	sadd.s32 $0x70, s6;
	s23 =	sadd.s32 $0xA538, s2  }
0x19d: {  	[hbm4b:s6+s4] =	stream.linear.scatter [tilespmem:s23], [sflag:s20], $0x80, $0x38;
	[tilespmem:$0x11800] =	vst v63  }
0x19e: {  	s29 =	sadd.s32 $0xA5C0, s2;
	s6 =	sadd.s32 s22, s10  }
0x19f: {  	[hbm4b:s6+s4] =	stream.linear.scatter [tilespmem:s29], [sflag:s20], $0x80, $0x38;
	[tilespmem:$0x11800] =	vst v63  }
0x1a0: {  	s23 =	sadd.s32 $0xA648, s2;
	s29 =	sadd.s32 $0x10, s6  }
0x1a1: {  	[hbm4b:s29+s4] =	stream.linear.scatter [tilespmem:s23], [sflag:s20], $0x80, $0x38;
	[tilespmem:$0x11800] =	vst v63  }
0x1a2: {  	s23 =	sadd.s32 $0xA6D0, s2;
	s29 =	sadd.s32 $0x20, s6  }
0x1a3: {  	[hbm4b:s29+s4] =	stream.linear.scatter [tilespmem:s23], [sflag:s20], $0x80, $0x38;
	[tilespmem:$0x11800] =	vst v63  }
0x1a4: {  	s23 =	sadd.s32 $0xA758, s2;
	s29 =	sadd.s32 $0x30, s6  }
0x1a5: {  	[hbm4b:s29+s4] =	stream.linear.scatter [tilespmem:s23], [sflag:s20], $0x80, $0x38;
	[tilespmem:$0x11800] =	vst v63  }
0x1a6: {  	s23 =	sadd.s32 $0xA7E0, s2;
	s29 =	sadd.s32 $0x40, s6  }
0x1a7: {  	[hbm4b:s29+s4] =	stream.linear.scatter [tilespmem:s23], [sflag:s20], $0x80, $0x38;
	[tilespmem:$0x11800] =	vst v63  }
0x1a8: {  	s23 =	sadd.s32 $0xA868, s2;
	s29 =	sadd.s32 $0x50, s6  }
0x1a9: {  	[hbm4b:s29+s4] =	stream.linear.scatter [tilespmem:s23], [sflag:s20], $0x80, $0x38;
	[tilespmem:$0x11800] =	vst v63  }
0x1aa: {  	s23 =	sadd.s32 $0xA8F0, s2;
	s29 =	sadd.s32 $0x60, s6  }
0x1ab: {  	[hbm4b:s29+s4] =	stream.linear.scatter [tilespmem:s23], [sflag:s20], $0x80, $0x38;
	[tilespmem:$0x11800] =	vst v63  }
0x1ac: {  	s6 =	sadd.s32 $0x70, s6;
	s23 =	sadd.s32 $0xA978, s2  }
0x1ad: {  	[hbm4b:s6+s4] =	stream.linear.scatter [tilespmem:s23], [sflag:s20], $0x80, $0x38;
	[tilespmem:$0x11800] =	vst v63  }
0x1ae: {  	s29 =	sadd.s32 $0xAA00, s2;
	s6 =	sadd.s32 s22, s11  }
0x1af: {  	[hbm4b:s6+s4] =	stream.linear.scatter [tilespmem:s29], [sflag:s20], $0x80, $0x38;
	[tilespmem:$0x11800] =	vst v63  }
0x1b0: {  	s23 =	sadd.s32 $0xAA88, s2;
	s29 =	sadd.s32 $0x10, s6  }
0x1b1: {  	[hbm4b:s29+s4] =	stream.linear.scatter [tilespmem:s23], [sflag:s20], $0x80, $0x38;
	[tilespmem:$0x11800] =	vst v63  }
0x1b2: {  	s23 =	sadd.s32 $0xAB10, s2;
	s29 =	sadd.s32 $0x20, s6  }
0x1b3: {  	[hbm4b:s29+s4] =	stream.linear.scatter [tilespmem:s23], [sflag:s20], $0x80, $0x38;
	[tilespmem:$0x11800] =	vst v63  }
0x1b4: {  	s23 =	sadd.s32 $0xAB98, s2;
	s29 =	sadd.s32 $0x30, s6  }
0x1b5: {  	[hbm4b:s29+s4] =	stream.linear.scatter [tilespmem:s23], [sflag:s20], $0x80, $0x38;
	[tilespmem:$0x11800] =	vst v63  }
0x1b6: {  	s23 =	sadd.s32 $0xAC20, s2;
	s29 =	sadd.s32 $0x40, s6  }
0x1b7: {  	[hbm4b:s29+s4] =	stream.linear.scatter [tilespmem:s23], [sflag:s20], $0x80, $0x38;
	[tilespmem:$0x11800] =	vst v63  }
0x1b8: {  	s23 =	sadd.s32 $0xACA8, s2;
	s29 =	sadd.s32 $0x50, s6  }
0x1b9: {  	[hbm4b:s29+s4] =	stream.linear.scatter [tilespmem:s23], [sflag:s20], $0x80, $0x38;
	[tilespmem:$0x11800] =	vst v63  }
0x1ba: {  	s23 =	sadd.s32 $0xAD30, s2;
	s29 =	sadd.s32 $0x60, s6  }
0x1bb: {  	[hbm4b:s29+s4] =	stream.linear.scatter [tilespmem:s23], [sflag:s20], $0x80, $0x38;
	[tilespmem:$0x11800] =	vst v63  }
0x1bc: {  	s6 =	sadd.s32 $0x70, s6;
	s23 =	sadd.s32 $0xADB8, s2  }
0x1bd: {  	[hbm4b:s6+s4] =	stream.linear.scatter [tilespmem:s23], [sflag:s20], $0x80, $0x38;
	[tilespmem:$0x11800] =	vst v63  }
0x1be: {  	s29 =	sadd.s32 $0xAE40, s2;
	s6 =	sadd.s32 s22, s12  }
0x1bf: {  	[hbm4b:s6+s4] =	stream.linear.scatter [tilespmem:s29], [sflag:s20], $0x80, $0x38;
	[tilespmem:$0x11800] =	vst v63  }
0x1c0: {  	s23 =	sadd.s32 $0xAEC8, s2;
	s29 =	sadd.s32 $0x10, s6  }
0x1c1: {  	[hbm4b:s29+s4] =	stream.linear.scatter [tilespmem:s23], [sflag:s20], $0x80, $0x38;
	[tilespmem:$0x11800] =	vst v63  }
0x1c2: {  	s23 =	sadd.s32 $0xAF50, s2;
	s29 =	sadd.s32 $0x20, s6  }
0x1c3: {  	[hbm4b:s29+s4] =	stream.linear.scatter [tilespmem:s23], [sflag:s20], $0x80, $0x38;
	[tilespmem:$0x11800] =	vst v63  }
0x1c4: {  	s23 =	sadd.s32 $0xAFD8, s2;
	s29 =	sadd.s32 $0x30, s6  }
0x1c5: {  	[hbm4b:s29+s4] =	stream.linear.scatter [tilespmem:s23], [sflag:s20], $0x80, $0x38;
	[tilespmem:$0x11800] =	vst v63  }
0x1c6: {  	s23 =	sadd.s32 $0xB060, s2;
	s29 =	sadd.s32 $0x40, s6  }
0x1c7: {  	[hbm4b:s29+s4] =	stream.linear.scatter [tilespmem:s23], [sflag:s20], $0x80, $0x38;
	[tilespmem:$0x11800] =	vst v63  }
0x1c8: {  	s23 =	sadd.s32 $0xB0E8, s2;
	s29 =	sadd.s32 $0x50, s6  }
0x1c9: {  	[hbm4b:s29+s4] =	stream.linear.scatter [tilespmem:s23], [sflag:s20], $0x80, $0x38;
	[tilespmem:$0x11800] =	vst v63  }
0x1ca: {  	s23 =	sadd.s32 $0xB170, s2;
	s29 =	sadd.s32 $0x60, s6  }
0x1cb: {  	[hbm4b:s29+s4] =	stream.linear.scatter [tilespmem:s23], [sflag:s20], $0x80, $0x38;
	[tilespmem:$0x11800] =	vst v63  }
0x1cc: {  	s6 =	sadd.s32 $0x70, s6;
	s23 =	sadd.s32 $0xB1F8, s2  }
0x1cd: {  	[hbm4b:s6+s4] =	stream.linear.scatter [tilespmem:s23], [sflag:s20], $0x80, $0x38;
	[tilespmem:$0x11800] =	vst v63  }
0x1ce: {  	s29 =	sadd.s32 $0xB280, s2;
	s6 =	sadd.s32 s22, s13  }
0x1cf: {  	[hbm4b:s6+s4] =	stream.linear.scatter [tilespmem:s29], [sflag:s20], $0x80, $0x38;
	[tilespmem:$0x11800] =	vst v63  }
0x1d0: {  	s23 =	sadd.s32 $0xB308, s2;
	s29 =	sadd.s32 $0x10, s6  }
0x1d1: {  	[hbm4b:s29+s4] =	stream.linear.scatter [tilespmem:s23], [sflag:s20], $0x80, $0x38;
	[tilespmem:$0x11800] =	vst v63  }
0x1d2: {  	s23 =	sadd.s32 $0xB390, s2;
	s29 =	sadd.s32 $0x20, s6  }
0x1d3: {  	[hbm4b:s29+s4] =	stream.linear.scatter [tilespmem:s23], [sflag:s20], $0x80, $0x38;
	[tilespmem:$0x11800] =	vst v63  }
0x1d4: {  	s23 =	sadd.s32 $0xB418, s2;
	s29 =	sadd.s32 $0x30, s6  }
0x1d5: {  	[hbm4b:s29+s4] =	stream.linear.scatter [tilespmem:s23], [sflag:s20], $0x80, $0x38;
	[tilespmem:$0x11800] =	vst v63  }
0x1d6: {  	s23 =	sadd.s32 $0xB4A0, s2;
	s29 =	sadd.s32 $0x40, s6  }
0x1d7: {  	[hbm4b:s29+s4] =	stream.linear.scatter [tilespmem:s23], [sflag:s20], $0x80, $0x38;
	[tilespmem:$0x11800] =	vst v63  }
0x1d8: {  	s23 =	sadd.s32 $0xB528, s2;
	s29 =	sadd.s32 $0x50, s6  }
0x1d9: {  	[hbm4b:s29+s4] =	stream.linear.scatter [tilespmem:s23], [sflag:s20], $0x80, $0x38;
	[tilespmem:$0x11800] =	vst v63  }
0x1da: {  	s23 =	sadd.s32 $0xB5B0, s2;
	s29 =	sadd.s32 $0x60, s6  }
0x1db: {  	[hbm4b:s29+s4] =	stream.linear.scatter [tilespmem:s23], [sflag:s20], $0x80, $0x38;
	[tilespmem:$0x11800] =	vst v63  }
0x1dc: {  	s6 =	sadd.s32 $0x70, s6;
	s29 =	sadd.s32 $0xB638, s2  }
0x1dd: {  	[hbm4b:s6+s4] =	stream.linear.scatter [tilespmem:s29], [sflag:s20], $0x80, $0x38;
	[tilespmem:$0x11800] =	vst v63  }
0x1de: {  	s23 =	sadd.s32 $0xB6C0, s2;
	s6 =	sadd.s32 s22, s14  }
0x1df: {  	[hbm4b:s6+s4] =	stream.linear.scatter [tilespmem:s23], [sflag:s20], $0x80, $0x38;
	[tilespmem:$0x11800] =	vst v63  }
0x1e0: {  	s29 =	sadd.s32 $0xB748, s2;
	s22 =	sadd.s32 $0x10, s6  }
0x1e1: {  	[hbm4b:s22+s4] =	stream.linear.scatter [tilespmem:s29], [sflag:s20], $0x80, $0x38;
	[tilespmem:$0x11800] =	vst v63  }
0x1e2: {  	s23 =	sadd.s32 $0xB7D0, s2;
	s29 =	sadd.s32 $0x20, s6  }
0x1e3: {  	[hbm4b:s29+s4] =	stream.linear.scatter [tilespmem:s23], [sflag:s20], $0x80, $0x38;
	[tilespmem:$0x11800] =	vst v63  }
0x1e4: {  	s23 =	sadd.s32 $0xB858, s2;
	s29 =	sadd.s32 $0x30, s6  }
0x1e5: {  	[hbm4b:s29+s4] =	stream.linear.scatter [tilespmem:s23], [sflag:s20], $0x80, $0x38;
	[tilespmem:$0x11800] =	vst v63  }
0x1e6: {  	s0 =	sadd.s32 $0x1, s0;
	s23 =	sadd.s32 $0xB8E0, s2;
	s29 =	sadd.s32 $0x40, s6  }
0x1e7: {  	[hbm4b:s29+s4] =	stream.linear.scatter [tilespmem:s23], [sflag:s20], $0x80, $0x38;
	[tilespmem:$0x11800] =	vst v63  }
0x1e8: {  	p0 =	sne.s32 s0, $0x32;
	s23 =	sadd.s32 $0xB968, s2;
	s29 =	sadd.s32 $0x50, s6  }
0x1e9: {  	[hbm4b:s29+s4] =	stream.linear.scatter [tilespmem:s23], [sflag:s20], $0x80, $0x38;
	[tilespmem:$0x11800] =	vst v63  }
.Ltmp4:
0x1ea: {  	_ = 	snop;
	(pc) =	sbr.rel @p0 .LBB2_2-.Ltmp4, $4  }
0x1eb: {  	s22 =	sadd.s32 $0xB9F0, s2;
	s23 =	sadd.s32 $0x60, s6  }
0x1ec: {  	[hbm4b:s23+s4] =	stream.linear.scatter [tilespmem:s22], [sflag:s20], $0x80, $0x38;
	[tilespmem:$0x11800] =	vst v63  }
0x1ed: {  	s31 =	sadd.s32 $0x1, s31;
	s29 =	sadd.s32 $0xBA78, s2;
	s6 =	sadd.s32 $0x70, s6  }
0x1ee: {  	[hbm4b:s6+s4] =	stream.linear.scatter [tilespmem:s29], [sflag:s20], $0x80, $0x38;
	[tilespmem:$0x11800] =	vst v63  }
0x1ef: {  	_ =	swait.ge [sflag:s24], $0x400  }
0x1f0: {  	[sflag:s24] =	ssyncset.done $0x0  }
0x1f1: {  	[sflag:s24] =	ssyncadd.s32 $0xFFFFFC00  }
0x1f2: {  	_ =	swait.ge [sflag:s24], $0x400  }
0x1f3: {  	[sflag:s24] =	ssyncset.done $0x0  }
0x1f4: {  	[sflag:s24] =	ssyncadd.s32 $0xFFFFFC00  }
0x1f5: {  	_ =	swait.ge [sflag:s24], $0x400  }
0x1f6: {  	[sflag:s24] =	ssyncset.done $0x0  }
0x1f7: {  	[sflag:s24] =	ssyncadd.s32 $0xFFFFFC00  }
0x1f8: {  	_ =	swait.ge [sflag:s24], $0x400  }
0x1f9: {  	[sflag:s24] =	ssyncset.done $0x0  }
0x1fa: {  	[sflag:s24] =	ssyncadd.s32 $0xFFFFFC00  }
0x1fb: {  	_ =	swait.ge [sflag:s24], $0x400  }
0x1fc: {  	[sflag:s24] =	ssyncset.done $0x0  }
0x1fd: {  	[sflag:s24] =	ssyncadd.s32 $0xFFFFFC00  }
0x1fe: {  	_ =	swait.ge [sflag:s24], $0x400  }
0x1ff: {  	[sflag:s24] =	ssyncset.done $0x0  }
0x200: {  	[sflag:s24] =	ssyncadd.s32 $0xFFFFFC00  }
0x201: {  	_ =	swait.ge [sflag:s24], $0x400  }
0x202: {  	[sflag:s24] =	ssyncset.done $0x0  }
0x203: {  	[sflag:s24] =	ssyncadd.s32 $0xFFFFFC00  }
0x204: {  	_ =	swait.ge [sflag:s24], $0x400  }
0x205: {  	[sflag:s24] =	ssyncset.done $0x0  }
0x206: {  	[sflag:s24] =	ssyncadd.s32 $0xFFFFFC00  }
0x207: {  	_ =	swait.ge [sflag:s25], $0x400  }
0x208: {  	[sflag:s25] =	ssyncset.done $0x0  }
0x209: {  	[sflag:s25] =	ssyncadd.s32 $0xFFFFFC00  }
0x20a: {  	_ =	swait.ge [sflag:s25], $0x400  }
0x20b: {  	[sflag:s25] =	ssyncset.done $0x0  }
0x20c: {  	[sflag:s25] =	ssyncadd.s32 $0xFFFFFC00  }
0x20d: {  	_ =	swait.ge [sflag:s25], $0x400  }
0x20e: {  	[sflag:s25] =	ssyncset.done $0x0  }
0x20f: {  	[sflag:s25] =	ssyncadd.s32 $0xFFFFFC00  }
0x210: {  	_ =	swait.ge [sflag:s25], $0x400  }
0x211: {  	[sflag:s25] =	ssyncset.done $0x0  }
0x212: {  	[sflag:s25] =	ssyncadd.s32 $0xFFFFFC00  }
0x213: {  	_ =	swait.ge [sflag:s25], $0x400  }
0x214: {  	[sflag:s25] =	ssyncset.done $0x0  }
0x215: {  	[sflag:s25] =	ssyncadd.s32 $0xFFFFFC00  }
0x216: {  	_ =	swait.ge [sflag:s25], $0x400  }
0x217: {  	[sflag:s25] =	ssyncset.done $0x0  }
0x218: {  	[sflag:s25] =	ssyncadd.s32 $0xFFFFFC00  }
0x219: {  	_ =	swait.ge [sflag:s25], $0x400  }
0x21a: {  	[sflag:s25] =	ssyncset.done $0x0  }
0x21b: {  	[sflag:s25] =	ssyncadd.s32 $0xFFFFFC00  }
0x21c: {  	_ =	swait.ge [sflag:s25], $0x400  }
0x21d: {  	[sflag:s25] =	ssyncset.done $0x0  }
0x21e: {  	[sflag:s25] =	ssyncadd.s32 $0xFFFFFC00  }
0x21f: {  	_ =	swait.ge [sflag:s26], $0x400  }
0x220: {  	[sflag:s26] =	ssyncset.done $0x0  }
0x221: {  	[sflag:s26] =	ssyncadd.s32 $0xFFFFFC00  }
0x222: {  	_ =	swait.ge [sflag:s26], $0x400  }
0x223: {  	[sflag:s26] =	ssyncset.done $0x0  }
0x224: {  	[sflag:s26] =	ssyncadd.s32 $0xFFFFFC00  }
0x225: {  	_ =	swait.ge [sflag:s26], $0x400  }
0x226: {  	[sflag:s26] =	ssyncset.done $0x0  }
0x227: {  	[sflag:s26] =	ssyncadd.s32 $0xFFFFFC00  }
0x228: {  	_ =	swait.ge [sflag:s26], $0x400  }
0x229: {  	[sflag:s26] =	ssyncset.done $0x0  }
0x22a: {  	[sflag:s26] =	ssyncadd.s32 $0xFFFFFC00  }
0x22b: {  	_ =	swait.ge [sflag:s26], $0x400  }
0x22c: {  	[sflag:s26] =	ssyncset.done $0x0  }
0x22d: {  	[sflag:s26] =	ssyncadd.s32 $0xFFFFFC00  }
0x22e: {  	_ =	swait.ge [sflag:s26], $0x400  }
0x22f: {  	[sflag:s26] =	ssyncset.done $0x0  }
0x230: {  	[sflag:s26] =	ssyncadd.s32 $0xFFFFFC00  }
0x231: {  	_ =	swait.ge [sflag:s26], $0x400  }
0x232: {  	[sflag:s26] =	ssyncset.done $0x0  }
0x233: {  	[sflag:s26] =	ssyncadd.s32 $0xFFFFFC00  }
0x234: {  	_ =	swait.ge [sflag:s26], $0x400  }
0x235: {  	[sflag:s26] =	ssyncset.done $0x0  }
0x236: {  	[sflag:s26] =	ssyncadd.s32 $0xFFFFFC00  }
0x237: {  	s30 =	sadd.s32 $0x1, s30;
	_ =	swait.ge [sflag:s28], $0x1900  }
0x238: {  	p0 =	sne.s32 s30, s16;
	[sflag:s28] =	ssyncset.done $0x0  }
.Ltmp5:
0x239: {  	s0 =	simm.s32 $0xFF00;
	[sflag:s28] =	ssyncadd.s32 $0xFFFFE700;
	(pc) =	sbr.rel @p0 .LBB2_1-.Ltmp5, $4  }
0x23a: {  	[hbm4b:s15+s17] =	stream.strided.scatter [tilespmem:s0], [sflag:$0x9], $0x1900, s18, s17, $0x38;
	[tilespmem:$0x11800] =	vst v63  }
0x23b: {  	_ =	swait.ge [sflag:s19], $0x1900  }
0x23c: {  	[sflag:s19] =	ssyncset.done $0x0  }
0x23d: {  	[sflag:s19] =	ssyncadd.s32 $0xFFFFE700  }
0x23e: {  	_ =	sfence.sel $0x180000  }
0x23f: {  	[bflag:$0x0] =	sbarrier.arrive $0xFFFF  }
0x240: {  	_ =	strace $0x9000004A  }
0x241: {  	s0 =	stileid.u32;
	[bflag:$0x2] =	sbarrier.arrive $0xFFFF  }
0x242: {  	p0 =	sne.s32 s0, $0x0;
	s0 =	rddreg [dreg:$0x4]  }
0x243: {  	s0 =	sadd.s32 @!p0 $0x100000, s0  }
0x244: {  	[sflag:s0] =	ssyncadd.tile.s32 @!p0 $0x1;
	_ =	shalt  }
.Lfunc_end2:
_tile_overlayer_lowered:
.L_overlay_start_2:
0x245: {  	(tag) =	ssettag $0x2  }
0x246: {  	s0 =	rddreg [dreg:$0x0];
	s2 =	stileid.u32  }
0x247: {  	s1 =	rddreg [dreg:$0x1];
	p0 =	sne.s32 s2, $0x0  }
0x248: {  	s3 =	rddreg [dreg:$0x2];
	[bflag:$0x3] =	sbarrier.arrive $0xFFFF;
	s2 =	simm.s32 @!p0 $0x1C09  }
0x249: {  	[timem:s3], [sflag:s2] =	dma.local @!p0 [hbm:s0], s1  }
0x24a: {  	s0 =	simm.s32 @!p0 $0x9  }
0x24b: {  	_ =	swait.ge @!p0 [sflag:s0], s1  }
0x24c: {  	s1 =	ssub.s32 @!p0 $0x0, s1;
	[sflag:s0] =	ssyncset.done @!p0 $0x0  }
0x24d: {  	[sflag:s0] =	ssyncadd.s32 @!p0 s1  }
0x24e: {  	[bflag:$0x3] =	sbarrier.arrive $0xFFFF  }
0x24f: {  	_ =	shalt  }

// kernel: _glove_sc.7.cloned.1.call-start
scs
__scs_entry_jumppad:
0x0: {  	(pc) =	sbr.rel $0x88, $3  }
0x1: {  	(tag) =	ssettag $0x0;
	lr =	simm.s32 $0x1  }
0x2: {  	[smem:$0x3F9B] =	sst lr;
	_ =	strace $0xD0000000  }
0x3: {  	_ = 	snop  }
0x4: {  	_ = 	snop  }
0x5: {  	_ = 	snop  }
0x6: {  	_ = 	snop  }
0x7: {  	_ = 	snop  }
__scs_overlays_trampoline_lowered:
0x8: {  	[smem:$0x3FAA] =	sst s0  }
0x9: {  	[smem:$0x3FAB] =	sst s1  }
0xa: {  	[smem:$0x3FAC] =	sst s2  }
0xb: {  	[smem:$0x3FAD] =	sst s3  }
0xc: {  	[smem:$0x3FAE] =	sst s4  }
0xd: {  	[smem:$0x3FAF] =	sst s5  }
0xe: {  	[smem:$0x3FB0] =	sst s6  }
0xf: {  	[smem:$0x3FB1] =	sst s7  }
0x10: {  	[smem:$0x3FB2] =	sst s8  }
0x11: {  	[smem:$0x3FB3] =	sst s9;
	s0 =	simm.s32 @!p0 $0x0  }
0x12: {  	s1 =	sld [smem:$0x3F99];
	s0 =	simm.s32 @p0 $0x1  }
0x13: {  	[smem:$0x3FB4] =	sst s0;
	s0 =	simm.s32 @!p1 $0x0  }
0x14: {  	s2 =	sld [smem:$0x3F98];
	s0 =	simm.s32 @p1 $0x1  }
0x15: {  	[smem:$0x3FB5] =	sst s0;
	s0 =	simm.s32 @!p2 $0x0  }
0x16: {  	s3 =	sld [smem:$0x3FDB];
	s0 =	simm.s32 @p2 $0x1  }
0x17: {  	s4 =	simm.s32 $0x1BF5;
	[smem:$0x3FB7] =	sst s0  }
0x18: {  	s0 =	sld [smem:$0x3F9A];
	_ =	swait.ge [sflag:s4], $0x0  }
0x19: {  	s7 =	sld [smem:$0x3F9B]  }
0x1a: {  	s8 =	sadd.s32 $0xFFFFE003, lr  }
0x1b: {  	s9 =	sadd.s32 $0xFFFFFEF7, lr;
	s5 =	simm.s32 $0xFFFFFFFF;
	p2 =	slt.u32 s8, $0xFFFFF086  }
0x1c: {  	p1 =	slt.u32 s9, $0xF7A;
	s5 =	simm.s32 @!p2 $0x0  }
0x1d: {  	s5 =	simm.s32 @p1 $0x1;
	p0 =	seq.s32 s7, s2  }
0x1e: {  	s7 =	smul.u32 @!p0 $0xF7A, s2;
	p2 =	seq.s32 @!p0 s5, $0x0  }
0x1f: {  	s9 =	smul.u32 $0xF7A, s1;
	s8 =	simm.s32 @!p0 $0x1BF5;
	p2 =	por !p2, p0  }
0x20: {  	[sflag:s8] =	ssyncset.s32 @!p0 $0xFFFFF086;
	s6 =	sadd.s32 @!p0 s3, s7;
	s7 =	simm.s32 @!p0 $0x108  }
0x21: {  	s3 =	sadd.s32 s3, s9;
	s6 =	sadd.s32 @!p0 $0x88, s6;
	s7 =	simm.s32 @p2 $0x1082  }
0x22: {  	[simem:s7], [sflag:s8] =	dma.local @!p0 [hbm:s6], $0xF7A  }
0x23: {  	s9 =	sor.u32 $0xD0000000, s2;
	s6 =	simm.s32 $0x108;
	_ =	swait.ge @!p0 [sflag:s8], $0x0  }
0x24: {  	s3 =	sadd.s32 $0x88, s3;
	s6 =	simm.s32 @!p1 $0x1082;
	[sflag:s4] =	ssyncset.s32 $0xFFFFF086  }
0x25: {  	[simem:s6], [sflag:s4] =	dma.local [hbm:s3], $0xF7A  }
0x26: {  	[smem:$0x3F9B] =	sst s1;
	(tag) =	ssettag s2;
	_ =	strace s9  }
0x27: {  	s1 =	sld [smem:$0x3FAB]  }
0x28: {  	s2 =	sld [smem:$0x3FAC]  }
0x29: {  	s4 =	sld [smem:$0x3FAE]  }
0x2a: {  	p0 =	seq.s32 s5, $0x0;
	s5 =	sld [smem:$0x3FAF]  }
0x2b: {  	s6 =	sld [smem:$0x3FB0]  }
0x2c: {  	s7 =	sld [smem:$0x3FB1]  }
0x2d: {  	s3 =	simm.s32 $0x108;
	s8 =	sld [smem:$0x3FB2]  }
0x2e: {  	s3 =	simm.s32 @!p0 $0x1082;
	s9 =	sld [smem:$0x3FB3]  }
0x2f: {  	lr =	sadd.s32 s0, s3;
	s0 =	sld [smem:$0x3FAA]  }
0x30: {  	s3 =	sld [smem:$0x3FAD]  }
0x31: {  	[smem:$0x3FB6] =	sst s10  }
0x32: {  	s10 =	sld [smem:$0x3FB4];
	_ =	sdelay $0x3  }
0x33: {  	p0 =	seq.s32 s10, $0x1;
	s10 =	sld [smem:$0x3FB6];
	_ =	sdelay $0x3  }
0x34: {  	[smem:$0x3FB6] =	sst s10  }
0x35: {  	s10 =	sld [smem:$0x3FB5];
	_ =	sdelay $0x3  }
0x36: {  	p1 =	seq.s32 s10, $0x1;
	s10 =	sld [smem:$0x3FB6];
	_ =	sdelay $0x3  }
0x37: {  	[smem:$0x3FB6] =	sst s10  }
0x38: {  	s10 =	sld [smem:$0x3FB7]  }
0x39: {  	_ = 	snop;
	(pc) =	sbr.ind lr, $3  }
0x3a: {  	_ = 	snop  }
0x3b: {  	_ = 	snop  }
0x3c: {  	p2 =	seq.s32 s10, $0x1;
	s10 =	sld [smem:$0x3FB6]  }
0x3d: {  	_ =	shalt  }
0x3e: {  	_ =	shalt  }
0x3f: {  	_ =	shalt  }
0x40: {  	_ =	shalt  }
0x41: {  	_ =	shalt  }
0x42: {  	_ =	shalt  }
0x43: {  	_ =	shalt  }
0x44: {  	_ =	shalt  }
0x45: {  	_ =	shalt  }
0x46: {  	_ =	shalt  }
0x47: {  	_ =	shalt  }
0x48: {  	_ =	shalt  }
0x49: {  	_ =	shalt  }
0x4a: {  	_ =	shalt  }
0x4b: {  	_ =	shalt  }
0x4c: {  	_ =	shalt  }
0x4d: {  	_ =	shalt  }
0x4e: {  	_ =	shalt  }
0x4f: {  	_ =	shalt  }
0x50: {  	_ =	shalt  }
0x51: {  	_ =	shalt  }
0x52: {  	_ =	shalt  }
0x53: {  	_ =	shalt  }
0x54: {  	_ =	shalt  }
0x55: {  	_ =	shalt  }
0x56: {  	_ =	shalt  }
0x57: {  	_ =	shalt  }
0x58: {  	_ =	shalt  }
0x59: {  	_ =	shalt  }
0x5a: {  	_ =	shalt  }
0x5b: {  	_ =	shalt  }
0x5c: {  	_ =	shalt  }
0x5d: {  	_ =	shalt  }
0x5e: {  	_ =	shalt  }
0x5f: {  	_ =	shalt  }
0x60: {  	_ =	shalt  }
0x61: {  	_ =	shalt  }
0x62: {  	_ =	shalt  }
0x63: {  	_ =	shalt  }
0x64: {  	_ =	shalt  }
0x65: {  	_ =	shalt  }
0x66: {  	_ =	shalt  }
0x67: {  	_ =	shalt  }
0x68: {  	_ =	shalt  }
0x69: {  	_ =	shalt  }
0x6a: {  	_ =	shalt  }
0x6b: {  	_ =	shalt  }
0x6c: {  	_ =	shalt  }
0x6d: {  	_ =	shalt  }
0x6e: {  	_ =	shalt  }
0x6f: {  	_ =	shalt  }
0x70: {  	_ =	shalt  }
0x71: {  	_ =	shalt  }
0x72: {  	_ =	shalt  }
0x73: {  	_ =	shalt  }
0x74: {  	_ =	shalt  }
0x75: {  	_ =	shalt  }
0x76: {  	_ =	shalt  }
0x77: {  	_ =	shalt  }
0x78: {  	_ =	shalt  }
0x79: {  	_ =	shalt  }
0x7a: {  	_ =	shalt  }
0x7b: {  	_ =	shalt  }
0x7c: {  	_ =	shalt  }
0x7d: {  	_ =	shalt  }
0x7e: {  	_ =	shalt  }
0x7f: {  	_ =	shalt  }
0x80: {  	_ =	shalt  }
0x81: {  	_ =	shalt  }
0x82: {  	_ =	shalt  }
0x83: {  	_ =	shalt  }
0x84: {  	_ =	shalt  }
0x85: {  	_ =	shalt  }
0x86: {  	_ =	shalt  }
0x87: {  	_ =	shalt  }
.Lfunc_end0:
.L_simem_size_0:
called_computation.1_lowered:
.L_overlay_start_0:
0x88: {  	s2 =	sld [smem:$0x3FD9]  }
0x89: {  	s3 =	sld [smem:$0x3FFE];
	_ =	sdelay $0x1  }
0x8a: {  	s1 =	srdreg.scid  }
0x8b: {  	s0 =	sand.u32 $0x1, s1  }
0x8c: {  	s14 =	sshll.u32 s0, $0xA;
	s2 =	sadd.s32 s3, s2  }
0x8d: {  	s2 =	sadd.s32 s2, s14  }
0x8e: {  	[smem:$0x3FC2] =	sst s2  }
0x8f: {  	_ = 	snop  }
0x90: {  	s2 =	sld [smem:$0x3FD0];
	_ =	sdelay $0x2  }
0x91: {  	s4 =	simm.s32 $0xB;
	s5 =	simm.s32 $0x10;
	s15 =	sld [smem:$0x3FC4]  }
0x92: {  	[smem:s5], [sflag:s4] =	dma.local [hbm:s2], $0x1  }
0x93: {  	_ =	swait.eq [sflag:s4], $0x1  }
0x94: {  	[sflag:s4] =	ssyncset.done $0x0  }
0x95: {  	s16 =	sld [smem:$0x12];
	[sflag:s4] =	ssyncadd.s32 $0xFFFFFFFF  }
0x96: {  	s17 =	sld [smem:$0x13];
	(tm) =	ssettm $0x1  }
0x97: {  	s18 =	sld [smem:$0x3FFB];
	_ =	sdelay $0x3  }
0x98: {  	_ =	strace s18  }
0x99: {  	s5 =	sld [smem:$0x3FFC];
	_ =	sdelay $0x3  }
0x9a: {  	_ =	strace s5  }
0x9b: {  	s5 =	sld [smem:$0x3FFD];
	_ =	sdelay $0x3  }
0x9c: {  	_ =	strace s5  }
0x9d: {  	_ =	strace $0x8FFFFFFF  }
0x9e: {  	s19 =	sld [smem:$0x3FDB];
	_ =	sdelay $0x1  }
0x9f: {  	s6 =	simm.s32 $_scs_section_size  }
0xa0: {  	s7 =	simm.s32 $_size__tile_overlayer_lowered;
	s8 =	simm.s32 $_tile_overlayer_lowered  }
0xa1: {  	s22 =	simm.s32 $0x1BFF;
	s21 =	sshll.u32 s8, $0x1;
	s5 =	sadd.s32 s6, s19  }
0xa2: {  	s9 =	simm.s32 $0x0;
	s20 =	sshll.u32 s7, $0x1;
	s7 =	sadd.s32 s21, s5  }
0xa3: {  	[timem:s9], [sflag:s22] =	dma.local [hbm:s7], s20  }
0xa4: {  	_ =	swait.ge [sflag:s22], s20  }
0xa5: {  	s6 =	ssub.s32 $0x0, s20;
	[sflag:s22] =	ssyncset.done $0x0  }
0xa6: {  	[sflag:s22] =	ssyncadd.s32 s6;
	_ =	sdelay $0x1  }
0xa7: {  	s23 =	simm.s32 $0x1B8B  }
0xa8: {  	_ =	swait.ge [sflag:s23], $0x1  }
0xa9: {  	[sflag:s23] =	ssyncset.done $0x0  }
0xaa: {  	s25 =	simm.s32 $0x1B8E;
	s24 =	sld [smem:$0x3FFE];
	[sflag:s23] =	ssyncadd.s32 $0xFFFFFFFF  }
0xab: {  	s26 =	simm.s32 $execute0_lowered;
	[smem:$0x3FD2] =	sst s25  }
0xac: {  	s7 =	sshll.u32 s26, $0x1;
	_ =	strace $0x80000046;
	[dreg:$0x1] =	wrdreg $0xFFFFFFFF  }
0xad: {  	s28 =	simm.s32 $_size_execute0_lowered;
	s5 =	sadd.s32 s5, s7;
	[dreg:$0x0] =	wrdreg $0x0  }
0xae: {  	s7 =	sshll.u32 s28, $0x1;
	[dreg:$0x2] =	wrdreg s5  }
0xaf: {  	[dreg:$0x3] =	wrdreg s7  }
0xb0: {  	[dreg:$0x4] =	wrdreg $0xC0  }
0xb1: {  	_ =	task [dreg:s9], $0x5FFFF  }
0xb2: {  	[dreg:$0x1] =	wrdreg $0xFFFFFFFF  }
0xb3: {  	[dreg:$0x0] =	wrdreg $0x60  }
0xb4: {  	[dreg:$0x2] =	wrdreg s17  }
0xb5: {  	[dreg:$0x3] =	wrdreg s24  }
0xb6: {  	[dreg:$0x4] =	wrdreg s15  }
0xb7: {  	[dreg:$0x5] =	wrdreg s16  }
0xb8: {  	[dreg:$0x6] =	wrdreg $0xA  }
0xb9: {  	_ =	task.clear_ibuf [dreg:s9], $0x7FFFF;
	_ =	strace $0x90000046  }
0xba: {  	s29 =	simm.s32 $0xA;
	_ =	strace $0x80000048  }
0xbb: {  	_ =	swait.ge [sflag:s29], $0x1  }
0xbc: {  	[sflag:s29] =	ssyncadd.s32 $0xFFFFFFFF  }
0xbd: {  	_ =	strace $0x90000048  }
0xbe: {  	_ =	sfence  }
0xbf: {  	s30 =	sld [smem:$0x0];
	_ =	sdelay $0x2  }
0xc0: {  	s31 =	sshll.u32 s1, $0xD;
	s1 =	sshrl.u32 s1, $0x2  }
0xc1: {  	s3 =	sand.u32 $0x4000, s31;
	s1 =	sadd.s32 s1, s30  }
0xc2: {  	s0 =	sor.u32 s3, s0;
	s1 =	sshll.u32 s1, $0x11  }
0xc3: {  	s0 =	sor.u32 s1, s0  }
0xc4: {  	s0 =	sadd.s32 $0x8F2B, s0  }
0xc5: {  	[sflag:s0] =	ssyncadd.remote.s32 $0x1  }
0xc6: {  	_ =	sfence.sel $0xFFFF  }
0xc7: {  	[dreg:$0x0] =	wrdreg $0xFFFFFFFF;
	(pc) =	sbr.abs _section_cstart, $3  }
0xc8: {  	[dreg:$0x1] =	wrdreg $0xFFFFFFFF  }
0xc9: {  	_ =	task.clear_ibuf [dreg:s9], $0x2FFFF;
	_ =	strace $0x9FFFFFFF  }
0xca: {  	(tm) =	ssettm $0x7FFFFFFF  }
0xcb: {  	_ =	shalt  }
tec
execute0_lowered:
.L_overlay_start_1:
0x0: {  	(tag) =	ssettag $0x1  }
0x1: {  	s0 =	rddreg [dreg:$0x0]  }
0x2: {  	s2 =	rddreg [dreg:$0x1];
	v0 =	vlaneseq.u32  }
0x3: {  	s1 =	rddreg [dreg:$0x2];
	v0 =	vmul.u32 $0x88, v0  }
0x4: {  	s3 =	rddreg [dreg:$0x3];
	s5 =	srdreg.scid;
	v1 =	vimm.s32 $0x0;
	vm0 =	vcmask $0x300  }
0x5: {  	s6 =	stileid.u32;
	s4 =	simm.s32 $0x0;
	s17 =	simm.s32 $0x80;
	v1 =	vsel vm0, $0x3, v1;
	v2 =	vadd.s32 $0x880, v0  }
0x6: {  	s18 =	simm.s32 $0x1000;
	s19 =	simm.s32 $0x9;
	s24 =	simm.s32 $0x5;
	v3 =	vadd.s32 $0x1100, v0;
	v4 =	vadd.s32 $0x1980, v0;
	v5 =	vor.u32 $0x1, v0  }
0x7: {  	s25 =	simm.s32 $0x6;
	s26 =	simm.s32 $0x7;
	s28 =	simm.s32 $0x8;
	v6 =	vadd.s32 $0x881, v0;
	v7 =	vadd.s32 $0x1101, v0;
	v8 =	vadd.s32 $0x1981, v0  }
0x8: {  	s30 =	simm.s32 $0x0;
	s5 =	sand.u32 $0x1, s5;
	s6 =	sshll.u32 s6, $0x1;
	v9 =	vor.u32 $0x2, v0;
	v10 =	vadd.s32 $0x882, v0;
	v11 =	vadd.s32 $0x1102, v0  }
0x9: {  	[smem:$0x7FF] =	sst s4;
	s10 =	sadd.s32 $0x3000, s3;
	s11 =	sadd.s32 $0x4000, s3;
	v12 =	vadd.s32 $0x1982, v0;
	v13 =	vor.u32 $0x3, v0;
	v14 =	vadd.s32 $0x883, v0  }
0xa: {  	s12 =	sadd.s32 $0x5000, s3;
	s13 =	sadd.s32 $0x6000, s3;
	s14 =	sadd.s32 $0x7000, s3;
	v15 =	vadd.s32 $0x1103, v0;
	v16 =	vadd.s32 $0x1983, v0;
	v17 =	vor.u32 $0x4, v0  }
0xb: {  	s7 =	sor.u32 s5, s6;
	s31 =	ssub.s32 $0x2, s5;
	_ =	strace $0x80000047;
	v18 =	vadd.s32 $0x884, v0;
	v19 =	vadd.s32 $0x1104, v0;
	v20 =	vadd.s32 $0x1984, v0  }
0xc: {  	s5 =	sadd.s32 $0x2E00, s2;
	s8 =	sshll.u32 s7, $0x4;
	s9 =	sshrl.u32 s31, $0x1;
	v21 =	vor.u32 $0x5, v0;
	v22 =	vadd.s32 $0x885, v0;
	v23 =	vadd.s32 $0x1105, v0  }
0xd: {  	s7 =	sshll.u32 s7, $0x7;
	v24 =	vadd.s32 $0x1985, v0;
	v25 =	vor.u32 $0x6, v0;
	v26 =	vadd.s32 $0x886, v0;
	s2 =	sadd.s32 s8, s2;
	s16 =	ssub.s32 s31, s9  }
0xe: {  	v27 =	vadd.s32 $0x1106, v0;
	v28 =	vadd.s32 $0x1986, v0;
	v29 =	vor.u32 $0x7, v0;
	s0 =	sadd.s32 s0, s8;
	s8 =	sadd.s32 $0x1000, s3;
	s9 =	sadd.s32 $0x2000, s3  }
0xf: {  	v30 =	vadd.s32 $0x887, v0;
	v31 =	vadd.s32 $0x1107, v0;
	v32 =	vadd.s32 $0x1987, v0;
	[dreg:$0x5] =	wrdreg s0;
	s15 =	sadd.s32 $0xC6400, s2;
	s16 =	smax.u32 s16, $0x1  }
.LBB2_1:
0x10: {  	s0 =	rddreg [dreg:$0x5]  }
0x11: {  	[tilespmem:s4], [sflag:$0x9] =	stream.strided.gather [hbm4b:s0+s17], $0x1900, s18, s17, $0x38;
	[tilespmem:$0x11800] =	vst v63  }
0x12: {  	_ =	swait.ge [sflag:s19], $0x1900  }
0x13: {  	[sflag:s19] =	ssyncset.done $0x0  }
0x14: {  	s22 =	simm.s32 $0x1900;
	[sflag:s19] =	ssyncadd.s32 $0xFFFFE700  }
0x15: {  	[tilespmem:s22], [sflag:$0x1] =	stream.indirect.gather [hbm4b:s5+s17], $0x40, s4, s17, $0xb8;
	[tilespmem:$0x11800] =	vst v63  }
0x16: {  	s23 =	simm.s32 $0x3900;
	s29 =	simm.s32 $0x100  }
0x17: {  	[tilespmem:s23], [sflag:$0x2] =	stream.indirect.gather [hbm4b:s5+s17], $0x40, s17, s17, $0xb8;
	[tilespmem:$0x11800] =	vst v63  }
0x18: {  	s2 =	simm.s32 $0x5900;
	s31 =	simm.s32 $0x0;
	s0 =	simm.s32 $0x0  }
0x19: {  	[tilespmem:s2], [sflag:$0x3] =	stream.indirect.gather [hbm4b:s5+s17], $0x40, s29, s17, $0xb8;
	[tilespmem:$0x11800] =	vst v63  }
.LBB2_2:
0x1a: {  	s2 =	smul.u32 $0xAB, s0;
	_ =	sdelay $0x1  }
0x1b: {  	p0 =	slt.u32 s0, $0x2F;
	s2 =	sshrl.u32 s2, $0x9  }
.Ltmp0:
0x1c: {  	s20 =	sand.u32 $0x3, s0;
	s2 =	sand.u32 $0x7F, s2;
	(pc) =	sbr.rel @!p0 .LBB2_3-.Ltmp0, $4  }
0x1d: {  	s21 =	sadd.s32 $0x1, s20;
	s2 =	smul.u32 $0x3, s2  }
0x1e: {  	_ =	swait.ge [sflag:s21], $0x2000  }
0x1f: {  	[sflag:s21] =	ssyncset.done $0x0;
	s2 =	ssub.s32 s0, s2  }
0x20: {  	[sflag:s21] =	ssyncadd.s32 $0xFFFFE000;
	s20 =	sand.u32 $0xFF, s2  }
0x21: {  	s2 =	sadd.s32 $0x3, s0;
	s23 =	sshll.u32 s0, $0x7  }
0x22: {  	p0 =	slt.u32 s0, $0x3;
	s21 =	sand.u32 $0x3, s2;
	s2 =	sshll.u32 s2, $0x7  }
.Ltmp1:
0x23: {  	s22 =	sshll.u32 s21, $0xD;
	s2 =	sand.u32 $0x3FFFFF80, s2;
	(pc) =	sbr.rel @p0 .LBB2_6-.Ltmp1, $4  }
.Ltmp2:
0x24: {  	s21 =	sadd.s32 $0x1, s21;
	s22 =	sor.u32 $0x1900, s22;
	(pc) =	sbr.rel @!p0 .LBB2_5-.Ltmp2, $4  }
0x25: {  	[tilespmem:s22], [sflag:s21] =	stream.indirect.gather [hbm4b:s5+s17], $0x40, s2, s17, $0xb8;
	[tilespmem:$0x11800] =	vst v63  }
0x26: {  	s29 =	sadd.s32 $0xFF00, s23  }
0x27: {  	[tilespmem:s29], [sflag:$0x8] =	stream.indirect.gather [hbm4b:s1+s17], $0x1, s23, s17, $0xb8;
	[tilespmem:$0x11800] =	vst v63  }
0x28: {  	_ = 	snop  }
.LBB2_3:
0x29: {  	s2 =	sshll.u32 s0, $0x7  }
0x2a: {  	s21 =	sadd.s32 $0xFF00, s2  }
0x2b: {  	[tilespmem:s21], [sflag:$0x8] =	stream.indirect.gather [hbm4b:s1+s17], $0x1, s2, s17, $0xb8;
	[tilespmem:$0x11800] =	vst v63  }
.LBB2_5:
0x2c: {  	s2 =	sadd.s32 $0x5, s20  }
0x2d: {  	_ =	swait.ge [sflag:s2], $0x400  }
0x2e: {  	[sflag:s2] =	ssyncset.done $0x0  }
0x2f: {  	[sflag:s2] =	ssyncadd.s32 $0xFFFFFC00  }
0x30: {  	_ =	swait.ge [sflag:s2], $0x400  }
0x31: {  	[sflag:s2] =	ssyncset.done $0x0  }
0x32: {  	[sflag:s2] =	ssyncadd.s32 $0xFFFFFC00  }
0x33: {  	_ =	swait.ge [sflag:s2], $0x400  }
0x34: {  	[sflag:s2] =	ssyncset.done $0x0  }
0x35: {  	[sflag:s2] =	ssyncadd.s32 $0xFFFFFC00  }
0x36: {  	_ =	swait.ge [sflag:s2], $0x400  }
0x37: {  	[sflag:s2] =	ssyncset.done $0x0  }
0x38: {  	[sflag:s2] =	ssyncadd.s32 $0xFFFFFC00  }
0x39: {  	_ =	swait.ge [sflag:s2], $0x400  }
0x3a: {  	[sflag:s2] =	ssyncset.done $0x0  }
0x3b: {  	[sflag:s2] =	ssyncadd.s32 $0xFFFFFC00  }
0x3c: {  	_ =	swait.ge [sflag:s2], $0x400  }
0x3d: {  	[sflag:s2] =	ssyncset.done $0x0  }
0x3e: {  	[sflag:s2] =	ssyncadd.s32 $0xFFFFFC00  }
0x3f: {  	_ =	swait.ge [sflag:s2], $0x400  }
0x40: {  	[sflag:s2] =	ssyncset.done $0x0  }
0x41: {  	[sflag:s2] =	ssyncadd.s32 $0xFFFFFC00  }
0x42: {  	_ =	swait.ge [sflag:s2], $0x400  }
0x43: {  	[sflag:s2] =	ssyncset.done $0x0  }
0x44: {  	[sflag:s2] =	ssyncadd.s32 $0xFFFFFC00  }
.LBB2_6:
0x45: {  	s2 =	simm.s32 $0x0  }
0x46: {  	v33 =	vmov s2  }
0x47: {  	v33 =	vshrl.u32 v33, $0x3  }
0x48: {  	s22 =	sand.u32 $0x3, s31;
	v33 =	vshll.u32 v33, v1  }
0x49: {  	s2 =	sshll.u32 s22, $0xD;
	v33 =	vbroadcast v33, $0x0  }
0x4a: {  	s22 =	sor.u32 $0x1A00, s2  }
0x4b: {  	v34 =	vld [tilespmem:s22+$0xFFFFFF00];
	v35 =	vadd.s32 v0, v33  }
0x4c: {  	s23 =	smul.u32 $0x8800, s20;
	_ =	sdelay $0x1  }
0x4d: {  	s2 =	sshrl.u32 s23, $0x2  }
0x4e: {  	s21 =	sadd.s32 $0x9900, s2  }
0x4f: {  	[tilespmem:v35+s21+$0x0] =	vst.idx.msk $0xffff, v34  }
0x50: {  	v56 =	vadd.s32 v2, v33;
	v34 =	vld [tilespmem:s22+$0xFFFFFF10];
	_ =	sdelay $0x4  }
0x51: {  	[tilespmem:v56+s21+$0x0] =	vst.idx.msk $0xffff, v34  }
0x52: {  	v57 =	vadd.s32 v3, v33;
	v34 =	vld [tilespmem:s22+$0xFFFFFF20];
	_ =	sdelay $0x4  }
0x53: {  	[tilespmem:v57+s21+$0x0] =	vst.idx.msk $0xffff, v34  }
0x54: {  	s23 =	simm.s32 $0x1;
	v33 =	vadd.s32 v4, v33;
	v34 =	vld [tilespmem:s22+$0xFFFFFF30]  }
0x55: {  	v58 =	vmov s23  }
0x56: {  	v35 =	vshrl.u32 v58, $0x3  }
0x57: {  	v35 =	vshll.u32 v35, v1  }
0x58: {  	v35 =	vbroadcast v35, $0x0  }
0x59: {  	[tilespmem:v33+s21+$0x0] =	vst.idx.msk $0xffff, v34  }
0x5a: {  	v59 =	vadd.s32 v5, v35;
	v33 =	vld [tilespmem:s22+$0xFFFFFF40];
	_ =	sdelay $0x4  }
0x5b: {  	[tilespmem:v59+s21+$0x0] =	vst.idx.msk $0xffff, v33  }
0x5c: {  	v60 =	vadd.s32 v6, v35;
	v33 =	vld [tilespmem:s22+$0xFFFFFF50];
	_ =	sdelay $0x4  }
0x5d: {  	[tilespmem:v60+s21+$0x0] =	vst.idx.msk $0xffff, v33  }
0x5e: {  	v61 =	vadd.s32 v7, v35;
	v33 =	vld [tilespmem:s22+$0xFFFFFF60];
	_ =	sdelay $0x4  }
0x5f: {  	[tilespmem:v61+s21+$0x0] =	vst.idx.msk $0xffff, v33  }
0x60: {  	s6 =	simm.s32 $0x2;
	v62 =	vadd.s32 v8, v35;
	v33 =	vld [tilespmem:s22+$0xFFFFFF70]  }
0x61: {  	v63 =	vmov s6  }
0x62: {  	v35 =	vshrl.u32 v63, $0x3  }
0x63: {  	v35 =	vshll.u32 v35, v1  }
0x64: {  	v35 =	vbroadcast v35, $0x0  }
0x65: {  	[tilespmem:v62+s21+$0x0] =	vst.idx.msk $0xffff, v33  }
0x66: {  	v36 =	vadd.s32 v9, v35;
	v33 =	vld [tilespmem:s22+$0xFFFFFF80];
	_ =	sdelay $0x4  }
0x67: {  	[tilespmem:v36+s21+$0x0] =	vst.idx.msk $0xffff, v33  }
0x68: {  	v37 =	vadd.s32 v10, v35;
	v33 =	vld [tilespmem:s22+$0xFFFFFF90];
	_ =	sdelay $0x4  }
0x69: {  	[tilespmem:v37+s21+$0x0] =	vst.idx.msk $0xffff, v33  }
0x6a: {  	v38 =	vadd.s32 v11, v35;
	v33 =	vld [tilespmem:s22+$0xFFFFFFA0];
	_ =	sdelay $0x4  }
0x6b: {  	[tilespmem:v38+s21+$0x0] =	vst.idx.msk $0xffff, v33  }
0x6c: {  	s6 =	simm.s32 $0x3;
	v39 =	vadd.s32 v12, v35;
	v33 =	vld [tilespmem:s22+$0xFFFFFFB0]  }
0x6d: {  	v40 =	vmov s6  }
0x6e: {  	v35 =	vshrl.u32 v40, $0x3  }
0x6f: {  	v35 =	vshll.u32 v35, v1  }
0x70: {  	v35 =	vbroadcast v35, $0x0  }
0x71: {  	[tilespmem:v39+s21+$0x0] =	vst.idx.msk $0xffff, v33  }
0x72: {  	v41 =	vadd.s32 v13, v35;
	v33 =	vld [tilespmem:s22+$0xFFFFFFC0];
	_ =	sdelay $0x4  }
0x73: {  	[tilespmem:v41+s21+$0x0] =	vst.idx.msk $0xffff, v33  }
0x74: {  	v42 =	vadd.s32 v14, v35;
	v33 =	vld [tilespmem:s22+$0xFFFFFFD0];
	_ =	sdelay $0x4  }
0x75: {  	[tilespmem:v42+s21+$0x0] =	vst.idx.msk $0xffff, v33  }
0x76: {  	v43 =	vadd.s32 v15, v35;
	v33 =	vld [tilespmem:s22+$0xFFFFFFE0];
	_ =	sdelay $0x4  }
0x77: {  	[tilespmem:v43+s21+$0x0] =	vst.idx.msk $0xffff, v33  }
0x78: {  	s6 =	simm.s32 $0x4;
	v44 =	vadd.s32 v16, v35;
	v33 =	vld [tilespmem:s22+$0xFFFFFFF0]  }
0x79: {  	v45 =	vmov s6  }
0x7a: {  	v35 =	vshrl.u32 v45, $0x3  }
0x7b: {  	v35 =	vshll.u32 v35, v1  }
0x7c: {  	v35 =	vbroadcast v35, $0x0  }
0x7d: {  	[tilespmem:v44+s21+$0x0] =	vst.idx.msk $0xffff, v33  }
0x7e: {  	v46 =	vadd.s32 v17, v35;
	v33 =	vld [tilespmem:s22+$0x0];
	_ =	sdelay $0x4  }
0x7f: {  	[tilespmem:v46+s21+$0x0] =	vst.idx.msk $0xffff, v33  }
0x80: {  	v47 =	vadd.s32 v18, v35;
	v33 =	vld [tilespmem:s22+$0x10];
	_ =	sdelay $0x4  }
0x81: {  	[tilespmem:v47+s21+$0x0] =	vst.idx.msk $0xffff, v33  }
0x82: {  	v48 =	vadd.s32 v19, v35;
	v33 =	vld [tilespmem:s22+$0x20];
	_ =	sdelay $0x4  }
0x83: {  	[tilespmem:v48+s21+$0x0] =	vst.idx.msk $0xffff, v33  }
0x84: {  	s6 =	simm.s32 $0x5;
	v49 =	vadd.s32 v20, v35;
	v33 =	vld [tilespmem:s22+$0x30]  }
0x85: {  	v50 =	vmov s6  }
0x86: {  	v35 =	vshrl.u32 v50, $0x3  }
0x87: {  	v35 =	vshll.u32 v35, v1  }
0x88: {  	v35 =	vbroadcast v35, $0x0  }
0x89: {  	[tilespmem:v49+s21+$0x0] =	vst.idx.msk $0xffff, v33  }
0x8a: {  	v51 =	vadd.s32 v21, v35;
	v33 =	vld [tilespmem:s22+$0x40];
	_ =	sdelay $0x4  }
0x8b: {  	[tilespmem:v51+s21+$0x0] =	vst.idx.msk $0xffff, v33  }
0x8c: {  	v52 =	vadd.s32 v22, v35;
	v33 =	vld [tilespmem:s22+$0x50];
	_ =	sdelay $0x4  }
0x8d: {  	[tilespmem:v52+s21+$0x0] =	vst.idx.msk $0xffff, v33  }
0x8e: {  	v53 =	vadd.s32 v23, v35;
	v33 =	vld [tilespmem:s22+$0x60];
	_ =	sdelay $0x4  }
0x8f: {  	[tilespmem:v53+s21+$0x0] =	vst.idx.msk $0xffff, v33  }
0x90: {  	s6 =	simm.s32 $0x6;
	v54 =	vadd.s32 v24, v35;
	v33 =	vld [tilespmem:s22+$0x70]  }
0x91: {  	v55 =	vmov s6  }
0x92: {  	v35 =	vshrl.u32 v55, $0x3  }
0x93: {  	v35 =	vshll.u32 v35, v1  }
0x94: {  	v35 =	vbroadcast v35, $0x0  }
0x95: {  	[tilespmem:v54+s21+$0x0] =	vst.idx.msk $0xffff, v33  }
0x96: {  	v56 =	vadd.s32 v25, v35;
	v33 =	vld [tilespmem:s22+$0x80];
	_ =	sdelay $0x4  }
0x97: {  	[tilespmem:v56+s21+$0x0] =	vst.idx.msk $0xffff, v33  }
0x98: {  	v57 =	vadd.s32 v26, v35;
	v33 =	vld [tilespmem:s22+$0x90];
	_ =	sdelay $0x4  }
0x99: {  	[tilespmem:v57+s21+$0x0] =	vst.idx.msk $0xffff, v33  }
0x9a: {  	v58 =	vadd.s32 v27, v35;
	v33 =	vld [tilespmem:s22+$0xA0];
	_ =	sdelay $0x4  }
0x9b: {  	[tilespmem:v58+s21+$0x0] =	vst.idx.msk $0xffff, v33  }
0x9c: {  	s6 =	simm.s32 $0x7;
	v59 =	vadd.s32 v28, v35;
	v33 =	vld [tilespmem:s22+$0xB0]  }
0x9d: {  	v60 =	vmov s6  }
0x9e: {  	v35 =	vshrl.u32 v60, $0x3  }
0x9f: {  	v35 =	vshll.u32 v35, v1  }
0xa0: {  	v35 =	vbroadcast v35, $0x0  }
0xa1: {  	[tilespmem:v59+s21+$0x0] =	vst.idx.msk $0xffff, v33  }
0xa2: {  	v61 =	vadd.s32 v29, v35;
	v33 =	vld [tilespmem:s22+$0xC0];
	_ =	sdelay $0x4  }
0xa3: {  	[tilespmem:v61+s21+$0x0] =	vst.idx.msk $0xffff, v33  }
0xa4: {  	v62 =	vadd.s32 v30, v35;
	v33 =	vld [tilespmem:s22+$0xD0];
	_ =	sdelay $0x4  }
0xa5: {  	[tilespmem:v62+s21+$0x0] =	vst.idx.msk $0xffff, v33  }
0xa6: {  	v63 =	vadd.s32 v31, v35;
	v33 =	vld [tilespmem:s22+$0xE0];
	_ =	sdelay $0x4  }
0xa7: {  	[tilespmem:v63+s21+$0x0] =	vst.idx.msk $0xffff, v33  }
0xa8: {  	s23 =	simm.s32 $0x8;
	v34 =	vadd.s32 v32, v35;
	v33 =	vld [tilespmem:s22+$0xF0]  }
0xa9: {  	s29 =	simm.s32 $0x10;
	v35 =	vmov s23  }
.LBB2_7:
0xaa: {  	p0 =	slt.u32 s29, $0x78;
	v35 =	vshrl.u32 v35, $0x3  }
0xab: {  	v35 =	vshll.u32 v35, v1  }
0xac: {  	v35 =	vbroadcast v35, $0x0  }
0xad: {  	s22 =	sadd.s32 $0x200, s22;
	[tilespmem:v34+s21+$0x0] =	vst.idx.msk $0xffff, v33  }
0xae: {  	v33 =	vld [tilespmem:s22+$0xFFFFFF00];
	v34 =	vadd.s32 v0, v35;
	_ =	sdelay $0x4  }
0xaf: {  	[tilespmem:v34+s21+$0x0] =	vst.idx.msk $0xffff, v33  }
0xb0: {  	v34 =	vadd.s32 v2, v35;
	v33 =	vld [tilespmem:s22+$0xFFFFFF10];
	_ =	sdelay $0x4  }
0xb1: {  	[tilespmem:v34+s21+$0x0] =	vst.idx.msk $0xffff, v33  }
0xb2: {  	v34 =	vadd.s32 v3, v35;
	v33 =	vld [tilespmem:s22+$0xFFFFFF20];
	_ =	sdelay $0x4  }
0xb3: {  	[tilespmem:v34+s21+$0x0] =	vst.idx.msk $0xffff, v33  }
0xb4: {  	s6 =	sadd.s32 $0x1, s23;
	v34 =	vadd.s32 v4, v35;
	v33 =	vld [tilespmem:s22+$0xFFFFFF30]  }
0xb5: {  	v35 =	vmov s6  }
0xb6: {  	v35 =	vshrl.u32 v35, $0x3  }
0xb7: {  	v35 =	vshll.u32 v35, v1  }
0xb8: {  	v35 =	vbroadcast v35, $0x0  }
0xb9: {  	[tilespmem:v34+s21+$0x0] =	vst.idx.msk $0xffff, v33  }
0xba: {  	v34 =	vadd.s32 v5, v35;
	v33 =	vld [tilespmem:s22+$0xFFFFFF40];
	_ =	sdelay $0x4  }
0xbb: {  	[tilespmem:v34+s21+$0x0] =	vst.idx.msk $0xffff, v33  }
0xbc: {  	v34 =	vadd.s32 v6, v35;
	v33 =	vld [tilespmem:s22+$0xFFFFFF50];
	_ =	sdelay $0x4  }
0xbd: {  	[tilespmem:v34+s21+$0x0] =	vst.idx.msk $0xffff, v33  }
0xbe: {  	v34 =	vadd.s32 v7, v35;
	v33 =	vld [tilespmem:s22+$0xFFFFFF60];
	_ =	sdelay $0x4  }
0xbf: {  	[tilespmem:v34+s21+$0x0] =	vst.idx.msk $0xffff, v33  }
0xc0: {  	s6 =	sadd.s32 $0x2, s23;
	v34 =	vadd.s32 v8, v35;
	v33 =	vld [tilespmem:s22+$0xFFFFFF70]  }
0xc1: {  	v35 =	vmov s6  }
0xc2: {  	v35 =	vshrl.u32 v35, $0x3  }
0xc3: {  	v35 =	vshll.u32 v35, v1  }
0xc4: {  	v35 =	vbroadcast v35, $0x0  }
0xc5: {  	[tilespmem:v34+s21+$0x0] =	vst.idx.msk $0xffff, v33  }
0xc6: {  	v34 =	vadd.s32 v9, v35;
	v33 =	vld [tilespmem:s22+$0xFFFFFF80];
	_ =	sdelay $0x4  }
0xc7: {  	[tilespmem:v34+s21+$0x0] =	vst.idx.msk $0xffff, v33  }
0xc8: {  	v34 =	vadd.s32 v10, v35;
	v33 =	vld [tilespmem:s22+$0xFFFFFF90];
	_ =	sdelay $0x4  }
0xc9: {  	[tilespmem:v34+s21+$0x0] =	vst.idx.msk $0xffff, v33  }
0xca: {  	v34 =	vadd.s32 v11, v35;
	v33 =	vld [tilespmem:s22+$0xFFFFFFA0];
	_ =	sdelay $0x4  }
0xcb: {  	[tilespmem:v34+s21+$0x0] =	vst.idx.msk $0xffff, v33  }
0xcc: {  	s6 =	sadd.s32 $0x3, s23;
	v34 =	vadd.s32 v12, v35;
	v33 =	vld [tilespmem:s22+$0xFFFFFFB0]  }
0xcd: {  	v35 =	vmov s6  }
0xce: {  	v35 =	vshrl.u32 v35, $0x3  }
0xcf: {  	v35 =	vshll.u32 v35, v1  }
0xd0: {  	v35 =	vbroadcast v35, $0x0  }
0xd1: {  	[tilespmem:v34+s21+$0x0] =	vst.idx.msk $0xffff, v33  }
0xd2: {  	v34 =	vadd.s32 v13, v35;
	v33 =	vld [tilespmem:s22+$0xFFFFFFC0];
	_ =	sdelay $0x4  }
0xd3: {  	[tilespmem:v34+s21+$0x0] =	vst.idx.msk $0xffff, v33  }
0xd4: {  	v34 =	vadd.s32 v14, v35;
	v33 =	vld [tilespmem:s22+$0xFFFFFFD0];
	_ =	sdelay $0x4  }
0xd5: {  	[tilespmem:v34+s21+$0x0] =	vst.idx.msk $0xffff, v33  }
0xd6: {  	v34 =	vadd.s32 v15, v35;
	v33 =	vld [tilespmem:s22+$0xFFFFFFE0];
	_ =	sdelay $0x4  }
0xd7: {  	[tilespmem:v34+s21+$0x0] =	vst.idx.msk $0xffff, v33  }
0xd8: {  	s6 =	sadd.s32 $0x4, s23;
	v34 =	vadd.s32 v16, v35;
	v33 =	vld [tilespmem:s22+$0xFFFFFFF0]  }
0xd9: {  	v35 =	vmov s6  }
0xda: {  	v35 =	vshrl.u32 v35, $0x3  }
0xdb: {  	v35 =	vshll.u32 v35, v1  }
0xdc: {  	v35 =	vbroadcast v35, $0x0  }
0xdd: {  	[tilespmem:v34+s21+$0x0] =	vst.idx.msk $0xffff, v33  }
0xde: {  	v34 =	vadd.s32 v17, v35;
	v33 =	vld [tilespmem:s22+$0x0];
	_ =	sdelay $0x4  }
0xdf: {  	[tilespmem:v34+s21+$0x0] =	vst.idx.msk $0xffff, v33  }
0xe0: {  	v34 =	vadd.s32 v18, v35;
	v33 =	vld [tilespmem:s22+$0x10];
	_ =	sdelay $0x4  }
0xe1: {  	[tilespmem:v34+s21+$0x0] =	vst.idx.msk $0xffff, v33  }
0xe2: {  	v34 =	vadd.s32 v19, v35;
	v33 =	vld [tilespmem:s22+$0x20];
	_ =	sdelay $0x4  }
0xe3: {  	[tilespmem:v34+s21+$0x0] =	vst.idx.msk $0xffff, v33  }
0xe4: {  	s6 =	sadd.s32 $0x5, s23;
	v34 =	vadd.s32 v20, v35;
	v33 =	vld [tilespmem:s22+$0x30]  }
0xe5: {  	v35 =	vmov s6  }
0xe6: {  	v35 =	vshrl.u32 v35, $0x3  }
0xe7: {  	v35 =	vshll.u32 v35, v1  }
0xe8: {  	v35 =	vbroadcast v35, $0x0  }
0xe9: {  	[tilespmem:v34+s21+$0x0] =	vst.idx.msk $0xffff, v33  }
0xea: {  	v34 =	vadd.s32 v21, v35;
	v33 =	vld [tilespmem:s22+$0x40];
	_ =	sdelay $0x4  }
0xeb: {  	[tilespmem:v34+s21+$0x0] =	vst.idx.msk $0xffff, v33  }
0xec: {  	v34 =	vadd.s32 v22, v35;
	v33 =	vld [tilespmem:s22+$0x50];
	_ =	sdelay $0x4  }
0xed: {  	[tilespmem:v34+s21+$0x0] =	vst.idx.msk $0xffff, v33  }
0xee: {  	v34 =	vadd.s32 v23, v35;
	v33 =	vld [tilespmem:s22+$0x60];
	_ =	sdelay $0x4  }
0xef: {  	[tilespmem:v34+s21+$0x0] =	vst.idx.msk $0xffff, v33  }
0xf0: {  	s6 =	sadd.s32 $0x6, s23;
	v34 =	vadd.s32 v24, v35;
	v33 =	vld [tilespmem:s22+$0x70]  }
0xf1: {  	v35 =	vmov s6  }
0xf2: {  	v35 =	vshrl.u32 v35, $0x3  }
0xf3: {  	v35 =	vshll.u32 v35, v1  }
0xf4: {  	v35 =	vbroadcast v35, $0x0  }
0xf5: {  	[tilespmem:v34+s21+$0x0] =	vst.idx.msk $0xffff, v33  }
0xf6: {  	v34 =	vadd.s32 v25, v35;
	v33 =	vld [tilespmem:s22+$0x80];
	_ =	sdelay $0x4  }
0xf7: {  	[tilespmem:v34+s21+$0x0] =	vst.idx.msk $0xffff, v33  }
0xf8: {  	v34 =	vadd.s32 v26, v35;
	v33 =	vld [tilespmem:s22+$0x90];
	_ =	sdelay $0x4  }
0xf9: {  	[tilespmem:v34+s21+$0x0] =	vst.idx.msk $0xffff, v33  }
0xfa: {  	v34 =	vadd.s32 v27, v35;
	v33 =	vld [tilespmem:s22+$0xA0];
	_ =	sdelay $0x4  }
0xfb: {  	[tilespmem:v34+s21+$0x0] =	vst.idx.msk $0xffff, v33  }
0xfc: {  	s6 =	sadd.s32 $0x7, s23;
	s23 =	smov.u32 s29;
	v34 =	vadd.s32 v28, v35;
	v33 =	vld [tilespmem:s22+$0xB0]  }
0xfd: {  	v35 =	vmov s6  }
0xfe: {  	v35 =	vshrl.u32 v35, $0x3  }
0xff: {  	v35 =	vshll.u32 v35, v1  }
0x100: {  	v35 =	vbroadcast v35, $0x0  }
0x101: {  	[tilespmem:v34+s21+$0x0] =	vst.idx.msk $0xffff, v33  }
0x102: {  	v34 =	vadd.s32 v29, v35;
	v33 =	vld [tilespmem:s22+$0xC0];
	_ =	sdelay $0x4  }
0x103: {  	[tilespmem:v34+s21+$0x0] =	vst.idx.msk $0xffff, v33  }
0x104: {  	v34 =	vadd.s32 v30, v35;
	v33 =	vld [tilespmem:s22+$0xD0];
	_ =	sdelay $0x4  }
0x105: {  	[tilespmem:v34+s21+$0x0] =	vst.idx.msk $0xffff, v33  }
0x106: {  	v34 =	vadd.s32 v31, v35;
	v33 =	vld [tilespmem:s22+$0xE0];
	_ =	sdelay $0x2  }
.Ltmp3:
0x107: {  	(pc) =	sbr.rel @p0 .LBB2_7-.Ltmp3, $4  }
0x108: {  	_ = 	snop  }
0x109: {  	[tilespmem:v34+s21+$0x0] =	vst.idx.msk $0xffff, v33  }
0x10a: {  	v34 =	vadd.s32 v32, v35;
	v33 =	vld [tilespmem:s22+$0xF0]  }
0x10b: {  	s29 =	sadd.s32 $0x8, s29;
	v35 =	vmov s23  }
0x10c: {  	_ = 	snop  }
0x10d: {  	v35 =	vshrl.u32 v35, $0x3  }
0x10e: {  	v35 =	vshll.u32 v35, v1  }
0x10f: {  	v35 =	vbroadcast v35, $0x0  }
0x110: {  	s22 =	sadd.s32 $0x200, s22;
	[tilespmem:v34+s21+$0x0] =	vst.idx.msk $0xffff, v33  }
0x111: {  	v33 =	vld [tilespmem:s22+$0xFFFFFF00];
	v53 =	vadd.s32 v0, v35;
	_ =	sdelay $0x4  }
0x112: {  	[tilespmem:v53+s21+$0x0] =	vst.idx.msk $0xffff, v33  }
0x113: {  	v54 =	vadd.s32 v2, v35;
	v33 =	vld [tilespmem:s22+$0xFFFFFF10];
	_ =	sdelay $0x4  }
0x114: {  	[tilespmem:v54+s21+$0x0] =	vst.idx.msk $0xffff, v33  }
0x115: {  	v55 =	vadd.s32 v3, v35;
	v33 =	vld [tilespmem:s22+$0xFFFFFF20];
	_ =	sdelay $0x4  }
0x116: {  	[tilespmem:v55+s21+$0x0] =	vst.idx.msk $0xffff, v33  }
0x117: {  	s6 =	sadd.s32 $0x1, s23;
	v56 =	vadd.s32 v4, v35;
	v33 =	vld [tilespmem:s22+$0xFFFFFF30]  }
0x118: {  	v57 =	vmov s6  }
0x119: {  	v35 =	vshrl.u32 v57, $0x3  }
0x11a: {  	v35 =	vshll.u32 v35, v1  }
0x11b: {  	v35 =	vbroadcast v35, $0x0  }
0x11c: {  	[tilespmem:v56+s21+$0x0] =	vst.idx.msk $0xffff, v33  }
0x11d: {  	v58 =	vadd.s32 v5, v35;
	v33 =	vld [tilespmem:s22+$0xFFFFFF40];
	_ =	sdelay $0x4  }
0x11e: {  	[tilespmem:v58+s21+$0x0] =	vst.idx.msk $0xffff, v33  }
0x11f: {  	v59 =	vadd.s32 v6, v35;
	v33 =	vld [tilespmem:s22+$0xFFFFFF50];
	_ =	sdelay $0x4  }
0x120: {  	[tilespmem:v59+s21+$0x0] =	vst.idx.msk $0xffff, v33  }
0x121: {  	v60 =	vadd.s32 v7, v35;
	v33 =	vld [tilespmem:s22+$0xFFFFFF60];
	_ =	sdelay $0x4  }
0x122: {  	[tilespmem:v60+s21+$0x0] =	vst.idx.msk $0xffff, v33  }
0x123: {  	s29 =	sadd.s32 $0x2, s23;
	v61 =	vadd.s32 v8, v35;
	v33 =	vld [tilespmem:s22+$0xFFFFFF70]  }
0x124: {  	v62 =	vmov s29  }
0x125: {  	v35 =	vshrl.u32 v62, $0x3  }
0x126: {  	v35 =	vshll.u32 v35, v1  }
0x127: {  	v35 =	vbroadcast v35, $0x0  }
0x128: {  	[tilespmem:v61+s21+$0x0] =	vst.idx.msk $0xffff, v33  }
0x129: {  	v63 =	vadd.s32 v9, v35;
	v33 =	vld [tilespmem:s22+$0xFFFFFF80];
	_ =	sdelay $0x4  }
0x12a: {  	[tilespmem:v63+s21+$0x0] =	vst.idx.msk $0xffff, v33  }
0x12b: {  	v36 =	vadd.s32 v10, v35;
	v33 =	vld [tilespmem:s22+$0xFFFFFF90];
	_ =	sdelay $0x4  }
0x12c: {  	[tilespmem:v36+s21+$0x0] =	vst.idx.msk $0xffff, v33  }
0x12d: {  	v37 =	vadd.s32 v11, v35;
	v33 =	vld [tilespmem:s22+$0xFFFFFFA0];
	_ =	sdelay $0x4  }
0x12e: {  	[tilespmem:v37+s21+$0x0] =	vst.idx.msk $0xffff, v33  }
0x12f: {  	s29 =	sadd.s32 $0x3, s23;
	v38 =	vadd.s32 v12, v35;
	v33 =	vld [tilespmem:s22+$0xFFFFFFB0]  }
0x130: {  	v39 =	vmov s29  }
0x131: {  	v35 =	vshrl.u32 v39, $0x3  }
0x132: {  	v35 =	vshll.u32 v35, v1  }
0x133: {  	v35 =	vbroadcast v35, $0x0  }
0x134: {  	[tilespmem:v38+s21+$0x0] =	vst.idx.msk $0xffff, v33  }
0x135: {  	v40 =	vadd.s32 v13, v35;
	v33 =	vld [tilespmem:s22+$0xFFFFFFC0];
	_ =	sdelay $0x4  }
0x136: {  	[tilespmem:v40+s21+$0x0] =	vst.idx.msk $0xffff, v33  }
0x137: {  	v41 =	vadd.s32 v14, v35;
	v33 =	vld [tilespmem:s22+$0xFFFFFFD0];
	_ =	sdelay $0x4  }
0x138: {  	[tilespmem:v41+s21+$0x0] =	vst.idx.msk $0xffff, v33  }
0x139: {  	v42 =	vadd.s32 v15, v35;
	v33 =	vld [tilespmem:s22+$0xFFFFFFE0];
	_ =	sdelay $0x4  }
0x13a: {  	[tilespmem:v42+s21+$0x0] =	vst.idx.msk $0xffff, v33  }
0x13b: {  	s29 =	sadd.s32 $0x4, s23;
	v43 =	vadd.s32 v16, v35;
	v33 =	vld [tilespmem:s22+$0xFFFFFFF0]  }
0x13c: {  	v44 =	vmov s29  }
0x13d: {  	v35 =	vshrl.u32 v44, $0x3  }
0x13e: {  	v35 =	vshll.u32 v35, v1  }
0x13f: {  	v35 =	vbroadcast v35, $0x0  }
0x140: {  	[tilespmem:v43+s21+$0x0] =	vst.idx.msk $0xffff, v33  }
0x141: {  	v45 =	vadd.s32 v17, v35;
	v33 =	vld [tilespmem:s22+$0x0];
	_ =	sdelay $0x4  }
0x142: {  	[tilespmem:v45+s21+$0x0] =	vst.idx.msk $0xffff, v33  }
0x143: {  	v46 =	vadd.s32 v18, v35;
	v33 =	vld [tilespmem:s22+$0x10];
	_ =	sdelay $0x4  }
0x144: {  	[tilespmem:v46+s21+$0x0] =	vst.idx.msk $0xffff, v33  }
0x145: {  	v47 =	vadd.s32 v19, v35;
	v33 =	vld [tilespmem:s22+$0x20];
	_ =	sdelay $0x4  }
0x146: {  	[tilespmem:v47+s21+$0x0] =	vst.idx.msk $0xffff, v33  }
0x147: {  	s29 =	sadd.s32 $0x5, s23;
	v48 =	vadd.s32 v20, v35;
	v33 =	vld [tilespmem:s22+$0x30]  }
0x148: {  	v49 =	vmov s29  }
0x149: {  	v35 =	vshrl.u32 v49, $0x3  }
0x14a: {  	v35 =	vshll.u32 v35, v1  }
0x14b: {  	v35 =	vbroadcast v35, $0x0  }
0x14c: {  	[tilespmem:v48+s21+$0x0] =	vst.idx.msk $0xffff, v33  }
0x14d: {  	v50 =	vadd.s32 v21, v35;
	v33 =	vld [tilespmem:s22+$0x40];
	_ =	sdelay $0x4  }
0x14e: {  	[tilespmem:v50+s21+$0x0] =	vst.idx.msk $0xffff, v33  }
0x14f: {  	v51 =	vadd.s32 v22, v35;
	v33 =	vld [tilespmem:s22+$0x50];
	_ =	sdelay $0x4  }
0x150: {  	[tilespmem:v51+s21+$0x0] =	vst.idx.msk $0xffff, v33  }
0x151: {  	v52 =	vadd.s32 v23, v35;
	v33 =	vld [tilespmem:s22+$0x60];
	_ =	sdelay $0x4  }
0x152: {  	[tilespmem:v52+s21+$0x0] =	vst.idx.msk $0xffff, v33  }
0x153: {  	s29 =	sadd.s32 $0x6, s23;
	v53 =	vadd.s32 v24, v35;
	v33 =	vld [tilespmem:s22+$0x70]  }
0x154: {  	v54 =	vmov s29  }
0x155: {  	v35 =	vshrl.u32 v54, $0x3  }
0x156: {  	v35 =	vshll.u32 v35, v1  }
0x157: {  	v35 =	vbroadcast v35, $0x0  }
0x158: {  	[tilespmem:v53+s21+$0x0] =	vst.idx.msk $0xffff, v33  }
0x159: {  	v55 =	vadd.s32 v25, v35;
	v33 =	vld [tilespmem:s22+$0x80];
	_ =	sdelay $0x4  }
0x15a: {  	[tilespmem:v55+s21+$0x0] =	vst.idx.msk $0xffff, v33  }
0x15b: {  	v56 =	vadd.s32 v26, v35;
	v33 =	vld [tilespmem:s22+$0x90];
	_ =	sdelay $0x4  }
0x15c: {  	[tilespmem:v56+s21+$0x0] =	vst.idx.msk $0xffff, v33  }
0x15d: {  	v57 =	vadd.s32 v27, v35;
	v33 =	vld [tilespmem:s22+$0xA0];
	_ =	sdelay $0x4  }
0x15e: {  	[tilespmem:v57+s21+$0x0] =	vst.idx.msk $0xffff, v33  }
0x15f: {  	s29 =	sadd.s32 $0x7, s23;
	v58 =	vadd.s32 v28, v35;
	v33 =	vld [tilespmem:s22+$0xB0]  }
0x160: {  	v59 =	vmov s29  }
0x161: {  	v35 =	vshrl.u32 v59, $0x3  }
0x162: {  	v35 =	vshll.u32 v35, v1  }
0x163: {  	v35 =	vbroadcast v35, $0x0  }
0x164: {  	[tilespmem:v58+s21+$0x0] =	vst.idx.msk $0xffff, v33  }
0x165: {  	v60 =	vadd.s32 v29, v35;
	v33 =	vld [tilespmem:s22+$0xC0];
	_ =	sdelay $0x4  }
0x166: {  	[tilespmem:v60+s21+$0x0] =	vst.idx.msk $0xffff, v33  }
0x167: {  	v61 =	vadd.s32 v30, v35;
	v33 =	vld [tilespmem:s22+$0xD0];
	_ =	sdelay $0x4  }
0x168: {  	[tilespmem:v61+s21+$0x0] =	vst.idx.msk $0xffff, v33  }
0x169: {  	v62 =	vadd.s32 v31, v35;
	v33 =	vld [tilespmem:s22+$0xE0];
	_ =	sdelay $0x4  }
0x16a: {  	[tilespmem:v62+s21+$0x0] =	vst.idx.msk $0xffff, v33  }
0x16b: {  	v63 =	vadd.s32 v32, v35;
	v33 =	vld [tilespmem:s22+$0xF0];
	_ =	sdelay $0x2  }
0x16c: {  	s22 =	sshll.u32 s0, $0xF  }
0x16d: {  	s22 =	sor.u32 s7, s22  }
0x16e: {  	s20 =	sadd.s32 $0x5, s20;
	s6 =	sadd.s32 s3, s22;
	[tilespmem:v63+s21+$0x0] =	vst.idx.msk $0xffff, v33  }
0x16f: {  	[hbm4b:s6+s4] =	stream.linear.scatter [tilespmem:s21], [sflag:s20], $0x80, $0x38;
	[tilespmem:$0x11800] =	vst v63  }
0x170: {  	s23 =	sadd.s32 $0x9988, s2;
	s29 =	sadd.s32 $0x10, s6  }
0x171: {  	[hbm4b:s29+s4] =	stream.linear.scatter [tilespmem:s23], [sflag:s20], $0x80, $0x38;
	[tilespmem:$0x11800] =	vst v63  }
0x172: {  	s23 =	sadd.s32 $0x9A10, s2;
	s29 =	sadd.s32 $0x20, s6  }
0x173: {  	[hbm4b:s29+s4] =	stream.linear.scatter [tilespmem:s23], [sflag:s20], $0x80, $0x38;
	[tilespmem:$0x11800] =	vst v63  }
0x174: {  	s23 =	sadd.s32 $0x9A98, s2;
	s29 =	sadd.s32 $0x30, s6  }
0x175: {  	[hbm4b:s29+s4] =	stream.linear.scatter [tilespmem:s23], [sflag:s20], $0x80, $0x38;
	[tilespmem:$0x11800] =	vst v63  }
0x176: {  	s23 =	sadd.s32 $0x9B20, s2;
	s29 =	sadd.s32 $0x40, s6  }
0x177: {  	[hbm4b:s29+s4] =	stream.linear.scatter [tilespmem:s23], [sflag:s20], $0x80, $0x38;
	[tilespmem:$0x11800] =	vst v63  }
0x178: {  	s23 =	sadd.s32 $0x9BA8, s2;
	s29 =	sadd.s32 $0x50, s6  }
0x179: {  	[hbm4b:s29+s4] =	stream.linear.scatter [tilespmem:s23], [sflag:s20], $0x80, $0x38;
	[tilespmem:$0x11800] =	vst v63  }
0x17a: {  	s23 =	sadd.s32 $0x9C30, s2;
	s29 =	sadd.s32 $0x60, s6  }
0x17b: {  	[hbm4b:s29+s4] =	stream.linear.scatter [tilespmem:s23], [sflag:s20], $0x80, $0x38;
	[tilespmem:$0x11800] =	vst v63  }
0x17c: {  	s6 =	sadd.s32 $0x70, s6;
	s23 =	sadd.s32 $0x9CB8, s2  }
0x17d: {  	[hbm4b:s6+s4] =	stream.linear.scatter [tilespmem:s23], [sflag:s20], $0x80, $0x38;
	[tilespmem:$0x11800] =	vst v63  }
0x17e: {  	s29 =	sadd.s32 $0x9D40, s2;
	s6 =	sadd.s32 s22, s8  }
0x17f: {  	[hbm4b:s6+s4] =	stream.linear.scatter [tilespmem:s29], [sflag:s20], $0x80, $0x38;
	[tilespmem:$0x11800] =	vst v63  }
0x180: {  	s23 =	sadd.s32 $0x9DC8, s2;
	s29 =	sadd.s32 $0x10, s6  }
0x181: {  	[hbm4b:s29+s4] =	stream.linear.scatter [tilespmem:s23], [sflag:s20], $0x80, $0x38;
	[tilespmem:$0x11800] =	vst v63  }
0x182: {  	s23 =	sadd.s32 $0x9E50, s2;
	s29 =	sadd.s32 $0x20, s6  }
0x183: {  	[hbm4b:s29+s4] =	stream.linear.scatter [tilespmem:s23], [sflag:s20], $0x80, $0x38;
	[tilespmem:$0x11800] =	vst v63  }
0x184: {  	s23 =	sadd.s32 $0x9ED8, s2;
	s29 =	sadd.s32 $0x30, s6  }
0x185: {  	[hbm4b:s29+s4] =	stream.linear.scatter [tilespmem:s23], [sflag:s20], $0x80, $0x38;
	[tilespmem:$0x11800] =	vst v63  }
0x186: {  	s23 =	sadd.s32 $0x9F60, s2;
	s29 =	sadd.s32 $0x40, s6  }
0x187: {  	[hbm4b:s29+s4] =	stream.linear.scatter [tilespmem:s23], [sflag:s20], $0x80, $0x38;
	[tilespmem:$0x11800] =	vst v63  }
0x188: {  	s23 =	sadd.s32 $0x9FE8, s2;
	s29 =	sadd.s32 $0x50, s6  }
0x189: {  	[hbm4b:s29+s4] =	stream.linear.scatter [tilespmem:s23], [sflag:s20], $0x80, $0x38;
	[tilespmem:$0x11800] =	vst v63  }
0x18a: {  	s23 =	sadd.s32 $0xA070, s2;
	s29 =	sadd.s32 $0x60, s6  }
0x18b: {  	[hbm4b:s29+s4] =	stream.linear.scatter [tilespmem:s23], [sflag:s20], $0x80, $0x38;
	[tilespmem:$0x11800] =	vst v63  }
0x18c: {  	s6 =	sadd.s32 $0x70, s6;
	s23 =	sadd.s32 $0xA0F8, s2  }
0x18d: {  	[hbm4b:s6+s4] =	stream.linear.scatter [tilespmem:s23], [sflag:s20], $0x80, $0x38;
	[tilespmem:$0x11800] =	vst v63  }
0x18e: {  	s29 =	sadd.s32 $0xA180, s2;
	s6 =	sadd.s32 s22, s9  }
0x18f: {  	[hbm4b:s6+s4] =	stream.linear.scatter [tilespmem:s29], [sflag:s20], $0x80, $0x38;
	[tilespmem:$0x11800] =	vst v63  }
0x190: {  	s23 =	sadd.s32 $0xA208, s2;
	s29 =	sadd.s32 $0x10, s6  }
0x191: {  	[hbm4b:s29+s4] =	stream.linear.scatter [tilespmem:s23], [sflag:s20], $0x80, $0x38;
	[tilespmem:$0x11800] =	vst v63  }
0x192: {  	s23 =	sadd.s32 $0xA290, s2;
	s29 =	sadd.s32 $0x20, s6  }
0x193: {  	[hbm4b:s29+s4] =	stream.linear.scatter [tilespmem:s23], [sflag:s20], $0x80, $0x38;
	[tilespmem:$0x11800] =	vst v63  }
0x194: {  	s23 =	sadd.s32 $0xA318, s2;
	s29 =	sadd.s32 $0x30, s6  }
0x195: {  	[hbm4b:s29+s4] =	stream.linear.scatter [tilespmem:s23], [sflag:s20], $0x80, $0x38;
	[tilespmem:$0x11800] =	vst v63  }
0x196: {  	s23 =	sadd.s32 $0xA3A0, s2;
	s29 =	sadd.s32 $0x40, s6  }
0x197: {  	[hbm4b:s29+s4] =	stream.linear.scatter [tilespmem:s23], [sflag:s20], $0x80, $0x38;
	[tilespmem:$0x11800] =	vst v63  }
0x198: {  	s23 =	sadd.s32 $0xA428, s2;
	s29 =	sadd.s32 $0x50, s6  }
0x199: {  	[hbm4b:s29+s4] =	stream.linear.scatter [tilespmem:s23], [sflag:s20], $0x80, $0x38;
	[tilespmem:$0x11800] =	vst v63  }
0x19a: {  	s23 =	sadd.s32 $0xA4B0, s2;
	s29 =	sadd.s32 $0x60, s6  }
0x19b: {  	[hbm4b:s29+s4] =	stream.linear.scatter [tilespmem:s23], [sflag:s20], $0x80, $0x38;
	[tilespmem:$0x11800] =	vst v63  }
0x19c: {  	s6 =	sadd.s32 $0x70, s6;
	s23 =	sadd.s32 $0xA538, s2  }
0x19d: {  	[hbm4b:s6+s4] =	stream.linear.scatter [tilespmem:s23], [sflag:s20], $0x80, $0x38;
	[tilespmem:$0x11800] =	vst v63  }
0x19e: {  	s29 =	sadd.s32 $0xA5C0, s2;
	s6 =	sadd.s32 s22, s10  }
0x19f: {  	[hbm4b:s6+s4] =	stream.linear.scatter [tilespmem:s29], [sflag:s20], $0x80, $0x38;
	[tilespmem:$0x11800] =	vst v63  }
0x1a0: {  	s23 =	sadd.s32 $0xA648, s2;
	s29 =	sadd.s32 $0x10, s6  }
0x1a1: {  	[hbm4b:s29+s4] =	stream.linear.scatter [tilespmem:s23], [sflag:s20], $0x80, $0x38;
	[tilespmem:$0x11800] =	vst v63  }
0x1a2: {  	s23 =	sadd.s32 $0xA6D0, s2;
	s29 =	sadd.s32 $0x20, s6  }
0x1a3: {  	[hbm4b:s29+s4] =	stream.linear.scatter [tilespmem:s23], [sflag:s20], $0x80, $0x38;
	[tilespmem:$0x11800] =	vst v63  }
0x1a4: {  	s23 =	sadd.s32 $0xA758, s2;
	s29 =	sadd.s32 $0x30, s6  }
0x1a5: {  	[hbm4b:s29+s4] =	stream.linear.scatter [tilespmem:s23], [sflag:s20], $0x80, $0x38;
	[tilespmem:$0x11800] =	vst v63  }
0x1a6: {  	s23 =	sadd.s32 $0xA7E0, s2;
	s29 =	sadd.s32 $0x40, s6  }
0x1a7: {  	[hbm4b:s29+s4] =	stream.linear.scatter [tilespmem:s23], [sflag:s20], $0x80, $0x38;
	[tilespmem:$0x11800] =	vst v63  }
0x1a8: {  	s23 =	sadd.s32 $0xA868, s2;
	s29 =	sadd.s32 $0x50, s6  }
0x1a9: {  	[hbm4b:s29+s4] =	stream.linear.scatter [tilespmem:s23], [sflag:s20], $0x80, $0x38;
	[tilespmem:$0x11800] =	vst v63  }
0x1aa: {  	s23 =	sadd.s32 $0xA8F0, s2;
	s29 =	sadd.s32 $0x60, s6  }
0x1ab: {  	[hbm4b:s29+s4] =	stream.linear.scatter [tilespmem:s23], [sflag:s20], $0x80, $0x38;
	[tilespmem:$0x11800] =	vst v63  }
0x1ac: {  	s6 =	sadd.s32 $0x70, s6;
	s23 =	sadd.s32 $0xA978, s2  }
0x1ad: {  	[hbm4b:s6+s4] =	stream.linear.scatter [tilespmem:s23], [sflag:s20], $0x80, $0x38;
	[tilespmem:$0x11800] =	vst v63  }
0x1ae: {  	s29 =	sadd.s32 $0xAA00, s2;
	s6 =	sadd.s32 s22, s11  }
0x1af: {  	[hbm4b:s6+s4] =	stream.linear.scatter [tilespmem:s29], [sflag:s20], $0x80, $0x38;
	[tilespmem:$0x11800] =	vst v63  }
0x1b0: {  	s23 =	sadd.s32 $0xAA88, s2;
	s29 =	sadd.s32 $0x10, s6  }
0x1b1: {  	[hbm4b:s29+s4] =	stream.linear.scatter [tilespmem:s23], [sflag:s20], $0x80, $0x38;
	[tilespmem:$0x11800] =	vst v63  }
0x1b2: {  	s23 =	sadd.s32 $0xAB10, s2;
	s29 =	sadd.s32 $0x20, s6  }
0x1b3: {  	[hbm4b:s29+s4] =	stream.linear.scatter [tilespmem:s23], [sflag:s20], $0x80, $0x38;
	[tilespmem:$0x11800] =	vst v63  }
0x1b4: {  	s23 =	sadd.s32 $0xAB98, s2;
	s29 =	sadd.s32 $0x30, s6  }
0x1b5: {  	[hbm4b:s29+s4] =	stream.linear.scatter [tilespmem:s23], [sflag:s20], $0x80, $0x38;
	[tilespmem:$0x11800] =	vst v63  }
0x1b6: {  	s23 =	sadd.s32 $0xAC20, s2;
	s29 =	sadd.s32 $0x40, s6  }
0x1b7: {  	[hbm4b:s29+s4] =	stream.linear.scatter [tilespmem:s23], [sflag:s20], $0x80, $0x38;
	[tilespmem:$0x11800] =	vst v63  }
0x1b8: {  	s23 =	sadd.s32 $0xACA8, s2;
	s29 =	sadd.s32 $0x50, s6  }
0x1b9: {  	[hbm4b:s29+s4] =	stream.linear.scatter [tilespmem:s23], [sflag:s20], $0x80, $0x38;
	[tilespmem:$0x11800] =	vst v63  }
0x1ba: {  	s23 =	sadd.s32 $0xAD30, s2;
	s29 =	sadd.s32 $0x60, s6  }
0x1bb: {  	[hbm4b:s29+s4] =	stream.linear.scatter [tilespmem:s23], [sflag:s20], $0x80, $0x38;
	[tilespmem:$0x11800] =	vst v63  }
0x1bc: {  	s6 =	sadd.s32 $0x70, s6;
	s23 =	sadd.s32 $0xADB8, s2  }
0x1bd: {  	[hbm4b:s6+s4] =	stream.linear.scatter [tilespmem:s23], [sflag:s20], $0x80, $0x38;
	[tilespmem:$0x11800] =	vst v63  }
0x1be: {  	s29 =	sadd.s32 $0xAE40, s2;
	s6 =	sadd.s32 s22, s12  }
0x1bf: {  	[hbm4b:s6+s4] =	stream.linear.scatter [tilespmem:s29], [sflag:s20], $0x80, $0x38;
	[tilespmem:$0x11800] =	vst v63  }
0x1c0: {  	s23 =	sadd.s32 $0xAEC8, s2;
	s29 =	sadd.s32 $0x10, s6  }
0x1c1: {  	[hbm4b:s29+s4] =	stream.linear.scatter [tilespmem:s23], [sflag:s20], $0x80, $0x38;
	[tilespmem:$0x11800] =	vst v63  }
0x1c2: {  	s23 =	sadd.s32 $0xAF50, s2;
	s29 =	sadd.s32 $0x20, s6  }
0x1c3: {  	[hbm4b:s29+s4] =	stream.linear.scatter [tilespmem:s23], [sflag:s20], $0x80, $0x38;
	[tilespmem:$0x11800] =	vst v63  }
0x1c4: {  	s23 =	sadd.s32 $0xAFD8, s2;
	s29 =	sadd.s32 $0x30, s6  }
0x1c5: {  	[hbm4b:s29+s4] =	stream.linear.scatter [tilespmem:s23], [sflag:s20], $0x80, $0x38;
	[tilespmem:$0x11800] =	vst v63  }
0x1c6: {  	s23 =	sadd.s32 $0xB060, s2;
	s29 =	sadd.s32 $0x40, s6  }
0x1c7: {  	[hbm4b:s29+s4] =	stream.linear.scatter [tilespmem:s23], [sflag:s20], $0x80, $0x38;
	[tilespmem:$0x11800] =	vst v63  }
0x1c8: {  	s23 =	sadd.s32 $0xB0E8, s2;
	s29 =	sadd.s32 $0x50, s6  }
0x1c9: {  	[hbm4b:s29+s4] =	stream.linear.scatter [tilespmem:s23], [sflag:s20], $0x80, $0x38;
	[tilespmem:$0x11800] =	vst v63  }
0x1ca: {  	s23 =	sadd.s32 $0xB170, s2;
	s29 =	sadd.s32 $0x60, s6  }
0x1cb: {  	[hbm4b:s29+s4] =	stream.linear.scatter [tilespmem:s23], [sflag:s20], $0x80, $0x38;
	[tilespmem:$0x11800] =	vst v63  }
0x1cc: {  	s6 =	sadd.s32 $0x70, s6;
	s23 =	sadd.s32 $0xB1F8, s2  }
0x1cd: {  	[hbm4b:s6+s4] =	stream.linear.scatter [tilespmem:s23], [sflag:s20], $0x80, $0x38;
	[tilespmem:$0x11800] =	vst v63  }
0x1ce: {  	s29 =	sadd.s32 $0xB280, s2;
	s6 =	sadd.s32 s22, s13  }
0x1cf: {  	[hbm4b:s6+s4] =	stream.linear.scatter [tilespmem:s29], [sflag:s20], $0x80, $0x38;
	[tilespmem:$0x11800] =	vst v63  }
0x1d0: {  	s23 =	sadd.s32 $0xB308, s2;
	s29 =	sadd.s32 $0x10, s6  }
0x1d1: {  	[hbm4b:s29+s4] =	stream.linear.scatter [tilespmem:s23], [sflag:s20], $0x80, $0x38;
	[tilespmem:$0x11800] =	vst v63  }
0x1d2: {  	s23 =	sadd.s32 $0xB390, s2;
	s29 =	sadd.s32 $0x20, s6  }
0x1d3: {  	[hbm4b:s29+s4] =	stream.linear.scatter [tilespmem:s23], [sflag:s20], $0x80, $0x38;
	[tilespmem:$0x11800] =	vst v63  }
0x1d4: {  	s23 =	sadd.s32 $0xB418, s2;
	s29 =	sadd.s32 $0x30, s6  }
0x1d5: {  	[hbm4b:s29+s4] =	stream.linear.scatter [tilespmem:s23], [sflag:s20], $0x80, $0x38;
	[tilespmem:$0x11800] =	vst v63  }
0x1d6: {  	s23 =	sadd.s32 $0xB4A0, s2;
	s29 =	sadd.s32 $0x40, s6  }
0x1d7: {  	[hbm4b:s29+s4] =	stream.linear.scatter [tilespmem:s23], [sflag:s20], $0x80, $0x38;
	[tilespmem:$0x11800] =	vst v63  }
0x1d8: {  	s23 =	sadd.s32 $0xB528, s2;
	s29 =	sadd.s32 $0x50, s6  }
0x1d9: {  	[hbm4b:s29+s4] =	stream.linear.scatter [tilespmem:s23], [sflag:s20], $0x80, $0x38;
	[tilespmem:$0x11800] =	vst v63  }
0x1da: {  	s23 =	sadd.s32 $0xB5B0, s2;
	s29 =	sadd.s32 $0x60, s6  }
0x1db: {  	[hbm4b:s29+s4] =	stream.linear.scatter [tilespmem:s23], [sflag:s20], $0x80, $0x38;
	[tilespmem:$0x11800] =	vst v63  }
0x1dc: {  	s6 =	sadd.s32 $0x70, s6;
	s29 =	sadd.s32 $0xB638, s2  }
0x1dd: {  	[hbm4b:s6+s4] =	stream.linear.scatter [tilespmem:s29], [sflag:s20], $0x80, $0x38;
	[tilespmem:$0x11800] =	vst v63  }
0x1de: {  	s23 =	sadd.s32 $0xB6C0, s2;
	s6 =	sadd.s32 s22, s14  }
0x1df: {  	[hbm4b:s6+s4] =	stream.linear.scatter [tilespmem:s23], [sflag:s20], $0x80, $0x38;
	[tilespmem:$0x11800] =	vst v63  }
0x1e0: {  	s29 =	sadd.s32 $0xB748, s2;
	s22 =	sadd.s32 $0x10, s6  }
0x1e1: {  	[hbm4b:s22+s4] =	stream.linear.scatter [tilespmem:s29], [sflag:s20], $0x80, $0x38;
	[tilespmem:$0x11800] =	vst v63  }
0x1e2: {  	s23 =	sadd.s32 $0xB7D0, s2;
	s29 =	sadd.s32 $0x20, s6  }
0x1e3: {  	[hbm4b:s29+s4] =	stream.linear.scatter [tilespmem:s23], [sflag:s20], $0x80, $0x38;
	[tilespmem:$0x11800] =	vst v63  }
0x1e4: {  	s23 =	sadd.s32 $0xB858, s2;
	s29 =	sadd.s32 $0x30, s6  }
0x1e5: {  	[hbm4b:s29+s4] =	stream.linear.scatter [tilespmem:s23], [sflag:s20], $0x80, $0x38;
	[tilespmem:$0x11800] =	vst v63  }
0x1e6: {  	s0 =	sadd.s32 $0x1, s0;
	s23 =	sadd.s32 $0xB8E0, s2;
	s29 =	sadd.s32 $0x40, s6  }
0x1e7: {  	[hbm4b:s29+s4] =	stream.linear.scatter [tilespmem:s23], [sflag:s20], $0x80, $0x38;
	[tilespmem:$0x11800] =	vst v63  }
0x1e8: {  	p0 =	sne.s32 s0, $0x32;
	s23 =	sadd.s32 $0xB968, s2;
	s29 =	sadd.s32 $0x50, s6  }
0x1e9: {  	[hbm4b:s29+s4] =	stream.linear.scatter [tilespmem:s23], [sflag:s20], $0x80, $0x38;
	[tilespmem:$0x11800] =	vst v63  }
.Ltmp4:
0x1ea: {  	_ = 	snop;
	(pc) =	sbr.rel @p0 .LBB2_2-.Ltmp4, $4  }
0x1eb: {  	s22 =	sadd.s32 $0xB9F0, s2;
	s23 =	sadd.s32 $0x60, s6  }
0x1ec: {  	[hbm4b:s23+s4] =	stream.linear.scatter [tilespmem:s22], [sflag:s20], $0x80, $0x38;
	[tilespmem:$0x11800] =	vst v63  }
0x1ed: {  	s31 =	sadd.s32 $0x1, s31;
	s29 =	sadd.s32 $0xBA78, s2;
	s6 =	sadd.s32 $0x70, s6  }
0x1ee: {  	[hbm4b:s6+s4] =	stream.linear.scatter [tilespmem:s29], [sflag:s20], $0x80, $0x38;
	[tilespmem:$0x11800] =	vst v63  }
0x1ef: {  	_ =	swait.ge [sflag:s24], $0x400  }
0x1f0: {  	[sflag:s24] =	ssyncset.done $0x0  }
0x1f1: {  	[sflag:s24] =	ssyncadd.s32 $0xFFFFFC00  }
0x1f2: {  	_ =	swait.ge [sflag:s24], $0x400  }
0x1f3: {  	[sflag:s24] =	ssyncset.done $0x0  }
0x1f4: {  	[sflag:s24] =	ssyncadd.s32 $0xFFFFFC00  }
0x1f5: {  	_ =	swait.ge [sflag:s24], $0x400  }
0x1f6: {  	[sflag:s24] =	ssyncset.done $0x0  }
0x1f7: {  	[sflag:s24] =	ssyncadd.s32 $0xFFFFFC00  }
0x1f8: {  	_ =	swait.ge [sflag:s24], $0x400  }
0x1f9: {  	[sflag:s24] =	ssyncset.done $0x0  }
0x1fa: {  	[sflag:s24] =	ssyncadd.s32 $0xFFFFFC00  }
0x1fb: {  	_ =	swait.ge [sflag:s24], $0x400  }
0x1fc: {  	[sflag:s24] =	ssyncset.done $0x0  }
0x1fd: {  	[sflag:s24] =	ssyncadd.s32 $0xFFFFFC00  }
0x1fe: {  	_ =	swait.ge [sflag:s24], $0x400  }
0x1ff: {  	[sflag:s24] =	ssyncset.done $0x0  }
0x200: {  	[sflag:s24] =	ssyncadd.s32 $0xFFFFFC00  }
0x201: {  	_ =	swait.ge [sflag:s24], $0x400  }
0x202: {  	[sflag:s24] =	ssyncset.done $0x0  }
0x203: {  	[sflag:s24] =	ssyncadd.s32 $0xFFFFFC00  }
0x204: {  	_ =	swait.ge [sflag:s24], $0x400  }
0x205: {  	[sflag:s24] =	ssyncset.done $0x0  }
0x206: {  	[sflag:s24] =	ssyncadd.s32 $0xFFFFFC00  }
0x207: {  	_ =	swait.ge [sflag:s25], $0x400  }
0x208: {  	[sflag:s25] =	ssyncset.done $0x0  }
0x209: {  	[sflag:s25] =	ssyncadd.s32 $0xFFFFFC00  }
0x20a: {  	_ =	swait.ge [sflag:s25], $0x400  }
0x20b: {  	[sflag:s25] =	ssyncset.done $0x0  }
0x20c: {  	[sflag:s25] =	ssyncadd.s32 $0xFFFFFC00  }
0x20d: {  	_ =	swait.ge [sflag:s25], $0x400  }
0x20e: {  	[sflag:s25] =	ssyncset.done $0x0  }
0x20f: {  	[sflag:s25] =	ssyncadd.s32 $0xFFFFFC00  }
0x210: {  	_ =	swait.ge [sflag:s25], $0x400  }
0x211: {  	[sflag:s25] =	ssyncset.done $0x0  }
0x212: {  	[sflag:s25] =	ssyncadd.s32 $0xFFFFFC00  }
0x213: {  	_ =	swait.ge [sflag:s25], $0x400  }
0x214: {  	[sflag:s25] =	ssyncset.done $0x0  }
0x215: {  	[sflag:s25] =	ssyncadd.s32 $0xFFFFFC00  }
0x216: {  	_ =	swait.ge [sflag:s25], $0x400  }
0x217: {  	[sflag:s25] =	ssyncset.done $0x0  }
0x218: {  	[sflag:s25] =	ssyncadd.s32 $0xFFFFFC00  }
0x219: {  	_ =	swait.ge [sflag:s25], $0x400  }
0x21a: {  	[sflag:s25] =	ssyncset.done $0x0  }
0x21b: {  	[sflag:s25] =	ssyncadd.s32 $0xFFFFFC00  }
0x21c: {  	_ =	swait.ge [sflag:s25], $0x400  }
0x21d: {  	[sflag:s25] =	ssyncset.done $0x0  }
0x21e: {  	[sflag:s25] =	ssyncadd.s32 $0xFFFFFC00  }
0x21f: {  	_ =	swait.ge [sflag:s26], $0x400  }
0x220: {  	[sflag:s26] =	ssyncset.done $0x0  }
0x221: {  	[sflag:s26] =	ssyncadd.s32 $0xFFFFFC00  }
0x222: {  	_ =	swait.ge [sflag:s26], $0x400  }
0x223: {  	[sflag:s26] =	ssyncset.done $0x0  }
0x224: {  	[sflag:s26] =	ssyncadd.s32 $0xFFFFFC00  }
0x225: {  	_ =	swait.ge [sflag:s26], $0x400  }
0x226: {  	[sflag:s26] =	ssyncset.done $0x0  }
0x227: {  	[sflag:s26] =	ssyncadd.s32 $0xFFFFFC00  }
0x228: {  	_ =	swait.ge [sflag:s26], $0x400  }
0x229: {  	[sflag:s26] =	ssyncset.done $0x0  }
0x22a: {  	[sflag:s26] =	ssyncadd.s32 $0xFFFFFC00  }
0x22b: {  	_ =	swait.ge [sflag:s26], $0x400  }
0x22c: {  	[sflag:s26] =	ssyncset.done $0x0  }
0x22d: {  	[sflag:s26] =	ssyncadd.s32 $0xFFFFFC00  }
0x22e: {  	_ =	swait.ge [sflag:s26], $0x400  }
0x22f: {  	[sflag:s26] =	ssyncset.done $0x0  }
0x230: {  	[sflag:s26] =	ssyncadd.s32 $0xFFFFFC00  }
0x231: {  	_ =	swait.ge [sflag:s26], $0x400  }
0x232: {  	[sflag:s26] =	ssyncset.done $0x0  }
0x233: {  	[sflag:s26] =	ssyncadd.s32 $0xFFFFFC00  }
0x234: {  	_ =	swait.ge [sflag:s26], $0x400  }
0x235: {  	[sflag:s26] =	ssyncset.done $0x0  }
0x236: {  	[sflag:s26] =	ssyncadd.s32 $0xFFFFFC00  }
0x237: {  	s30 =	sadd.s32 $0x1, s30;
	_ =	swait.ge [sflag:s28], $0x1900  }
0x238: {  	p0 =	sne.s32 s30, s16;
	[sflag:s28] =	ssyncset.done $0x0  }
.Ltmp5:
0x239: {  	s0 =	simm.s32 $0xFF00;
	[sflag:s28] =	ssyncadd.s32 $0xFFFFE700;
	(pc) =	sbr.rel @p0 .LBB2_1-.Ltmp5, $4  }
0x23a: {  	[hbm4b:s15+s17] =	stream.strided.scatter [tilespmem:s0], [sflag:$0x9], $0x1900, s18, s17, $0x38;
	[tilespmem:$0x11800] =	vst v63  }
0x23b: {  	_ =	swait.ge [sflag:s19], $0x1900  }
0x23c: {  	[sflag:s19] =	ssyncset.done $0x0  }
0x23d: {  	[sflag:s19] =	ssyncadd.s32 $0xFFFFE700  }
0x23e: {  	_ =	sfence.sel $0x180000  }
0x23f: {  	[bflag:$0x0] =	sbarrier.arrive $0xFFFF  }
0x240: {  	_ =	strace $0x90000047  }
0x241: {  	s0 =	stileid.u32;
	[bflag:$0x2] =	sbarrier.arrive $0xFFFF  }
0x242: {  	p0 =	sne.s32 s0, $0x0;
	s0 =	rddreg [dreg:$0x4]  }
0x243: {  	s0 =	sadd.s32 @!p0 $0x100000, s0  }
0x244: {  	[sflag:s0] =	ssyncadd.tile.s32 @!p0 $0x1;
	_ =	shalt  }
.Lfunc_end2:
_tile_overlayer_lowered:
.L_overlay_start_2:
0x245: {  	(tag) =	ssettag $0x2  }
0x246: {  	s0 =	rddreg [dreg:$0x0];
	s2 =	stileid.u32  }
0x247: {  	s1 =	rddreg [dreg:$0x1];
	p0 =	sne.s32 s2, $0x0  }
0x248: {  	s3 =	rddreg [dreg:$0x2];
	[bflag:$0x3] =	sbarrier.arrive $0xFFFF;
	s2 =	simm.s32 @!p0 $0x1C09  }
0x249: {  	[timem:s3], [sflag:s2] =	dma.local @!p0 [hbm:s0], s1  }
0x24a: {  	s0 =	simm.s32 @!p0 $0x9  }
0x24b: {  	_ =	swait.ge @!p0 [sflag:s0], s1  }
0x24c: {  	s1 =	ssub.s32 @!p0 $0x0, s1;
	[sflag:s0] =	ssyncset.done @!p0 $0x0  }
0x24d: {  	[sflag:s0] =	ssyncadd.s32 @!p0 s1  }
0x24e: {  	[bflag:$0x3] =	sbarrier.arrive $0xFFFF  }
0x24f: {  	_ =	shalt  }

</sc_bundles>
